<compile_context>
chip_gen: v7x
topology: tpu7x:2x2x1
jax: 0.10.2.dev20260603
libtpu: 0.0.44.dev20260713+nightly
codegen_flags: <defaults>
</compile_context>

<pallas_src>
import functools

import jax
import jax.numpy as jnp
from jax import lax
from jax.experimental import pallas as pl
from jax.experimental.pallas import tpu as pltpu
from jax.experimental.pallas import tpu_sc as plsc

F32 = jnp.float32
HIGH = lax.Precision.HIGHEST

NW = 32
CK = 128
NB = 8
KL = 4
HP = 64


def _make_deg(NP, CPW):
  mesh = plsc.VectorSubcoreMesh(core_axis_name="c", subcore_axis_name="s",
                                num_cores=2, num_subcores=16)
  RPS = NP // 16

  @functools.partial(
      pl.kernel,
      out_type=jax.ShapeDtypeStruct((2, 1, NP), F32),
      mesh=mesh,
      scratch_types=[
          pltpu.VMEM((CPW, CK), jnp.int32),
          pltpu.VMEM((CK,), F32),
          pltpu.VMEM_SHARED((NP,), F32),
          pltpu.SemaphoreType.DMA,
      ],
      compiler_params=pltpu.CompilerParams(use_tc_tiling_on_sc=False),
  )
  def deg(didx, zeros1, out, dbuf, ones_v, acc, sem):
    c = lax.axis_index("c")
    s = lax.axis_index("s")
    w = s * 2 + c
    pltpu.sync_copy(zeros1.at[pl.ds(s * RPS, RPS)], acc.at[pl.ds(s * RPS, RPS)])
    pltpu.sync_copy(didx.at[w], dbuf)
    for i in range(CK // 16):
      ones_v[pl.ds(i * 16, 16)] = jnp.full((16,), 1.0, F32)
    plsc.subcore_barrier()

    def fire(j, carry):
      pltpu.async_copy(ones_v, acc.at[dbuf.at[j]], sem, add=True)
      return carry

    lax.fori_loop(0, CPW, fire, 0)

    def drain(j, carry):
      pltpu.make_async_copy(ones_v, acc.at[dbuf.at[j]], sem).wait()
      return carry

    lax.fori_loop(0, CPW, drain, 0)
    plsc.subcore_barrier()
    pltpu.sync_copy(acc.at[pl.ds(s * RPS, RPS)],
                    out.at[c, 0, pl.ds(s * RPS, RPS)])

  return deg


def _make_scatter(NP, CPW):
  mesh = plsc.VectorSubcoreMesh(core_axis_name="c", subcore_axis_name="s",
                                num_cores=2, num_subcores=16)
  RPS = NP // 16
  GR = CPW // NB

  @functools.partial(
      pl.kernel,
      out_type=jax.ShapeDtypeStruct((2, NP, HP), F32),
      mesh=mesh,
      scratch_types=[
          pltpu.VMEM((CPW, CK), jnp.int32),
          pltpu.VMEM((CPW, CK), jnp.int32),
          pltpu.VMEM((NB, CK, HP), F32),
          pltpu.VMEM_SHARED((NP, HP), F32),
          pltpu.SemaphoreType.DMA((NB,)),
          pltpu.SemaphoreType.DMA((NB,)),
      ],
      compiler_params=pltpu.CompilerParams(use_tc_tiling_on_sc=False),
  )
  def scat(hs, sidx, didx, zeros, out, sbuf, dbuf, rows, acc, semg, sems):
    c = lax.axis_index("c")
    s = lax.axis_index("s")
    w = s * 2 + c
    pltpu.sync_copy(zeros.at[pl.ds(s * RPS, RPS)], acc.at[pl.ds(s * RPS, RPS)])
    pltpu.sync_copy(sidx.at[w], sbuf)
    pltpu.sync_copy(didx.at[w], dbuf)
    plsc.subcore_barrier()

    for b in range(NB):
      pltpu.async_copy(hs.at[sbuf.at[b]], rows.at[b], semg.at[b])

    def round_(g, carry):
      for b in range(NB):
        jj = g * NB + b
        pltpu.make_async_copy(hs.at[sbuf.at[jj]], rows.at[b], semg.at[b]).wait()
        pltpu.async_copy(rows.at[b], acc.at[dbuf.at[jj]], sems.at[b], add=True)
        b2 = (b - KL) % NB
        jd = jj - KL

        @pl.when((jd >= 0) & (jd < CPW - NB))
        def _fire_next():
          pltpu.make_async_copy(rows.at[b2], acc.at[dbuf.at[jd]],
                                sems.at[b2]).wait()
          pltpu.async_copy(hs.at[sbuf.at[jd + NB]], rows.at[b2], semg.at[b2])

      return carry

    lax.fori_loop(0, GR, round_, 0)
    for b in range(NB):
      jj = CPW - NB + b
      pltpu.make_async_copy(rows.at[b], acc.at[dbuf.at[jj]], sems.at[b]).wait()
    plsc.subcore_barrier()
    pltpu.sync_copy(acc.at[pl.ds(s * RPS, RPS)], out.at[c, pl.ds(s * RPS, RPS)])

  return scat


def _tc_prep(x, W1p, degp, N):
  def body(x_r, w1_r, dg_r, hs1_r, dinv_r):
    deg = dg_r[0] + dg_r[1]
    dinv = lax.rsqrt(deg[0:N] + 1.0)
    h1 = jnp.dot(x_r[...], w1_r[...], preferred_element_type=F32)
    hs1_r[...] = h1 * dinv
    dinv_r[...] = dinv

  return pl.pallas_call(
      body,
      out_shape=(jax.ShapeDtypeStruct((N, HP), F32),
                 jax.ShapeDtypeStruct((N, 1), F32)),
  )(x, W1p, degp)


def _tc_mid(p1, hs1, dinv, b1p, W2p, N):
  def body(p_r, hs_r, dv_r, b_r, w_r, o_r):
    scat = p_r[0, 0:N, :] + p_r[1, 0:N, :]
    h = jnp.maximum((scat + hs_r[...]) * dv_r[...] + b_r[...], 0.0)
    o_r[...] = jnp.dot(h, w_r[...], preferred_element_type=F32) * dv_r[...]

  return pl.pallas_call(
      body, out_shape=jax.ShapeDtypeStruct((N, HP), F32),
  )(p1, hs1, dinv, b1p, W2p)


def _tc_final(p2, hs2, dinv, b2p, Whp, bh, batch_t, N, G, OUT):
  def body(p_r, hs_r, dv_r, b_r, wh_r, bh_r, bt_r, o_r):
    scat = p_r[0, 0:N, :] + p_r[1, 0:N, :]
    h = jnp.maximum((scat + hs_r[...]) * dv_r[...] + b_r[...], 0.0)
    gi = lax.broadcasted_iota(jnp.int32, (G, N), 0)
    oh = (jnp.broadcast_to(bt_r[...], (G, N)) == gi).astype(F32)
    sums = jnp.dot(oh, h, preferred_element_type=F32, precision=HIGH)
    cnts = jnp.sum(oh, axis=1, keepdims=True)
    pooled = sums / jnp.maximum(cnts, 1.0)
    o_r[...] = jnp.dot(pooled, wh_r[...],
                       preferred_element_type=F32) + bh_r[...]

  return pl.pallas_call(
      body, out_shape=jax.ShapeDtypeStruct((G, OUT), F32),
  )(p2, hs2, dinv, b2p, Whp, bh, batch_t)


def kernel(x, edge_index, batch, W1, b1, W2, b2, Wh, bh):
  N, D = x.shape
  H = W1.shape[1]
  OUT = Wh.shape[1]
  G = 64
  E = edge_index.shape[1]

  CPW = -(-E // (NW * CK))
  CPW = -(-CPW // NB) * NB
  EP = NW * CPW * CK
  NP = -(-(N + 1) // 2048) * 2048

  src = edge_index[0]
  dst = edge_index[1]
  pad = EP - E
  srcp = jnp.concatenate(
      [src, jnp.arange(pad, dtype=jnp.int32) % N])
  dstp = jnp.concatenate(
      [dst, N + (jnp.arange(pad, dtype=jnp.int32) % (NP - N))])
  sidx = srcp.reshape(NW, CPW, CK)
  didx = dstp.reshape(NW, CPW, CK)
  z1 = jnp.zeros((NP,), F32)
  zH = jnp.zeros((NP, HP), F32)

  W1p = jnp.pad(W1, ((0, 0), (0, HP - H)))
  W2p = jnp.pad(W2, ((0, HP - H), (0, HP - H)))
  b1p = jnp.pad(b1, (0, HP - H)).reshape(1, HP)
  b2p = jnp.pad(b2, (0, HP - H)).reshape(1, HP)
  Whp = jnp.pad(Wh, ((0, HP - H), (0, 0)))

  degp = _make_deg(NP, CPW)(didx, z1).reshape(2, NP, 1)
  hs1, dinv = _tc_prep(x, W1p, degp, N)
  scat = _make_scatter(NP, CPW)
  p1 = scat(hs1, sidx, didx, zH)
  hs2 = _tc_mid(p1, hs1, dinv, b1p, W2p, N)
  p2 = scat(hs2, sidx, didx, zH)
  return _tc_final(p2, hs2, dinv, b2p, Whp, bh.reshape(1, OUT),
                   batch.reshape(1, N), N, G, OUT)

# --- scband reference (transcript-rebuilt; emitter-appended) ---
"""Pipeline reference for scband-gcnmodel-55860344652096 (READ-ONLY COPY).

The authoritative reference and input builder live on the scoring server;
editing this copy changes nothing except your own understanding.
"""

import jax, jax.numpy as jnp
import numpy as np

N = 10000
E = 320000
D = 128
H = 64
OUT = 1
G = 64


def setup_inputs(seed: int = 0) -> dict:
    key = jax.random.key(seed)
    ks = jax.random.split(key, 10)
    x = jax.random.normal(ks[0], (N, D), dtype=jnp.float32)
    edge_index = jax.random.randint(ks[1], (2, E), 0, N, dtype=jnp.int32)
    batch = jnp.sort(jax.random.randint(ks[2], (N,), 0, G, dtype=jnp.int32))
    # GCNConv weights (glorot-ish init) and biases
    W1 = jax.random.normal(ks[3], (D, H), dtype=jnp.float32) * (1.0 / np.sqrt(D))
    b1 = jnp.zeros((H,), dtype=jnp.float32)
    W2 = jax.random.normal(ks[4], (H, H), dtype=jnp.float32) * (1.0 / np.sqrt(H))
    b2 = jnp.zeros((H,), dtype=jnp.float32)
    Wh = jax.random.normal(ks[5], (H, OUT), dtype=jnp.float32) * (1.0 / np.sqrt(H))
    bh = jnp.zeros((OUT,), dtype=jnp.float32)
    return {"x": x, "edge_index": edge_index, "batch": batch,
            "W1": W1, "b1": b1, "W2": W2, "b2": b2, "Wh": Wh, "bh": bh}


def _gcn_conv(x, src, dst, W, b, num_nodes):
    # GCNConv with self-loops and symmetric normalization (PyG defaults)
    loop = jnp.arange(num_nodes, dtype=src.dtype)
    s = jnp.concatenate([src, loop])
    d = jnp.concatenate([dst, loop])
    deg = jnp.zeros((num_nodes,), dtype=x.dtype).at[d].add(1.0)
    dinv = jnp.where(deg > 0, jax.lax.rsqrt(deg), 0.0)
    norm = dinv[s] * dinv[d]
    h = x @ W
    msg = h[s] * norm[:, None]
    out = jnp.zeros((num_nodes, W.shape[1]), dtype=x.dtype).at[d].add(msg)
    return out + b


def reference(x, edge_index, batch, W1, b1, W2, b2, Wh, bh):
    src = edge_index[0]
    dst = edge_index[1]
    h = _gcn_conv(x, src, dst, W1, b1, N)
    h = jax.nn.relu(h)
    # dropout is identity in eval mode
    h = _gcn_conv(h, src, dst, W2, b2, N)
    h = jax.nn.relu(h)
    # global mean pool over graphs in the batch
    sums = jax.ops.segment_sum(h, batch, num_segments=G)
    counts = jax.ops.segment_sum(jnp.ones((N, 1), dtype=h.dtype), batch, num_segments=G)
    pooled = sums / jnp.maximum(counts, 1.0)
    return pooled @ Wh + bh

if __name__ == "__main__":
    import jax
    _d = setup_inputs()
    print(jax.jit(kernel)(*tuple(_d.values())))

</pallas_src>

<mosaic_0001>
#map = affine_map<(d0, d1) -> (0, 0, 0)>
#map1 = affine_map<(d0, d1) -> (0)>
module attributes {stable_mosaic.version = 14 : i64} {
  func.func @deg(%arg0: i32, %arg1: i32, %arg2: memref<32x80x128xi32, #tpu.memory_space<hbm>>, %arg3: memref<10240xf32, #tpu.memory_space<hbm>>, %arg4: memref<2x1x10240xf32, #tpu.memory_space<hbm>>, %arg5: memref<80x128xi32, #tpu.memory_space<vmem>>, %arg6: memref<128xf32, #tpu.memory_space<vmem>>, %arg7: memref<10240xf32, #tpu.memory_space<vmem_shared>>, %arg8: memref<!tpu.dma_semaphore, #tpu.memory_space<semaphore_mem>>) attributes {dimension_semantics = [#tpu.dimension_semantics<core_parallel>, #tpu.dimension_semantics<subcore_parallel>], iteration_bounds = array<i64: 2, 16>, scalar_prefetch = 0 : i64, scratch_operands = 4 : i64, tpu.core_type = #tpu.core_type<sc_vector_subcore>, window_params = [{transform_indices = #map}, {transform_indices = #map1}, {transform_indices = #map}]} {
    %mul3A = arith.constant 2 : i32
    %mul3A_0 = arith.muli %arg1, %mul3A : i32
    %add3A = arith.addi %mul3A_0, %arg0 : i32
    %mul3A_1 = arith.constant 640 : i32
    %mul3A_2 = arith.muli %arg1, %mul3A_1 : i32
    %mul3A_3 = arith.constant 640 : i32
    %mul3A_4 = arith.muli %arg1, %mul3A_3 : i32
    "tpu.region"() ({
      %run_scoped3A_67 = tpu.sem_alloc : memref<!tpu.dma_semaphore, #tpu.memory_space<semaphore_mem>>
      %dma_start3A = tpu.memref_slice %arg7[%mul3A_4] : memref<10240xf32, #tpu.memory_space<vmem_shared>> -> memref<640xf32, #tpu.memory_space<vmem_shared>>
      %dma_start3A_68 = tpu.memref_slice %arg3[%mul3A_2] : memref<10240xf32, #tpu.memory_space<hbm>> -> memref<640xf32, #tpu.memory_space<hbm>>
      tpu.enqueue_dma source(%dma_start3A_68 : memref<640xf32, #tpu.memory_space<hbm>>) target(%dma_start3A : memref<640xf32, #tpu.memory_space<vmem_shared>>) target_semaphore(%run_scoped3A_67 : memref<!tpu.dma_semaphore, #tpu.memory_space<semaphore_mem>>)
      %dma_wait3A = tpu.memref_slice %arg7[%mul3A_4] : memref<10240xf32, #tpu.memory_space<vmem_shared>> -> memref<640xf32, #tpu.memory_space<vmem_shared>>
      %dma_wait3A_69 = tpu.memref_slice %arg3[%mul3A_2] : memref<10240xf32, #tpu.memory_space<hbm>> -> memref<640xf32, #tpu.memory_space<hbm>>
      tpu.wait_dma2 semaphore(%run_scoped3A_67 : memref<!tpu.dma_semaphore, #tpu.memory_space<semaphore_mem>>) src(%dma_wait3A_69 : memref<640xf32, #tpu.memory_space<hbm>>) dst(%dma_wait3A : memref<640xf32, #tpu.memory_space<vmem_shared>>)
      tpu.yield
    }) : () -> ()
    "tpu.region"() ({
      %run_scoped3A_67 = tpu.sem_alloc : memref<!tpu.dma_semaphore, #tpu.memory_space<semaphore_mem>>
      %dma_start3A = arith.constant 0 : i32
      %dma_start3A_68 = arith.constant 0 : i32
      %dma_start3A_69 = tpu.memref_slice %arg2[%add3A, %dma_start3A, %dma_start3A_68] : memref<32x80x128xi32, #tpu.memory_space<hbm>> -> memref<1x80x128xi32, #tpu.memory_space<hbm>>
      %dma_start3A_70 = tpu.memref_squeeze %dma_start3A_69 : memref<1x80x128xi32, #tpu.memory_space<hbm>> -> memref<80x128xi32, #tpu.memory_space<hbm>>
      %dma_start3A_71 = arith.constant 0 : i32
      %dma_start3A_72 = arith.constant 0 : i32
      %dma_start3A_73 = tpu.memref_slice %arg2[%add3A, %dma_start3A_71, %dma_start3A_72] : memref<32x80x128xi32, #tpu.memory_space<hbm>> -> memref<1x80x128xi32, #tpu.memory_space<hbm>>
      %dma_start3A_74 = tpu.memref_squeeze %dma_start3A_73 : memref<1x80x128xi32, #tpu.memory_space<hbm>> -> memref<80x128xi32, #tpu.memory_space<hbm>>
      tpu.enqueue_dma source(%dma_start3A_74 : memref<80x128xi32, #tpu.memory_space<hbm>>) target(%arg5 : memref<80x128xi32, #tpu.memory_space<vmem>>) target_semaphore(%run_scoped3A_67 : memref<!tpu.dma_semaphore, #tpu.memory_space<semaphore_mem>>)
      %dma_wait3A = arith.constant 0 : i32
      %dma_wait3A_75 = arith.constant 0 : i32
      %dma_wait3A_76 = tpu.memref_slice %arg2[%add3A, %dma_wait3A, %dma_wait3A_75] : memref<32x80x128xi32, #tpu.memory_space<hbm>> -> memref<1x80x128xi32, #tpu.memory_space<hbm>>
      %dma_wait3A_77 = tpu.memref_squeeze %dma_wait3A_76 : memref<1x80x128xi32, #tpu.memory_space<hbm>> -> memref<80x128xi32, #tpu.memory_space<hbm>>
      %dma_wait3A_78 = arith.constant 0 : i32
      %dma_wait3A_79 = arith.constant 0 : i32
      %dma_wait3A_80 = tpu.memref_slice %arg2[%add3A, %dma_wait3A_78, %dma_wait3A_79] : memref<32x80x128xi32, #tpu.memory_space<hbm>> -> memref<1x80x128xi32, #tpu.memory_space<hbm>>
      %dma_wait3A_81 = tpu.memref_squeeze %dma_wait3A_80 : memref<1x80x128xi32, #tpu.memory_space<hbm>> -> memref<80x128xi32, #tpu.memory_space<hbm>>
      tpu.wait_dma2 semaphore(%run_scoped3A_67 : memref<!tpu.dma_semaphore, #tpu.memory_space<semaphore_mem>>) src(%dma_wait3A_81 : memref<80x128xi32, #tpu.memory_space<hbm>>) dst(%arg5 : memref<80x128xi32, #tpu.memory_space<vmem>>)
      tpu.yield
    }) : () -> ()
    %broadcast_in_dim3A = arith.constant 1.000000e+00 : f32
    %broadcast_in_dim3A_5 = vector.broadcast %broadcast_in_dim3A : f32 to vector<16xf32>
    %swap3A = arith.constant 0 : index
    %swap3A_6 = tpu.vector_load %arg6[%swap3A] {strides = array<i32>} : memref<128xf32, #tpu.memory_space<vmem>>, vector<16xf32>,
    %swap3A_7 = vector.shape_cast %swap3A_6 : vector<16xf32> to vector<16xf32>
    %swap3A_8 = vector.shape_cast %broadcast_in_dim3A_5 : vector<16xf32> to vector<16xf32>
    tpu.vector_store %arg6[%swap3A], %swap3A_8 {strides = array<i32>} : memref<128xf32, #tpu.memory_space<vmem>>, vector<16xf32>,
    %broadcast_in_dim3A_9 = arith.constant 1.000000e+00 : f32
    %broadcast_in_dim3A_10 = vector.broadcast %broadcast_in_dim3A_9 : f32 to vector<16xf32>
    %swap3A_11 = arith.constant 16 : index
    %swap3A_12 = tpu.vector_load %arg6[%swap3A_11] {strides = array<i32>} : memref<128xf32, #tpu.memory_space<vmem>>, vector<16xf32>,
    %swap3A_13 = vector.shape_cast %swap3A_12 : vector<16xf32> to vector<16xf32>
    %swap3A_14 = vector.shape_cast %broadcast_in_dim3A_10 : vector<16xf32> to vector<16xf32>
    tpu.vector_store %arg6[%swap3A_11], %swap3A_14 {strides = array<i32>} : memref<128xf32, #tpu.memory_space<vmem>>, vector<16xf32>,
    %broadcast_in_dim3A_15 = arith.constant 1.000000e+00 : f32
    %broadcast_in_dim3A_16 = vector.broadcast %broadcast_in_dim3A_15 : f32 to vector<16xf32>
    %swap3A_17 = arith.constant 32 : index
    %swap3A_18 = tpu.vector_load %arg6[%swap3A_17] {strides = array<i32>} : memref<128xf32, #tpu.memory_space<vmem>>, vector<16xf32>,
    %swap3A_19 = vector.shape_cast %swap3A_18 : vector<16xf32> to vector<16xf32>
    %swap3A_20 = vector.shape_cast %broadcast_in_dim3A_16 : vector<16xf32> to vector<16xf32>
    tpu.vector_store %arg6[%swap3A_17], %swap3A_20 {strides = array<i32>} : memref<128xf32, #tpu.memory_space<vmem>>, vector<16xf32>,
    %broadcast_in_dim3A_21 = arith.constant 1.000000e+00 : f32
    %broadcast_in_dim3A_22 = vector.broadcast %broadcast_in_dim3A_21 : f32 to vector<16xf32>
    %swap3A_23 = arith.constant 48 : index
    %swap3A_24 = tpu.vector_load %arg6[%swap3A_23] {strides = array<i32>} : memref<128xf32, #tpu.memory_space<vmem>>, vector<16xf32>,
    %swap3A_25 = vector.shape_cast %swap3A_24 : vector<16xf32> to vector<16xf32>
    %swap3A_26 = vector.shape_cast %broadcast_in_dim3A_22 : vector<16xf32> to vector<16xf32>
    tpu.vector_store %arg6[%swap3A_23], %swap3A_26 {strides = array<i32>} : memref<128xf32, #tpu.memory_space<vmem>>, vector<16xf32>,
    %broadcast_in_dim3A_27 = arith.constant 1.000000e+00 : f32
    %broadcast_in_dim3A_28 = vector.broadcast %broadcast_in_dim3A_27 : f32 to vector<16xf32>
    %swap3A_29 = arith.constant 64 : index
    %swap3A_30 = tpu.vector_load %arg6[%swap3A_29] {strides = array<i32>} : memref<128xf32, #tpu.memory_space<vmem>>, vector<16xf32>,
    %swap3A_31 = vector.shape_cast %swap3A_30 : vector<16xf32> to vector<16xf32>
    %swap3A_32 = vector.shape_cast %broadcast_in_dim3A_28 : vector<16xf32> to vector<16xf32>
    tpu.vector_store %arg6[%swap3A_29], %swap3A_32 {strides = array<i32>} : memref<128xf32, #tpu.memory_space<vmem>>, vector<16xf32>,
    %broadcast_in_dim3A_33 = arith.constant 1.000000e+00 : f32
    %broadcast_in_dim3A_34 = vector.broadcast %broadcast_in_dim3A_33 : f32 to vector<16xf32>
    %swap3A_35 = arith.constant 80 : index
    %swap3A_36 = tpu.vector_load %arg6[%swap3A_35] {strides = array<i32>} : memref<128xf32, #tpu.memory_space<vmem>>, vector<16xf32>,
    %swap3A_37 = vector.shape_cast %swap3A_36 : vector<16xf32> to vector<16xf32>
    %swap3A_38 = vector.shape_cast %broadcast_in_dim3A_34 : vector<16xf32> to vector<16xf32>
    tpu.vector_store %arg6[%swap3A_35], %swap3A_38 {strides = array<i32>} : memref<128xf32, #tpu.memory_space<vmem>>, vector<16xf32>,
    %broadcast_in_dim3A_39 = arith.constant 1.000000e+00 : f32
    %broadcast_in_dim3A_40 = vector.broadcast %broadcast_in_dim3A_39 : f32 to vector<16xf32>
    %swap3A_41 = arith.constant 96 : index
    %swap3A_42 = tpu.vector_load %arg6[%swap3A_41] {strides = array<i32>} : memref<128xf32, #tpu.memory_space<vmem>>, vector<16xf32>,
    %swap3A_43 = vector.shape_cast %swap3A_42 : vector<16xf32> to vector<16xf32>
    %swap3A_44 = vector.shape_cast %broadcast_in_dim3A_40 : vector<16xf32> to vector<16xf32>
    tpu.vector_store %arg6[%swap3A_41], %swap3A_44 {strides = array<i32>} : memref<128xf32, #tpu.memory_space<vmem>>, vector<16xf32>,
    %broadcast_in_dim3A_45 = arith.constant 1.000000e+00 : f32
    %broadcast_in_dim3A_46 = vector.broadcast %broadcast_in_dim3A_45 : f32 to vector<16xf32>
    %swap3A_47 = arith.constant 112 : index
    %swap3A_48 = tpu.vector_load %arg6[%swap3A_47] {strides = array<i32>} : memref<128xf32, #tpu.memory_space<vmem>>, vector<16xf32>,
    %swap3A_49 = vector.shape_cast %swap3A_48 : vector<16xf32> to vector<16xf32>
    %swap3A_50 = vector.shape_cast %broadcast_in_dim3A_46 : vector<16xf32> to vector<16xf32>
    tpu.vector_store %arg6[%swap3A_47], %swap3A_50 {strides = array<i32>} : memref<128xf32, #tpu.memory_space<vmem>>, vector<16xf32>,
    %barrier3A = arith.constant 0 : index
    tpu.barrier barrier_id(%barrier3A)
    %scan3A = arith.constant 0 : i32
    %scan3A_51 = arith.constant 0 : i32
    %scan3A_52 = arith.constant 80 : i32
    %scan3A_53 = arith.addi %scan3A_51, %scan3A_52 : i32
    %scan3A_54 = arith.constant 1 : i32
    scf.for %scan3A_67 = %scan3A_51 to %scan3A_53 step %scan3A_54  : i32 {
      %dma_start3A = arith.constant 0 : i32
      %dma_start3A_68 = tpu.memref_slice %arg5[%scan3A_67, %dma_start3A] : memref<80x128xi32, #tpu.memory_space<vmem>> -> memref<1x128xi32, #tpu.memory_space<vmem>>
      %dma_start3A_69 = tpu.memref_squeeze %dma_start3A_68 : memref<1x128xi32, #tpu.memory_space<vmem>> -> memref<128xi32, #tpu.memory_space<vmem>>
      %dma_start3A_70 = arith.constant 0 : i32
      %dma_start3A_71 = tpu.memref_slice %arg7[%dma_start3A_70] : memref<10240xf32, #tpu.memory_space<vmem_shared>> -> memref<10240xf32, #tpu.memory_space<vmem_shared>>
      tpu.enqueue_indirect_dma source(%arg6 : memref<128xf32, #tpu.memory_space<vmem>>) target(%dma_start3A_71 : memref<10240xf32, #tpu.memory_space<vmem_shared>>) offsets(%dma_start3A_69 : memref<128xi32, #tpu.memory_space<vmem>>) semaphore(%arg8 : memref<!tpu.dma_semaphore, #tpu.memory_space<semaphore_mem>>) {add = true}
    }
    %scan3A_55 = arith.constant 80 : i32
    %scan3A_56 = arith.constant 0 : i32
    %scan3A_57 = arith.constant 0 : i32
    %scan3A_58 = arith.constant 80 : i32
    %scan3A_59 = arith.addi %scan3A_57, %scan3A_58 : i32
    %scan3A_60 = arith.constant 1 : i32
    scf.for %scan3A_67 = %scan3A_57 to %scan3A_59 step %scan3A_60  : i32 {
      %dma_wait3A = arith.constant 0 : i32
      %dma_wait3A_68 = tpu.memref_slice %arg5[%scan3A_67, %dma_wait3A] : memref<80x128xi32, #tpu.memory_space<vmem>> -> memref<1x128xi32, #tpu.memory_space<vmem>>
      %dma_wait3A_69 = tpu.memref_squeeze %dma_wait3A_68 : memref<1x128xi32, #tpu.memory_space<vmem>> -> memref<128xi32, #tpu.memory_space<vmem>>
      %dma_wait3A_70 = arith.constant 0 : i32
      %dma_wait3A_71 = tpu.memref_slice %arg7[%dma_wait3A_70] : memref<10240xf32, #tpu.memory_space<vmem_shared>> -> memref<10240xf32, #tpu.memory_space<vmem_shared>>
      tpu.wait_indirect_dma semaphore(%arg8 : memref<!tpu.dma_semaphore, #tpu.memory_space<semaphore_mem>>) src(%arg6 : memref<128xf32, #tpu.memory_space<vmem>>) dst(%dma_wait3A_71 : memref<10240xf32, #tpu.memory_space<vmem_shared>>)
    }
    %scan3A_61 = arith.constant 80 : i32
    %barrier3A_62 = arith.constant 0 : index
    tpu.barrier barrier_id(%barrier3A_62)
    %mul3A_63 = arith.constant 640 : i32
    %mul3A_64 = arith.muli %arg1, %mul3A_63 : i32
    %mul3A_65 = arith.constant 640 : i32
    %mul3A_66 = arith.muli %arg1, %mul3A_65 : i32
    %run_scoped3A = arith.constant 0 : i32
    "tpu.region"() ({
      %run_scoped3A_67 = tpu.sem_alloc : memref<!tpu.dma_semaphore, #tpu.memory_space<semaphore_mem>>
      %dma_start3A = tpu.memref_slice %arg4[%arg0, %run_scoped3A, %mul3A_66] : memref<2x1x10240xf32, #tpu.memory_space<hbm>> -> memref<1x1x640xf32, #tpu.memory_space<hbm>>
      %dma_start3A_68 = tpu.memref_squeeze %dma_start3A : memref<1x1x640xf32, #tpu.memory_space<hbm>> -> memref<640xf32, #tpu.memory_space<hbm>>
      %dma_start3A_69 = tpu.memref_slice %arg7[%mul3A_64] : memref<10240xf32, #tpu.memory_space<vmem_shared>> -> memref<640xf32, #tpu.memory_space<vmem_shared>>
      tpu.enqueue_dma source(%dma_start3A_69 : memref<640xf32, #tpu.memory_space<vmem_shared>>) target(%dma_start3A_68 : memref<640xf32, #tpu.memory_space<hbm>>) target_semaphore(%run_scoped3A_67 : memref<!tpu.dma_semaphore, #tpu.memory_space<semaphore_mem>>)
      %dma_wait3A = tpu.memref_slice %arg4[%arg0, %run_scoped3A, %mul3A_66] : memref<2x1x10240xf32, #tpu.memory_space<hbm>> -> memref<1x1x640xf32, #tpu.memory_space<hbm>>
      %dma_wait3A_70 = tpu.memref_squeeze %dma_wait3A : memref<1x1x640xf32, #tpu.memory_space<hbm>> -> memref<640xf32, #tpu.memory_space<hbm>>
      %dma_wait3A_71 = tpu.memref_slice %arg7[%mul3A_64] : memref<10240xf32, #tpu.memory_space<vmem_shared>> -> memref<640xf32, #tpu.memory_space<vmem_shared>>
      tpu.wait_dma2 semaphore(%run_scoped3A_67 : memref<!tpu.dma_semaphore, #tpu.memory_space<semaphore_mem>>) src(%dma_wait3A_71 : memref<640xf32, #tpu.memory_space<vmem_shared>>) dst(%dma_wait3A_70 : memref<640xf32, #tpu.memory_space<hbm>>)
      tpu.yield
    }) : () -> ()
    return
  }
}

#map = affine_map<(d0, d1) -> (0, 0)>
#map1 = affine_map<(d0, d1) -> (0, 0, 0)>
module attributes {stable_mosaic.version = 14 : i64} {
  func.func @scat(%arg0: i32, %arg1: i32, %arg2: memref<10000x64xf32, #tpu.memory_space<hbm>>, %arg3: memref<32x80x128xi32, #tpu.memory_space<hbm>>, %arg4: memref<32x80x128xi32, #tpu.memory_space<hbm>>, %arg5: memref<10240x64xf32, #tpu.memory_space<hbm>>, %arg6: memref<2x10240x64xf32, #tpu.memory_space<hbm>>, %arg7: memref<80x128xi32, #tpu.memory_space<vmem>>, %arg8: memref<80x128xi32, #tpu.memory_space<vmem>>, %arg9: memref<8x128x64xf32, #tpu.memory_space<vmem>>, %arg10: memref<10240x64xf32, #tpu.memory_space<vmem_shared>>, %arg11: memref<8x!tpu.dma_semaphore, #tpu.memory_space<semaphore_mem>>, %arg12: memref<8x!tpu.dma_semaphore, #tpu.memory_space<semaphore_mem>>) attributes {dimension_semantics = [#tpu.dimension_semantics<core_parallel>, #tpu.dimension_semantics<subcore_parallel>], iteration_bounds = array<i64: 2, 16>, scalar_prefetch = 0 : i64, scratch_operands = 6 : i64, tpu.core_type = #tpu.core_type<sc_vector_subcore>, window_params = [{transform_indices = #map}, {transform_indices = #map1}, {transform_indices = #map1}, {transform_indices = #map}, {transform_indices = #map1}]} {
    %mul3A = arith.constant 2 : i32
    %mul3A_0 = arith.muli %arg1, %mul3A : i32
    %add3A = arith.addi %mul3A_0, %arg0 : i32
    %mul3A_1 = arith.constant 640 : i32
    %mul3A_2 = arith.muli %arg1, %mul3A_1 : i32
    %mul3A_3 = arith.constant 640 : i32
    %mul3A_4 = arith.muli %arg1, %mul3A_3 : i32
    "tpu.region"() ({
      %run_scoped3A = tpu.sem_alloc : memref<!tpu.dma_semaphore, #tpu.memory_space<semaphore_mem>>
      %dma_start3A_253 = arith.constant 0 : i32
      %dma_start3A_254 = tpu.memref_slice %arg10[%mul3A_4, %dma_start3A_253] : memref<10240x64xf32, #tpu.memory_space<vmem_shared>> -> memref<640x64xf32, #tpu.memory_space<vmem_shared>>
      %dma_start3A_255 = arith.constant 0 : i32
      %dma_start3A_256 = tpu.memref_slice %arg5[%mul3A_2, %dma_start3A_255] : memref<10240x64xf32, #tpu.memory_space<hbm>> -> memref<640x64xf32, #tpu.memory_space<hbm>>
      tpu.enqueue_dma source(%dma_start3A_256 : memref<640x64xf32, #tpu.memory_space<hbm>>) target(%dma_start3A_254 : memref<640x64xf32, #tpu.memory_space<vmem_shared>>) target_semaphore(%run_scoped3A : memref<!tpu.dma_semaphore, #tpu.memory_space<semaphore_mem>>)
      %dma_wait3A_257 = arith.constant 0 : i32
      %dma_wait3A_258 = tpu.memref_slice %arg10[%mul3A_4, %dma_wait3A_257] : memref<10240x64xf32, #tpu.memory_space<vmem_shared>> -> memref<640x64xf32, #tpu.memory_space<vmem_shared>>
      %dma_wait3A_259 = arith.constant 0 : i32
      %dma_wait3A_260 = tpu.memref_slice %arg5[%mul3A_2, %dma_wait3A_259] : memref<10240x64xf32, #tpu.memory_space<hbm>> -> memref<640x64xf32, #tpu.memory_space<hbm>>
      tpu.wait_dma2 semaphore(%run_scoped3A : memref<!tpu.dma_semaphore, #tpu.memory_space<semaphore_mem>>) src(%dma_wait3A_260 : memref<640x64xf32, #tpu.memory_space<hbm>>) dst(%dma_wait3A_258 : memref<640x64xf32, #tpu.memory_space<vmem_shared>>)
      tpu.yield
    }) : () -> ()
    "tpu.region"() ({
      %run_scoped3A = tpu.sem_alloc : memref<!tpu.dma_semaphore, #tpu.memory_space<semaphore_mem>>
      %dma_start3A_253 = arith.constant 0 : i32
      %dma_start3A_254 = arith.constant 0 : i32
      %dma_start3A_255 = tpu.memref_slice %arg3[%add3A, %dma_start3A_253, %dma_start3A_254] : memref<32x80x128xi32, #tpu.memory_space<hbm>> -> memref<1x80x128xi32, #tpu.memory_space<hbm>>
      %dma_start3A_256 = tpu.memref_squeeze %dma_start3A_255 : memref<1x80x128xi32, #tpu.memory_space<hbm>> -> memref<80x128xi32, #tpu.memory_space<hbm>>
      %dma_start3A_257 = arith.constant 0 : i32
      %dma_start3A_258 = arith.constant 0 : i32
      %dma_start3A_259 = tpu.memref_slice %arg3[%add3A, %dma_start3A_257, %dma_start3A_258] : memref<32x80x128xi32, #tpu.memory_space<hbm>> -> memref<1x80x128xi32, #tpu.memory_space<hbm>>
      %dma_start3A_260 = tpu.memref_squeeze %dma_start3A_259 : memref<1x80x128xi32, #tpu.memory_space<hbm>> -> memref<80x128xi32, #tpu.memory_space<hbm>>
      tpu.enqueue_dma source(%dma_start3A_260 : memref<80x128xi32, #tpu.memory_space<hbm>>) target(%arg7 : memref<80x128xi32, #tpu.memory_space<vmem>>) target_semaphore(%run_scoped3A : memref<!tpu.dma_semaphore, #tpu.memory_space<semaphore_mem>>)
      %dma_wait3A_261 = arith.constant 0 : i32
      %dma_wait3A_262 = arith.constant 0 : i32
      %dma_wait3A_263 = tpu.memref_slice %arg3[%add3A, %dma_wait3A_261, %dma_wait3A_262] : memref<32x80x128xi32, #tpu.memory_space<hbm>> -> memref<1x80x128xi32, #tpu.memory_space<hbm>>
      %dma_wait3A_264 = tpu.memref_squeeze %dma_wait3A_263 : memref<1x80x128xi32, #tpu.memory_space<hbm>> -> memref<80x128xi32, #tpu.memory_space<hbm>>
      %dma_wait3A_265 = arith.constant 0 : i32
      %dma_wait3A_266 = arith.constant 0 : i32
      %dma_wait3A_267 = tpu.memref_slice %arg3[%add3A, %dma_wait3A_265, %dma_wait3A_266] : memref<32x80x128xi32, #tpu.memory_space<hbm>> -> memref<1x80x128xi32, #tpu.memory_space<hbm>>
      %dma_wait3A_268 = tpu.memref_squeeze %dma_wait3A_267 : memref<1x80x128xi32, #tpu.memory_space<hbm>> -> memref<80x128xi32, #tpu.memory_space<hbm>>
      tpu.wait_dma2 semaphore(%run_scoped3A : memref<!tpu.dma_semaphore, #tpu.memory_space<semaphore_mem>>) src(%dma_wait3A_268 : memref<80x128xi32, #tpu.memory_space<hbm>>) dst(%arg7 : memref<80x128xi32, #tpu.memory_space<vmem>>)
      tpu.yield
    }) : () -> ()
    "tpu.region"() ({
      %run_scoped3A = tpu.sem_alloc : memref<!tpu.dma_semaphore, #tpu.memory_space<semaphore_mem>>
      %dma_start3A_253 = arith.constant 0 : i32
      %dma_start3A_254 = arith.constant 0 : i32
      %dma_start3A_255 = tpu.memref_slice %arg4[%add3A, %dma_start3A_253, %dma_start3A_254] : memref<32x80x128xi32, #tpu.memory_space<hbm>> -> memref<1x80x128xi32, #tpu.memory_space<hbm>>
      %dma_start3A_256 = tpu.memref_squeeze %dma_start3A_255 : memref<1x80x128xi32, #tpu.memory_space<hbm>> -> memref<80x128xi32, #tpu.memory_space<hbm>>
      %dma_start3A_257 = arith.constant 0 : i32
      %dma_start3A_258 = arith.constant 0 : i32
      %dma_start3A_259 = tpu.memref_slice %arg4[%add3A, %dma_start3A_257, %dma_start3A_258] : memref<32x80x128xi32, #tpu.memory_space<hbm>> -> memref<1x80x128xi32, #tpu.memory_space<hbm>>
      %dma_start3A_260 = tpu.memref_squeeze %dma_start3A_259 : memref<1x80x128xi32, #tpu.memory_space<hbm>> -> memref<80x128xi32, #tpu.memory_space<hbm>>
      tpu.enqueue_dma source(%dma_start3A_260 : memref<80x128xi32, #tpu.memory_space<hbm>>) target(%arg8 : memref<80x128xi32, #tpu.memory_space<vmem>>) target_semaphore(%run_scoped3A : memref<!tpu.dma_semaphore, #tpu.memory_space<semaphore_mem>>)
      %dma_wait3A_261 = arith.constant 0 : i32
      %dma_wait3A_262 = arith.constant 0 : i32
      %dma_wait3A_263 = tpu.memref_slice %arg4[%add3A, %dma_wait3A_261, %dma_wait3A_262] : memref<32x80x128xi32, #tpu.memory_space<hbm>> -> memref<1x80x128xi32, #tpu.memory_space<hbm>>
      %dma_wait3A_264 = tpu.memref_squeeze %dma_wait3A_263 : memref<1x80x128xi32, #tpu.memory_space<hbm>> -> memref<80x128xi32, #tpu.memory_space<hbm>>
      %dma_wait3A_265 = arith.constant 0 : i32
      %dma_wait3A_266 = arith.constant 0 : i32
      %dma_wait3A_267 = tpu.memref_slice %arg4[%add3A, %dma_wait3A_265, %dma_wait3A_266] : memref<32x80x128xi32, #tpu.memory_space<hbm>> -> memref<1x80x128xi32, #tpu.memory_space<hbm>>
      %dma_wait3A_268 = tpu.memref_squeeze %dma_wait3A_267 : memref<1x80x128xi32, #tpu.memory_space<hbm>> -> memref<80x128xi32, #tpu.memory_space<hbm>>
      tpu.wait_dma2 semaphore(%run_scoped3A : memref<!tpu.dma_semaphore, #tpu.memory_space<semaphore_mem>>) src(%dma_wait3A_268 : memref<80x128xi32, #tpu.memory_space<hbm>>) dst(%arg8 : memref<80x128xi32, #tpu.memory_space<vmem>>)
      tpu.yield
    }) : () -> ()
    %barrier3A = arith.constant 0 : index
    tpu.barrier barrier_id(%barrier3A)
    %dma_start3A = arith.constant 0 : i32
    %dma_start3A_5 = arith.constant 0 : i32
    %dma_start3A_6 = arith.constant 0 : i32
    %dma_start3A_7 = arith.constant 0 : i32
    %dma_start3A_8 = arith.constant 0 : i32
    %dma_start3A_9 = tpu.memref_slice %arg9[%dma_start3A_5, %dma_start3A_7, %dma_start3A_8] : memref<8x128x64xf32, #tpu.memory_space<vmem>> -> memref<1x128x64xf32, #tpu.memory_space<vmem>>
    %dma_start3A_10 = tpu.memref_squeeze %dma_start3A_9 : memref<1x128x64xf32, #tpu.memory_space<vmem>> -> memref<128x64xf32, #tpu.memory_space<vmem>>
    %dma_start3A_11 = arith.constant 0 : i32
    %dma_start3A_12 = tpu.memref_slice %arg7[%dma_start3A, %dma_start3A_11] : memref<80x128xi32, #tpu.memory_space<vmem>> -> memref<1x128xi32, #tpu.memory_space<vmem>>
    %dma_start3A_13 = tpu.memref_squeeze %dma_start3A_12 : memref<1x128xi32, #tpu.memory_space<vmem>> -> memref<128xi32, #tpu.memory_space<vmem>>
    %dma_start3A_14 = arith.constant 0 : i32
    %dma_start3A_15 = arith.constant 0 : i32
    %dma_start3A_16 = tpu.memref_slice %arg2[%dma_start3A_14, %dma_start3A_15] : memref<10000x64xf32, #tpu.memory_space<hbm>> -> memref<10000x64xf32, #tpu.memory_space<hbm>>
    %dma_start3A_17 = tpu.memref_slice %arg11[%dma_start3A_6] : memref<8x!tpu.dma_semaphore, #tpu.memory_space<semaphore_mem>> -> memref<1x!tpu.dma_semaphore, #tpu.memory_space<semaphore_mem>>
    %dma_start3A_18 = tpu.memref_squeeze %dma_start3A_17 : memref<1x!tpu.dma_semaphore, #tpu.memory_space<semaphore_mem>> -> memref<!tpu.dma_semaphore, #tpu.memory_space<semaphore_mem>>
    tpu.enqueue_indirect_dma source(%dma_start3A_16 : memref<10000x64xf32, #tpu.memory_space<hbm>>) target(%dma_start3A_10 : memref<128x64xf32, #tpu.memory_space<vmem>>) offsets(%dma_start3A_13 : memref<128xi32, #tpu.memory_space<vmem>>) semaphore(%dma_start3A_18 : memref<!tpu.dma_semaphore, #tpu.memory_space<semaphore_mem>>)
    %dma_start3A_19 = arith.constant 1 : i32
    %dma_start3A_20 = arith.constant 1 : i32
    %dma_start3A_21 = arith.constant 1 : i32
    %dma_start3A_22 = arith.constant 0 : i32
    %dma_start3A_23 = arith.constant 0 : i32
    %dma_start3A_24 = tpu.memref_slice %arg9[%dma_start3A_20, %dma_start3A_22, %dma_start3A_23] : memref<8x128x64xf32, #tpu.memory_space<vmem>> -> memref<1x128x64xf32, #tpu.memory_space<vmem>>
    %dma_start3A_25 = tpu.memref_squeeze %dma_start3A_24 : memref<1x128x64xf32, #tpu.memory_space<vmem>> -> memref<128x64xf32, #tpu.memory_space<vmem>>
    %dma_start3A_26 = arith.constant 0 : i32
    %dma_start3A_27 = tpu.memref_slice %arg7[%dma_start3A_19, %dma_start3A_26] : memref<80x128xi32, #tpu.memory_space<vmem>> -> memref<1x128xi32, #tpu.memory_space<vmem>>
    %dma_start3A_28 = tpu.memref_squeeze %dma_start3A_27 : memref<1x128xi32, #tpu.memory_space<vmem>> -> memref<128xi32, #tpu.memory_space<vmem>>
    %dma_start3A_29 = arith.constant 0 : i32
    %dma_start3A_30 = arith.constant 0 : i32
    %dma_start3A_31 = tpu.memref_slice %arg2[%dma_start3A_29, %dma_start3A_30] : memref<10000x64xf32, #tpu.memory_space<hbm>> -> memref<10000x64xf32, #tpu.memory_space<hbm>>
    %dma_start3A_32 = tpu.memref_slice %arg11[%dma_start3A_21] : memref<8x!tpu.dma_semaphore, #tpu.memory_space<semaphore_mem>> -> memref<1x!tpu.dma_semaphore, #tpu.memory_space<semaphore_mem>>
    %dma_start3A_33 = tpu.memref_squeeze %dma_start3A_32 : memref<1x!tpu.dma_semaphore, #tpu.memory_space<semaphore_mem>> -> memref<!tpu.dma_semaphore, #tpu.memory_space<semaphore_mem>>
    tpu.enqueue_indirect_dma source(%dma_start3A_31 : memref<10000x64xf32, #tpu.memory_space<hbm>>) target(%dma_start3A_25 : memref<128x64xf32, #tpu.memory_space<vmem>>) offsets(%dma_start3A_28 : memref<128xi32, #tpu.memory_space<vmem>>) semaphore(%dma_start3A_33 : memref<!tpu.dma_semaphore, #tpu.memory_space<semaphore_mem>>)
    %dma_start3A_34 = arith.constant 2 : i32
    %dma_start3A_35 = arith.constant 2 : i32
    %dma_start3A_36 = arith.constant 2 : i32
    %dma_start3A_37 = arith.constant 0 : i32
    %dma_start3A_38 = arith.constant 0 : i32
    %dma_start3A_39 = tpu.memref_slice %arg9[%dma_start3A_35, %dma_start3A_37, %dma_start3A_38] : memref<8x128x64xf32, #tpu.memory_space<vmem>> -> memref<1x128x64xf32, #tpu.memory_space<vmem>>
    %dma_start3A_40 = tpu.memref_squeeze %dma_start3A_39 : memref<1x128x64xf32, #tpu.memory_space<vmem>> -> memref<128x64xf32, #tpu.memory_space<vmem>>
    %dma_start3A_41 = arith.constant 0 : i32
    %dma_start3A_42 = tpu.memref_slice %arg7[%dma_start3A_34, %dma_start3A_41] : memref<80x128xi32, #tpu.memory_space<vmem>> -> memref<1x128xi32, #tpu.memory_space<vmem>>
    %dma_start3A_43 = tpu.memref_squeeze %dma_start3A_42 : memref<1x128xi32, #tpu.memory_space<vmem>> -> memref<128xi32, #tpu.memory_space<vmem>>
    %dma_start3A_44 = arith.constant 0 : i32
    %dma_start3A_45 = arith.constant 0 : i32
    %dma_start3A_46 = tpu.memref_slice %arg2[%dma_start3A_44, %dma_start3A_45] : memref<10000x64xf32, #tpu.memory_space<hbm>> -> memref<10000x64xf32, #tpu.memory_space<hbm>>
    %dma_start3A_47 = tpu.memref_slice %arg11[%dma_start3A_36] : memref<8x!tpu.dma_semaphore, #tpu.memory_space<semaphore_mem>> -> memref<1x!tpu.dma_semaphore, #tpu.memory_space<semaphore_mem>>
    %dma_start3A_48 = tpu.memref_squeeze %dma_start3A_47 : memref<1x!tpu.dma_semaphore, #tpu.memory_space<semaphore_mem>> -> memref<!tpu.dma_semaphore, #tpu.memory_space<semaphore_mem>>
    tpu.enqueue_indirect_dma source(%dma_start3A_46 : memref<10000x64xf32, #tpu.memory_space<hbm>>) target(%dma_start3A_40 : memref<128x64xf32, #tpu.memory_space<vmem>>) offsets(%dma_start3A_43 : memref<128xi32, #tpu.memory_space<vmem>>) semaphore(%dma_start3A_48 : memref<!tpu.dma_semaphore, #tpu.memory_space<semaphore_mem>>)
    %dma_start3A_49 = arith.constant 3 : i32
    %dma_start3A_50 = arith.constant 3 : i32
    %dma_start3A_51 = arith.constant 3 : i32
    %dma_start3A_52 = arith.constant 0 : i32
    %dma_start3A_53 = arith.constant 0 : i32
    %dma_start3A_54 = tpu.memref_slice %arg9[%dma_start3A_50, %dma_start3A_52, %dma_start3A_53] : memref<8x128x64xf32, #tpu.memory_space<vmem>> -> memref<1x128x64xf32, #tpu.memory_space<vmem>>
    %dma_start3A_55 = tpu.memref_squeeze %dma_start3A_54 : memref<1x128x64xf32, #tpu.memory_space<vmem>> -> memref<128x64xf32, #tpu.memory_space<vmem>>
    %dma_start3A_56 = arith.constant 0 : i32
    %dma_start3A_57 = tpu.memref_slice %arg7[%dma_start3A_49, %dma_start3A_56] : memref<80x128xi32, #tpu.memory_space<vmem>> -> memref<1x128xi32, #tpu.memory_space<vmem>>
    %dma_start3A_58 = tpu.memref_squeeze %dma_start3A_57 : memref<1x128xi32, #tpu.memory_space<vmem>> -> memref<128xi32, #tpu.memory_space<vmem>>
    %dma_start3A_59 = arith.constant 0 : i32
    %dma_start3A_60 = arith.constant 0 : i32
    %dma_start3A_61 = tpu.memref_slice %arg2[%dma_start3A_59, %dma_start3A_60] : memref<10000x64xf32, #tpu.memory_space<hbm>> -> memref<10000x64xf32, #tpu.memory_space<hbm>>
    %dma_start3A_62 = tpu.memref_slice %arg11[%dma_start3A_51] : memref<8x!tpu.dma_semaphore, #tpu.memory_space<semaphore_mem>> -> memref<1x!tpu.dma_semaphore, #tpu.memory_space<semaphore_mem>>
    %dma_start3A_63 = tpu.memref_squeeze %dma_start3A_62 : memref<1x!tpu.dma_semaphore, #tpu.memory_space<semaphore_mem>> -> memref<!tpu.dma_semaphore, #tpu.memory_space<semaphore_mem>>
    tpu.enqueue_indirect_dma source(%dma_start3A_61 : memref<10000x64xf32, #tpu.memory_space<hbm>>) target(%dma_start3A_55 : memref<128x64xf32, #tpu.memory_space<vmem>>) offsets(%dma_start3A_58 : memref<128xi32, #tpu.memory_space<vmem>>) semaphore(%dma_start3A_63 : memref<!tpu.dma_semaphore, #tpu.memory_space<semaphore_mem>>)
    %dma_start3A_64 = arith.constant 4 : i32
    %dma_start3A_65 = arith.constant 4 : i32
    %dma_start3A_66 = arith.constant 4 : i32
    %dma_start3A_67 = arith.constant 0 : i32
    %dma_start3A_68 = arith.constant 0 : i32
    %dma_start3A_69 = tpu.memref_slice %arg9[%dma_start3A_65, %dma_start3A_67, %dma_start3A_68] : memref<8x128x64xf32, #tpu.memory_space<vmem>> -> memref<1x128x64xf32, #tpu.memory_space<vmem>>
    %dma_start3A_70 = tpu.memref_squeeze %dma_start3A_69 : memref<1x128x64xf32, #tpu.memory_space<vmem>> -> memref<128x64xf32, #tpu.memory_space<vmem>>
    %dma_start3A_71 = arith.constant 0 : i32
    %dma_start3A_72 = tpu.memref_slice %arg7[%dma_start3A_64, %dma_start3A_71] : memref<80x128xi32, #tpu.memory_space<vmem>> -> memref<1x128xi32, #tpu.memory_space<vmem>>
    %dma_start3A_73 = tpu.memref_squeeze %dma_start3A_72 : memref<1x128xi32, #tpu.memory_space<vmem>> -> memref<128xi32, #tpu.memory_space<vmem>>
    %dma_start3A_74 = arith.constant 0 : i32
    %dma_start3A_75 = arith.constant 0 : i32
    %dma_start3A_76 = tpu.memref_slice %arg2[%dma_start3A_74, %dma_start3A_75] : memref<10000x64xf32, #tpu.memory_space<hbm>> -> memref<10000x64xf32, #tpu.memory_space<hbm>>
    %dma_start3A_77 = tpu.memref_slice %arg11[%dma_start3A_66] : memref<8x!tpu.dma_semaphore, #tpu.memory_space<semaphore_mem>> -> memref<1x!tpu.dma_semaphore, #tpu.memory_space<semaphore_mem>>
    %dma_start3A_78 = tpu.memref_squeeze %dma_start3A_77 : memref<1x!tpu.dma_semaphore, #tpu.memory_space<semaphore_mem>> -> memref<!tpu.dma_semaphore, #tpu.memory_space<semaphore_mem>>
    tpu.enqueue_indirect_dma source(%dma_start3A_76 : memref<10000x64xf32, #tpu.memory_space<hbm>>) target(%dma_start3A_70 : memref<128x64xf32, #tpu.memory_space<vmem>>) offsets(%dma_start3A_73 : memref<128xi32, #tpu.memory_space<vmem>>) semaphore(%dma_start3A_78 : memref<!tpu.dma_semaphore, #tpu.memory_space<semaphore_mem>>)
    %dma_start3A_79 = arith.constant 5 : i32
    %dma_start3A_80 = arith.constant 5 : i32
    %dma_start3A_81 = arith.constant 5 : i32
    %dma_start3A_82 = arith.constant 0 : i32
    %dma_start3A_83 = arith.constant 0 : i32
    %dma_start3A_84 = tpu.memref_slice %arg9[%dma_start3A_80, %dma_start3A_82, %dma_start3A_83] : memref<8x128x64xf32, #tpu.memory_space<vmem>> -> memref<1x128x64xf32, #tpu.memory_space<vmem>>
    %dma_start3A_85 = tpu.memref_squeeze %dma_start3A_84 : memref<1x128x64xf32, #tpu.memory_space<vmem>> -> memref<128x64xf32, #tpu.memory_space<vmem>>
    %dma_start3A_86 = arith.constant 0 : i32
    %dma_start3A_87 = tpu.memref_slice %arg7[%dma_start3A_79, %dma_start3A_86] : memref<80x128xi32, #tpu.memory_space<vmem>> -> memref<1x128xi32, #tpu.memory_space<vmem>>
    %dma_start3A_88 = tpu.memref_squeeze %dma_start3A_87 : memref<1x128xi32, #tpu.memory_space<vmem>> -> memref<128xi32, #tpu.memory_space<vmem>>
    %dma_start3A_89 = arith.constant 0 : i32
    %dma_start3A_90 = arith.constant 0 : i32
    %dma_start3A_91 = tpu.memref_slice %arg2[%dma_start3A_89, %dma_start3A_90] : memref<10000x64xf32, #tpu.memory_space<hbm>> -> memref<10000x64xf32, #tpu.memory_space<hbm>>
    %dma_start3A_92 = tpu.memref_slice %arg11[%dma_start3A_81] : memref<8x!tpu.dma_semaphore, #tpu.memory_space<semaphore_mem>> -> memref<1x!tpu.dma_semaphore, #tpu.memory_space<semaphore_mem>>
    %dma_start3A_93 = tpu.memref_squeeze %dma_start3A_92 : memref<1x!tpu.dma_semaphore, #tpu.memory_space<semaphore_mem>> -> memref<!tpu.dma_semaphore, #tpu.memory_space<semaphore_mem>>
    tpu.enqueue_indirect_dma source(%dma_start3A_91 : memref<10000x64xf32, #tpu.memory_space<hbm>>) target(%dma_start3A_85 : memref<128x64xf32, #tpu.memory_space<vmem>>) offsets(%dma_start3A_88 : memref<128xi32, #tpu.memory_space<vmem>>) semaphore(%dma_start3A_93 : memref<!tpu.dma_semaphore, #tpu.memory_space<semaphore_mem>>)
    %dma_start3A_94 = arith.constant 6 : i32
    %dma_start3A_95 = arith.constant 6 : i32
    %dma_start3A_96 = arith.constant 6 : i32
    %dma_start3A_97 = arith.constant 0 : i32
    %dma_start3A_98 = arith.constant 0 : i32
    %dma_start3A_99 = tpu.memref_slice %arg9[%dma_start3A_95, %dma_start3A_97, %dma_start3A_98] : memref<8x128x64xf32, #tpu.memory_space<vmem>> -> memref<1x128x64xf32, #tpu.memory_space<vmem>>
    %dma_start3A_100 = tpu.memref_squeeze %dma_start3A_99 : memref<1x128x64xf32, #tpu.memory_space<vmem>> -> memref<128x64xf32, #tpu.memory_space<vmem>>
    %dma_start3A_101 = arith.constant 0 : i32
    %dma_start3A_102 = tpu.memref_slice %arg7[%dma_start3A_94, %dma_start3A_101] : memref<80x128xi32, #tpu.memory_space<vmem>> -> memref<1x128xi32, #tpu.memory_space<vmem>>
    %dma_start3A_103 = tpu.memref_squeeze %dma_start3A_102 : memref<1x128xi32, #tpu.memory_space<vmem>> -> memref<128xi32, #tpu.memory_space<vmem>>
    %dma_start3A_104 = arith.constant 0 : i32
    %dma_start3A_105 = arith.constant 0 : i32
    %dma_start3A_106 = tpu.memref_slice %arg2[%dma_start3A_104, %dma_start3A_105] : memref<10000x64xf32, #tpu.memory_space<hbm>> -> memref<10000x64xf32, #tpu.memory_space<hbm>>
    %dma_start3A_107 = tpu.memref_slice %arg11[%dma_start3A_96] : memref<8x!tpu.dma_semaphore, #tpu.memory_space<semaphore_mem>> -> memref<1x!tpu.dma_semaphore, #tpu.memory_space<semaphore_mem>>
    %dma_start3A_108 = tpu.memref_squeeze %dma_start3A_107 : memref<1x!tpu.dma_semaphore, #tpu.memory_space<semaphore_mem>> -> memref<!tpu.dma_semaphore, #tpu.memory_space<semaphore_mem>>
    tpu.enqueue_indirect_dma source(%dma_start3A_106 : memref<10000x64xf32, #tpu.memory_space<hbm>>) target(%dma_start3A_100 : memref<128x64xf32, #tpu.memory_space<vmem>>) offsets(%dma_start3A_103 : memref<128xi32, #tpu.memory_space<vmem>>) semaphore(%dma_start3A_108 : memref<!tpu.dma_semaphore, #tpu.memory_space<semaphore_mem>>)
    %dma_start3A_109 = arith.constant 7 : i32
    %dma_start3A_110 = arith.constant 7 : i32
    %dma_start3A_111 = arith.constant 7 : i32
    %dma_start3A_112 = arith.constant 0 : i32
    %dma_start3A_113 = arith.constant 0 : i32
    %dma_start3A_114 = tpu.memref_slice %arg9[%dma_start3A_110, %dma_start3A_112, %dma_start3A_113] : memref<8x128x64xf32, #tpu.memory_space<vmem>> -> memref<1x128x64xf32, #tpu.memory_space<vmem>>
    %dma_start3A_115 = tpu.memref_squeeze %dma_start3A_114 : memref<1x128x64xf32, #tpu.memory_space<vmem>> -> memref<128x64xf32, #tpu.memory_space<vmem>>
    %dma_start3A_116 = arith.constant 0 : i32
    %dma_start3A_117 = tpu.memref_slice %arg7[%dma_start3A_109, %dma_start3A_116] : memref<80x128xi32, #tpu.memory_space<vmem>> -> memref<1x128xi32, #tpu.memory_space<vmem>>
    %dma_start3A_118 = tpu.memref_squeeze %dma_start3A_117 : memref<1x128xi32, #tpu.memory_space<vmem>> -> memref<128xi32, #tpu.memory_space<vmem>>
    %dma_start3A_119 = arith.constant 0 : i32
    %dma_start3A_120 = arith.constant 0 : i32
    %dma_start3A_121 = tpu.memref_slice %arg2[%dma_start3A_119, %dma_start3A_120] : memref<10000x64xf32, #tpu.memory_space<hbm>> -> memref<10000x64xf32, #tpu.memory_space<hbm>>
    %dma_start3A_122 = tpu.memref_slice %arg11[%dma_start3A_111] : memref<8x!tpu.dma_semaphore, #tpu.memory_space<semaphore_mem>> -> memref<1x!tpu.dma_semaphore, #tpu.memory_space<semaphore_mem>>
    %dma_start3A_123 = tpu.memref_squeeze %dma_start3A_122 : memref<1x!tpu.dma_semaphore, #tpu.memory_space<semaphore_mem>> -> memref<!tpu.dma_semaphore, #tpu.memory_space<semaphore_mem>>
    tpu.enqueue_indirect_dma source(%dma_start3A_121 : memref<10000x64xf32, #tpu.memory_space<hbm>>) target(%dma_start3A_115 : memref<128x64xf32, #tpu.memory_space<vmem>>) offsets(%dma_start3A_118 : memref<128xi32, #tpu.memory_space<vmem>>) semaphore(%dma_start3A_123 : memref<!tpu.dma_semaphore, #tpu.memory_space<semaphore_mem>>)
    %scan3A = arith.constant 0 : i32
    %scan3A_124 = arith.constant 0 : i32
    %scan3A_125 = arith.constant 10 : i32
    %scan3A_126 = arith.addi %scan3A_124, %scan3A_125 : i32
    %scan3A_127 = arith.constant 1 : i32
    scf.for %scan3A_253 = %scan3A_124 to %scan3A_126 step %scan3A_127  : i32 {
      %mul3A_254 = arith.constant 8 : i32
      %mul3A_255 = arith.muli %scan3A_253, %mul3A_254 : i32
      %add3A_256 = arith.constant 0 : i32
      %add3A_257 = arith.addi %mul3A_255, %add3A_256 : i32
      %dma_wait3A_258 = arith.constant 0 : i32
      %dma_wait3A_259 = arith.constant 0 : i32
      %dma_wait3A_260 = arith.constant 0 : i32
      %dma_wait3A_261 = arith.constant 0 : i32
      %dma_wait3A_262 = tpu.memref_slice %arg9[%dma_wait3A_258, %dma_wait3A_260, %dma_wait3A_261] : memref<8x128x64xf32, #tpu.memory_space<vmem>> -> memref<1x128x64xf32, #tpu.memory_space<vmem>>
      %dma_wait3A_263 = tpu.memref_squeeze %dma_wait3A_262 : memref<1x128x64xf32, #tpu.memory_space<vmem>> -> memref<128x64xf32, #tpu.memory_space<vmem>>
      %dma_wait3A_264 = arith.constant 0 : i32
      %dma_wait3A_265 = tpu.memref_slice %arg7[%add3A_257, %dma_wait3A_264] : memref<80x128xi32, #tpu.memory_space<vmem>> -> memref<1x128xi32, #tpu.memory_space<vmem>>
      %dma_wait3A_266 = tpu.memref_squeeze %dma_wait3A_265 : memref<1x128xi32, #tpu.memory_space<vmem>> -> memref<128xi32, #tpu.memory_space<vmem>>
      %dma_wait3A_267 = arith.constant 0 : i32
      %dma_wait3A_268 = arith.constant 0 : i32
      %dma_wait3A_269 = tpu.memref_slice %arg2[%dma_wait3A_267, %dma_wait3A_268] : memref<10000x64xf32, #tpu.memory_space<hbm>> -> memref<10000x64xf32, #tpu.memory_space<hbm>>
      %dma_wait3A_270 = tpu.memref_slice %arg11[%dma_wait3A_259] : memref<8x!tpu.dma_semaphore, #tpu.memory_space<semaphore_mem>> -> memref<1x!tpu.dma_semaphore, #tpu.memory_space<semaphore_mem>>
      %dma_wait3A_271 = tpu.memref_squeeze %dma_wait3A_270 : memref<1x!tpu.dma_semaphore, #tpu.memory_space<semaphore_mem>> -> memref<!tpu.dma_semaphore, #tpu.memory_space<semaphore_mem>>
      tpu.wait_indirect_dma semaphore(%dma_wait3A_271 : memref<!tpu.dma_semaphore, #tpu.memory_space<semaphore_mem>>) src(%dma_wait3A_269 : memref<10000x64xf32, #tpu.memory_space<hbm>>) dst(%dma_wait3A_263 : memref<128x64xf32, #tpu.memory_space<vmem>>)
      %dma_start3A_272 = arith.constant 0 : i32
      %dma_start3A_273 = arith.constant 0 : i32
      %dma_start3A_274 = arith.constant 0 : i32
      %dma_start3A_275 = arith.constant 0 : i32
      %dma_start3A_276 = tpu.memref_slice %arg9[%dma_start3A_272, %dma_start3A_274, %dma_start3A_275] : memref<8x128x64xf32, #tpu.memory_space<vmem>> -> memref<1x128x64xf32, #tpu.memory_space<vmem>>
      %dma_start3A_277 = tpu.memref_squeeze %dma_start3A_276 : memref<1x128x64xf32, #tpu.memory_space<vmem>> -> memref<128x64xf32, #tpu.memory_space<vmem>>
      %dma_start3A_278 = arith.constant 0 : i32
      %dma_start3A_279 = tpu.memref_slice %arg8[%add3A_257, %dma_start3A_278] : memref<80x128xi32, #tpu.memory_space<vmem>> -> memref<1x128xi32, #tpu.memory_space<vmem>>
      %dma_start3A_280 = tpu.memref_squeeze %dma_start3A_279 : memref<1x128xi32, #tpu.memory_space<vmem>> -> memref<128xi32, #tpu.memory_space<vmem>>
      %dma_start3A_281 = arith.constant 0 : i32
      %dma_start3A_282 = arith.constant 0 : i32
      %dma_start3A_283 = tpu.memref_slice %arg10[%dma_start3A_281, %dma_start3A_282] : memref<10240x64xf32, #tpu.memory_space<vmem_shared>> -> memref<10240x64xf32, #tpu.memory_space<vmem_shared>>
      %dma_start3A_284 = tpu.memref_slice %arg12[%dma_start3A_273] : memref<8x!tpu.dma_semaphore, #tpu.memory_space<semaphore_mem>> -> memref<1x!tpu.dma_semaphore, #tpu.memory_space<semaphore_mem>>
      %dma_start3A_285 = tpu.memref_squeeze %dma_start3A_284 : memref<1x!tpu.dma_semaphore, #tpu.memory_space<semaphore_mem>> -> memref<!tpu.dma_semaphore, #tpu.memory_space<semaphore_mem>>
      tpu.enqueue_indirect_dma source(%dma_start3A_277 : memref<128x64xf32, #tpu.memory_space<vmem>>) target(%dma_start3A_283 : memref<10240x64xf32, #tpu.memory_space<vmem_shared>>) offsets(%dma_start3A_280 : memref<128xi32, #tpu.memory_space<vmem>>) semaphore(%dma_start3A_285 : memref<!tpu.dma_semaphore, #tpu.memory_space<semaphore_mem>>) {add = true}
      %sub3A = arith.constant 4 : i32
      %sub3A_286 = arith.subi %add3A_257, %sub3A : i32
      %ge3A = arith.constant 0 : i32
      %ge3A_287 = arith.cmpi sge, %sub3A_286, %ge3A : i32
      %lt3A = arith.constant 72 : i32
      %lt3A_288 = arith.cmpi slt, %sub3A_286, %lt3A : i32
      %and3A = arith.andi %ge3A_287, %lt3A_288 : i1
      %convert_element_type3A = arith.extui %and3A : i1 to i32
      %cond3A = arith.constant 0 : i32
      %cond3A_289 = arith.cmpi ne, %convert_element_type3A, %cond3A : i32
      scf.if %cond3A_289 {
        %dma_wait3A_584 = arith.constant 4 : i32
        %dma_wait3A_585 = arith.constant 4 : i32
        %dma_wait3A_586 = arith.constant 0 : i32
        %dma_wait3A_587 = arith.constant 0 : i32
        %dma_wait3A_588 = tpu.memref_slice %arg9[%dma_wait3A_584, %dma_wait3A_586, %dma_wait3A_587] : memref<8x128x64xf32, #tpu.memory_space<vmem>> -> memref<1x128x64xf32, #tpu.memory_space<vmem>>
        %dma_wait3A_589 = tpu.memref_squeeze %dma_wait3A_588 : memref<1x128x64xf32, #tpu.memory_space<vmem>> -> memref<128x64xf32, #tpu.memory_space<vmem>>
        %dma_wait3A_590 = arith.constant 0 : i32
        %dma_wait3A_591 = tpu.memref_slice %arg8[%sub3A_286, %dma_wait3A_590] : memref<80x128xi32, #tpu.memory_space<vmem>> -> memref<1x128xi32, #tpu.memory_space<vmem>>
        %dma_wait3A_592 = tpu.memref_squeeze %dma_wait3A_591 : memref<1x128xi32, #tpu.memory_space<vmem>> -> memref<128xi32, #tpu.memory_space<vmem>>
        %dma_wait3A_593 = arith.constant 0 : i32
        %dma_wait3A_594 = arith.constant 0 : i32
        %dma_wait3A_595 = tpu.memref_slice %arg10[%dma_wait3A_593, %dma_wait3A_594] : memref<10240x64xf32, #tpu.memory_space<vmem_shared>> -> memref<10240x64xf32, #tpu.memory_space<vmem_shared>>
        %dma_wait3A_596 = tpu.memref_slice %arg12[%dma_wait3A_585] : memref<8x!tpu.dma_semaphore, #tpu.memory_space<semaphore_mem>> -> memref<1x!tpu.dma_semaphore, #tpu.memory_space<semaphore_mem>>
        %dma_wait3A_597 = tpu.memref_squeeze %dma_wait3A_596 : memref<1x!tpu.dma_semaphore, #tpu.memory_space<semaphore_mem>> -> memref<!tpu.dma_semaphore, #tpu.memory_space<semaphore_mem>>
        tpu.wait_indirect_dma semaphore(%dma_wait3A_597 : memref<!tpu.dma_semaphore, #tpu.memory_space<semaphore_mem>>) src(%dma_wait3A_589 : memref<128x64xf32, #tpu.memory_space<vmem>>) dst(%dma_wait3A_595 : memref<10240x64xf32, #tpu.memory_space<vmem_shared>>)
        %add3A_598 = arith.constant 8 : i32
        %add3A_599 = arith.addi %sub3A_286, %add3A_598 : i32
        %dma_start3A_600 = arith.constant 4 : i32
        %dma_start3A_601 = arith.constant 4 : i32
        %dma_start3A_602 = arith.constant 0 : i32
        %dma_start3A_603 = arith.constant 0 : i32
        %dma_start3A_604 = tpu.memref_slice %arg9[%dma_start3A_600, %dma_start3A_602, %dma_start3A_603] : memref<8x128x64xf32, #tpu.memory_space<vmem>> -> memref<1x128x64xf32, #tpu.memory_space<vmem>>
        %dma_start3A_605 = tpu.memref_squeeze %dma_start3A_604 : memref<1x128x64xf32, #tpu.memory_space<vmem>> -> memref<128x64xf32, #tpu.memory_space<vmem>>
        %dma_start3A_606 = arith.constant 0 : i32
        %dma_start3A_607 = tpu.memref_slice %arg7[%add3A_599, %dma_start3A_606] : memref<80x128xi32, #tpu.memory_space<vmem>> -> memref<1x128xi32, #tpu.memory_space<vmem>>
        %dma_start3A_608 = tpu.memref_squeeze %dma_start3A_607 : memref<1x128xi32, #tpu.memory_space<vmem>> -> memref<128xi32, #tpu.memory_space<vmem>>
        %dma_start3A_609 = arith.constant 0 : i32
        %dma_start3A_610 = arith.constant 0 : i32
        %dma_start3A_611 = tpu.memref_slice %arg2[%dma_start3A_609, %dma_start3A_610] : memref<10000x64xf32, #tpu.memory_space<hbm>> -> memref<10000x64xf32, #tpu.memory_space<hbm>>
        %dma_start3A_612 = tpu.memref_slice %arg11[%dma_start3A_601] : memref<8x!tpu.dma_semaphore, #tpu.memory_space<semaphore_mem>> -> memref<1x!tpu.dma_semaphore, #tpu.memory_space<semaphore_mem>>
        %dma_start3A_613 = tpu.memref_squeeze %dma_start3A_612 : memref<1x!tpu.dma_semaphore, #tpu.memory_space<semaphore_mem>> -> memref<!tpu.dma_semaphore, #tpu.memory_space<semaphore_mem>>
        tpu.enqueue_indirect_dma source(%dma_start3A_611 : memref<10000x64xf32, #tpu.memory_space<hbm>>) target(%dma_start3A_605 : memref<128x64xf32, #tpu.memory_space<vmem>>) offsets(%dma_start3A_608 : memref<128xi32, #tpu.memory_space<vmem>>) semaphore(%dma_start3A_613 : memref<!tpu.dma_semaphore, #tpu.memory_space<semaphore_mem>>)
      } else {
      }
      %mul3A_290 = arith.constant 8 : i32
      %mul3A_291 = arith.muli %scan3A_253, %mul3A_290 : i32
      %add3A_292 = arith.constant 1 : i32
      %add3A_293 = arith.addi %mul3A_291, %add3A_292 : i32
      %dma_wait3A_294 = arith.constant 1 : i32
      %dma_wait3A_295 = arith.constant 1 : i32
      %dma_wait3A_296 = arith.constant 0 : i32
      %dma_wait3A_297 = arith.constant 0 : i32
      %dma_wait3A_298 = tpu.memref_slice %arg9[%dma_wait3A_294, %dma_wait3A_296, %dma_wait3A_297] : memref<8x128x64xf32, #tpu.memory_space<vmem>> -> memref<1x128x64xf32, #tpu.memory_space<vmem>>
      %dma_wait3A_299 = tpu.memref_squeeze %dma_wait3A_298 : memref<1x128x64xf32, #tpu.memory_space<vmem>> -> memref<128x64xf32, #tpu.memory_space<vmem>>
      %dma_wait3A_300 = arith.constant 0 : i32
      %dma_wait3A_301 = tpu.memref_slice %arg7[%add3A_293, %dma_wait3A_300] : memref<80x128xi32, #tpu.memory_space<vmem>> -> memref<1x128xi32, #tpu.memory_space<vmem>>
      %dma_wait3A_302 = tpu.memref_squeeze %dma_wait3A_301 : memref<1x128xi32, #tpu.memory_space<vmem>> -> memref<128xi32, #tpu.memory_space<vmem>>
      %dma_wait3A_303 = arith.constant 0 : i32
      %dma_wait3A_304 = arith.constant 0 : i32
      %dma_wait3A_305 = tpu.memref_slice %arg2[%dma_wait3A_303, %dma_wait3A_304] : memref<10000x64xf32, #tpu.memory_space<hbm>> -> memref<10000x64xf32, #tpu.memory_space<hbm>>
      %dma_wait3A_306 = tpu.memref_slice %arg11[%dma_wait3A_295] : memref<8x!tpu.dma_semaphore, #tpu.memory_space<semaphore_mem>> -> memref<1x!tpu.dma_semaphore, #tpu.memory_space<semaphore_mem>>
      %dma_wait3A_307 = tpu.memref_squeeze %dma_wait3A_306 : memref<1x!tpu.dma_semaphore, #tpu.memory_space<semaphore_mem>> -> memref<!tpu.dma_semaphore, #tpu.memory_space<semaphore_mem>>
      tpu.wait_indirect_dma semaphore(%dma_wait3A_307 : memref<!tpu.dma_semaphore, #tpu.memory_space<semaphore_mem>>) src(%dma_wait3A_305 : memref<10000x64xf32, #tpu.memory_space<hbm>>) dst(%dma_wait3A_299 : memref<128x64xf32, #tpu.memory_space<vmem>>)
      %dma_start3A_308 = arith.constant 1 : i32
      %dma_start3A_309 = arith.constant 1 : i32
      %dma_start3A_310 = arith.constant 0 : i32
      %dma_start3A_311 = arith.constant 0 : i32
      %dma_start3A_312 = tpu.memref_slice %arg9[%dma_start3A_308, %dma_start3A_310, %dma_start3A_311] : memref<8x128x64xf32, #tpu.memory_space<vmem>> -> memref<1x128x64xf32, #tpu.memory_space<vmem>>
      %dma_start3A_313 = tpu.memref_squeeze %dma_start3A_312 : memref<1x128x64xf32, #tpu.memory_space<vmem>> -> memref<128x64xf32, #tpu.memory_space<vmem>>
      %dma_start3A_314 = arith.constant 0 : i32
      %dma_start3A_315 = tpu.memref_slice %arg8[%add3A_293, %dma_start3A_314] : memref<80x128xi32, #tpu.memory_space<vmem>> -> memref<1x128xi32, #tpu.memory_space<vmem>>
      %dma_start3A_316 = tpu.memref_squeeze %dma_start3A_315 : memref<1x128xi32, #tpu.memory_space<vmem>> -> memref<128xi32, #tpu.memory_space<vmem>>
      %dma_start3A_317 = arith.constant 0 : i32
      %dma_start3A_318 = arith.constant 0 : i32
      %dma_start3A_319 = tpu.memref_slice %arg10[%dma_start3A_317, %dma_start3A_318] : memref<10240x64xf32, #tpu.memory_space<vmem_shared>> -> memref<10240x64xf32, #tpu.memory_space<vmem_shared>>
      %dma_start3A_320 = tpu.memref_slice %arg12[%dma_start3A_309] : memref<8x!tpu.dma_semaphore, #tpu.memory_space<semaphore_mem>> -> memref<1x!tpu.dma_semaphore, #tpu.memory_space<semaphore_mem>>
      %dma_start3A_321 = tpu.memref_squeeze %dma_start3A_320 : memref<1x!tpu.dma_semaphore, #tpu.memory_space<semaphore_mem>> -> memref<!tpu.dma_semaphore, #tpu.memory_space<semaphore_mem>>
      tpu.enqueue_indirect_dma source(%dma_start3A_313 : memref<128x64xf32, #tpu.memory_space<vmem>>) target(%dma_start3A_319 : memref<10240x64xf32, #tpu.memory_space<vmem_shared>>) offsets(%dma_start3A_316 : memref<128xi32, #tpu.memory_space<vmem>>) semaphore(%dma_start3A_321 : memref<!tpu.dma_semaphore, #tpu.memory_space<semaphore_mem>>) {add = true}
      %sub3A_322 = arith.constant 4 : i32
      %sub3A_323 = arith.subi %add3A_293, %sub3A_322 : i32
      %ge3A_324 = arith.constant 0 : i32
      %ge3A_325 = arith.cmpi sge, %sub3A_323, %ge3A_324 : i32
      %lt3A_326 = arith.constant 72 : i32
      %lt3A_327 = arith.cmpi slt, %sub3A_323, %lt3A_326 : i32
      %and3A_328 = arith.andi %ge3A_325, %lt3A_327 : i1
      %convert_element_type3A_329 = arith.extui %and3A_328 : i1 to i32
      %cond3A_330 = arith.constant 0 : i32
      %cond3A_331 = arith.cmpi ne, %convert_element_type3A_329, %cond3A_330 : i32
      scf.if %cond3A_331 {
        %dma_wait3A_584 = arith.constant 5 : i32
        %dma_wait3A_585 = arith.constant 5 : i32
        %dma_wait3A_586 = arith.constant 0 : i32
        %dma_wait3A_587 = arith.constant 0 : i32
        %dma_wait3A_588 = tpu.memref_slice %arg9[%dma_wait3A_584, %dma_wait3A_586, %dma_wait3A_587] : memref<8x128x64xf32, #tpu.memory_space<vmem>> -> memref<1x128x64xf32, #tpu.memory_space<vmem>>
        %dma_wait3A_589 = tpu.memref_squeeze %dma_wait3A_588 : memref<1x128x64xf32, #tpu.memory_space<vmem>> -> memref<128x64xf32, #tpu.memory_space<vmem>>
        %dma_wait3A_590 = arith.constant 0 : i32
        %dma_wait3A_591 = tpu.memref_slice %arg8[%sub3A_323, %dma_wait3A_590] : memref<80x128xi32, #tpu.memory_space<vmem>> -> memref<1x128xi32, #tpu.memory_space<vmem>>
        %dma_wait3A_592 = tpu.memref_squeeze %dma_wait3A_591 : memref<1x128xi32, #tpu.memory_space<vmem>> -> memref<128xi32, #tpu.memory_space<vmem>>
        %dma_wait3A_593 = arith.constant 0 : i32
        %dma_wait3A_594 = arith.constant 0 : i32
        %dma_wait3A_595 = tpu.memref_slice %arg10[%dma_wait3A_593, %dma_wait3A_594] : memref<10240x64xf32, #tpu.memory_space<vmem_shared>> -> memref<10240x64xf32, #tpu.memory_space<vmem_shared>>
        %dma_wait3A_596 = tpu.memref_slice %arg12[%dma_wait3A_585] : memref<8x!tpu.dma_semaphore, #tpu.memory_space<semaphore_mem>> -> memref<1x!tpu.dma_semaphore, #tpu.memory_space<semaphore_mem>>
        %dma_wait3A_597 = tpu.memref_squeeze %dma_wait3A_596 : memref<1x!tpu.dma_semaphore, #tpu.memory_space<semaphore_mem>> -> memref<!tpu.dma_semaphore, #tpu.memory_space<semaphore_mem>>
        tpu.wait_indirect_dma semaphore(%dma_wait3A_597 : memref<!tpu.dma_semaphore, #tpu.memory_space<semaphore_mem>>) src(%dma_wait3A_589 : memref<128x64xf32, #tpu.memory_space<vmem>>) dst(%dma_wait3A_595 : memref<10240x64xf32, #tpu.memory_space<vmem_shared>>)
        %add3A_598 = arith.constant 8 : i32
        %add3A_599 = arith.addi %sub3A_323, %add3A_598 : i32
        %dma_start3A_600 = arith.constant 5 : i32
        %dma_start3A_601 = arith.constant 5 : i32
        %dma_start3A_602 = arith.constant 0 : i32
        %dma_start3A_603 = arith.constant 0 : i32
        %dma_start3A_604 = tpu.memref_slice %arg9[%dma_start3A_600, %dma_start3A_602, %dma_start3A_603] : memref<8x128x64xf32, #tpu.memory_space<vmem>> -> memref<1x128x64xf32, #tpu.memory_space<vmem>>
        %dma_start3A_605 = tpu.memref_squeeze %dma_start3A_604 : memref<1x128x64xf32, #tpu.memory_space<vmem>> -> memref<128x64xf32, #tpu.memory_space<vmem>>
        %dma_start3A_606 = arith.constant 0 : i32
        %dma_start3A_607 = tpu.memref_slice %arg7[%add3A_599, %dma_start3A_606] : memref<80x128xi32, #tpu.memory_space<vmem>> -> memref<1x128xi32, #tpu.memory_space<vmem>>
        %dma_start3A_608 = tpu.memref_squeeze %dma_start3A_607 : memref<1x128xi32, #tpu.memory_space<vmem>> -> memref<128xi32, #tpu.memory_space<vmem>>
        %dma_start3A_609 = arith.constant 0 : i32
        %dma_start3A_610 = arith.constant 0 : i32
        %dma_start3A_611 = tpu.memref_slice %arg2[%dma_start3A_609, %dma_start3A_610] : memref<10000x64xf32, #tpu.memory_space<hbm>> -> memref<10000x64xf32, #tpu.memory_space<hbm>>
        %dma_start3A_612 = tpu.memref_slice %arg11[%dma_start3A_601] : memref<8x!tpu.dma_semaphore, #tpu.memory_space<semaphore_mem>> -> memref<1x!tpu.dma_semaphore, #tpu.memory_space<semaphore_mem>>
        %dma_start3A_613 = tpu.memref_squeeze %dma_start3A_612 : memref<1x!tpu.dma_semaphore, #tpu.memory_space<semaphore_mem>> -> memref<!tpu.dma_semaphore, #tpu.memory_space<semaphore_mem>>
        tpu.enqueue_indirect_dma source(%dma_start3A_611 : memref<10000x64xf32, #tpu.memory_space<hbm>>) target(%dma_start3A_605 : memref<128x64xf32, #tpu.memory_space<vmem>>) offsets(%dma_start3A_608 : memref<128xi32, #tpu.memory_space<vmem>>) semaphore(%dma_start3A_613 : memref<!tpu.dma_semaphore, #tpu.memory_space<semaphore_mem>>)
      } else {
      }
      %mul3A_332 = arith.constant 8 : i32
      %mul3A_333 = arith.muli %scan3A_253, %mul3A_332 : i32
      %add3A_334 = arith.constant 2 : i32
      %add3A_335 = arith.addi %mul3A_333, %add3A_334 : i32
      %dma_wait3A_336 = arith.constant 2 : i32
      %dma_wait3A_337 = arith.constant 2 : i32
      %dma_wait3A_338 = arith.constant 0 : i32
      %dma_wait3A_339 = arith.constant 0 : i32
      %dma_wait3A_340 = tpu.memref_slice %arg9[%dma_wait3A_336, %dma_wait3A_338, %dma_wait3A_339] : memref<8x128x64xf32, #tpu.memory_space<vmem>> -> memref<1x128x64xf32, #tpu.memory_space<vmem>>
      %dma_wait3A_341 = tpu.memref_squeeze %dma_wait3A_340 : memref<1x128x64xf32, #tpu.memory_space<vmem>> -> memref<128x64xf32, #tpu.memory_space<vmem>>
      %dma_wait3A_342 = arith.constant 0 : i32
      %dma_wait3A_343 = tpu.memref_slice %arg7[%add3A_335, %dma_wait3A_342] : memref<80x128xi32, #tpu.memory_space<vmem>> -> memref<1x128xi32, #tpu.memory_space<vmem>>
      %dma_wait3A_344 = tpu.memref_squeeze %dma_wait3A_343 : memref<1x128xi32, #tpu.memory_space<vmem>> -> memref<128xi32, #tpu.memory_space<vmem>>
      %dma_wait3A_345 = arith.constant 0 : i32
      %dma_wait3A_346 = arith.constant 0 : i32
      %dma_wait3A_347 = tpu.memref_slice %arg2[%dma_wait3A_345, %dma_wait3A_346] : memref<10000x64xf32, #tpu.memory_space<hbm>> -> memref<10000x64xf32, #tpu.memory_space<hbm>>
      %dma_wait3A_348 = tpu.memref_slice %arg11[%dma_wait3A_337] : memref<8x!tpu.dma_semaphore, #tpu.memory_space<semaphore_mem>> -> memref<1x!tpu.dma_semaphore, #tpu.memory_space<semaphore_mem>>
      %dma_wait3A_349 = tpu.memref_squeeze %dma_wait3A_348 : memref<1x!tpu.dma_semaphore, #tpu.memory_space<semaphore_mem>> -> memref<!tpu.dma_semaphore, #tpu.memory_space<semaphore_mem>>
      tpu.wait_indirect_dma semaphore(%dma_wait3A_349 : memref<!tpu.dma_semaphore, #tpu.memory_space<semaphore_mem>>) src(%dma_wait3A_347 : memref<10000x64xf32, #tpu.memory_space<hbm>>) dst(%dma_wait3A_341 : memref<128x64xf32, #tpu.memory_space<vmem>>)
      %dma_start3A_350 = arith.constant 2 : i32
      %dma_start3A_351 = arith.constant 2 : i32
      %dma_start3A_352 = arith.constant 0 : i32
      %dma_start3A_353 = arith.constant 0 : i32
      %dma_start3A_354 = tpu.memref_slice %arg9[%dma_start3A_350, %dma_start3A_352, %dma_start3A_353] : memref<8x128x64xf32, #tpu.memory_space<vmem>> -> memref<1x128x64xf32, #tpu.memory_space<vmem>>
      %dma_start3A_355 = tpu.memref_squeeze %dma_start3A_354 : memref<1x128x64xf32, #tpu.memory_space<vmem>> -> memref<128x64xf32, #tpu.memory_space<vmem>>
      %dma_start3A_356 = arith.constant 0 : i32
      %dma_start3A_357 = tpu.memref_slice %arg8[%add3A_335, %dma_start3A_356] : memref<80x128xi32, #tpu.memory_space<vmem>> -> memref<1x128xi32, #tpu.memory_space<vmem>>
      %dma_start3A_358 = tpu.memref_squeeze %dma_start3A_357 : memref<1x128xi32, #tpu.memory_space<vmem>> -> memref<128xi32, #tpu.memory_space<vmem>>
      %dma_start3A_359 = arith.constant 0 : i32
      %dma_start3A_360 = arith.constant 0 : i32
      %dma_start3A_361 = tpu.memref_slice %arg10[%dma_start3A_359, %dma_start3A_360] : memref<10240x64xf32, #tpu.memory_space<vmem_shared>> -> memref<10240x64xf32, #tpu.memory_space<vmem_shared>>
      %dma_start3A_362 = tpu.memref_slice %arg12[%dma_start3A_351] : memref<8x!tpu.dma_semaphore, #tpu.memory_space<semaphore_mem>> -> memref<1x!tpu.dma_semaphore, #tpu.memory_space<semaphore_mem>>
      %dma_start3A_363 = tpu.memref_squeeze %dma_start3A_362 : memref<1x!tpu.dma_semaphore, #tpu.memory_space<semaphore_mem>> -> memref<!tpu.dma_semaphore, #tpu.memory_space<semaphore_mem>>
      tpu.enqueue_indirect_dma source(%dma_start3A_355 : memref<128x64xf32, #tpu.memory_space<vmem>>) target(%dma_start3A_361 : memref<10240x64xf32, #tpu.memory_space<vmem_shared>>) offsets(%dma_start3A_358 : memref<128xi32, #tpu.memory_space<vmem>>) semaphore(%dma_start3A_363 : memref<!tpu.dma_semaphore, #tpu.memory_space<semaphore_mem>>) {add = true}
      %sub3A_364 = arith.constant 4 : i32
      %sub3A_365 = arith.subi %add3A_335, %sub3A_364 : i32
      %ge3A_366 = arith.constant 0 : i32
      %ge3A_367 = arith.cmpi sge, %sub3A_365, %ge3A_366 : i32
      %lt3A_368 = arith.constant 72 : i32
      %lt3A_369 = arith.cmpi slt, %sub3A_365, %lt3A_368 : i32
      %and3A_370 = arith.andi %ge3A_367, %lt3A_369 : i1
      %convert_element_type3A_371 = arith.extui %and3A_370 : i1 to i32
      %cond3A_372 = arith.constant 0 : i32
      %cond3A_373 = arith.cmpi ne, %convert_element_type3A_371, %cond3A_372 : i32
      scf.if %cond3A_373 {
        %dma_wait3A_584 = arith.constant 6 : i32
        %dma_wait3A_585 = arith.constant 6 : i32
        %dma_wait3A_586 = arith.constant 0 : i32
        %dma_wait3A_587 = arith.constant 0 : i32
        %dma_wait3A_588 = tpu.memref_slice %arg9[%dma_wait3A_584, %dma_wait3A_586, %dma_wait3A_587] : memref<8x128x64xf32, #tpu.memory_space<vmem>> -> memref<1x128x64xf32, #tpu.memory_space<vmem>>
        %dma_wait3A_589 = tpu.memref_squeeze %dma_wait3A_588 : memref<1x128x64xf32, #tpu.memory_space<vmem>> -> memref<128x64xf32, #tpu.memory_space<vmem>>
        %dma_wait3A_590 = arith.constant 0 : i32
        %dma_wait3A_591 = tpu.memref_slice %arg8[%sub3A_365, %dma_wait3A_590] : memref<80x128xi32, #tpu.memory_space<vmem>> -> memref<1x128xi32, #tpu.memory_space<vmem>>
        %dma_wait3A_592 = tpu.memref_squeeze %dma_wait3A_591 : memref<1x128xi32, #tpu.memory_space<vmem>> -> memref<128xi32, #tpu.memory_space<vmem>>
        %dma_wait3A_593 = arith.constant 0 : i32
        %dma_wait3A_594 = arith.constant 0 : i32
        %dma_wait3A_595 = tpu.memref_slice %arg10[%dma_wait3A_593, %dma_wait3A_594] : memref<10240x64xf32, #tpu.memory_space<vmem_shared>> -> memref<10240x64xf32, #tpu.memory_space<vmem_shared>>
        %dma_wait3A_596 = tpu.memref_slice %arg12[%dma_wait3A_585] : memref<8x!tpu.dma_semaphore, #tpu.memory_space<semaphore_mem>> -> memref<1x!tpu.dma_semaphore, #tpu.memory_space<semaphore_mem>>
        %dma_wait3A_597 = tpu.memref_squeeze %dma_wait3A_596 : memref<1x!tpu.dma_semaphore, #tpu.memory_space<semaphore_mem>> -> memref<!tpu.dma_semaphore, #tpu.memory_space<semaphore_mem>>
        tpu.wait_indirect_dma semaphore(%dma_wait3A_597 : memref<!tpu.dma_semaphore, #tpu.memory_space<semaphore_mem>>) src(%dma_wait3A_589 : memref<128x64xf32, #tpu.memory_space<vmem>>) dst(%dma_wait3A_595 : memref<10240x64xf32, #tpu.memory_space<vmem_shared>>)
        %add3A_598 = arith.constant 8 : i32
        %add3A_599 = arith.addi %sub3A_365, %add3A_598 : i32
        %dma_start3A_600 = arith.constant 6 : i32
        %dma_start3A_601 = arith.constant 6 : i32
        %dma_start3A_602 = arith.constant 0 : i32
        %dma_start3A_603 = arith.constant 0 : i32
        %dma_start3A_604 = tpu.memref_slice %arg9[%dma_start3A_600, %dma_start3A_602, %dma_start3A_603] : memref<8x128x64xf32, #tpu.memory_space<vmem>> -> memref<1x128x64xf32, #tpu.memory_space<vmem>>
        %dma_start3A_605 = tpu.memref_squeeze %dma_start3A_604 : memref<1x128x64xf32, #tpu.memory_space<vmem>> -> memref<128x64xf32, #tpu.memory_space<vmem>>
        %dma_start3A_606 = arith.constant 0 : i32
        %dma_start3A_607 = tpu.memref_slice %arg7[%add3A_599, %dma_start3A_606] : memref<80x128xi32, #tpu.memory_space<vmem>> -> memref<1x128xi32, #tpu.memory_space<vmem>>
        %dma_start3A_608 = tpu.memref_squeeze %dma_start3A_607 : memref<1x128xi32, #tpu.memory_space<vmem>> -> memref<128xi32, #tpu.memory_space<vmem>>
        %dma_start3A_609 = arith.constant 0 : i32
        %dma_start3A_610 = arith.constant 0 : i32
        %dma_start3A_611 = tpu.memref_slice %arg2[%dma_start3A_609, %dma_start3A_610] : memref<10000x64xf32, #tpu.memory_space<hbm>> -> memref<10000x64xf32, #tpu.memory_space<hbm>>
        %dma_start3A_612 = tpu.memref_slice %arg11[%dma_start3A_601] : memref<8x!tpu.dma_semaphore, #tpu.memory_space<semaphore_mem>> -> memref<1x!tpu.dma_semaphore, #tpu.memory_space<semaphore_mem>>
        %dma_start3A_613 = tpu.memref_squeeze %dma_start3A_612 : memref<1x!tpu.dma_semaphore, #tpu.memory_space<semaphore_mem>> -> memref<!tpu.dma_semaphore, #tpu.memory_space<semaphore_mem>>
        tpu.enqueue_indirect_dma source(%dma_start3A_611 : memref<10000x64xf32, #tpu.memory_space<hbm>>) target(%dma_start3A_605 : memref<128x64xf32, #tpu.memory_space<vmem>>) offsets(%dma_start3A_608 : memref<128xi32, #tpu.memory_space<vmem>>) semaphore(%dma_start3A_613 : memref<!tpu.dma_semaphore, #tpu.memory_space<semaphore_mem>>)
      } else {
      }
      %mul3A_374 = arith.constant 8 : i32
      %mul3A_375 = arith.muli %scan3A_253, %mul3A_374 : i32
      %add3A_376 = arith.constant 3 : i32
      %add3A_377 = arith.addi %mul3A_375, %add3A_376 : i32
      %dma_wait3A_378 = arith.constant 3 : i32
      %dma_wait3A_379 = arith.constant 3 : i32
      %dma_wait3A_380 = arith.constant 0 : i32
      %dma_wait3A_381 = arith.constant 0 : i32
      %dma_wait3A_382 = tpu.memref_slice %arg9[%dma_wait3A_378, %dma_wait3A_380, %dma_wait3A_381] : memref<8x128x64xf32, #tpu.memory_space<vmem>> -> memref<1x128x64xf32, #tpu.memory_space<vmem>>
      %dma_wait3A_383 = tpu.memref_squeeze %dma_wait3A_382 : memref<1x128x64xf32, #tpu.memory_space<vmem>> -> memref<128x64xf32, #tpu.memory_space<vmem>>
      %dma_wait3A_384 = arith.constant 0 : i32
      %dma_wait3A_385 = tpu.memref_slice %arg7[%add3A_377, %dma_wait3A_384] : memref<80x128xi32, #tpu.memory_space<vmem>> -> memref<1x128xi32, #tpu.memory_space<vmem>>
      %dma_wait3A_386 = tpu.memref_squeeze %dma_wait3A_385 : memref<1x128xi32, #tpu.memory_space<vmem>> -> memref<128xi32, #tpu.memory_space<vmem>>
      %dma_wait3A_387 = arith.constant 0 : i32
      %dma_wait3A_388 = arith.constant 0 : i32
      %dma_wait3A_389 = tpu.memref_slice %arg2[%dma_wait3A_387, %dma_wait3A_388] : memref<10000x64xf32, #tpu.memory_space<hbm>> -> memref<10000x64xf32, #tpu.memory_space<hbm>>
      %dma_wait3A_390 = tpu.memref_slice %arg11[%dma_wait3A_379] : memref<8x!tpu.dma_semaphore, #tpu.memory_space<semaphore_mem>> -> memref<1x!tpu.dma_semaphore, #tpu.memory_space<semaphore_mem>>
      %dma_wait3A_391 = tpu.memref_squeeze %dma_wait3A_390 : memref<1x!tpu.dma_semaphore, #tpu.memory_space<semaphore_mem>> -> memref<!tpu.dma_semaphore, #tpu.memory_space<semaphore_mem>>
      tpu.wait_indirect_dma semaphore(%dma_wait3A_391 : memref<!tpu.dma_semaphore, #tpu.memory_space<semaphore_mem>>) src(%dma_wait3A_389 : memref<10000x64xf32, #tpu.memory_space<hbm>>) dst(%dma_wait3A_383 : memref<128x64xf32, #tpu.memory_space<vmem>>)
      %dma_start3A_392 = arith.constant 3 : i32
      %dma_start3A_393 = arith.constant 3 : i32
      %dma_start3A_394 = arith.constant 0 : i32
      %dma_start3A_395 = arith.constant 0 : i32
      %dma_start3A_396 = tpu.memref_slice %arg9[%dma_start3A_392, %dma_start3A_394, %dma_start3A_395] : memref<8x128x64xf32, #tpu.memory_space<vmem>> -> memref<1x128x64xf32, #tpu.memory_space<vmem>>
      %dma_start3A_397 = tpu.memref_squeeze %dma_start3A_396 : memref<1x128x64xf32, #tpu.memory_space<vmem>> -> memref<128x64xf32, #tpu.memory_space<vmem>>
      %dma_start3A_398 = arith.constant 0 : i32
      %dma_start3A_399 = tpu.memref_slice %arg8[%add3A_377, %dma_start3A_398] : memref<80x128xi32, #tpu.memory_space<vmem>> -> memref<1x128xi32, #tpu.memory_space<vmem>>
      %dma_start3A_400 = tpu.memref_squeeze %dma_start3A_399 : memref<1x128xi32, #tpu.memory_space<vmem>> -> memref<128xi32, #tpu.memory_space<vmem>>
      %dma_start3A_401 = arith.constant 0 : i32
      %dma_start3A_402 = arith.constant 0 : i32
      %dma_start3A_403 = tpu.memref_slice %arg10[%dma_start3A_401, %dma_start3A_402] : memref<10240x64xf32, #tpu.memory_space<vmem_shared>> -> memref<10240x64xf32, #tpu.memory_space<vmem_shared>>
      %dma_start3A_404 = tpu.memref_slice %arg12[%dma_start3A_393] : memref<8x!tpu.dma_semaphore, #tpu.memory_space<semaphore_mem>> -> memref<1x!tpu.dma_semaphore, #tpu.memory_space<semaphore_mem>>
      %dma_start3A_405 = tpu.memref_squeeze %dma_start3A_404 : memref<1x!tpu.dma_semaphore, #tpu.memory_space<semaphore_mem>> -> memref<!tpu.dma_semaphore, #tpu.memory_space<semaphore_mem>>
      tpu.enqueue_indirect_dma source(%dma_start3A_397 : memref<128x64xf32, #tpu.memory_space<vmem>>) target(%dma_start3A_403 : memref<10240x64xf32, #tpu.memory_space<vmem_shared>>) offsets(%dma_start3A_400 : memref<128xi32, #tpu.memory_space<vmem>>) semaphore(%dma_start3A_405 : memref<!tpu.dma_semaphore, #tpu.memory_space<semaphore_mem>>) {add = true}
      %sub3A_406 = arith.constant 4 : i32
      %sub3A_407 = arith.subi %add3A_377, %sub3A_406 : i32
      %ge3A_408 = arith.constant 0 : i32
      %ge3A_409 = arith.cmpi sge, %sub3A_407, %ge3A_408 : i32
      %lt3A_410 = arith.constant 72 : i32
      %lt3A_411 = arith.cmpi slt, %sub3A_407, %lt3A_410 : i32
      %and3A_412 = arith.andi %ge3A_409, %lt3A_411 : i1
      %convert_element_type3A_413 = arith.extui %and3A_412 : i1 to i32
      %cond3A_414 = arith.constant 0 : i32
      %cond3A_415 = arith.cmpi ne, %convert_element_type3A_413, %cond3A_414 : i32
      scf.if %cond3A_415 {
        %dma_wait3A_584 = arith.constant 7 : i32
        %dma_wait3A_585 = arith.constant 7 : i32
        %dma_wait3A_586 = arith.constant 0 : i32
        %dma_wait3A_587 = arith.constant 0 : i32
        %dma_wait3A_588 = tpu.memref_slice %arg9[%dma_wait3A_584, %dma_wait3A_586, %dma_wait3A_587] : memref<8x128x64xf32, #tpu.memory_space<vmem>> -> memref<1x128x64xf32, #tpu.memory_space<vmem>>
        %dma_wait3A_589 = tpu.memref_squeeze %dma_wait3A_588 : memref<1x128x64xf32, #tpu.memory_space<vmem>> -> memref<128x64xf32, #tpu.memory_space<vmem>>
        %dma_wait3A_590 = arith.constant 0 : i32
        %dma_wait3A_591 = tpu.memref_slice %arg8[%sub3A_407, %dma_wait3A_590] : memref<80x128xi32, #tpu.memory_space<vmem>> -> memref<1x128xi32, #tpu.memory_space<vmem>>
        %dma_wait3A_592 = tpu.memref_squeeze %dma_wait3A_591 : memref<1x128xi32, #tpu.memory_space<vmem>> -> memref<128xi32, #tpu.memory_space<vmem>>
        %dma_wait3A_593 = arith.constant 0 : i32
        %dma_wait3A_594 = arith.constant 0 : i32
        %dma_wait3A_595 = tpu.memref_slice %arg10[%dma_wait3A_593, %dma_wait3A_594] : memref<10240x64xf32, #tpu.memory_space<vmem_shared>> -> memref<10240x64xf32, #tpu.memory_space<vmem_shared>>
        %dma_wait3A_596 = tpu.memref_slice %arg12[%dma_wait3A_585] : memref<8x!tpu.dma_semaphore, #tpu.memory_space<semaphore_mem>> -> memref<1x!tpu.dma_semaphore, #tpu.memory_space<semaphore_mem>>
        %dma_wait3A_597 = tpu.memref_squeeze %dma_wait3A_596 : memref<1x!tpu.dma_semaphore, #tpu.memory_space<semaphore_mem>> -> memref<!tpu.dma_semaphore, #tpu.memory_space<semaphore_mem>>
        tpu.wait_indirect_dma semaphore(%dma_wait3A_597 : memref<!tpu.dma_semaphore, #tpu.memory_space<semaphore_mem>>) src(%dma_wait3A_589 : memref<128x64xf32, #tpu.memory_space<vmem>>) dst(%dma_wait3A_595 : memref<10240x64xf32, #tpu.memory_space<vmem_shared>>)
        %add3A_598 = arith.constant 8 : i32
        %add3A_599 = arith.addi %sub3A_407, %add3A_598 : i32
        %dma_start3A_600 = arith.constant 7 : i32
        %dma_start3A_601 = arith.constant 7 : i32
        %dma_start3A_602 = arith.constant 0 : i32
        %dma_start3A_603 = arith.constant 0 : i32
        %dma_start3A_604 = tpu.memref_slice %arg9[%dma_start3A_600, %dma_start3A_602, %dma_start3A_603] : memref<8x128x64xf32, #tpu.memory_space<vmem>> -> memref<1x128x64xf32, #tpu.memory_space<vmem>>
        %dma_start3A_605 = tpu.memref_squeeze %dma_start3A_604 : memref<1x128x64xf32, #tpu.memory_space<vmem>> -> memref<128x64xf32, #tpu.memory_space<vmem>>
        %dma_start3A_606 = arith.constant 0 : i32
        %dma_start3A_607 = tpu.memref_slice %arg7[%add3A_599, %dma_start3A_606] : memref<80x128xi32, #tpu.memory_space<vmem>> -> memref<1x128xi32, #tpu.memory_space<vmem>>
        %dma_start3A_608 = tpu.memref_squeeze %dma_start3A_607 : memref<1x128xi32, #tpu.memory_space<vmem>> -> memref<128xi32, #tpu.memory_space<vmem>>
        %dma_start3A_609 = arith.constant 0 : i32
        %dma_start3A_610 = arith.constant 0 : i32
        %dma_start3A_611 = tpu.memref_slice %arg2[%dma_start3A_609, %dma_start3A_610] : memref<10000x64xf32, #tpu.memory_space<hbm>> -> memref<10000x64xf32, #tpu.memory_space<hbm>>
        %dma_start3A_612 = tpu.memref_slice %arg11[%dma_start3A_601] : memref<8x!tpu.dma_semaphore, #tpu.memory_space<semaphore_mem>> -> memref<1x!tpu.dma_semaphore, #tpu.memory_space<semaphore_mem>>
        %dma_start3A_613 = tpu.memref_squeeze %dma_start3A_612 : memref<1x!tpu.dma_semaphore, #tpu.memory_space<semaphore_mem>> -> memref<!tpu.dma_semaphore, #tpu.memory_space<semaphore_mem>>
        tpu.enqueue_indirect_dma source(%dma_start3A_611 : memref<10000x64xf32, #tpu.memory_space<hbm>>) target(%dma_start3A_605 : memref<128x64xf32, #tpu.memory_space<vmem>>) offsets(%dma_start3A_608 : memref<128xi32, #tpu.memory_space<vmem>>) semaphore(%dma_start3A_613 : memref<!tpu.dma_semaphore, #tpu.memory_space<semaphore_mem>>)
      } else {
      }
      %mul3A_416 = arith.constant 8 : i32
      %mul3A_417 = arith.muli %scan3A_253, %mul3A_416 : i32
      %add3A_418 = arith.constant 4 : i32
      %add3A_419 = arith.addi %mul3A_417, %add3A_418 : i32
      %dma_wait3A_420 = arith.constant 4 : i32
      %dma_wait3A_421 = arith.constant 4 : i32
      %dma_wait3A_422 = arith.constant 0 : i32
      %dma_wait3A_423 = arith.constant 0 : i32
      %dma_wait3A_424 = tpu.memref_slice %arg9[%dma_wait3A_420, %dma_wait3A_422, %dma_wait3A_423] : memref<8x128x64xf32, #tpu.memory_space<vmem>> -> memref<1x128x64xf32, #tpu.memory_space<vmem>>
      %dma_wait3A_425 = tpu.memref_squeeze %dma_wait3A_424 : memref<1x128x64xf32, #tpu.memory_space<vmem>> -> memref<128x64xf32, #tpu.memory_space<vmem>>
      %dma_wait3A_426 = arith.constant 0 : i32
      %dma_wait3A_427 = tpu.memref_slice %arg7[%add3A_419, %dma_wait3A_426] : memref<80x128xi32, #tpu.memory_space<vmem>> -> memref<1x128xi32, #tpu.memory_space<vmem>>
      %dma_wait3A_428 = tpu.memref_squeeze %dma_wait3A_427 : memref<1x128xi32, #tpu.memory_space<vmem>> -> memref<128xi32, #tpu.memory_space<vmem>>
      %dma_wait3A_429 = arith.constant 0 : i32
      %dma_wait3A_430 = arith.constant 0 : i32
      %dma_wait3A_431 = tpu.memref_slice %arg2[%dma_wait3A_429, %dma_wait3A_430] : memref<10000x64xf32, #tpu.memory_space<hbm>> -> memref<10000x64xf32, #tpu.memory_space<hbm>>
      %dma_wait3A_432 = tpu.memref_slice %arg11[%dma_wait3A_421] : memref<8x!tpu.dma_semaphore, #tpu.memory_space<semaphore_mem>> -> memref<1x!tpu.dma_semaphore, #tpu.memory_space<semaphore_mem>>
      %dma_wait3A_433 = tpu.memref_squeeze %dma_wait3A_432 : memref<1x!tpu.dma_semaphore, #tpu.memory_space<semaphore_mem>> -> memref<!tpu.dma_semaphore, #tpu.memory_space<semaphore_mem>>
      tpu.wait_indirect_dma semaphore(%dma_wait3A_433 : memref<!tpu.dma_semaphore, #tpu.memory_space<semaphore_mem>>) src(%dma_wait3A_431 : memref<10000x64xf32, #tpu.memory_space<hbm>>) dst(%dma_wait3A_425 : memref<128x64xf32, #tpu.memory_space<vmem>>)
      %dma_start3A_434 = arith.constant 4 : i32
      %dma_start3A_435 = arith.constant 4 : i32
      %dma_start3A_436 = arith.constant 0 : i32
      %dma_start3A_437 = arith.constant 0 : i32
      %dma_start3A_438 = tpu.memref_slice %arg9[%dma_start3A_434, %dma_start3A_436, %dma_start3A_437] : memref<8x128x64xf32, #tpu.memory_space<vmem>> -> memref<1x128x64xf32, #tpu.memory_space<vmem>>
      %dma_start3A_439 = tpu.memref_squeeze %dma_start3A_438 : memref<1x128x64xf32, #tpu.memory_space<vmem>> -> memref<128x64xf32, #tpu.memory_space<vmem>>
      %dma_start3A_440 = arith.constant 0 : i32
      %dma_start3A_441 = tpu.memref_slice %arg8[%add3A_419, %dma_start3A_440] : memref<80x128xi32, #tpu.memory_space<vmem>> -> memref<1x128xi32, #tpu.memory_space<vmem>>
      %dma_start3A_442 = tpu.memref_squeeze %dma_start3A_441 : memref<1x128xi32, #tpu.memory_space<vmem>> -> memref<128xi32, #tpu.memory_space<vmem>>
      %dma_start3A_443 = arith.constant 0 : i32
      %dma_start3A_444 = arith.constant 0 : i32
      %dma_start3A_445 = tpu.memref_slice %arg10[%dma_start3A_443, %dma_start3A_444] : memref<10240x64xf32, #tpu.memory_space<vmem_shared>> -> memref<10240x64xf32, #tpu.memory_space<vmem_shared>>
      %dma_start3A_446 = tpu.memref_slice %arg12[%dma_start3A_435] : memref<8x!tpu.dma_semaphore, #tpu.memory_space<semaphore_mem>> -> memref<1x!tpu.dma_semaphore, #tpu.memory_space<semaphore_mem>>
      %dma_start3A_447 = tpu.memref_squeeze %dma_start3A_446 : memref<1x!tpu.dma_semaphore, #tpu.memory_space<semaphore_mem>> -> memref<!tpu.dma_semaphore, #tpu.memory_space<semaphore_mem>>
      tpu.enqueue_indirect_dma source(%dma_start3A_439 : memref<128x64xf32, #tpu.memory_space<vmem>>) target(%dma_start3A_445 : memref<10240x64xf32, #tpu.memory_space<vmem_shared>>) offsets(%dma_start3A_442 : memref<128xi32, #tpu.memory_space<vmem>>) semaphore(%dma_start3A_447 : memref<!tpu.dma_semaphore, #tpu.memory_space<semaphore_mem>>) {add = true}
      %sub3A_448 = arith.constant 4 : i32
      %sub3A_449 = arith.subi %add3A_419, %sub3A_448 : i32
      %ge3A_450 = arith.constant 0 : i32
      %ge3A_451 = arith.cmpi sge, %sub3A_449, %ge3A_450 : i32
      %lt3A_452 = arith.constant 72 : i32
      %lt3A_453 = arith.cmpi slt, %sub3A_449, %lt3A_452 : i32
      %and3A_454 = arith.andi %ge3A_451, %lt3A_453 : i1
      %convert_element_type3A_455 = arith.extui %and3A_454 : i1 to i32
      %cond3A_456 = arith.constant 0 : i32
      %cond3A_457 = arith.cmpi ne, %convert_element_type3A_455, %cond3A_456 : i32
      scf.if %cond3A_457 {
        %dma_wait3A_584 = arith.constant 0 : i32
        %dma_wait3A_585 = arith.constant 0 : i32
        %dma_wait3A_586 = arith.constant 0 : i32
        %dma_wait3A_587 = arith.constant 0 : i32
        %dma_wait3A_588 = tpu.memref_slice %arg9[%dma_wait3A_584, %dma_wait3A_586, %dma_wait3A_587] : memref<8x128x64xf32, #tpu.memory_space<vmem>> -> memref<1x128x64xf32, #tpu.memory_space<vmem>>
        %dma_wait3A_589 = tpu.memref_squeeze %dma_wait3A_588 : memref<1x128x64xf32, #tpu.memory_space<vmem>> -> memref<128x64xf32, #tpu.memory_space<vmem>>
        %dma_wait3A_590 = arith.constant 0 : i32
        %dma_wait3A_591 = tpu.memref_slice %arg8[%sub3A_449, %dma_wait3A_590] : memref<80x128xi32, #tpu.memory_space<vmem>> -> memref<1x128xi32, #tpu.memory_space<vmem>>
        %dma_wait3A_592 = tpu.memref_squeeze %dma_wait3A_591 : memref<1x128xi32, #tpu.memory_space<vmem>> -> memref<128xi32, #tpu.memory_space<vmem>>
        %dma_wait3A_593 = arith.constant 0 : i32
        %dma_wait3A_594 = arith.constant 0 : i32
        %dma_wait3A_595 = tpu.memref_slice %arg10[%dma_wait3A_593, %dma_wait3A_594] : memref<10240x64xf32, #tpu.memory_space<vmem_shared>> -> memref<10240x64xf32, #tpu.memory_space<vmem_shared>>
        %dma_wait3A_596 = tpu.memref_slice %arg12[%dma_wait3A_585] : memref<8x!tpu.dma_semaphore, #tpu.memory_space<semaphore_mem>> -> memref<1x!tpu.dma_semaphore, #tpu.memory_space<semaphore_mem>>
        %dma_wait3A_597 = tpu.memref_squeeze %dma_wait3A_596 : memref<1x!tpu.dma_semaphore, #tpu.memory_space<semaphore_mem>> -> memref<!tpu.dma_semaphore, #tpu.memory_space<semaphore_mem>>
        tpu.wait_indirect_dma semaphore(%dma_wait3A_597 : memref<!tpu.dma_semaphore, #tpu.memory_space<semaphore_mem>>) src(%dma_wait3A_589 : memref<128x64xf32, #tpu.memory_space<vmem>>) dst(%dma_wait3A_595 : memref<10240x64xf32, #tpu.memory_space<vmem_shared>>)
        %add3A_598 = arith.constant 8 : i32
        %add3A_599 = arith.addi %sub3A_449, %add3A_598 : i32
        %dma_start3A_600 = arith.constant 0 : i32
        %dma_start3A_601 = arith.constant 0 : i32
        %dma_start3A_602 = arith.constant 0 : i32
        %dma_start3A_603 = arith.constant 0 : i32
        %dma_start3A_604 = tpu.memref_slice %arg9[%dma_start3A_600, %dma_start3A_602, %dma_start3A_603] : memref<8x128x64xf32, #tpu.memory_space<vmem>> -> memref<1x128x64xf32, #tpu.memory_space<vmem>>
        %dma_start3A_605 = tpu.memref_squeeze %dma_start3A_604 : memref<1x128x64xf32, #tpu.memory_space<vmem>> -> memref<128x64xf32, #tpu.memory_space<vmem>>
        %dma_start3A_606 = arith.constant 0 : i32
        %dma_start3A_607 = tpu.memref_slice %arg7[%add3A_599, %dma_start3A_606] : memref<80x128xi32, #tpu.memory_space<vmem>> -> memref<1x128xi32, #tpu.memory_space<vmem>>
        %dma_start3A_608 = tpu.memref_squeeze %dma_start3A_607 : memref<1x128xi32, #tpu.memory_space<vmem>> -> memref<128xi32, #tpu.memory_space<vmem>>
        %dma_start3A_609 = arith.constant 0 : i32
        %dma_start3A_610 = arith.constant 0 : i32
        %dma_start3A_611 = tpu.memref_slice %arg2[%dma_start3A_609, %dma_start3A_610] : memref<10000x64xf32, #tpu.memory_space<hbm>> -> memref<10000x64xf32, #tpu.memory_space<hbm>>
        %dma_start3A_612 = tpu.memref_slice %arg11[%dma_start3A_601] : memref<8x!tpu.dma_semaphore, #tpu.memory_space<semaphore_mem>> -> memref<1x!tpu.dma_semaphore, #tpu.memory_space<semaphore_mem>>
        %dma_start3A_613 = tpu.memref_squeeze %dma_start3A_612 : memref<1x!tpu.dma_semaphore, #tpu.memory_space<semaphore_mem>> -> memref<!tpu.dma_semaphore, #tpu.memory_space<semaphore_mem>>
        tpu.enqueue_indirect_dma source(%dma_start3A_611 : memref<10000x64xf32, #tpu.memory_space<hbm>>) target(%dma_start3A_605 : memref<128x64xf32, #tpu.memory_space<vmem>>) offsets(%dma_start3A_608 : memref<128xi32, #tpu.memory_space<vmem>>) semaphore(%dma_start3A_613 : memref<!tpu.dma_semaphore, #tpu.memory_space<semaphore_mem>>)
      } else {
      }
      %mul3A_458 = arith.constant 8 : i32
      %mul3A_459 = arith.muli %scan3A_253, %mul3A_458 : i32
      %add3A_460 = arith.constant 5 : i32
      %add3A_461 = arith.addi %mul3A_459, %add3A_460 : i32
      %dma_wait3A_462 = arith.constant 5 : i32
      %dma_wait3A_463 = arith.constant 5 : i32
      %dma_wait3A_464 = arith.constant 0 : i32
      %dma_wait3A_465 = arith.constant 0 : i32
      %dma_wait3A_466 = tpu.memref_slice %arg9[%dma_wait3A_462, %dma_wait3A_464, %dma_wait3A_465] : memref<8x128x64xf32, #tpu.memory_space<vmem>> -> memref<1x128x64xf32, #tpu.memory_space<vmem>>
      %dma_wait3A_467 = tpu.memref_squeeze %dma_wait3A_466 : memref<1x128x64xf32, #tpu.memory_space<vmem>> -> memref<128x64xf32, #tpu.memory_space<vmem>>
      %dma_wait3A_468 = arith.constant 0 : i32
      %dma_wait3A_469 = tpu.memref_slice %arg7[%add3A_461, %dma_wait3A_468] : memref<80x128xi32, #tpu.memory_space<vmem>> -> memref<1x128xi32, #tpu.memory_space<vmem>>
      %dma_wait3A_470 = tpu.memref_squeeze %dma_wait3A_469 : memref<1x128xi32, #tpu.memory_space<vmem>> -> memref<128xi32, #tpu.memory_space<vmem>>
      %dma_wait3A_471 = arith.constant 0 : i32
      %dma_wait3A_472 = arith.constant 0 : i32
      %dma_wait3A_473 = tpu.memref_slice %arg2[%dma_wait3A_471, %dma_wait3A_472] : memref<10000x64xf32, #tpu.memory_space<hbm>> -> memref<10000x64xf32, #tpu.memory_space<hbm>>
      %dma_wait3A_474 = tpu.memref_slice %arg11[%dma_wait3A_463] : memref<8x!tpu.dma_semaphore, #tpu.memory_space<semaphore_mem>> -> memref<1x!tpu.dma_semaphore, #tpu.memory_space<semaphore_mem>>
      %dma_wait3A_475 = tpu.memref_squeeze %dma_wait3A_474 : memref<1x!tpu.dma_semaphore, #tpu.memory_space<semaphore_mem>> -> memref<!tpu.dma_semaphore, #tpu.memory_space<semaphore_mem>>
      tpu.wait_indirect_dma semaphore(%dma_wait3A_475 : memref<!tpu.dma_semaphore, #tpu.memory_space<semaphore_mem>>) src(%dma_wait3A_473 : memref<10000x64xf32, #tpu.memory_space<hbm>>) dst(%dma_wait3A_467 : memref<128x64xf32, #tpu.memory_space<vmem>>)
      %dma_start3A_476 = arith.constant 5 : i32
      %dma_start3A_477 = arith.constant 5 : i32
      %dma_start3A_478 = arith.constant 0 : i32
      %dma_start3A_479 = arith.constant 0 : i32
      %dma_start3A_480 = tpu.memref_slice %arg9[%dma_start3A_476, %dma_start3A_478, %dma_start3A_479] : memref<8x128x64xf32, #tpu.memory_space<vmem>> -> memref<1x128x64xf32, #tpu.memory_space<vmem>>
      %dma_start3A_481 = tpu.memref_squeeze %dma_start3A_480 : memref<1x128x64xf32, #tpu.memory_space<vmem>> -> memref<128x64xf32, #tpu.memory_space<vmem>>
      %dma_start3A_482 = arith.constant 0 : i32
      %dma_start3A_483 = tpu.memref_slice %arg8[%add3A_461, %dma_start3A_482] : memref<80x128xi32, #tpu.memory_space<vmem>> -> memref<1x128xi32, #tpu.memory_space<vmem>>
      %dma_start3A_484 = tpu.memref_squeeze %dma_start3A_483 : memref<1x128xi32, #tpu.memory_space<vmem>> -> memref<128xi32, #tpu.memory_space<vmem>>
      %dma_start3A_485 = arith.constant 0 : i32
      %dma_start3A_486 = arith.constant 0 : i32
      %dma_start3A_487 = tpu.memref_slice %arg10[%dma_start3A_485, %dma_start3A_486] : memref<10240x64xf32, #tpu.memory_space<vmem_shared>> -> memref<10240x64xf32, #tpu.memory_space<vmem_shared>>
      %dma_start3A_488 = tpu.memref_slice %arg12[%dma_start3A_477] : memref<8x!tpu.dma_semaphore, #tpu.memory_space<semaphore_mem>> -> memref<1x!tpu.dma_semaphore, #tpu.memory_space<semaphore_mem>>
      %dma_start3A_489 = tpu.memref_squeeze %dma_start3A_488 : memref<1x!tpu.dma_semaphore, #tpu.memory_space<semaphore_mem>> -> memref<!tpu.dma_semaphore, #tpu.memory_space<semaphore_mem>>
      tpu.enqueue_indirect_dma source(%dma_start3A_481 : memref<128x64xf32, #tpu.memory_space<vmem>>) target(%dma_start3A_487 : memref<10240x64xf32, #tpu.memory_space<vmem_shared>>) offsets(%dma_start3A_484 : memref<128xi32, #tpu.memory_space<vmem>>) semaphore(%dma_start3A_489 : memref<!tpu.dma_semaphore, #tpu.memory_space<semaphore_mem>>) {add = true}
      %sub3A_490 = arith.constant 4 : i32
      %sub3A_491 = arith.subi %add3A_461, %sub3A_490 : i32
      %ge3A_492 = arith.constant 0 : i32
      %ge3A_493 = arith.cmpi sge, %sub3A_491, %ge3A_492 : i32
      %lt3A_494 = arith.constant 72 : i32
      %lt3A_495 = arith.cmpi slt, %sub3A_491, %lt3A_494 : i32
      %and3A_496 = arith.andi %ge3A_493, %lt3A_495 : i1
      %convert_element_type3A_497 = arith.extui %and3A_496 : i1 to i32
      %cond3A_498 = arith.constant 0 : i32
      %cond3A_499 = arith.cmpi ne, %convert_element_type3A_497, %cond3A_498 : i32
      scf.if %cond3A_499 {
        %dma_wait3A_584 = arith.constant 1 : i32
        %dma_wait3A_585 = arith.constant 1 : i32
        %dma_wait3A_586 = arith.constant 0 : i32
        %dma_wait3A_587 = arith.constant 0 : i32
        %dma_wait3A_588 = tpu.memref_slice %arg9[%dma_wait3A_584, %dma_wait3A_586, %dma_wait3A_587] : memref<8x128x64xf32, #tpu.memory_space<vmem>> -> memref<1x128x64xf32, #tpu.memory_space<vmem>>
        %dma_wait3A_589 = tpu.memref_squeeze %dma_wait3A_588 : memref<1x128x64xf32, #tpu.memory_space<vmem>> -> memref<128x64xf32, #tpu.memory_space<vmem>>
        %dma_wait3A_590 = arith.constant 0 : i32
        %dma_wait3A_591 = tpu.memref_slice %arg8[%sub3A_491, %dma_wait3A_590] : memref<80x128xi32, #tpu.memory_space<vmem>> -> memref<1x128xi32, #tpu.memory_space<vmem>>
        %dma_wait3A_592 = tpu.memref_squeeze %dma_wait3A_591 : memref<1x128xi32, #tpu.memory_space<vmem>> -> memref<128xi32, #tpu.memory_space<vmem>>
        %dma_wait3A_593 = arith.constant 0 : i32
        %dma_wait3A_594 = arith.constant 0 : i32
        %dma_wait3A_595 = tpu.memref_slice %arg10[%dma_wait3A_593, %dma_wait3A_594] : memref<10240x64xf32, #tpu.memory_space<vmem_shared>> -> memref<10240x64xf32, #tpu.memory_space<vmem_shared>>
        %dma_wait3A_596 = tpu.memref_slice %arg12[%dma_wait3A_585] : memref<8x!tpu.dma_semaphore, #tpu.memory_space<semaphore_mem>> -> memref<1x!tpu.dma_semaphore, #tpu.memory_space<semaphore_mem>>
        %dma_wait3A_597 = tpu.memref_squeeze %dma_wait3A_596 : memref<1x!tpu.dma_semaphore, #tpu.memory_space<semaphore_mem>> -> memref<!tpu.dma_semaphore, #tpu.memory_space<semaphore_mem>>
        tpu.wait_indirect_dma semaphore(%dma_wait3A_597 : memref<!tpu.dma_semaphore, #tpu.memory_space<semaphore_mem>>) src(%dma_wait3A_589 : memref<128x64xf32, #tpu.memory_space<vmem>>) dst(%dma_wait3A_595 : memref<10240x64xf32, #tpu.memory_space<vmem_shared>>)
        %add3A_598 = arith.constant 8 : i32
        %add3A_599 = arith.addi %sub3A_491, %add3A_598 : i32
        %dma_start3A_600 = arith.constant 1 : i32
        %dma_start3A_601 = arith.constant 1 : i32
        %dma_start3A_602 = arith.constant 0 : i32
        %dma_start3A_603 = arith.constant 0 : i32
        %dma_start3A_604 = tpu.memref_slice %arg9[%dma_start3A_600, %dma_start3A_602, %dma_start3A_603] : memref<8x128x64xf32, #tpu.memory_space<vmem>> -> memref<1x128x64xf32, #tpu.memory_space<vmem>>
        %dma_start3A_605 = tpu.memref_squeeze %dma_start3A_604 : memref<1x128x64xf32, #tpu.memory_space<vmem>> -> memref<128x64xf32, #tpu.memory_space<vmem>>
        %dma_start3A_606 = arith.constant 0 : i32
        %dma_start3A_607 = tpu.memref_slice %arg7[%add3A_599, %dma_start3A_606] : memref<80x128xi32, #tpu.memory_space<vmem>> -> memref<1x128xi32, #tpu.memory_space<vmem>>
        %dma_start3A_608 = tpu.memref_squeeze %dma_start3A_607 : memref<1x128xi32, #tpu.memory_space<vmem>> -> memref<128xi32, #tpu.memory_space<vmem>>
        %dma_start3A_609 = arith.constant 0 : i32
        %dma_start3A_610 = arith.constant 0 : i32
        %dma_start3A_611 = tpu.memref_slice %arg2[%dma_start3A_609, %dma_start3A_610] : memref<10000x64xf32, #tpu.memory_space<hbm>> -> memref<10000x64xf32, #tpu.memory_space<hbm>>
        %dma_start3A_612 = tpu.memref_slice %arg11[%dma_start3A_601] : memref<8x!tpu.dma_semaphore, #tpu.memory_space<semaphore_mem>> -> memref<1x!tpu.dma_semaphore, #tpu.memory_space<semaphore_mem>>
        %dma_start3A_613 = tpu.memref_squeeze %dma_start3A_612 : memref<1x!tpu.dma_semaphore, #tpu.memory_space<semaphore_mem>> -> memref<!tpu.dma_semaphore, #tpu.memory_space<semaphore_mem>>
        tpu.enqueue_indirect_dma source(%dma_start3A_611 : memref<10000x64xf32, #tpu.memory_space<hbm>>) target(%dma_start3A_605 : memref<128x64xf32, #tpu.memory_space<vmem>>) offsets(%dma_start3A_608 : memref<128xi32, #tpu.memory_space<vmem>>) semaphore(%dma_start3A_613 : memref<!tpu.dma_semaphore, #tpu.memory_space<semaphore_mem>>)
      } else {
      }
      %mul3A_500 = arith.constant 8 : i32
      %mul3A_501 = arith.muli %scan3A_253, %mul3A_500 : i32
      %add3A_502 = arith.constant 6 : i32
      %add3A_503 = arith.addi %mul3A_501, %add3A_502 : i32
      %dma_wait3A_504 = arith.constant 6 : i32
      %dma_wait3A_505 = arith.constant 6 : i32
      %dma_wait3A_506 = arith.constant 0 : i32
      %dma_wait3A_507 = arith.constant 0 : i32
      %dma_wait3A_508 = tpu.memref_slice %arg9[%dma_wait3A_504, %dma_wait3A_506, %dma_wait3A_507] : memref<8x128x64xf32, #tpu.memory_space<vmem>> -> memref<1x128x64xf32, #tpu.memory_space<vmem>>
      %dma_wait3A_509 = tpu.memref_squeeze %dma_wait3A_508 : memref<1x128x64xf32, #tpu.memory_space<vmem>> -> memref<128x64xf32, #tpu.memory_space<vmem>>
      %dma_wait3A_510 = arith.constant 0 : i32
      %dma_wait3A_511 = tpu.memref_slice %arg7[%add3A_503, %dma_wait3A_510] : memref<80x128xi32, #tpu.memory_space<vmem>> -> memref<1x128xi32, #tpu.memory_space<vmem>>
      %dma_wait3A_512 = tpu.memref_squeeze %dma_wait3A_511 : memref<1x128xi32, #tpu.memory_space<vmem>> -> memref<128xi32, #tpu.memory_space<vmem>>
      %dma_wait3A_513 = arith.constant 0 : i32
      %dma_wait3A_514 = arith.constant 0 : i32
      %dma_wait3A_515 = tpu.memref_slice %arg2[%dma_wait3A_513, %dma_wait3A_514] : memref<10000x64xf32, #tpu.memory_space<hbm>> -> memref<10000x64xf32, #tpu.memory_space<hbm>>
      %dma_wait3A_516 = tpu.memref_slice %arg11[%dma_wait3A_505] : memref<8x!tpu.dma_semaphore, #tpu.memory_space<semaphore_mem>> -> memref<1x!tpu.dma_semaphore, #tpu.memory_space<semaphore_mem>>
      %dma_wait3A_517 = tpu.memref_squeeze %dma_wait3A_516 : memref<1x!tpu.dma_semaphore, #tpu.memory_space<semaphore_mem>> -> memref<!tpu.dma_semaphore, #tpu.memory_space<semaphore_mem>>
      tpu.wait_indirect_dma semaphore(%dma_wait3A_517 : memref<!tpu.dma_semaphore, #tpu.memory_space<semaphore_mem>>) src(%dma_wait3A_515 : memref<10000x64xf32, #tpu.memory_space<hbm>>) dst(%dma_wait3A_509 : memref<128x64xf32, #tpu.memory_space<vmem>>)
      %dma_start3A_518 = arith.constant 6 : i32
      %dma_start3A_519 = arith.constant 6 : i32
      %dma_start3A_520 = arith.constant 0 : i32
      %dma_start3A_521 = arith.constant 0 : i32
      %dma_start3A_522 = tpu.memref_slice %arg9[%dma_start3A_518, %dma_start3A_520, %dma_start3A_521] : memref<8x128x64xf32, #tpu.memory_space<vmem>> -> memref<1x128x64xf32, #tpu.memory_space<vmem>>
      %dma_start3A_523 = tpu.memref_squeeze %dma_start3A_522 : memref<1x128x64xf32, #tpu.memory_space<vmem>> -> memref<128x64xf32, #tpu.memory_space<vmem>>
      %dma_start3A_524 = arith.constant 0 : i32
      %dma_start3A_525 = tpu.memref_slice %arg8[%add3A_503, %dma_start3A_524] : memref<80x128xi32, #tpu.memory_space<vmem>> -> memref<1x128xi32, #tpu.memory_space<vmem>>
      %dma_start3A_526 = tpu.memref_squeeze %dma_start3A_525 : memref<1x128xi32, #tpu.memory_space<vmem>> -> memref<128xi32, #tpu.memory_space<vmem>>
      %dma_start3A_527 = arith.constant 0 : i32
      %dma_start3A_528 = arith.constant 0 : i32
      %dma_start3A_529 = tpu.memref_slice %arg10[%dma_start3A_527, %dma_start3A_528] : memref<10240x64xf32, #tpu.memory_space<vmem_shared>> -> memref<10240x64xf32, #tpu.memory_space<vmem_shared>>
      %dma_start3A_530 = tpu.memref_slice %arg12[%dma_start3A_519] : memref<8x!tpu.dma_semaphore, #tpu.memory_space<semaphore_mem>> -> memref<1x!tpu.dma_semaphore, #tpu.memory_space<semaphore_mem>>
      %dma_start3A_531 = tpu.memref_squeeze %dma_start3A_530 : memref<1x!tpu.dma_semaphore, #tpu.memory_space<semaphore_mem>> -> memref<!tpu.dma_semaphore, #tpu.memory_space<semaphore_mem>>
      tpu.enqueue_indirect_dma source(%dma_start3A_523 : memref<128x64xf32, #tpu.memory_space<vmem>>) target(%dma_start3A_529 : memref<10240x64xf32, #tpu.memory_space<vmem_shared>>) offsets(%dma_start3A_526 : memref<128xi32, #tpu.memory_space<vmem>>) semaphore(%dma_start3A_531 : memref<!tpu.dma_semaphore, #tpu.memory_space<semaphore_mem>>) {add = true}
      %sub3A_532 = arith.constant 4 : i32
      %sub3A_533 = arith.subi %add3A_503, %sub3A_532 : i32
      %ge3A_534 = arith.constant 0 : i32
      %ge3A_535 = arith.cmpi sge, %sub3A_533, %ge3A_534 : i32
      %lt3A_536 = arith.constant 72 : i32
      %lt3A_537 = arith.cmpi slt, %sub3A_533, %lt3A_536 : i32
      %and3A_538 = arith.andi %ge3A_535, %lt3A_537 : i1
      %convert_element_type3A_539 = arith.extui %and3A_538 : i1 to i32
      %cond3A_540 = arith.constant 0 : i32
      %cond3A_541 = arith.cmpi ne, %convert_element_type3A_539, %cond3A_540 : i32
      scf.if %cond3A_541 {
        %dma_wait3A_584 = arith.constant 2 : i32
        %dma_wait3A_585 = arith.constant 2 : i32
        %dma_wait3A_586 = arith.constant 0 : i32
        %dma_wait3A_587 = arith.constant 0 : i32
        %dma_wait3A_588 = tpu.memref_slice %arg9[%dma_wait3A_584, %dma_wait3A_586, %dma_wait3A_587] : memref<8x128x64xf32, #tpu.memory_space<vmem>> -> memref<1x128x64xf32, #tpu.memory_space<vmem>>
        %dma_wait3A_589 = tpu.memref_squeeze %dma_wait3A_588 : memref<1x128x64xf32, #tpu.memory_space<vmem>> -> memref<128x64xf32, #tpu.memory_space<vmem>>
        %dma_wait3A_590 = arith.constant 0 : i32
        %dma_wait3A_591 = tpu.memref_slice %arg8[%sub3A_533, %dma_wait3A_590] : memref<80x128xi32, #tpu.memory_space<vmem>> -> memref<1x128xi32, #tpu.memory_space<vmem>>
        %dma_wait3A_592 = tpu.memref_squeeze %dma_wait3A_591 : memref<1x128xi32, #tpu.memory_space<vmem>> -> memref<128xi32, #tpu.memory_space<vmem>>
        %dma_wait3A_593 = arith.constant 0 : i32
        %dma_wait3A_594 = arith.constant 0 : i32
        %dma_wait3A_595 = tpu.memref_slice %arg10[%dma_wait3A_593, %dma_wait3A_594] : memref<10240x64xf32, #tpu.memory_space<vmem_shared>> -> memref<10240x64xf32, #tpu.memory_space<vmem_shared>>
        %dma_wait3A_596 = tpu.memref_slice %arg12[%dma_wait3A_585] : memref<8x!tpu.dma_semaphore, #tpu.memory_space<semaphore_mem>> -> memref<1x!tpu.dma_semaphore, #tpu.memory_space<semaphore_mem>>
        %dma_wait3A_597 = tpu.memref_squeeze %dma_wait3A_596 : memref<1x!tpu.dma_semaphore, #tpu.memory_space<semaphore_mem>> -> memref<!tpu.dma_semaphore, #tpu.memory_space<semaphore_mem>>
        tpu.wait_indirect_dma semaphore(%dma_wait3A_597 : memref<!tpu.dma_semaphore, #tpu.memory_space<semaphore_mem>>) src(%dma_wait3A_589 : memref<128x64xf32, #tpu.memory_space<vmem>>) dst(%dma_wait3A_595 : memref<10240x64xf32, #tpu.memory_space<vmem_shared>>)
        %add3A_598 = arith.constant 8 : i32
        %add3A_599 = arith.addi %sub3A_533, %add3A_598 : i32
        %dma_start3A_600 = arith.constant 2 : i32
        %dma_start3A_601 = arith.constant 2 : i32
        %dma_start3A_602 = arith.constant 0 : i32
        %dma_start3A_603 = arith.constant 0 : i32
        %dma_start3A_604 = tpu.memref_slice %arg9[%dma_start3A_600, %dma_start3A_602, %dma_start3A_603] : memref<8x128x64xf32, #tpu.memory_space<vmem>> -> memref<1x128x64xf32, #tpu.memory_space<vmem>>
        %dma_start3A_605 = tpu.memref_squeeze %dma_start3A_604 : memref<1x128x64xf32, #tpu.memory_space<vmem>> -> memref<128x64xf32, #tpu.memory_space<vmem>>
        %dma_start3A_606 = arith.constant 0 : i32
        %dma_start3A_607 = tpu.memref_slice %arg7[%add3A_599, %dma_start3A_606] : memref<80x128xi32, #tpu.memory_space<vmem>> -> memref<1x128xi32, #tpu.memory_space<vmem>>
        %dma_start3A_608 = tpu.memref_squeeze %dma_start3A_607 : memref<1x128xi32, #tpu.memory_space<vmem>> -> memref<128xi32, #tpu.memory_space<vmem>>
        %dma_start3A_609 = arith.constant 0 : i32
        %dma_start3A_610 = arith.constant 0 : i32
        %dma_start3A_611 = tpu.memref_slice %arg2[%dma_start3A_609, %dma_start3A_610] : memref<10000x64xf32, #tpu.memory_space<hbm>> -> memref<10000x64xf32, #tpu.memory_space<hbm>>
        %dma_start3A_612 = tpu.memref_slice %arg11[%dma_start3A_601] : memref<8x!tpu.dma_semaphore, #tpu.memory_space<semaphore_mem>> -> memref<1x!tpu.dma_semaphore, #tpu.memory_space<semaphore_mem>>
        %dma_start3A_613 = tpu.memref_squeeze %dma_start3A_612 : memref<1x!tpu.dma_semaphore, #tpu.memory_space<semaphore_mem>> -> memref<!tpu.dma_semaphore, #tpu.memory_space<semaphore_mem>>
        tpu.enqueue_indirect_dma source(%dma_start3A_611 : memref<10000x64xf32, #tpu.memory_space<hbm>>) target(%dma_start3A_605 : memref<128x64xf32, #tpu.memory_space<vmem>>) offsets(%dma_start3A_608 : memref<128xi32, #tpu.memory_space<vmem>>) semaphore(%dma_start3A_613 : memref<!tpu.dma_semaphore, #tpu.memory_space<semaphore_mem>>)
      } else {
      }
      %mul3A_542 = arith.constant 8 : i32
      %mul3A_543 = arith.muli %scan3A_253, %mul3A_542 : i32
      %add3A_544 = arith.constant 7 : i32
      %add3A_545 = arith.addi %mul3A_543, %add3A_544 : i32
      %dma_wait3A_546 = arith.constant 7 : i32
      %dma_wait3A_547 = arith.constant 7 : i32
      %dma_wait3A_548 = arith.constant 0 : i32
      %dma_wait3A_549 = arith.constant 0 : i32
      %dma_wait3A_550 = tpu.memref_slice %arg9[%dma_wait3A_546, %dma_wait3A_548, %dma_wait3A_549] : memref<8x128x64xf32, #tpu.memory_space<vmem>> -> memref<1x128x64xf32, #tpu.memory_space<vmem>>
      %dma_wait3A_551 = tpu.memref_squeeze %dma_wait3A_550 : memref<1x128x64xf32, #tpu.memory_space<vmem>> -> memref<128x64xf32, #tpu.memory_space<vmem>>
      %dma_wait3A_552 = arith.constant 0 : i32
      %dma_wait3A_553 = tpu.memref_slice %arg7[%add3A_545, %dma_wait3A_552] : memref<80x128xi32, #tpu.memory_space<vmem>> -> memref<1x128xi32, #tpu.memory_space<vmem>>
      %dma_wait3A_554 = tpu.memref_squeeze %dma_wait3A_553 : memref<1x128xi32, #tpu.memory_space<vmem>> -> memref<128xi32, #tpu.memory_space<vmem>>
      %dma_wait3A_555 = arith.constant 0 : i32
      %dma_wait3A_556 = arith.constant 0 : i32
      %dma_wait3A_557 = tpu.memref_slice %arg2[%dma_wait3A_555, %dma_wait3A_556] : memref<10000x64xf32, #tpu.memory_space<hbm>> -> memref<10000x64xf32, #tpu.memory_space<hbm>>
      %dma_wait3A_558 = tpu.memref_slice %arg11[%dma_wait3A_547] : memref<8x!tpu.dma_semaphore, #tpu.memory_space<semaphore_mem>> -> memref<1x!tpu.dma_semaphore, #tpu.memory_space<semaphore_mem>>
      %dma_wait3A_559 = tpu.memref_squeeze %dma_wait3A_558 : memref<1x!tpu.dma_semaphore, #tpu.memory_space<semaphore_mem>> -> memref<!tpu.dma_semaphore, #tpu.memory_space<semaphore_mem>>
      tpu.wait_indirect_dma semaphore(%dma_wait3A_559 : memref<!tpu.dma_semaphore, #tpu.memory_space<semaphore_mem>>) src(%dma_wait3A_557 : memref<10000x64xf32, #tpu.memory_space<hbm>>) dst(%dma_wait3A_551 : memref<128x64xf32, #tpu.memory_space<vmem>>)
      %dma_start3A_560 = arith.constant 7 : i32
      %dma_start3A_561 = arith.constant 7 : i32
      %dma_start3A_562 = arith.constant 0 : i32
      %dma_start3A_563 = arith.constant 0 : i32
      %dma_start3A_564 = tpu.memref_slice %arg9[%dma_start3A_560, %dma_start3A_562, %dma_start3A_563] : memref<8x128x64xf32, #tpu.memory_space<vmem>> -> memref<1x128x64xf32, #tpu.memory_space<vmem>>
      %dma_start3A_565 = tpu.memref_squeeze %dma_start3A_564 : memref<1x128x64xf32, #tpu.memory_space<vmem>> -> memref<128x64xf32, #tpu.memory_space<vmem>>
      %dma_start3A_566 = arith.constant 0 : i32
      %dma_start3A_567 = tpu.memref_slice %arg8[%add3A_545, %dma_start3A_566] : memref<80x128xi32, #tpu.memory_space<vmem>> -> memref<1x128xi32, #tpu.memory_space<vmem>>
      %dma_start3A_568 = tpu.memref_squeeze %dma_start3A_567 : memref<1x128xi32, #tpu.memory_space<vmem>> -> memref<128xi32, #tpu.memory_space<vmem>>
      %dma_start3A_569 = arith.constant 0 : i32
      %dma_start3A_570 = arith.constant 0 : i32
      %dma_start3A_571 = tpu.memref_slice %arg10[%dma_start3A_569, %dma_start3A_570] : memref<10240x64xf32, #tpu.memory_space<vmem_shared>> -> memref<10240x64xf32, #tpu.memory_space<vmem_shared>>
      %dma_start3A_572 = tpu.memref_slice %arg12[%dma_start3A_561] : memref<8x!tpu.dma_semaphore, #tpu.memory_space<semaphore_mem>> -> memref<1x!tpu.dma_semaphore, #tpu.memory_space<semaphore_mem>>
      %dma_start3A_573 = tpu.memref_squeeze %dma_start3A_572 : memref<1x!tpu.dma_semaphore, #tpu.memory_space<semaphore_mem>> -> memref<!tpu.dma_semaphore, #tpu.memory_space<semaphore_mem>>
      tpu.enqueue_indirect_dma source(%dma_start3A_565 : memref<128x64xf32, #tpu.memory_space<vmem>>) target(%dma_start3A_571 : memref<10240x64xf32, #tpu.memory_space<vmem_shared>>) offsets(%dma_start3A_568 : memref<128xi32, #tpu.memory_space<vmem>>) semaphore(%dma_start3A_573 : memref<!tpu.dma_semaphore, #tpu.memory_space<semaphore_mem>>) {add = true}
      %sub3A_574 = arith.constant 4 : i32
      %sub3A_575 = arith.subi %add3A_545, %sub3A_574 : i32
      %ge3A_576 = arith.constant 0 : i32
      %ge3A_577 = arith.cmpi sge, %sub3A_575, %ge3A_576 : i32
      %lt3A_578 = arith.constant 72 : i32
      %lt3A_579 = arith.cmpi slt, %sub3A_575, %lt3A_578 : i32
      %and3A_580 = arith.andi %ge3A_577, %lt3A_579 : i1
      %convert_element_type3A_581 = arith.extui %and3A_580 : i1 to i32
      %cond3A_582 = arith.constant 0 : i32
      %cond3A_583 = arith.cmpi ne, %convert_element_type3A_581, %cond3A_582 : i32
      scf.if %cond3A_583 {
        %dma_wait3A_584 = arith.constant 3 : i32
        %dma_wait3A_585 = arith.constant 3 : i32
        %dma_wait3A_586 = arith.constant 0 : i32
        %dma_wait3A_587 = arith.constant 0 : i32
        %dma_wait3A_588 = tpu.memref_slice %arg9[%dma_wait3A_584, %dma_wait3A_586, %dma_wait3A_587] : memref<8x128x64xf32, #tpu.memory_space<vmem>> -> memref<1x128x64xf32, #tpu.memory_space<vmem>>
        %dma_wait3A_589 = tpu.memref_squeeze %dma_wait3A_588 : memref<1x128x64xf32, #tpu.memory_space<vmem>> -> memref<128x64xf32, #tpu.memory_space<vmem>>
        %dma_wait3A_590 = arith.constant 0 : i32
        %dma_wait3A_591 = tpu.memref_slice %arg8[%sub3A_575, %dma_wait3A_590] : memref<80x128xi32, #tpu.memory_space<vmem>> -> memref<1x128xi32, #tpu.memory_space<vmem>>
        %dma_wait3A_592 = tpu.memref_squeeze %dma_wait3A_591 : memref<1x128xi32, #tpu.memory_space<vmem>> -> memref<128xi32, #tpu.memory_space<vmem>>
        %dma_wait3A_593 = arith.constant 0 : i32
        %dma_wait3A_594 = arith.constant 0 : i32
        %dma_wait3A_595 = tpu.memref_slice %arg10[%dma_wait3A_593, %dma_wait3A_594] : memref<10240x64xf32, #tpu.memory_space<vmem_shared>> -> memref<10240x64xf32, #tpu.memory_space<vmem_shared>>
        %dma_wait3A_596 = tpu.memref_slice %arg12[%dma_wait3A_585] : memref<8x!tpu.dma_semaphore, #tpu.memory_space<semaphore_mem>> -> memref<1x!tpu.dma_semaphore, #tpu.memory_space<semaphore_mem>>
        %dma_wait3A_597 = tpu.memref_squeeze %dma_wait3A_596 : memref<1x!tpu.dma_semaphore, #tpu.memory_space<semaphore_mem>> -> memref<!tpu.dma_semaphore, #tpu.memory_space<semaphore_mem>>
        tpu.wait_indirect_dma semaphore(%dma_wait3A_597 : memref<!tpu.dma_semaphore, #tpu.memory_space<semaphore_mem>>) src(%dma_wait3A_589 : memref<128x64xf32, #tpu.memory_space<vmem>>) dst(%dma_wait3A_595 : memref<10240x64xf32, #tpu.memory_space<vmem_shared>>)
        %add3A_598 = arith.constant 8 : i32
        %add3A_599 = arith.addi %sub3A_575, %add3A_598 : i32
        %dma_start3A_600 = arith.constant 3 : i32
        %dma_start3A_601 = arith.constant 3 : i32
        %dma_start3A_602 = arith.constant 0 : i32
        %dma_start3A_603 = arith.constant 0 : i32
        %dma_start3A_604 = tpu.memref_slice %arg9[%dma_start3A_600, %dma_start3A_602, %dma_start3A_603] : memref<8x128x64xf32, #tpu.memory_space<vmem>> -> memref<1x128x64xf32, #tpu.memory_space<vmem>>
        %dma_start3A_605 = tpu.memref_squeeze %dma_start3A_604 : memref<1x128x64xf32, #tpu.memory_space<vmem>> -> memref<128x64xf32, #tpu.memory_space<vmem>>
        %dma_start3A_606 = arith.constant 0 : i32
        %dma_start3A_607 = tpu.memref_slice %arg7[%add3A_599, %dma_start3A_606] : memref<80x128xi32, #tpu.memory_space<vmem>> -> memref<1x128xi32, #tpu.memory_space<vmem>>
        %dma_start3A_608 = tpu.memref_squeeze %dma_start3A_607 : memref<1x128xi32, #tpu.memory_space<vmem>> -> memref<128xi32, #tpu.memory_space<vmem>>
        %dma_start3A_609 = arith.constant 0 : i32
        %dma_start3A_610 = arith.constant 0 : i32
        %dma_start3A_611 = tpu.memref_slice %arg2[%dma_start3A_609, %dma_start3A_610] : memref<10000x64xf32, #tpu.memory_space<hbm>> -> memref<10000x64xf32, #tpu.memory_space<hbm>>
        %dma_start3A_612 = tpu.memref_slice %arg11[%dma_start3A_601] : memref<8x!tpu.dma_semaphore, #tpu.memory_space<semaphore_mem>> -> memref<1x!tpu.dma_semaphore, #tpu.memory_space<semaphore_mem>>
        %dma_start3A_613 = tpu.memref_squeeze %dma_start3A_612 : memref<1x!tpu.dma_semaphore, #tpu.memory_space<semaphore_mem>> -> memref<!tpu.dma_semaphore, #tpu.memory_space<semaphore_mem>>
        tpu.enqueue_indirect_dma source(%dma_start3A_611 : memref<10000x64xf32, #tpu.memory_space<hbm>>) target(%dma_start3A_605 : memref<128x64xf32, #tpu.memory_space<vmem>>) offsets(%dma_start3A_608 : memref<128xi32, #tpu.memory_space<vmem>>) semaphore(%dma_start3A_613 : memref<!tpu.dma_semaphore, #tpu.memory_space<semaphore_mem>>)
      } else {
      }
    }
    %scan3A_128 = arith.constant 10 : i32
    %dma_wait3A = arith.constant 0 : i32
    %dma_wait3A_129 = arith.constant 72 : i32
    %dma_wait3A_130 = arith.constant 0 : i32
    %dma_wait3A_131 = arith.constant 0 : i32
    %dma_wait3A_132 = arith.constant 0 : i32
    %dma_wait3A_133 = tpu.memref_slice %arg9[%dma_wait3A, %dma_wait3A_131, %dma_wait3A_132] : memref<8x128x64xf32, #tpu.memory_space<vmem>> -> memref<1x128x64xf32, #tpu.memory_space<vmem>>
    %dma_wait3A_134 = tpu.memref_squeeze %dma_wait3A_133 : memref<1x128x64xf32, #tpu.memory_space<vmem>> -> memref<128x64xf32, #tpu.memory_space<vmem>>
    %dma_wait3A_135 = arith.constant 0 : i32
    %dma_wait3A_136 = tpu.memref_slice %arg8[%dma_wait3A_129, %dma_wait3A_135] : memref<80x128xi32, #tpu.memory_space<vmem>> -> memref<1x128xi32, #tpu.memory_space<vmem>>
    %dma_wait3A_137 = tpu.memref_squeeze %dma_wait3A_136 : memref<1x128xi32, #tpu.memory_space<vmem>> -> memref<128xi32, #tpu.memory_space<vmem>>
    %dma_wait3A_138 = arith.constant 0 : i32
    %dma_wait3A_139 = arith.constant 0 : i32
    %dma_wait3A_140 = tpu.memref_slice %arg10[%dma_wait3A_138, %dma_wait3A_139] : memref<10240x64xf32, #tpu.memory_space<vmem_shared>> -> memref<10240x64xf32, #tpu.memory_space<vmem_shared>>
    %dma_wait3A_141 = tpu.memref_slice %arg12[%dma_wait3A_130] : memref<8x!tpu.dma_semaphore, #tpu.memory_space<semaphore_mem>> -> memref<1x!tpu.dma_semaphore, #tpu.memory_space<semaphore_mem>>
    %dma_wait3A_142 = tpu.memref_squeeze %dma_wait3A_141 : memref<1x!tpu.dma_semaphore, #tpu.memory_space<semaphore_mem>> -> memref<!tpu.dma_semaphore, #tpu.memory_space<semaphore_mem>>
    tpu.wait_indirect_dma semaphore(%dma_wait3A_142 : memref<!tpu.dma_semaphore, #tpu.memory_space<semaphore_mem>>) src(%dma_wait3A_134 : memref<128x64xf32, #tpu.memory_space<vmem>>) dst(%dma_wait3A_140 : memref<10240x64xf32, #tpu.memory_space<vmem_shared>>)
    %dma_wait3A_143 = arith.constant 1 : i32
    %dma_wait3A_144 = arith.constant 73 : i32
    %dma_wait3A_145 = arith.constant 1 : i32
    %dma_wait3A_146 = arith.constant 0 : i32
    %dma_wait3A_147 = arith.constant 0 : i32
    %dma_wait3A_148 = tpu.memref_slice %arg9[%dma_wait3A_143, %dma_wait3A_146, %dma_wait3A_147] : memref<8x128x64xf32, #tpu.memory_space<vmem>> -> memref<1x128x64xf32, #tpu.memory_space<vmem>>
    %dma_wait3A_149 = tpu.memref_squeeze %dma_wait3A_148 : memref<1x128x64xf32, #tpu.memory_space<vmem>> -> memref<128x64xf32, #tpu.memory_space<vmem>>
    %dma_wait3A_150 = arith.constant 0 : i32
    %dma_wait3A_151 = tpu.memref_slice %arg8[%dma_wait3A_144, %dma_wait3A_150] : memref<80x128xi32, #tpu.memory_space<vmem>> -> memref<1x128xi32, #tpu.memory_space<vmem>>
    %dma_wait3A_152 = tpu.memref_squeeze %dma_wait3A_151 : memref<1x128xi32, #tpu.memory_space<vmem>> -> memref<128xi32, #tpu.memory_space<vmem>>
    %dma_wait3A_153 = arith.constant 0 : i32
    %dma_wait3A_154 = arith.constant 0 : i32
    %dma_wait3A_155 = tpu.memref_slice %arg10[%dma_wait3A_153, %dma_wait3A_154] : memref<10240x64xf32, #tpu.memory_space<vmem_shared>> -> memref<10240x64xf32, #tpu.memory_space<vmem_shared>>
    %dma_wait3A_156 = tpu.memref_slice %arg12[%dma_wait3A_145] : memref<8x!tpu.dma_semaphore, #tpu.memory_space<semaphore_mem>> -> memref<1x!tpu.dma_semaphore, #tpu.memory_space<semaphore_mem>>
    %dma_wait3A_157 = tpu.memref_squeeze %dma_wait3A_156 : memref<1x!tpu.dma_semaphore, #tpu.memory_space<semaphore_mem>> -> memref<!tpu.dma_semaphore, #tpu.memory_space<semaphore_mem>>
    tpu.wait_indirect_dma semaphore(%dma_wait3A_157 : memref<!tpu.dma_semaphore, #tpu.memory_space<semaphore_mem>>) src(%dma_wait3A_149 : memref<128x64xf32, #tpu.memory_space<vmem>>) dst(%dma_wait3A_155 : memref<10240x64xf32, #tpu.memory_space<vmem_shared>>)
    %dma_wait3A_158 = arith.constant 2 : i32
    %dma_wait3A_159 = arith.constant 74 : i32
    %dma_wait3A_160 = arith.constant 2 : i32
    %dma_wait3A_161 = arith.constant 0 : i32
    %dma_wait3A_162 = arith.constant 0 : i32
    %dma_wait3A_163 = tpu.memref_slice %arg9[%dma_wait3A_158, %dma_wait3A_161, %dma_wait3A_162] : memref<8x128x64xf32, #tpu.memory_space<vmem>> -> memref<1x128x64xf32, #tpu.memory_space<vmem>>
    %dma_wait3A_164 = tpu.memref_squeeze %dma_wait3A_163 : memref<1x128x64xf32, #tpu.memory_space<vmem>> -> memref<128x64xf32, #tpu.memory_space<vmem>>
    %dma_wait3A_165 = arith.constant 0 : i32
    %dma_wait3A_166 = tpu.memref_slice %arg8[%dma_wait3A_159, %dma_wait3A_165] : memref<80x128xi32, #tpu.memory_space<vmem>> -> memref<1x128xi32, #tpu.memory_space<vmem>>
    %dma_wait3A_167 = tpu.memref_squeeze %dma_wait3A_166 : memref<1x128xi32, #tpu.memory_space<vmem>> -> memref<128xi32, #tpu.memory_space<vmem>>
    %dma_wait3A_168 = arith.constant 0 : i32
    %dma_wait3A_169 = arith.constant 0 : i32
    %dma_wait3A_170 = tpu.memref_slice %arg10[%dma_wait3A_168, %dma_wait3A_169] : memref<10240x64xf32, #tpu.memory_space<vmem_shared>> -> memref<10240x64xf32, #tpu.memory_space<vmem_shared>>
    %dma_wait3A_171 = tpu.memref_slice %arg12[%dma_wait3A_160] : memref<8x!tpu.dma_semaphore, #tpu.memory_space<semaphore_mem>> -> memref<1x!tpu.dma_semaphore, #tpu.memory_space<semaphore_mem>>
    %dma_wait3A_172 = tpu.memref_squeeze %dma_wait3A_171 : memref<1x!tpu.dma_semaphore, #tpu.memory_space<semaphore_mem>> -> memref<!tpu.dma_semaphore, #tpu.memory_space<semaphore_mem>>
    tpu.wait_indirect_dma semaphore(%dma_wait3A_172 : memref<!tpu.dma_semaphore, #tpu.memory_space<semaphore_mem>>) src(%dma_wait3A_164 : memref<128x64xf32, #tpu.memory_space<vmem>>) dst(%dma_wait3A_170 : memref<10240x64xf32, #tpu.memory_space<vmem_shared>>)
    %dma_wait3A_173 = arith.constant 3 : i32
    %dma_wait3A_174 = arith.constant 75 : i32
    %dma_wait3A_175 = arith.constant 3 : i32
    %dma_wait3A_176 = arith.constant 0 : i32
    %dma_wait3A_177 = arith.constant 0 : i32
    %dma_wait3A_178 = tpu.memref_slice %arg9[%dma_wait3A_173, %dma_wait3A_176, %dma_wait3A_177] : memref<8x128x64xf32, #tpu.memory_space<vmem>> -> memref<1x128x64xf32, #tpu.memory_space<vmem>>
    %dma_wait3A_179 = tpu.memref_squeeze %dma_wait3A_178 : memref<1x128x64xf32, #tpu.memory_space<vmem>> -> memref<128x64xf32, #tpu.memory_space<vmem>>
    %dma_wait3A_180 = arith.constant 0 : i32
    %dma_wait3A_181 = tpu.memref_slice %arg8[%dma_wait3A_174, %dma_wait3A_180] : memref<80x128xi32, #tpu.memory_space<vmem>> -> memref<1x128xi32, #tpu.memory_space<vmem>>
    %dma_wait3A_182 = tpu.memref_squeeze %dma_wait3A_181 : memref<1x128xi32, #tpu.memory_space<vmem>> -> memref<128xi32, #tpu.memory_space<vmem>>
    %dma_wait3A_183 = arith.constant 0 : i32
    %dma_wait3A_184 = arith.constant 0 : i32
    %dma_wait3A_185 = tpu.memref_slice %arg10[%dma_wait3A_183, %dma_wait3A_184] : memref<10240x64xf32, #tpu.memory_space<vmem_shared>> -> memref<10240x64xf32, #tpu.memory_space<vmem_shared>>
    %dma_wait3A_186 = tpu.memref_slice %arg12[%dma_wait3A_175] : memref<8x!tpu.dma_semaphore, #tpu.memory_space<semaphore_mem>> -> memref<1x!tpu.dma_semaphore, #tpu.memory_space<semaphore_mem>>
    %dma_wait3A_187 = tpu.memref_squeeze %dma_wait3A_186 : memref<1x!tpu.dma_semaphore, #tpu.memory_space<semaphore_mem>> -> memref<!tpu.dma_semaphore, #tpu.memory_space<semaphore_mem>>
    tpu.wait_indirect_dma semaphore(%dma_wait3A_187 : memref<!tpu.dma_semaphore, #tpu.memory_space<semaphore_mem>>) src(%dma_wait3A_179 : memref<128x64xf32, #tpu.memory_space<vmem>>) dst(%dma_wait3A_185 : memref<10240x64xf32, #tpu.memory_space<vmem_shared>>)
    %dma_wait3A_188 = arith.constant 4 : i32
    %dma_wait3A_189 = arith.constant 76 : i32
    %dma_wait3A_190 = arith.constant 4 : i32
    %dma_wait3A_191 = arith.constant 0 : i32
    %dma_wait3A_192 = arith.constant 0 : i32
    %dma_wait3A_193 = tpu.memref_slice %arg9[%dma_wait3A_188, %dma_wait3A_191, %dma_wait3A_192] : memref<8x128x64xf32, #tpu.memory_space<vmem>> -> memref<1x128x64xf32, #tpu.memory_space<vmem>>
    %dma_wait3A_194 = tpu.memref_squeeze %dma_wait3A_193 : memref<1x128x64xf32, #tpu.memory_space<vmem>> -> memref<128x64xf32, #tpu.memory_space<vmem>>
    %dma_wait3A_195 = arith.constant 0 : i32
    %dma_wait3A_196 = tpu.memref_slice %arg8[%dma_wait3A_189, %dma_wait3A_195] : memref<80x128xi32, #tpu.memory_space<vmem>> -> memref<1x128xi32, #tpu.memory_space<vmem>>
    %dma_wait3A_197 = tpu.memref_squeeze %dma_wait3A_196 : memref<1x128xi32, #tpu.memory_space<vmem>> -> memref<128xi32, #tpu.memory_space<vmem>>
    %dma_wait3A_198 = arith.constant 0 : i32
    %dma_wait3A_199 = arith.constant 0 : i32
    %dma_wait3A_200 = tpu.memref_slice %arg10[%dma_wait3A_198, %dma_wait3A_199] : memref<10240x64xf32, #tpu.memory_space<vmem_shared>> -> memref<10240x64xf32, #tpu.memory_space<vmem_shared>>
    %dma_wait3A_201 = tpu.memref_slice %arg12[%dma_wait3A_190] : memref<8x!tpu.dma_semaphore, #tpu.memory_space<semaphore_mem>> -> memref<1x!tpu.dma_semaphore, #tpu.memory_space<semaphore_mem>>
    %dma_wait3A_202 = tpu.memref_squeeze %dma_wait3A_201 : memref<1x!tpu.dma_semaphore, #tpu.memory_space<semaphore_mem>> -> memref<!tpu.dma_semaphore, #tpu.memory_space<semaphore_mem>>
    tpu.wait_indirect_dma semaphore(%dma_wait3A_202 : memref<!tpu.dma_semaphore, #tpu.memory_space<semaphore_mem>>) src(%dma_wait3A_194 : memref<128x64xf32, #tpu.memory_space<vmem>>) dst(%dma_wait3A_200 : memref<10240x64xf32, #tpu.memory_space<vmem_shared>>)
    %dma_wait3A_203 = arith.constant 5 : i32
    %dma_wait3A_204 = arith.constant 77 : i32
    %dma_wait3A_205 = arith.constant 5 : i32
    %dma_wait3A_206 = arith.constant 0 : i32
    %dma_wait3A_207 = arith.constant 0 : i32
    %dma_wait3A_208 = tpu.memref_slice %arg9[%dma_wait3A_203, %dma_wait3A_206, %dma_wait3A_207] : memref<8x128x64xf32, #tpu.memory_space<vmem>> -> memref<1x128x64xf32, #tpu.memory_space<vmem>>
    %dma_wait3A_209 = tpu.memref_squeeze %dma_wait3A_208 : memref<1x128x64xf32, #tpu.memory_space<vmem>> -> memref<128x64xf32, #tpu.memory_space<vmem>>
    %dma_wait3A_210 = arith.constant 0 : i32
    %dma_wait3A_211 = tpu.memref_slice %arg8[%dma_wait3A_204, %dma_wait3A_210] : memref<80x128xi32, #tpu.memory_space<vmem>> -> memref<1x128xi32, #tpu.memory_space<vmem>>
    %dma_wait3A_212 = tpu.memref_squeeze %dma_wait3A_211 : memref<1x128xi32, #tpu.memory_space<vmem>> -> memref<128xi32, #tpu.memory_space<vmem>>
    %dma_wait3A_213 = arith.constant 0 : i32
    %dma_wait3A_214 = arith.constant 0 : i32
    %dma_wait3A_215 = tpu.memref_slice %arg10[%dma_wait3A_213, %dma_wait3A_214] : memref<10240x64xf32, #tpu.memory_space<vmem_shared>> -> memref<10240x64xf32, #tpu.memory_space<vmem_shared>>
    %dma_wait3A_216 = tpu.memref_slice %arg12[%dma_wait3A_205] : memref<8x!tpu.dma_semaphore, #tpu.memory_space<semaphore_mem>> -> memref<1x!tpu.dma_semaphore, #tpu.memory_space<semaphore_mem>>
    %dma_wait3A_217 = tpu.memref_squeeze %dma_wait3A_216 : memref<1x!tpu.dma_semaphore, #tpu.memory_space<semaphore_mem>> -> memref<!tpu.dma_semaphore, #tpu.memory_space<semaphore_mem>>
    tpu.wait_indirect_dma semaphore(%dma_wait3A_217 : memref<!tpu.dma_semaphore, #tpu.memory_space<semaphore_mem>>) src(%dma_wait3A_209 : memref<128x64xf32, #tpu.memory_space<vmem>>) dst(%dma_wait3A_215 : memref<10240x64xf32, #tpu.memory_space<vmem_shared>>)
    %dma_wait3A_218 = arith.constant 6 : i32
    %dma_wait3A_219 = arith.constant 78 : i32
    %dma_wait3A_220 = arith.constant 6 : i32
    %dma_wait3A_221 = arith.constant 0 : i32
    %dma_wait3A_222 = arith.constant 0 : i32
    %dma_wait3A_223 = tpu.memref_slice %arg9[%dma_wait3A_218, %dma_wait3A_221, %dma_wait3A_222] : memref<8x128x64xf32, #tpu.memory_space<vmem>> -> memref<1x128x64xf32, #tpu.memory_space<vmem>>
    %dma_wait3A_224 = tpu.memref_squeeze %dma_wait3A_223 : memref<1x128x64xf32, #tpu.memory_space<vmem>> -> memref<128x64xf32, #tpu.memory_space<vmem>>
    %dma_wait3A_225 = arith.constant 0 : i32
    %dma_wait3A_226 = tpu.memref_slice %arg8[%dma_wait3A_219, %dma_wait3A_225] : memref<80x128xi32, #tpu.memory_space<vmem>> -> memref<1x128xi32, #tpu.memory_space<vmem>>
    %dma_wait3A_227 = tpu.memref_squeeze %dma_wait3A_226 : memref<1x128xi32, #tpu.memory_space<vmem>> -> memref<128xi32, #tpu.memory_space<vmem>>
    %dma_wait3A_228 = arith.constant 0 : i32
    %dma_wait3A_229 = arith.constant 0 : i32
    %dma_wait3A_230 = tpu.memref_slice %arg10[%dma_wait3A_228, %dma_wait3A_229] : memref<10240x64xf32, #tpu.memory_space<vmem_shared>> -> memref<10240x64xf32, #tpu.memory_space<vmem_shared>>
    %dma_wait3A_231 = tpu.memref_slice %arg12[%dma_wait3A_220] : memref<8x!tpu.dma_semaphore, #tpu.memory_space<semaphore_mem>> -> memref<1x!tpu.dma_semaphore, #tpu.memory_space<semaphore_mem>>
    %dma_wait3A_232 = tpu.memref_squeeze %dma_wait3A_231 : memref<1x!tpu.dma_semaphore, #tpu.memory_space<semaphore_mem>> -> memref<!tpu.dma_semaphore, #tpu.memory_space<semaphore_mem>>
    tpu.wait_indirect_dma semaphore(%dma_wait3A_232 : memref<!tpu.dma_semaphore, #tpu.memory_space<semaphore_mem>>) src(%dma_wait3A_224 : memref<128x64xf32, #tpu.memory_space<vmem>>) dst(%dma_wait3A_230 : memref<10240x64xf32, #tpu.memory_space<vmem_shared>>)
    %dma_wait3A_233 = arith.constant 7 : i32
    %dma_wait3A_234 = arith.constant 79 : i32
    %dma_wait3A_235 = arith.constant 7 : i32
    %dma_wait3A_236 = arith.constant 0 : i32
    %dma_wait3A_237 = arith.constant 0 : i32
    %dma_wait3A_238 = tpu.memref_slice %arg9[%dma_wait3A_233, %dma_wait3A_236, %dma_wait3A_237] : memref<8x128x64xf32, #tpu.memory_space<vmem>> -> memref<1x128x64xf32, #tpu.memory_space<vmem>>
    %dma_wait3A_239 = tpu.memref_squeeze %dma_wait3A_238 : memref<1x128x64xf32, #tpu.memory_space<vmem>> -> memref<128x64xf32, #tpu.memory_space<vmem>>
    %dma_wait3A_240 = arith.constant 0 : i32
    %dma_wait3A_241 = tpu.memref_slice %arg8[%dma_wait3A_234, %dma_wait3A_240] : memref<80x128xi32, #tpu.memory_space<vmem>> -> memref<1x128xi32, #tpu.memory_space<vmem>>
    %dma_wait3A_242 = tpu.memref_squeeze %dma_wait3A_241 : memref<1x128xi32, #tpu.memory_space<vmem>> -> memref<128xi32, #tpu.memory_space<vmem>>
    %dma_wait3A_243 = arith.constant 0 : i32
    %dma_wait3A_244 = arith.constant 0 : i32
    %dma_wait3A_245 = tpu.memref_slice %arg10[%dma_wait3A_243, %dma_wait3A_244] : memref<10240x64xf32, #tpu.memory_space<vmem_shared>> -> memref<10240x64xf32, #tpu.memory_space<vmem_shared>>
    %dma_wait3A_246 = tpu.memref_slice %arg12[%dma_wait3A_235] : memref<8x!tpu.dma_semaphore, #tpu.memory_space<semaphore_mem>> -> memref<1x!tpu.dma_semaphore, #tpu.memory_space<semaphore_mem>>
    %dma_wait3A_247 = tpu.memref_squeeze %dma_wait3A_246 : memref<1x!tpu.dma_semaphore, #tpu.memory_space<semaphore_mem>> -> memref<!tpu.dma_semaphore, #tpu.memory_space<semaphore_mem>>
    tpu.wait_indirect_dma semaphore(%dma_wait3A_247 : memref<!tpu.dma_semaphore, #tpu.memory_space<semaphore_mem>>) src(%dma_wait3A_239 : memref<128x64xf32, #tpu.memory_space<vmem>>) dst(%dma_wait3A_245 : memref<10240x64xf32, #tpu.memory_space<vmem_shared>>)
    %barrier3A_248 = arith.constant 0 : index
    tpu.barrier barrier_id(%barrier3A_248)
    %mul3A_249 = arith.constant 640 : i32
    %mul3A_250 = arith.muli %arg1, %mul3A_249 : i32
    %mul3A_251 = arith.constant 640 : i32
    %mul3A_252 = arith.muli %arg1, %mul3A_251 : i32
    "tpu.region"() ({
      %run_scoped3A = tpu.sem_alloc : memref<!tpu.dma_semaphore, #tpu.memory_space<semaphore_mem>>
      %dma_start3A_253 = arith.constant 0 : i32
      %dma_start3A_254 = tpu.memref_slice %arg6[%arg0, %mul3A_252, %dma_start3A_253] : memref<2x10240x64xf32, #tpu.memory_space<hbm>> -> memref<1x640x64xf32, #tpu.memory_space<hbm>>
      %dma_start3A_255 = tpu.memref_squeeze %dma_start3A_254 : memref<1x640x64xf32, #tpu.memory_space<hbm>> -> memref<640x64xf32, #tpu.memory_space<hbm>>
      %dma_start3A_256 = arith.constant 0 : i32
      %dma_start3A_257 = tpu.memref_slice %arg10[%mul3A_250, %dma_start3A_256] : memref<10240x64xf32, #tpu.memory_space<vmem_shared>> -> memref<640x64xf32, #tpu.memory_space<vmem_shared>>
      tpu.enqueue_dma source(%dma_start3A_257 : memref<640x64xf32, #tpu.memory_space<vmem_shared>>) target(%dma_start3A_255 : memref<640x64xf32, #tpu.memory_space<hbm>>) target_semaphore(%run_scoped3A : memref<!tpu.dma_semaphore, #tpu.memory_space<semaphore_mem>>)
      %dma_wait3A_258 = arith.constant 0 : i32
      %dma_wait3A_259 = tpu.memref_slice %arg6[%arg0, %mul3A_252, %dma_wait3A_258] : memref<2x10240x64xf32, #tpu.memory_space<hbm>> -> memref<1x640x64xf32, #tpu.memory_space<hbm>>
      %dma_wait3A_260 = tpu.memref_squeeze %dma_wait3A_259 : memref<1x640x64xf32, #tpu.memory_space<hbm>> -> memref<640x64xf32, #tpu.memory_space<hbm>>
      %dma_wait3A_261 = arith.constant 0 : i32
      %dma_wait3A_262 = tpu.memref_slice %arg10[%mul3A_250, %dma_wait3A_261] : memref<10240x64xf32, #tpu.memory_space<vmem_shared>> -> memref<640x64xf32, #tpu.memory_space<vmem_shared>>
      tpu.wait_dma2 semaphore(%run_scoped3A : memref<!tpu.dma_semaphore, #tpu.memory_space<semaphore_mem>>) src(%dma_wait3A_262 : memref<640x64xf32, #tpu.memory_space<vmem_shared>>) dst(%dma_wait3A_260 : memref<640x64xf32, #tpu.memory_space<hbm>>)
      tpu.yield
    }) : () -> ()
    return
  }
}

#map = affine_map<(d0, d1) -> (0, 0)>
#map1 = affine_map<(d0, d1) -> (0, 0, 0)>
module attributes {stable_mosaic.version = 14 : i64} {
  func.func @scat(%arg0: i32, %arg1: i32, %arg2: memref<10000x64xf32, #tpu.memory_space<hbm>>, %arg3: memref<32x80x128xi32, #tpu.memory_space<hbm>>, %arg4: memref<32x80x128xi32, #tpu.memory_space<hbm>>, %arg5: memref<10240x64xf32, #tpu.memory_space<hbm>>, %arg6: memref<2x10240x64xf32, #tpu.memory_space<hbm>>, %arg7: memref<80x128xi32, #tpu.memory_space<vmem>>, %arg8: memref<80x128xi32, #tpu.memory_space<vmem>>, %arg9: memref<8x128x64xf32, #tpu.memory_space<vmem>>, %arg10: memref<10240x64xf32, #tpu.memory_space<vmem_shared>>, %arg11: memref<8x!tpu.dma_semaphore, #tpu.memory_space<semaphore_mem>>, %arg12: memref<8x!tpu.dma_semaphore, #tpu.memory_space<semaphore_mem>>) attributes {dimension_semantics = [#tpu.dimension_semantics<core_parallel>, #tpu.dimension_semantics<subcore_parallel>], iteration_bounds = array<i64: 2, 16>, scalar_prefetch = 0 : i64, scratch_operands = 6 : i64, tpu.core_type = #tpu.core_type<sc_vector_subcore>, window_params = [{transform_indices = #map}, {transform_indices = #map1}, {transform_indices = #map1}, {transform_indices = #map}, {transform_indices = #map1}]} {
    %mul3A = arith.constant 2 : i32
    %mul3A_0 = arith.muli %arg1, %mul3A : i32
    %add3A = arith.addi %mul3A_0, %arg0 : i32
    %mul3A_1 = arith.constant 640 : i32
    %mul3A_2 = arith.muli %arg1, %mul3A_1 : i32
    %mul3A_3 = arith.constant 640 : i32
    %mul3A_4 = arith.muli %arg1, %mul3A_3 : i32
    "tpu.region"() ({
      %run_scoped3A = tpu.sem_alloc : memref<!tpu.dma_semaphore, #tpu.memory_space<semaphore_mem>>
      %dma_start3A_253 = arith.constant 0 : i32
      %dma_start3A_254 = tpu.memref_slice %arg10[%mul3A_4, %dma_start3A_253] : memref<10240x64xf32, #tpu.memory_space<vmem_shared>> -> memref<640x64xf32, #tpu.memory_space<vmem_shared>>
      %dma_start3A_255 = arith.constant 0 : i32
      %dma_start3A_256 = tpu.memref_slice %arg5[%mul3A_2, %dma_start3A_255] : memref<10240x64xf32, #tpu.memory_space<hbm>> -> memref<640x64xf32, #tpu.memory_space<hbm>>
      tpu.enqueue_dma source(%dma_start3A_256 : memref<640x64xf32, #tpu.memory_space<hbm>>) target(%dma_start3A_254 : memref<640x64xf32, #tpu.memory_space<vmem_shared>>) target_semaphore(%run_scoped3A : memref<!tpu.dma_semaphore, #tpu.memory_space<semaphore_mem>>)
      %dma_wait3A_257 = arith.constant 0 : i32
      %dma_wait3A_258 = tpu.memref_slice %arg10[%mul3A_4, %dma_wait3A_257] : memref<10240x64xf32, #tpu.memory_space<vmem_shared>> -> memref<640x64xf32, #tpu.memory_space<vmem_shared>>
      %dma_wait3A_259 = arith.constant 0 : i32
      %dma_wait3A_260 = tpu.memref_slice %arg5[%mul3A_2, %dma_wait3A_259] : memref<10240x64xf32, #tpu.memory_space<hbm>> -> memref<640x64xf32, #tpu.memory_space<hbm>>
      tpu.wait_dma2 semaphore(%run_scoped3A : memref<!tpu.dma_semaphore, #tpu.memory_space<semaphore_mem>>) src(%dma_wait3A_260 : memref<640x64xf32, #tpu.memory_space<hbm>>) dst(%dma_wait3A_258 : memref<640x64xf32, #tpu.memory_space<vmem_shared>>)
      tpu.yield
    }) : () -> ()
    "tpu.region"() ({
      %run_scoped3A = tpu.sem_alloc : memref<!tpu.dma_semaphore, #tpu.memory_space<semaphore_mem>>
      %dma_start3A_253 = arith.constant 0 : i32
      %dma_start3A_254 = arith.constant 0 : i32
      %dma_start3A_255 = tpu.memref_slice %arg3[%add3A, %dma_start3A_253, %dma_start3A_254] : memref<32x80x128xi32, #tpu.memory_space<hbm>> -> memref<1x80x128xi32, #tpu.memory_space<hbm>>
      %dma_start3A_256 = tpu.memref_squeeze %dma_start3A_255 : memref<1x80x128xi32, #tpu.memory_space<hbm>> -> memref<80x128xi32, #tpu.memory_space<hbm>>
      %dma_start3A_257 = arith.constant 0 : i32
      %dma_start3A_258 = arith.constant 0 : i32
      %dma_start3A_259 = tpu.memref_slice %arg3[%add3A, %dma_start3A_257, %dma_start3A_258] : memref<32x80x128xi32, #tpu.memory_space<hbm>> -> memref<1x80x128xi32, #tpu.memory_space<hbm>>
      %dma_start3A_260 = tpu.memref_squeeze %dma_start3A_259 : memref<1x80x128xi32, #tpu.memory_space<hbm>> -> memref<80x128xi32, #tpu.memory_space<hbm>>
      tpu.enqueue_dma source(%dma_start3A_260 : memref<80x128xi32, #tpu.memory_space<hbm>>) target(%arg7 : memref<80x128xi32, #tpu.memory_space<vmem>>) target_semaphore(%run_scoped3A : memref<!tpu.dma_semaphore, #tpu.memory_space<semaphore_mem>>)
      %dma_wait3A_261 = arith.constant 0 : i32
      %dma_wait3A_262 = arith.constant 0 : i32
      %dma_wait3A_263 = tpu.memref_slice %arg3[%add3A, %dma_wait3A_261, %dma_wait3A_262] : memref<32x80x128xi32, #tpu.memory_space<hbm>> -> memref<1x80x128xi32, #tpu.memory_space<hbm>>
      %dma_wait3A_264 = tpu.memref_squeeze %dma_wait3A_263 : memref<1x80x128xi32, #tpu.memory_space<hbm>> -> memref<80x128xi32, #tpu.memory_space<hbm>>
      %dma_wait3A_265 = arith.constant 0 : i32
      %dma_wait3A_266 = arith.constant 0 : i32
      %dma_wait3A_267 = tpu.memref_slice %arg3[%add3A, %dma_wait3A_265, %dma_wait3A_266] : memref<32x80x128xi32, #tpu.memory_space<hbm>> -> memref<1x80x128xi32, #tpu.memory_space<hbm>>
      %dma_wait3A_268 = tpu.memref_squeeze %dma_wait3A_267 : memref<1x80x128xi32, #tpu.memory_space<hbm>> -> memref<80x128xi32, #tpu.memory_space<hbm>>
      tpu.wait_dma2 semaphore(%run_scoped3A : memref<!tpu.dma_semaphore, #tpu.memory_space<semaphore_mem>>) src(%dma_wait3A_268 : memref<80x128xi32, #tpu.memory_space<hbm>>) dst(%arg7 : memref<80x128xi32, #tpu.memory_space<vmem>>)
      tpu.yield
    }) : () -> ()
    "tpu.region"() ({
      %run_scoped3A = tpu.sem_alloc : memref<!tpu.dma_semaphore, #tpu.memory_space<semaphore_mem>>
      %dma_start3A_253 = arith.constant 0 : i32
      %dma_start3A_254 = arith.constant 0 : i32
      %dma_start3A_255 = tpu.memref_slice %arg4[%add3A, %dma_start3A_253, %dma_start3A_254] : memref<32x80x128xi32, #tpu.memory_space<hbm>> -> memref<1x80x128xi32, #tpu.memory_space<hbm>>
      %dma_start3A_256 = tpu.memref_squeeze %dma_start3A_255 : memref<1x80x128xi32, #tpu.memory_space<hbm>> -> memref<80x128xi32, #tpu.memory_space<hbm>>
      %dma_start3A_257 = arith.constant 0 : i32
      %dma_start3A_258 = arith.constant 0 : i32
      %dma_start3A_259 = tpu.memref_slice %arg4[%add3A, %dma_start3A_257, %dma_start3A_258] : memref<32x80x128xi32, #tpu.memory_space<hbm>> -> memref<1x80x128xi32, #tpu.memory_space<hbm>>
      %dma_start3A_260 = tpu.memref_squeeze %dma_start3A_259 : memref<1x80x128xi32, #tpu.memory_space<hbm>> -> memref<80x128xi32, #tpu.memory_space<hbm>>
      tpu.enqueue_dma source(%dma_start3A_260 : memref<80x128xi32, #tpu.memory_space<hbm>>) target(%arg8 : memref<80x128xi32, #tpu.memory_space<vmem>>) target_semaphore(%run_scoped3A : memref<!tpu.dma_semaphore, #tpu.memory_space<semaphore_mem>>)
      %dma_wait3A_261 = arith.constant 0 : i32
      %dma_wait3A_262 = arith.constant 0 : i32
      %dma_wait3A_263 = tpu.memref_slice %arg4[%add3A, %dma_wait3A_261, %dma_wait3A_262] : memref<32x80x128xi32, #tpu.memory_space<hbm>> -> memref<1x80x128xi32, #tpu.memory_space<hbm>>
      %dma_wait3A_264 = tpu.memref_squeeze %dma_wait3A_263 : memref<1x80x128xi32, #tpu.memory_space<hbm>> -> memref<80x128xi32, #tpu.memory_space<hbm>>
      %dma_wait3A_265 = arith.constant 0 : i32
      %dma_wait3A_266 = arith.constant 0 : i32
      %dma_wait3A_267 = tpu.memref_slice %arg4[%add3A, %dma_wait3A_265, %dma_wait3A_266] : memref<32x80x128xi32, #tpu.memory_space<hbm>> -> memref<1x80x128xi32, #tpu.memory_space<hbm>>
      %dma_wait3A_268 = tpu.memref_squeeze %dma_wait3A_267 : memref<1x80x128xi32, #tpu.memory_space<hbm>> -> memref<80x128xi32, #tpu.memory_space<hbm>>
      tpu.wait_dma2 semaphore(%run_scoped3A : memref<!tpu.dma_semaphore, #tpu.memory_space<semaphore_mem>>) src(%dma_wait3A_268 : memref<80x128xi32, #tpu.memory_space<hbm>>) dst(%arg8 : memref<80x128xi32, #tpu.memory_space<vmem>>)
      tpu.yield
    }) : () -> ()
    %barrier3A = arith.constant 0 : index
    tpu.barrier barrier_id(%barrier3A)
    %dma_start3A = arith.constant 0 : i32
    %dma_start3A_5 = arith.constant 0 : i32
    %dma_start3A_6 = arith.constant 0 : i32
    %dma_start3A_7 = arith.constant 0 : i32
    %dma_start3A_8 = arith.constant 0 : i32
    %dma_start3A_9 = tpu.memref_slice %arg9[%dma_start3A_5, %dma_start3A_7, %dma_start3A_8] : memref<8x128x64xf32, #tpu.memory_space<vmem>> -> memref<1x128x64xf32, #tpu.memory_space<vmem>>
    %dma_start3A_10 = tpu.memref_squeeze %dma_start3A_9 : memref<1x128x64xf32, #tpu.memory_space<vmem>> -> memref<128x64xf32, #tpu.memory_space<vmem>>
    %dma_start3A_11 = arith.constant 0 : i32
    %dma_start3A_12 = tpu.memref_slice %arg7[%dma_start3A, %dma_start3A_11] : memref<80x128xi32, #tpu.memory_space<vmem>> -> memref<1x128xi32, #tpu.memory_space<vmem>>
    %dma_start3A_13 = tpu.memref_squeeze %dma_start3A_12 : memref<1x128xi32, #tpu.memory_space<vmem>> -> memref<128xi32, #tpu.memory_space<vmem>>
    %dma_start3A_14 = arith.constant 0 : i32
    %dma_start3A_15 = arith.constant 0 : i32
    %dma_start3A_16 = tpu.memref_slice %arg2[%dma_start3A_14, %dma_start3A_15] : memref<10000x64xf32, #tpu.memory_space<hbm>> -> memref<10000x64xf32, #tpu.memory_space<hbm>>
    %dma_start3A_17 = tpu.memref_slice %arg11[%dma_start3A_6] : memref<8x!tpu.dma_semaphore, #tpu.memory_space<semaphore_mem>> -> memref<1x!tpu.dma_semaphore, #tpu.memory_space<semaphore_mem>>
    %dma_start3A_18 = tpu.memref_squeeze %dma_start3A_17 : memref<1x!tpu.dma_semaphore, #tpu.memory_space<semaphore_mem>> -> memref<!tpu.dma_semaphore, #tpu.memory_space<semaphore_mem>>
    tpu.enqueue_indirect_dma source(%dma_start3A_16 : memref<10000x64xf32, #tpu.memory_space<hbm>>) target(%dma_start3A_10 : memref<128x64xf32, #tpu.memory_space<vmem>>) offsets(%dma_start3A_13 : memref<128xi32, #tpu.memory_space<vmem>>) semaphore(%dma_start3A_18 : memref<!tpu.dma_semaphore, #tpu.memory_space<semaphore_mem>>)
    %dma_start3A_19 = arith.constant 1 : i32
    %dma_start3A_20 = arith.constant 1 : i32
    %dma_start3A_21 = arith.constant 1 : i32
    %dma_start3A_22 = arith.constant 0 : i32
    %dma_start3A_23 = arith.constant 0 : i32
    %dma_start3A_24 = tpu.memref_slice %arg9[%dma_start3A_20, %dma_start3A_22, %dma_start3A_23] : memref<8x128x64xf32, #tpu.memory_space<vmem>> -> memref<1x128x64xf32, #tpu.memory_space<vmem>>
    %dma_start3A_25 = tpu.memref_squeeze %dma_start3A_24 : memref<1x128x64xf32, #tpu.memory_space<vmem>> -> memref<128x64xf32, #tpu.memory_space<vmem>>
    %dma_start3A_26 = arith.constant 0 : i32
    %dma_start3A_27 = tpu.memref_slice %arg7[%dma_start3A_19, %dma_start3A_26] : memref<80x128xi32, #tpu.memory_space<vmem>> -> memref<1x128xi32, #tpu.memory_space<vmem>>
    %dma_start3A_28 = tpu.memref_squeeze %dma_start3A_27 : memref<1x128xi32, #tpu.memory_space<vmem>> -> memref<128xi32, #tpu.memory_space<vmem>>
    %dma_start3A_29 = arith.constant 0 : i32
    %dma_start3A_30 = arith.constant 0 : i32
    %dma_start3A_31 = tpu.memref_slice %arg2[%dma_start3A_29, %dma_start3A_30] : memref<10000x64xf32, #tpu.memory_space<hbm>> -> memref<10000x64xf32, #tpu.memory_space<hbm>>
    %dma_start3A_32 = tpu.memref_slice %arg11[%dma_start3A_21] : memref<8x!tpu.dma_semaphore, #tpu.memory_space<semaphore_mem>> -> memref<1x!tpu.dma_semaphore, #tpu.memory_space<semaphore_mem>>
    %dma_start3A_33 = tpu.memref_squeeze %dma_start3A_32 : memref<1x!tpu.dma_semaphore, #tpu.memory_space<semaphore_mem>> -> memref<!tpu.dma_semaphore, #tpu.memory_space<semaphore_mem>>
    tpu.enqueue_indirect_dma source(%dma_start3A_31 : memref<10000x64xf32, #tpu.memory_space<hbm>>) target(%dma_start3A_25 : memref<128x64xf32, #tpu.memory_space<vmem>>) offsets(%dma_start3A_28 : memref<128xi32, #tpu.memory_space<vmem>>) semaphore(%dma_start3A_33 : memref<!tpu.dma_semaphore, #tpu.memory_space<semaphore_mem>>)
    %dma_start3A_34 = arith.constant 2 : i32
    %dma_start3A_35 = arith.constant 2 : i32
    %dma_start3A_36 = arith.constant 2 : i32
    %dma_start3A_37 = arith.constant 0 : i32
    %dma_start3A_38 = arith.constant 0 : i32
    %dma_start3A_39 = tpu.memref_slice %arg9[%dma_start3A_35, %dma_start3A_37, %dma_start3A_38] : memref<8x128x64xf32, #tpu.memory_space<vmem>> -> memref<1x128x64xf32, #tpu.memory_space<vmem>>
    %dma_start3A_40 = tpu.memref_squeeze %dma_start3A_39 : memref<1x128x64xf32, #tpu.memory_space<vmem>> -> memref<128x64xf32, #tpu.memory_space<vmem>>
    %dma_start3A_41 = arith.constant 0 : i32
    %dma_start3A_42 = tpu.memref_slice %arg7[%dma_start3A_34, %dma_start3A_41] : memref<80x128xi32, #tpu.memory_space<vmem>> -> memref<1x128xi32, #tpu.memory_space<vmem>>
    %dma_start3A_43 = tpu.memref_squeeze %dma_start3A_42 : memref<1x128xi32, #tpu.memory_space<vmem>> -> memref<128xi32, #tpu.memory_space<vmem>>
    %dma_start3A_44 = arith.constant 0 : i32
    %dma_start3A_45 = arith.constant 0 : i32
    %dma_start3A_46 = tpu.memref_slice %arg2[%dma_start3A_44, %dma_start3A_45] : memref<10000x64xf32, #tpu.memory_space<hbm>> -> memref<10000x64xf32, #tpu.memory_space<hbm>>
    %dma_start3A_47 = tpu.memref_slice %arg11[%dma_start3A_36] : memref<8x!tpu.dma_semaphore, #tpu.memory_space<semaphore_mem>> -> memref<1x!tpu.dma_semaphore, #tpu.memory_space<semaphore_mem>>
    %dma_start3A_48 = tpu.memref_squeeze %dma_start3A_47 : memref<1x!tpu.dma_semaphore, #tpu.memory_space<semaphore_mem>> -> memref<!tpu.dma_semaphore, #tpu.memory_space<semaphore_mem>>
    tpu.enqueue_indirect_dma source(%dma_start3A_46 : memref<10000x64xf32, #tpu.memory_space<hbm>>) target(%dma_start3A_40 : memref<128x64xf32, #tpu.memory_space<vmem>>) offsets(%dma_start3A_43 : memref<128xi32, #tpu.memory_space<vmem>>) semaphore(%dma_start3A_48 : memref<!tpu.dma_semaphore, #tpu.memory_space<semaphore_mem>>)
    %dma_start3A_49 = arith.constant 3 : i32
    %dma_start3A_50 = arith.constant 3 : i32
    %dma_start3A_51 = arith.constant 3 : i32
    %dma_start3A_52 = arith.constant 0 : i32
    %dma_start3A_53 = arith.constant 0 : i32
    %dma_start3A_54 = tpu.memref_slice %arg9[%dma_start3A_50, %dma_start3A_52, %dma_start3A_53] : memref<8x128x64xf32, #tpu.memory_space<vmem>> -> memref<1x128x64xf32, #tpu.memory_space<vmem>>
    %dma_start3A_55 = tpu.memref_squeeze %dma_start3A_54 : memref<1x128x64xf32, #tpu.memory_space<vmem>> -> memref<128x64xf32, #tpu.memory_space<vmem>>
    %dma_start3A_56 = arith.constant 0 : i32
    %dma_start3A_57 = tpu.memref_slice %arg7[%dma_start3A_49, %dma_start3A_56] : memref<80x128xi32, #tpu.memory_space<vmem>> -> memref<1x128xi32, #tpu.memory_space<vmem>>
    %dma_start3A_58 = tpu.memref_squeeze %dma_start3A_57 : memref<1x128xi32, #tpu.memory_space<vmem>> -> memref<128xi32, #tpu.memory_space<vmem>>
    %dma_start3A_59 = arith.constant 0 : i32
    %dma_start3A_60 = arith.constant 0 : i32
    %dma_start3A_61 = tpu.memref_slice %arg2[%dma_start3A_59, %dma_start3A_60] : memref<10000x64xf32, #tpu.memory_space<hbm>> -> memref<10000x64xf32, #tpu.memory_space<hbm>>
    %dma_start3A_62 = tpu.memref_slice %arg11[%dma_start3A_51] : memref<8x!tpu.dma_semaphore, #tpu.memory_space<semaphore_mem>> -> memref<1x!tpu.dma_semaphore, #tpu.memory_space<semaphore_mem>>
    %dma_start3A_63 = tpu.memref_squeeze %dma_start3A_62 : memref<1x!tpu.dma_semaphore, #tpu.memory_space<semaphore_mem>> -> memref<!tpu.dma_semaphore, #tpu.memory_space<semaphore_mem>>
    tpu.enqueue_indirect_dma source(%dma_start3A_61 : memref<10000x64xf32, #tpu.memory_space<hbm>>) target(%dma_start3A_55 : memref<128x64xf32, #tpu.memory_space<vmem>>) offsets(%dma_start3A_58 : memref<128xi32, #tpu.memory_space<vmem>>) semaphore(%dma_start3A_63 : memref<!tpu.dma_semaphore, #tpu.memory_space<semaphore_mem>>)
    %dma_start3A_64 = arith.constant 4 : i32
    %dma_start3A_65 = arith.constant 4 : i32
    %dma_start3A_66 = arith.constant 4 : i32
    %dma_start3A_67 = arith.constant 0 : i32
    %dma_start3A_68 = arith.constant 0 : i32
    %dma_start3A_69 = tpu.memref_slice %arg9[%dma_start3A_65, %dma_start3A_67, %dma_start3A_68] : memref<8x128x64xf32, #tpu.memory_space<vmem>> -> memref<1x128x64xf32, #tpu.memory_space<vmem>>
    %dma_start3A_70 = tpu.memref_squeeze %dma_start3A_69 : memref<1x128x64xf32, #tpu.memory_space<vmem>> -> memref<128x64xf32, #tpu.memory_space<vmem>>
    %dma_start3A_71 = arith.constant 0 : i32
    %dma_start3A_72 = tpu.memref_slice %arg7[%dma_start3A_64, %dma_start3A_71] : memref<80x128xi32, #tpu.memory_space<vmem>> -> memref<1x128xi32, #tpu.memory_space<vmem>>
    %dma_start3A_73 = tpu.memref_squeeze %dma_start3A_72 : memref<1x128xi32, #tpu.memory_space<vmem>> -> memref<128xi32, #tpu.memory_space<vmem>>
    %dma_start3A_74 = arith.constant 0 : i32
    %dma_start3A_75 = arith.constant 0 : i32
    %dma_start3A_76 = tpu.memref_slice %arg2[%dma_start3A_74, %dma_start3A_75] : memref<10000x64xf32, #tpu.memory_space<hbm>> -> memref<10000x64xf32, #tpu.memory_space<hbm>>
    %dma_start3A_77 = tpu.memref_slice %arg11[%dma_start3A_66] : memref<8x!tpu.dma_semaphore, #tpu.memory_space<semaphore_mem>> -> memref<1x!tpu.dma_semaphore, #tpu.memory_space<semaphore_mem>>
    %dma_start3A_78 = tpu.memref_squeeze %dma_start3A_77 : memref<1x!tpu.dma_semaphore, #tpu.memory_space<semaphore_mem>> -> memref<!tpu.dma_semaphore, #tpu.memory_space<semaphore_mem>>
    tpu.enqueue_indirect_dma source(%dma_start3A_76 : memref<10000x64xf32, #tpu.memory_space<hbm>>) target(%dma_start3A_70 : memref<128x64xf32, #tpu.memory_space<vmem>>) offsets(%dma_start3A_73 : memref<128xi32, #tpu.memory_space<vmem>>) semaphore(%dma_start3A_78 : memref<!tpu.dma_semaphore, #tpu.memory_space<semaphore_mem>>)
    %dma_start3A_79 = arith.constant 5 : i32
    %dma_start3A_80 = arith.constant 5 : i32
    %dma_start3A_81 = arith.constant 5 : i32
    %dma_start3A_82 = arith.constant 0 : i32
    %dma_start3A_83 = arith.constant 0 : i32
    %dma_start3A_84 = tpu.memref_slice %arg9[%dma_start3A_80, %dma_start3A_82, %dma_start3A_83] : memref<8x128x64xf32, #tpu.memory_space<vmem>> -> memref<1x128x64xf32, #tpu.memory_space<vmem>>
    %dma_start3A_85 = tpu.memref_squeeze %dma_start3A_84 : memref<1x128x64xf32, #tpu.memory_space<vmem>> -> memref<128x64xf32, #tpu.memory_space<vmem>>
    %dma_start3A_86 = arith.constant 0 : i32
    %dma_start3A_87 = tpu.memref_slice %arg7[%dma_start3A_79, %dma_start3A_86] : memref<80x128xi32, #tpu.memory_space<vmem>> -> memref<1x128xi32, #tpu.memory_space<vmem>>
    %dma_start3A_88 = tpu.memref_squeeze %dma_start3A_87 : memref<1x128xi32, #tpu.memory_space<vmem>> -> memref<128xi32, #tpu.memory_space<vmem>>
    %dma_start3A_89 = arith.constant 0 : i32
    %dma_start3A_90 = arith.constant 0 : i32
    %dma_start3A_91 = tpu.memref_slice %arg2[%dma_start3A_89, %dma_start3A_90] : memref<10000x64xf32, #tpu.memory_space<hbm>> -> memref<10000x64xf32, #tpu.memory_space<hbm>>
    %dma_start3A_92 = tpu.memref_slice %arg11[%dma_start3A_81] : memref<8x!tpu.dma_semaphore, #tpu.memory_space<semaphore_mem>> -> memref<1x!tpu.dma_semaphore, #tpu.memory_space<semaphore_mem>>
    %dma_start3A_93 = tpu.memref_squeeze %dma_start3A_92 : memref<1x!tpu.dma_semaphore, #tpu.memory_space<semaphore_mem>> -> memref<!tpu.dma_semaphore, #tpu.memory_space<semaphore_mem>>
    tpu.enqueue_indirect_dma source(%dma_start3A_91 : memref<10000x64xf32, #tpu.memory_space<hbm>>) target(%dma_start3A_85 : memref<128x64xf32, #tpu.memory_space<vmem>>) offsets(%dma_start3A_88 : memref<128xi32, #tpu.memory_space<vmem>>) semaphore(%dma_start3A_93 : memref<!tpu.dma_semaphore, #tpu.memory_space<semaphore_mem>>)
    %dma_start3A_94 = arith.constant 6 : i32
    %dma_start3A_95 = arith.constant 6 : i32
    %dma_start3A_96 = arith.constant 6 : i32
    %dma_start3A_97 = arith.constant 0 : i32
    %dma_start3A_98 = arith.constant 0 : i32
    %dma_start3A_99 = tpu.memref_slice %arg9[%dma_start3A_95, %dma_start3A_97, %dma_start3A_98] : memref<8x128x64xf32, #tpu.memory_space<vmem>> -> memref<1x128x64xf32, #tpu.memory_space<vmem>>
    %dma_start3A_100 = tpu.memref_squeeze %dma_start3A_99 : memref<1x128x64xf32, #tpu.memory_space<vmem>> -> memref<128x64xf32, #tpu.memory_space<vmem>>
    %dma_start3A_101 = arith.constant 0 : i32
    %dma_start3A_102 = tpu.memref_slice %arg7[%dma_start3A_94, %dma_start3A_101] : memref<80x128xi32, #tpu.memory_space<vmem>> -> memref<1x128xi32, #tpu.memory_space<vmem>>
    %dma_start3A_103 = tpu.memref_squeeze %dma_start3A_102 : memref<1x128xi32, #tpu.memory_space<vmem>> -> memref<128xi32, #tpu.memory_space<vmem>>
    %dma_start3A_104 = arith.constant 0 : i32
    %dma_start3A_105 = arith.constant 0 : i32
    %dma_start3A_106 = tpu.memref_slice %arg2[%dma_start3A_104, %dma_start3A_105] : memref<10000x64xf32, #tpu.memory_space<hbm>> -> memref<10000x64xf32, #tpu.memory_space<hbm>>
    %dma_start3A_107 = tpu.memref_slice %arg11[%dma_start3A_96] : memref<8x!tpu.dma_semaphore, #tpu.memory_space<semaphore_mem>> -> memref<1x!tpu.dma_semaphore, #tpu.memory_space<semaphore_mem>>
    %dma_start3A_108 = tpu.memref_squeeze %dma_start3A_107 : memref<1x!tpu.dma_semaphore, #tpu.memory_space<semaphore_mem>> -> memref<!tpu.dma_semaphore, #tpu.memory_space<semaphore_mem>>
    tpu.enqueue_indirect_dma source(%dma_start3A_106 : memref<10000x64xf32, #tpu.memory_space<hbm>>) target(%dma_start3A_100 : memref<128x64xf32, #tpu.memory_space<vmem>>) offsets(%dma_start3A_103 : memref<128xi32, #tpu.memory_space<vmem>>) semaphore(%dma_start3A_108 : memref<!tpu.dma_semaphore, #tpu.memory_space<semaphore_mem>>)
    %dma_start3A_109 = arith.constant 7 : i32
    %dma_start3A_110 = arith.constant 7 : i32
    %dma_start3A_111 = arith.constant 7 : i32
    %dma_start3A_112 = arith.constant 0 : i32
    %dma_start3A_113 = arith.constant 0 : i32
    %dma_start3A_114 = tpu.memref_slice %arg9[%dma_start3A_110, %dma_start3A_112, %dma_start3A_113] : memref<8x128x64xf32, #tpu.memory_space<vmem>> -> memref<1x128x64xf32, #tpu.memory_space<vmem>>
    %dma_start3A_115 = tpu.memref_squeeze %dma_start3A_114 : memref<1x128x64xf32, #tpu.memory_space<vmem>> -> memref<128x64xf32, #tpu.memory_space<vmem>>
    %dma_start3A_116 = arith.constant 0 : i32
    %dma_start3A_117 = tpu.memref_slice %arg7[%dma_start3A_109, %dma_start3A_116] : memref<80x128xi32, #tpu.memory_space<vmem>> -> memref<1x128xi32, #tpu.memory_space<vmem>>
    %dma_start3A_118 = tpu.memref_squeeze %dma_start3A_117 : memref<1x128xi32, #tpu.memory_space<vmem>> -> memref<128xi32, #tpu.memory_space<vmem>>
    %dma_start3A_119 = arith.constant 0 : i32
    %dma_start3A_120 = arith.constant 0 : i32
    %dma_start3A_121 = tpu.memref_slice %arg2[%dma_start3A_119, %dma_start3A_120] : memref<10000x64xf32, #tpu.memory_space<hbm>> -> memref<10000x64xf32, #tpu.memory_space<hbm>>
    %dma_start3A_122 = tpu.memref_slice %arg11[%dma_start3A_111] : memref<8x!tpu.dma_semaphore, #tpu.memory_space<semaphore_mem>> -> memref<1x!tpu.dma_semaphore, #tpu.memory_space<semaphore_mem>>
    %dma_start3A_123 = tpu.memref_squeeze %dma_start3A_122 : memref<1x!tpu.dma_semaphore, #tpu.memory_space<semaphore_mem>> -> memref<!tpu.dma_semaphore, #tpu.memory_space<semaphore_mem>>
    tpu.enqueue_indirect_dma source(%dma_start3A_121 : memref<10000x64xf32, #tpu.memory_space<hbm>>) target(%dma_start3A_115 : memref<128x64xf32, #tpu.memory_space<vmem>>) offsets(%dma_start3A_118 : memref<128xi32, #tpu.memory_space<vmem>>) semaphore(%dma_start3A_123 : memref<!tpu.dma_semaphore, #tpu.memory_space<semaphore_mem>>)
    %scan3A = arith.constant 0 : i32
    %scan3A_124 = arith.constant 0 : i32
    %scan3A_125 = arith.constant 10 : i32
    %scan3A_126 = arith.addi %scan3A_124, %scan3A_125 : i32
    %scan3A_127 = arith.constant 1 : i32
    scf.for %scan3A_253 = %scan3A_124 to %scan3A_126 step %scan3A_127  : i32 {
      %mul3A_254 = arith.constant 8 : i32
      %mul3A_255 = arith.muli %scan3A_253, %mul3A_254 : i32
      %add3A_256 = arith.constant 0 : i32
      %add3A_257 = arith.addi %mul3A_255, %add3A_256 : i32
      %dma_wait3A_258 = arith.constant 0 : i32
      %dma_wait3A_259 = arith.constant 0 : i32
      %dma_wait3A_260 = arith.constant 0 : i32
      %dma_wait3A_261 = arith.constant 0 : i32
      %dma_wait3A_262 = tpu.memref_slice %arg9[%dma_wait3A_258, %dma_wait3A_260, %dma_wait3A_261] : memref<8x128x64xf32, #tpu.memory_space<vmem>> -> memref<1x128x64xf32, #tpu.memory_space<vmem>>
      %dma_wait3A_263 = tpu.memref_squeeze %dma_wait3A_262 : memref<1x128x64xf32, #tpu.memory_space<vmem>> -> memref<128x64xf32, #tpu.memory_space<vmem>>
      %dma_wait3A_264 = arith.constant 0 : i32
      %dma_wait3A_265 = tpu.memref_slice %arg7[%add3A_257, %dma_wait3A_264] : memref<80x128xi32, #tpu.memory_space<vmem>> -> memref<1x128xi32, #tpu.memory_space<vmem>>
      %dma_wait3A_266 = tpu.memref_squeeze %dma_wait3A_265 : memref<1x128xi32, #tpu.memory_space<vmem>> -> memref<128xi32, #tpu.memory_space<vmem>>
      %dma_wait3A_267 = arith.constant 0 : i32
      %dma_wait3A_268 = arith.constant 0 : i32
      %dma_wait3A_269 = tpu.memref_slice %arg2[%dma_wait3A_267, %dma_wait3A_268] : memref<10000x64xf32, #tpu.memory_space<hbm>> -> memref<10000x64xf32, #tpu.memory_space<hbm>>
      %dma_wait3A_270 = tpu.memref_slice %arg11[%dma_wait3A_259] : memref<8x!tpu.dma_semaphore, #tpu.memory_space<semaphore_mem>> -> memref<1x!tpu.dma_semaphore, #tpu.memory_space<semaphore_mem>>
      %dma_wait3A_271 = tpu.memref_squeeze %dma_wait3A_270 : memref<1x!tpu.dma_semaphore, #tpu.memory_space<semaphore_mem>> -> memref<!tpu.dma_semaphore, #tpu.memory_space<semaphore_mem>>
      tpu.wait_indirect_dma semaphore(%dma_wait3A_271 : memref<!tpu.dma_semaphore, #tpu.memory_space<semaphore_mem>>) src(%dma_wait3A_269 : memref<10000x64xf32, #tpu.memory_space<hbm>>) dst(%dma_wait3A_263 : memref<128x64xf32, #tpu.memory_space<vmem>>)
      %dma_start3A_272 = arith.constant 0 : i32
      %dma_start3A_273 = arith.constant 0 : i32
      %dma_start3A_274 = arith.constant 0 : i32
      %dma_start3A_275 = arith.constant 0 : i32
      %dma_start3A_276 = tpu.memref_slice %arg9[%dma_start3A_272, %dma_start3A_274, %dma_start3A_275] : memref<8x128x64xf32, #tpu.memory_space<vmem>> -> memref<1x128x64xf32, #tpu.memory_space<vmem>>
      %dma_start3A_277 = tpu.memref_squeeze %dma_start3A_276 : memref<1x128x64xf32, #tpu.memory_space<vmem>> -> memref<128x64xf32, #tpu.memory_space<vmem>>
      %dma_start3A_278 = arith.constant 0 : i32
      %dma_start3A_279 = tpu.memref_slice %arg8[%add3A_257, %dma_start3A_278] : memref<80x128xi32, #tpu.memory_space<vmem>> -> memref<1x128xi32, #tpu.memory_space<vmem>>
      %dma_start3A_280 = tpu.memref_squeeze %dma_start3A_279 : memref<1x128xi32, #tpu.memory_space<vmem>> -> memref<128xi32, #tpu.memory_space<vmem>>
      %dma_start3A_281 = arith.constant 0 : i32
      %dma_start3A_282 = arith.constant 0 : i32
      %dma_start3A_283 = tpu.memref_slice %arg10[%dma_start3A_281, %dma_start3A_282] : memref<10240x64xf32, #tpu.memory_space<vmem_shared>> -> memref<10240x64xf32, #tpu.memory_space<vmem_shared>>
      %dma_start3A_284 = tpu.memref_slice %arg12[%dma_start3A_273] : memref<8x!tpu.dma_semaphore, #tpu.memory_space<semaphore_mem>> -> memref<1x!tpu.dma_semaphore, #tpu.memory_space<semaphore_mem>>
      %dma_start3A_285 = tpu.memref_squeeze %dma_start3A_284 : memref<1x!tpu.dma_semaphore, #tpu.memory_space<semaphore_mem>> -> memref<!tpu.dma_semaphore, #tpu.memory_space<semaphore_mem>>
      tpu.enqueue_indirect_dma source(%dma_start3A_277 : memref<128x64xf32, #tpu.memory_space<vmem>>) target(%dma_start3A_283 : memref<10240x64xf32, #tpu.memory_space<vmem_shared>>) offsets(%dma_start3A_280 : memref<128xi32, #tpu.memory_space<vmem>>) semaphore(%dma_start3A_285 : memref<!tpu.dma_semaphore, #tpu.memory_space<semaphore_mem>>) {add = true}
      %sub3A = arith.constant 4 : i32
      %sub3A_286 = arith.subi %add3A_257, %sub3A : i32
      %ge3A = arith.constant 0 : i32
      %ge3A_287 = arith.cmpi sge, %sub3A_286, %ge3A : i32
      %lt3A = arith.constant 72 : i32
      %lt3A_288 = arith.cmpi slt, %sub3A_286, %lt3A : i32
      %and3A = arith.andi %ge3A_287, %lt3A_288 : i1
      %convert_element_type3A = arith.extui %and3A : i1 to i32
      %cond3A = arith.constant 0 : i32
      %cond3A_289 = arith.cmpi ne, %convert_element_type3A, %cond3A : i32
      scf.if %cond3A_289 {
        %dma_wait3A_584 = arith.constant 4 : i32
        %dma_wait3A_585 = arith.constant 4 : i32
        %dma_wait3A_586 = arith.constant 0 : i32
        %dma_wait3A_587 = arith.constant 0 : i32
        %dma_wait3A_588 = tpu.memref_slice %arg9[%dma_wait3A_584, %dma_wait3A_586, %dma_wait3A_587] : memref<8x128x64xf32, #tpu.memory_space<vmem>> -> memref<1x128x64xf32, #tpu.memory_space<vmem>>
        %dma_wait3A_589 = tpu.memref_squeeze %dma_wait3A_588 : memref<1x128x64xf32, #tpu.memory_space<vmem>> -> memref<128x64xf32, #tpu.memory_space<vmem>>
        %dma_wait3A_590 = arith.constant 0 : i32
        %dma_wait3A_591 = tpu.memref_slice %arg8[%sub3A_286, %dma_wait3A_590] : memref<80x128xi32, #tpu.memory_space<vmem>> -> memref<1x128xi32, #tpu.memory_space<vmem>>
        %dma_wait3A_592 = tpu.memref_squeeze %dma_wait3A_591 : memref<1x128xi32, #tpu.memory_space<vmem>> -> memref<128xi32, #tpu.memory_space<vmem>>
        %dma_wait3A_593 = arith.constant 0 : i32
        %dma_wait3A_594 = arith.constant 0 : i32
        %dma_wait3A_595 = tpu.memref_slice %arg10[%dma_wait3A_593, %dma_wait3A_594] : memref<10240x64xf32, #tpu.memory_space<vmem_shared>> -> memref<10240x64xf32, #tpu.memory_space<vmem_shared>>
        %dma_wait3A_596 = tpu.memref_slice %arg12[%dma_wait3A_585] : memref<8x!tpu.dma_semaphore, #tpu.memory_space<semaphore_mem>> -> memref<1x!tpu.dma_semaphore, #tpu.memory_space<semaphore_mem>>
        %dma_wait3A_597 = tpu.memref_squeeze %dma_wait3A_596 : memref<1x!tpu.dma_semaphore, #tpu.memory_space<semaphore_mem>> -> memref<!tpu.dma_semaphore, #tpu.memory_space<semaphore_mem>>
        tpu.wait_indirect_dma semaphore(%dma_wait3A_597 : memref<!tpu.dma_semaphore, #tpu.memory_space<semaphore_mem>>) src(%dma_wait3A_589 : memref<128x64xf32, #tpu.memory_space<vmem>>) dst(%dma_wait3A_595 : memref<10240x64xf32, #tpu.memory_space<vmem_shared>>)
        %add3A_598 = arith.constant 8 : i32
        %add3A_599 = arith.addi %sub3A_286, %add3A_598 : i32
        %dma_start3A_600 = arith.constant 4 : i32
        %dma_start3A_601 = arith.constant 4 : i32
        %dma_start3A_602 = arith.constant 0 : i32
        %dma_start3A_603 = arith.constant 0 : i32
        %dma_start3A_604 = tpu.memref_slice %arg9[%dma_start3A_600, %dma_start3A_602, %dma_start3A_603] : memref<8x128x64xf32, #tpu.memory_space<vmem>> -> memref<1x128x64xf32, #tpu.memory_space<vmem>>
        %dma_start3A_605 = tpu.memref_squeeze %dma_start3A_604 : memref<1x128x64xf32, #tpu.memory_space<vmem>> -> memref<128x64xf32, #tpu.memory_space<vmem>>
        %dma_start3A_606 = arith.constant 0 : i32
        %dma_start3A_607 = tpu.memref_slice %arg7[%add3A_599, %dma_start3A_606] : memref<80x128xi32, #tpu.memory_space<vmem>> -> memref<1x128xi32, #tpu.memory_space<vmem>>
        %dma_start3A_608 = tpu.memref_squeeze %dma_start3A_607 : memref<1x128xi32, #tpu.memory_space<vmem>> -> memref<128xi32, #tpu.memory_space<vmem>>
        %dma_start3A_609 = arith.constant 0 : i32
        %dma_start3A_610 = arith.constant 0 : i32
        %dma_start3A_611 = tpu.memref_slice %arg2[%dma_start3A_609, %dma_start3A_610] : memref<10000x64xf32, #tpu.memory_space<hbm>> -> memref<10000x64xf32, #tpu.memory_space<hbm>>
        %dma_start3A_612 = tpu.memref_slice %arg11[%dma_start3A_601] : memref<8x!tpu.dma_semaphore, #tpu.memory_space<semaphore_mem>> -> memref<1x!tpu.dma_semaphore, #tpu.memory_space<semaphore_mem>>
        %dma_start3A_613 = tpu.memref_squeeze %dma_start3A_612 : memref<1x!tpu.dma_semaphore, #tpu.memory_space<semaphore_mem>> -> memref<!tpu.dma_semaphore, #tpu.memory_space<semaphore_mem>>
        tpu.enqueue_indirect_dma source(%dma_start3A_611 : memref<10000x64xf32, #tpu.memory_space<hbm>>) target(%dma_start3A_605 : memref<128x64xf32, #tpu.memory_space<vmem>>) offsets(%dma_start3A_608 : memref<128xi32, #tpu.memory_space<vmem>>) semaphore(%dma_start3A_613 : memref<!tpu.dma_semaphore, #tpu.memory_space<semaphore_mem>>)
      } else {
      }
      %mul3A_290 = arith.constant 8 : i32
      %mul3A_291 = arith.muli %scan3A_253, %mul3A_290 : i32
      %add3A_292 = arith.constant 1 : i32
      %add3A_293 = arith.addi %mul3A_291, %add3A_292 : i32
      %dma_wait3A_294 = arith.constant 1 : i32
      %dma_wait3A_295 = arith.constant 1 : i32
      %dma_wait3A_296 = arith.constant 0 : i32
      %dma_wait3A_297 = arith.constant 0 : i32
      %dma_wait3A_298 = tpu.memref_slice %arg9[%dma_wait3A_294, %dma_wait3A_296, %dma_wait3A_297] : memref<8x128x64xf32, #tpu.memory_space<vmem>> -> memref<1x128x64xf32, #tpu.memory_space<vmem>>
      %dma_wait3A_299 = tpu.memref_squeeze %dma_wait3A_298 : memref<1x128x64xf32, #tpu.memory_space<vmem>> -> memref<128x64xf32, #tpu.memory_space<vmem>>
      %dma_wait3A_300 = arith.constant 0 : i32
      %dma_wait3A_301 = tpu.memref_slice %arg7[%add3A_293, %dma_wait3A_300] : memref<80x128xi32, #tpu.memory_space<vmem>> -> memref<1x128xi32, #tpu.memory_space<vmem>>
      %dma_wait3A_302 = tpu.memref_squeeze %dma_wait3A_301 : memref<1x128xi32, #tpu.memory_space<vmem>> -> memref<128xi32, #tpu.memory_space<vmem>>
      %dma_wait3A_303 = arith.constant 0 : i32
      %dma_wait3A_304 = arith.constant 0 : i32
      %dma_wait3A_305 = tpu.memref_slice %arg2[%dma_wait3A_303, %dma_wait3A_304] : memref<10000x64xf32, #tpu.memory_space<hbm>> -> memref<10000x64xf32, #tpu.memory_space<hbm>>
      %dma_wait3A_306 = tpu.memref_slice %arg11[%dma_wait3A_295] : memref<8x!tpu.dma_semaphore, #tpu.memory_space<semaphore_mem>> -> memref<1x!tpu.dma_semaphore, #tpu.memory_space<semaphore_mem>>
      %dma_wait3A_307 = tpu.memref_squeeze %dma_wait3A_306 : memref<1x!tpu.dma_semaphore, #tpu.memory_space<semaphore_mem>> -> memref<!tpu.dma_semaphore, #tpu.memory_space<semaphore_mem>>
      tpu.wait_indirect_dma semaphore(%dma_wait3A_307 : memref<!tpu.dma_semaphore, #tpu.memory_space<semaphore_mem>>) src(%dma_wait3A_305 : memref<10000x64xf32, #tpu.memory_space<hbm>>) dst(%dma_wait3A_299 : memref<128x64xf32, #tpu.memory_space<vmem>>)
      %dma_start3A_308 = arith.constant 1 : i32
      %dma_start3A_309 = arith.constant 1 : i32
      %dma_start3A_310 = arith.constant 0 : i32
      %dma_start3A_311 = arith.constant 0 : i32
      %dma_start3A_312 = tpu.memref_slice %arg9[%dma_start3A_308, %dma_start3A_310, %dma_start3A_311] : memref<8x128x64xf32, #tpu.memory_space<vmem>> -> memref<1x128x64xf32, #tpu.memory_space<vmem>>
      %dma_start3A_313 = tpu.memref_squeeze %dma_start3A_312 : memref<1x128x64xf32, #tpu.memory_space<vmem>> -> memref<128x64xf32, #tpu.memory_space<vmem>>
      %dma_start3A_314 = arith.constant 0 : i32
      %dma_start3A_315 = tpu.memref_slice %arg8[%add3A_293, %dma_start3A_314] : memref<80x128xi32, #tpu.memory_space<vmem>> -> memref<1x128xi32, #tpu.memory_space<vmem>>
      %dma_start3A_316 = tpu.memref_squeeze %dma_start3A_315 : memref<1x128xi32, #tpu.memory_space<vmem>> -> memref<128xi32, #tpu.memory_space<vmem>>
      %dma_start3A_317 = arith.constant 0 : i32
      %dma_start3A_318 = arith.constant 0 : i32
      %dma_start3A_319 = tpu.memref_slice %arg10[%dma_start3A_317, %dma_start3A_318] : memref<10240x64xf32, #tpu.memory_space<vmem_shared>> -> memref<10240x64xf32, #tpu.memory_space<vmem_shared>>
      %dma_start3A_320 = tpu.memref_slice %arg12[%dma_start3A_309] : memref<8x!tpu.dma_semaphore, #tpu.memory_space<semaphore_mem>> -> memref<1x!tpu.dma_semaphore, #tpu.memory_space<semaphore_mem>>
      %dma_start3A_321 = tpu.memref_squeeze %dma_start3A_320 : memref<1x!tpu.dma_semaphore, #tpu.memory_space<semaphore_mem>> -> memref<!tpu.dma_semaphore, #tpu.memory_space<semaphore_mem>>
      tpu.enqueue_indirect_dma source(%dma_start3A_313 : memref<128x64xf32, #tpu.memory_space<vmem>>) target(%dma_start3A_319 : memref<10240x64xf32, #tpu.memory_space<vmem_shared>>) offsets(%dma_start3A_316 : memref<128xi32, #tpu.memory_space<vmem>>) semaphore(%dma_start3A_321 : memref<!tpu.dma_semaphore, #tpu.memory_space<semaphore_mem>>) {add = true}
      %sub3A_322 = arith.constant 4 : i32
      %sub3A_323 = arith.subi %add3A_293, %sub3A_322 : i32
      %ge3A_324 = arith.constant 0 : i32
      %ge3A_325 = arith.cmpi sge, %sub3A_323, %ge3A_324 : i32
      %lt3A_326 = arith.constant 72 : i32
      %lt3A_327 = arith.cmpi slt, %sub3A_323, %lt3A_326 : i32
      %and3A_328 = arith.andi %ge3A_325, %lt3A_327 : i1
      %convert_element_type3A_329 = arith.extui %and3A_328 : i1 to i32
      %cond3A_330 = arith.constant 0 : i32
      %cond3A_331 = arith.cmpi ne, %convert_element_type3A_329, %cond3A_330 : i32
      scf.if %cond3A_331 {
        %dma_wait3A_584 = arith.constant 5 : i32
        %dma_wait3A_585 = arith.constant 5 : i32
        %dma_wait3A_586 = arith.constant 0 : i32
        %dma_wait3A_587 = arith.constant 0 : i32
        %dma_wait3A_588 = tpu.memref_slice %arg9[%dma_wait3A_584, %dma_wait3A_586, %dma_wait3A_587] : memref<8x128x64xf32, #tpu.memory_space<vmem>> -> memref<1x128x64xf32, #tpu.memory_space<vmem>>
        %dma_wait3A_589 = tpu.memref_squeeze %dma_wait3A_588 : memref<1x128x64xf32, #tpu.memory_space<vmem>> -> memref<128x64xf32, #tpu.memory_space<vmem>>
        %dma_wait3A_590 = arith.constant 0 : i32
        %dma_wait3A_591 = tpu.memref_slice %arg8[%sub3A_323, %dma_wait3A_590] : memref<80x128xi32, #tpu.memory_space<vmem>> -> memref<1x128xi32, #tpu.memory_space<vmem>>
        %dma_wait3A_592 = tpu.memref_squeeze %dma_wait3A_591 : memref<1x128xi32, #tpu.memory_space<vmem>> -> memref<128xi32, #tpu.memory_space<vmem>>
        %dma_wait3A_593 = arith.constant 0 : i32
        %dma_wait3A_594 = arith.constant 0 : i32
        %dma_wait3A_595 = tpu.memref_slice %arg10[%dma_wait3A_593, %dma_wait3A_594] : memref<10240x64xf32, #tpu.memory_space<vmem_shared>> -> memref<10240x64xf32, #tpu.memory_space<vmem_shared>>
        %dma_wait3A_596 = tpu.memref_slice %arg12[%dma_wait3A_585] : memref<8x!tpu.dma_semaphore, #tpu.memory_space<semaphore_mem>> -> memref<1x!tpu.dma_semaphore, #tpu.memory_space<semaphore_mem>>
        %dma_wait3A_597 = tpu.memref_squeeze %dma_wait3A_596 : memref<1x!tpu.dma_semaphore, #tpu.memory_space<semaphore_mem>> -> memref<!tpu.dma_semaphore, #tpu.memory_space<semaphore_mem>>
        tpu.wait_indirect_dma semaphore(%dma_wait3A_597 : memref<!tpu.dma_semaphore, #tpu.memory_space<semaphore_mem>>) src(%dma_wait3A_589 : memref<128x64xf32, #tpu.memory_space<vmem>>) dst(%dma_wait3A_595 : memref<10240x64xf32, #tpu.memory_space<vmem_shared>>)
        %add3A_598 = arith.constant 8 : i32
        %add3A_599 = arith.addi %sub3A_323, %add3A_598 : i32
        %dma_start3A_600 = arith.constant 5 : i32
        %dma_start3A_601 = arith.constant 5 : i32
        %dma_start3A_602 = arith.constant 0 : i32
        %dma_start3A_603 = arith.constant 0 : i32
        %dma_start3A_604 = tpu.memref_slice %arg9[%dma_start3A_600, %dma_start3A_602, %dma_start3A_603] : memref<8x128x64xf32, #tpu.memory_space<vmem>> -> memref<1x128x64xf32, #tpu.memory_space<vmem>>
        %dma_start3A_605 = tpu.memref_squeeze %dma_start3A_604 : memref<1x128x64xf32, #tpu.memory_space<vmem>> -> memref<128x64xf32, #tpu.memory_space<vmem>>
        %dma_start3A_606 = arith.constant 0 : i32
        %dma_start3A_607 = tpu.memref_slice %arg7[%add3A_599, %dma_start3A_606] : memref<80x128xi32, #tpu.memory_space<vmem>> -> memref<1x128xi32, #tpu.memory_space<vmem>>
        %dma_start3A_608 = tpu.memref_squeeze %dma_start3A_607 : memref<1x128xi32, #tpu.memory_space<vmem>> -> memref<128xi32, #tpu.memory_space<vmem>>
        %dma_start3A_609 = arith.constant 0 : i32
        %dma_start3A_610 = arith.constant 0 : i32
        %dma_start3A_611 = tpu.memref_slice %arg2[%dma_start3A_609, %dma_start3A_610] : memref<10000x64xf32, #tpu.memory_space<hbm>> -> memref<10000x64xf32, #tpu.memory_space<hbm>>
        %dma_start3A_612 = tpu.memref_slice %arg11[%dma_start3A_601] : memref<8x!tpu.dma_semaphore, #tpu.memory_space<semaphore_mem>> -> memref<1x!tpu.dma_semaphore, #tpu.memory_space<semaphore_mem>>
        %dma_start3A_613 = tpu.memref_squeeze %dma_start3A_612 : memref<1x!tpu.dma_semaphore, #tpu.memory_space<semaphore_mem>> -> memref<!tpu.dma_semaphore, #tpu.memory_space<semaphore_mem>>
        tpu.enqueue_indirect_dma source(%dma_start3A_611 : memref<10000x64xf32, #tpu.memory_space<hbm>>) target(%dma_start3A_605 : memref<128x64xf32, #tpu.memory_space<vmem>>) offsets(%dma_start3A_608 : memref<128xi32, #tpu.memory_space<vmem>>) semaphore(%dma_start3A_613 : memref<!tpu.dma_semaphore, #tpu.memory_space<semaphore_mem>>)
      } else {
      }
      %mul3A_332 = arith.constant 8 : i32
      %mul3A_333 = arith.muli %scan3A_253, %mul3A_332 : i32
      %add3A_334 = arith.constant 2 : i32
      %add3A_335 = arith.addi %mul3A_333, %add3A_334 : i32
      %dma_wait3A_336 = arith.constant 2 : i32
      %dma_wait3A_337 = arith.constant 2 : i32
      %dma_wait3A_338 = arith.constant 0 : i32
      %dma_wait3A_339 = arith.constant 0 : i32
      %dma_wait3A_340 = tpu.memref_slice %arg9[%dma_wait3A_336, %dma_wait3A_338, %dma_wait3A_339] : memref<8x128x64xf32, #tpu.memory_space<vmem>> -> memref<1x128x64xf32, #tpu.memory_space<vmem>>
      %dma_wait3A_341 = tpu.memref_squeeze %dma_wait3A_340 : memref<1x128x64xf32, #tpu.memory_space<vmem>> -> memref<128x64xf32, #tpu.memory_space<vmem>>
      %dma_wait3A_342 = arith.constant 0 : i32
      %dma_wait3A_343 = tpu.memref_slice %arg7[%add3A_335, %dma_wait3A_342] : memref<80x128xi32, #tpu.memory_space<vmem>> -> memref<1x128xi32, #tpu.memory_space<vmem>>
      %dma_wait3A_344 = tpu.memref_squeeze %dma_wait3A_343 : memref<1x128xi32, #tpu.memory_space<vmem>> -> memref<128xi32, #tpu.memory_space<vmem>>
      %dma_wait3A_345 = arith.constant 0 : i32
      %dma_wait3A_346 = arith.constant 0 : i32
      %dma_wait3A_347 = tpu.memref_slice %arg2[%dma_wait3A_345, %dma_wait3A_346] : memref<10000x64xf32, #tpu.memory_space<hbm>> -> memref<10000x64xf32, #tpu.memory_space<hbm>>
      %dma_wait3A_348 = tpu.memref_slice %arg11[%dma_wait3A_337] : memref<8x!tpu.dma_semaphore, #tpu.memory_space<semaphore_mem>> -> memref<1x!tpu.dma_semaphore, #tpu.memory_space<semaphore_mem>>
      %dma_wait3A_349 = tpu.memref_squeeze %dma_wait3A_348 : memref<1x!tpu.dma_semaphore, #tpu.memory_space<semaphore_mem>> -> memref<!tpu.dma_semaphore, #tpu.memory_space<semaphore_mem>>
      tpu.wait_indirect_dma semaphore(%dma_wait3A_349 : memref<!tpu.dma_semaphore, #tpu.memory_space<semaphore_mem>>) src(%dma_wait3A_347 : memref<10000x64xf32, #tpu.memory_space<hbm>>) dst(%dma_wait3A_341 : memref<128x64xf32, #tpu.memory_space<vmem>>)
      %dma_start3A_350 = arith.constant 2 : i32
      %dma_start3A_351 = arith.constant 2 : i32
      %dma_start3A_352 = arith.constant 0 : i32
      %dma_start3A_353 = arith.constant 0 : i32
      %dma_start3A_354 = tpu.memref_slice %arg9[%dma_start3A_350, %dma_start3A_352, %dma_start3A_353] : memref<8x128x64xf32, #tpu.memory_space<vmem>> -> memref<1x128x64xf32, #tpu.memory_space<vmem>>
      %dma_start3A_355 = tpu.memref_squeeze %dma_start3A_354 : memref<1x128x64xf32, #tpu.memory_space<vmem>> -> memref<128x64xf32, #tpu.memory_space<vmem>>
      %dma_start3A_356 = arith.constant 0 : i32
      %dma_start3A_357 = tpu.memref_slice %arg8[%add3A_335, %dma_start3A_356] : memref<80x128xi32, #tpu.memory_space<vmem>> -> memref<1x128xi32, #tpu.memory_space<vmem>>
      %dma_start3A_358 = tpu.memref_squeeze %dma_start3A_357 : memref<1x128xi32, #tpu.memory_space<vmem>> -> memref<128xi32, #tpu.memory_space<vmem>>
      %dma_start3A_359 = arith.constant 0 : i32
      %dma_start3A_360 = arith.constant 0 : i32
      %dma_start3A_361 = tpu.memref_slice %arg10[%dma_start3A_359, %dma_start3A_360] : memref<10240x64xf32, #tpu.memory_space<vmem_shared>> -> memref<10240x64xf32, #tpu.memory_space<vmem_shared>>
      %dma_start3A_362 = tpu.memref_slice %arg12[%dma_start3A_351] : memref<8x!tpu.dma_semaphore, #tpu.memory_space<semaphore_mem>> -> memref<1x!tpu.dma_semaphore, #tpu.memory_space<semaphore_mem>>
      %dma_start3A_363 = tpu.memref_squeeze %dma_start3A_362 : memref<1x!tpu.dma_semaphore, #tpu.memory_space<semaphore_mem>> -> memref<!tpu.dma_semaphore, #tpu.memory_space<semaphore_mem>>
      tpu.enqueue_indirect_dma source(%dma_start3A_355 : memref<128x64xf32, #tpu.memory_space<vmem>>) target(%dma_start3A_361 : memref<10240x64xf32, #tpu.memory_space<vmem_shared>>) offsets(%dma_start3A_358 : memref<128xi32, #tpu.memory_space<vmem>>) semaphore(%dma_start3A_363 : memref<!tpu.dma_semaphore, #tpu.memory_space<semaphore_mem>>) {add = true}
      %sub3A_364 = arith.constant 4 : i32
      %sub3A_365 = arith.subi %add3A_335, %sub3A_364 : i32
      %ge3A_366 = arith.constant 0 : i32
      %ge3A_367 = arith.cmpi sge, %sub3A_365, %ge3A_366 : i32
      %lt3A_368 = arith.constant 72 : i32
      %lt3A_369 = arith.cmpi slt, %sub3A_365, %lt3A_368 : i32
      %and3A_370 = arith.andi %ge3A_367, %lt3A_369 : i1
      %convert_element_type3A_371 = arith.extui %and3A_370 : i1 to i32
      %cond3A_372 = arith.constant 0 : i32
      %cond3A_373 = arith.cmpi ne, %convert_element_type3A_371, %cond3A_372 : i32
      scf.if %cond3A_373 {
        %dma_wait3A_584 = arith.constant 6 : i32
        %dma_wait3A_585 = arith.constant 6 : i32
        %dma_wait3A_586 = arith.constant 0 : i32
        %dma_wait3A_587 = arith.constant 0 : i32
        %dma_wait3A_588 = tpu.memref_slice %arg9[%dma_wait3A_584, %dma_wait3A_586, %dma_wait3A_587] : memref<8x128x64xf32, #tpu.memory_space<vmem>> -> memref<1x128x64xf32, #tpu.memory_space<vmem>>
        %dma_wait3A_589 = tpu.memref_squeeze %dma_wait3A_588 : memref<1x128x64xf32, #tpu.memory_space<vmem>> -> memref<128x64xf32, #tpu.memory_space<vmem>>
        %dma_wait3A_590 = arith.constant 0 : i32
        %dma_wait3A_591 = tpu.memref_slice %arg8[%sub3A_365, %dma_wait3A_590] : memref<80x128xi32, #tpu.memory_space<vmem>> -> memref<1x128xi32, #tpu.memory_space<vmem>>
        %dma_wait3A_592 = tpu.memref_squeeze %dma_wait3A_591 : memref<1x128xi32, #tpu.memory_space<vmem>> -> memref<128xi32, #tpu.memory_space<vmem>>
        %dma_wait3A_593 = arith.constant 0 : i32
        %dma_wait3A_594 = arith.constant 0 : i32
        %dma_wait3A_595 = tpu.memref_slice %arg10[%dma_wait3A_593, %dma_wait3A_594] : memref<10240x64xf32, #tpu.memory_space<vmem_shared>> -> memref<10240x64xf32, #tpu.memory_space<vmem_shared>>
        %dma_wait3A_596 = tpu.memref_slice %arg12[%dma_wait3A_585] : memref<8x!tpu.dma_semaphore, #tpu.memory_space<semaphore_mem>> -> memref<1x!tpu.dma_semaphore, #tpu.memory_space<semaphore_mem>>
        %dma_wait3A_597 = tpu.memref_squeeze %dma_wait3A_596 : memref<1x!tpu.dma_semaphore, #tpu.memory_space<semaphore_mem>> -> memref<!tpu.dma_semaphore, #tpu.memory_space<semaphore_mem>>
        tpu.wait_indirect_dma semaphore(%dma_wait3A_597 : memref<!tpu.dma_semaphore, #tpu.memory_space<semaphore_mem>>) src(%dma_wait3A_589 : memref<128x64xf32, #tpu.memory_space<vmem>>) dst(%dma_wait3A_595 : memref<10240x64xf32, #tpu.memory_space<vmem_shared>>)
        %add3A_598 = arith.constant 8 : i32
        %add3A_599 = arith.addi %sub3A_365, %add3A_598 : i32
        %dma_start3A_600 = arith.constant 6 : i32
        %dma_start3A_601 = arith.constant 6 : i32
        %dma_start3A_602 = arith.constant 0 : i32
        %dma_start3A_603 = arith.constant 0 : i32
        %dma_start3A_604 = tpu.memref_slice %arg9[%dma_start3A_600, %dma_start3A_602, %dma_start3A_603] : memref<8x128x64xf32, #tpu.memory_space<vmem>> -> memref<1x128x64xf32, #tpu.memory_space<vmem>>
        %dma_start3A_605 = tpu.memref_squeeze %dma_start3A_604 : memref<1x128x64xf32, #tpu.memory_space<vmem>> -> memref<128x64xf32, #tpu.memory_space<vmem>>
        %dma_start3A_606 = arith.constant 0 : i32
        %dma_start3A_607 = tpu.memref_slice %arg7[%add3A_599, %dma_start3A_606] : memref<80x128xi32, #tpu.memory_space<vmem>> -> memref<1x128xi32, #tpu.memory_space<vmem>>
        %dma_start3A_608 = tpu.memref_squeeze %dma_start3A_607 : memref<1x128xi32, #tpu.memory_space<vmem>> -> memref<128xi32, #tpu.memory_space<vmem>>
        %dma_start3A_609 = arith.constant 0 : i32
        %dma_start3A_610 = arith.constant 0 : i32
        %dma_start3A_611 = tpu.memref_slice %arg2[%dma_start3A_609, %dma_start3A_610] : memref<10000x64xf32, #tpu.memory_space<hbm>> -> memref<10000x64xf32, #tpu.memory_space<hbm>>
        %dma_start3A_612 = tpu.memref_slice %arg11[%dma_start3A_601] : memref<8x!tpu.dma_semaphore, #tpu.memory_space<semaphore_mem>> -> memref<1x!tpu.dma_semaphore, #tpu.memory_space<semaphore_mem>>
        %dma_start3A_613 = tpu.memref_squeeze %dma_start3A_612 : memref<1x!tpu.dma_semaphore, #tpu.memory_space<semaphore_mem>> -> memref<!tpu.dma_semaphore, #tpu.memory_space<semaphore_mem>>
        tpu.enqueue_indirect_dma source(%dma_start3A_611 : memref<10000x64xf32, #tpu.memory_space<hbm>>) target(%dma_start3A_605 : memref<128x64xf32, #tpu.memory_space<vmem>>) offsets(%dma_start3A_608 : memref<128xi32, #tpu.memory_space<vmem>>) semaphore(%dma_start3A_613 : memref<!tpu.dma_semaphore, #tpu.memory_space<semaphore_mem>>)
      } else {
      }
      %mul3A_374 = arith.constant 8 : i32
      %mul3A_375 = arith.muli %scan3A_253, %mul3A_374 : i32
      %add3A_376 = arith.constant 3 : i32
      %add3A_377 = arith.addi %mul3A_375, %add3A_376 : i32
      %dma_wait3A_378 = arith.constant 3 : i32
      %dma_wait3A_379 = arith.constant 3 : i32
      %dma_wait3A_380 = arith.constant 0 : i32
      %dma_wait3A_381 = arith.constant 0 : i32
      %dma_wait3A_382 = tpu.memref_slice %arg9[%dma_wait3A_378, %dma_wait3A_380, %dma_wait3A_381] : memref<8x128x64xf32, #tpu.memory_space<vmem>> -> memref<1x128x64xf32, #tpu.memory_space<vmem>>
      %dma_wait3A_383 = tpu.memref_squeeze %dma_wait3A_382 : memref<1x128x64xf32, #tpu.memory_space<vmem>> -> memref<128x64xf32, #tpu.memory_space<vmem>>
      %dma_wait3A_384 = arith.constant 0 : i32
      %dma_wait3A_385 = tpu.memref_slice %arg7[%add3A_377, %dma_wait3A_384] : memref<80x128xi32, #tpu.memory_space<vmem>> -> memref<1x128xi32, #tpu.memory_space<vmem>>
      %dma_wait3A_386 = tpu.memref_squeeze %dma_wait3A_385 : memref<1x128xi32, #tpu.memory_space<vmem>> -> memref<128xi32, #tpu.memory_space<vmem>>
      %dma_wait3A_387 = arith.constant 0 : i32
      %dma_wait3A_388 = arith.constant 0 : i32
      %dma_wait3A_389 = tpu.memref_slice %arg2[%dma_wait3A_387, %dma_wait3A_388] : memref<10000x64xf32, #tpu.memory_space<hbm>> -> memref<10000x64xf32, #tpu.memory_space<hbm>>
      %dma_wait3A_390 = tpu.memref_slice %arg11[%dma_wait3A_379] : memref<8x!tpu.dma_semaphore, #tpu.memory_space<semaphore_mem>> -> memref<1x!tpu.dma_semaphore, #tpu.memory_space<semaphore_mem>>
      %dma_wait3A_391 = tpu.memref_squeeze %dma_wait3A_390 : memref<1x!tpu.dma_semaphore, #tpu.memory_space<semaphore_mem>> -> memref<!tpu.dma_semaphore, #tpu.memory_space<semaphore_mem>>
      tpu.wait_indirect_dma semaphore(%dma_wait3A_391 : memref<!tpu.dma_semaphore, #tpu.memory_space<semaphore_mem>>) src(%dma_wait3A_389 : memref<10000x64xf32, #tpu.memory_space<hbm>>) dst(%dma_wait3A_383 : memref<128x64xf32, #tpu.memory_space<vmem>>)
      %dma_start3A_392 = arith.constant 3 : i32
      %dma_start3A_393 = arith.constant 3 : i32
      %dma_start3A_394 = arith.constant 0 : i32
      %dma_start3A_395 = arith.constant 0 : i32
      %dma_start3A_396 = tpu.memref_slice %arg9[%dma_start3A_392, %dma_start3A_394, %dma_start3A_395] : memref<8x128x64xf32, #tpu.memory_space<vmem>> -> memref<1x128x64xf32, #tpu.memory_space<vmem>>
      %dma_start3A_397 = tpu.memref_squeeze %dma_start3A_396 : memref<1x128x64xf32, #tpu.memory_space<vmem>> -> memref<128x64xf32, #tpu.memory_space<vmem>>
      %dma_start3A_398 = arith.constant 0 : i32
      %dma_start3A_399 = tpu.memref_slice %arg8[%add3A_377, %dma_start3A_398] : memref<80x128xi32, #tpu.memory_space<vmem>> -> memref<1x128xi32, #tpu.memory_space<vmem>>
      %dma_start3A_400 = tpu.memref_squeeze %dma_start3A_399 : memref<1x128xi32, #tpu.memory_space<vmem>> -> memref<128xi32, #tpu.memory_space<vmem>>
      %dma_start3A_401 = arith.constant 0 : i32
      %dma_start3A_402 = arith.constant 0 : i32
      %dma_start3A_403 = tpu.memref_slice %arg10[%dma_start3A_401, %dma_start3A_402] : memref<10240x64xf32, #tpu.memory_space<vmem_shared>> -> memref<10240x64xf32, #tpu.memory_space<vmem_shared>>
      %dma_start3A_404 = tpu.memref_slice %arg12[%dma_start3A_393] : memref<8x!tpu.dma_semaphore, #tpu.memory_space<semaphore_mem>> -> memref<1x!tpu.dma_semaphore, #tpu.memory_space<semaphore_mem>>
      %dma_start3A_405 = tpu.memref_squeeze %dma_start3A_404 : memref<1x!tpu.dma_semaphore, #tpu.memory_space<semaphore_mem>> -> memref<!tpu.dma_semaphore, #tpu.memory_space<semaphore_mem>>
      tpu.enqueue_indirect_dma source(%dma_start3A_397 : memref<128x64xf32, #tpu.memory_space<vmem>>) target(%dma_start3A_403 : memref<10240x64xf32, #tpu.memory_space<vmem_shared>>) offsets(%dma_start3A_400 : memref<128xi32, #tpu.memory_space<vmem>>) semaphore(%dma_start3A_405 : memref<!tpu.dma_semaphore, #tpu.memory_space<semaphore_mem>>) {add = true}
      %sub3A_406 = arith.constant 4 : i32
      %sub3A_407 = arith.subi %add3A_377, %sub3A_406 : i32
      %ge3A_408 = arith.constant 0 : i32
      %ge3A_409 = arith.cmpi sge, %sub3A_407, %ge3A_408 : i32
      %lt3A_410 = arith.constant 72 : i32
      %lt3A_411 = arith.cmpi slt, %sub3A_407, %lt3A_410 : i32
      %and3A_412 = arith.andi %ge3A_409, %lt3A_411 : i1
      %convert_element_type3A_413 = arith.extui %and3A_412 : i1 to i32
      %cond3A_414 = arith.constant 0 : i32
      %cond3A_415 = arith.cmpi ne, %convert_element_type3A_413, %cond3A_414 : i32
      scf.if %cond3A_415 {
        %dma_wait3A_584 = arith.constant 7 : i32
        %dma_wait3A_585 = arith.constant 7 : i32
        %dma_wait3A_586 = arith.constant 0 : i32
        %dma_wait3A_587 = arith.constant 0 : i32
        %dma_wait3A_588 = tpu.memref_slice %arg9[%dma_wait3A_584, %dma_wait3A_586, %dma_wait3A_587] : memref<8x128x64xf32, #tpu.memory_space<vmem>> -> memref<1x128x64xf32, #tpu.memory_space<vmem>>
        %dma_wait3A_589 = tpu.memref_squeeze %dma_wait3A_588 : memref<1x128x64xf32, #tpu.memory_space<vmem>> -> memref<128x64xf32, #tpu.memory_space<vmem>>
        %dma_wait3A_590 = arith.constant 0 : i32
        %dma_wait3A_591 = tpu.memref_slice %arg8[%sub3A_407, %dma_wait3A_590] : memref<80x128xi32, #tpu.memory_space<vmem>> -> memref<1x128xi32, #tpu.memory_space<vmem>>
        %dma_wait3A_592 = tpu.memref_squeeze %dma_wait3A_591 : memref<1x128xi32, #tpu.memory_space<vmem>> -> memref<128xi32, #tpu.memory_space<vmem>>
        %dma_wait3A_593 = arith.constant 0 : i32
        %dma_wait3A_594 = arith.constant 0 : i32
        %dma_wait3A_595 = tpu.memref_slice %arg10[%dma_wait3A_593, %dma_wait3A_594] : memref<10240x64xf32, #tpu.memory_space<vmem_shared>> -> memref<10240x64xf32, #tpu.memory_space<vmem_shared>>
        %dma_wait3A_596 = tpu.memref_slice %arg12[%dma_wait3A_585] : memref<8x!tpu.dma_semaphore, #tpu.memory_space<semaphore_mem>> -> memref<1x!tpu.dma_semaphore, #tpu.memory_space<semaphore_mem>>
        %dma_wait3A_597 = tpu.memref_squeeze %dma_wait3A_596 : memref<1x!tpu.dma_semaphore, #tpu.memory_space<semaphore_mem>> -> memref<!tpu.dma_semaphore, #tpu.memory_space<semaphore_mem>>
        tpu.wait_indirect_dma semaphore(%dma_wait3A_597 : memref<!tpu.dma_semaphore, #tpu.memory_space<semaphore_mem>>) src(%dma_wait3A_589 : memref<128x64xf32, #tpu.memory_space<vmem>>) dst(%dma_wait3A_595 : memref<10240x64xf32, #tpu.memory_space<vmem_shared>>)
        %add3A_598 = arith.constant 8 : i32
        %add3A_599 = arith.addi %sub3A_407, %add3A_598 : i32
        %dma_start3A_600 = arith.constant 7 : i32
        %dma_start3A_601 = arith.constant 7 : i32
        %dma_start3A_602 = arith.constant 0 : i32
        %dma_start3A_603 = arith.constant 0 : i32
        %dma_start3A_604 = tpu.memref_slice %arg9[%dma_start3A_600, %dma_start3A_602, %dma_start3A_603] : memref<8x128x64xf32, #tpu.memory_space<vmem>> -> memref<1x128x64xf32, #tpu.memory_space<vmem>>
        %dma_start3A_605 = tpu.memref_squeeze %dma_start3A_604 : memref<1x128x64xf32, #tpu.memory_space<vmem>> -> memref<128x64xf32, #tpu.memory_space<vmem>>
        %dma_start3A_606 = arith.constant 0 : i32
        %dma_start3A_607 = tpu.memref_slice %arg7[%add3A_599, %dma_start3A_606] : memref<80x128xi32, #tpu.memory_space<vmem>> -> memref<1x128xi32, #tpu.memory_space<vmem>>
        %dma_start3A_608 = tpu.memref_squeeze %dma_start3A_607 : memref<1x128xi32, #tpu.memory_space<vmem>> -> memref<128xi32, #tpu.memory_space<vmem>>
        %dma_start3A_609 = arith.constant 0 : i32
        %dma_start3A_610 = arith.constant 0 : i32
        %dma_start3A_611 = tpu.memref_slice %arg2[%dma_start3A_609, %dma_start3A_610] : memref<10000x64xf32, #tpu.memory_space<hbm>> -> memref<10000x64xf32, #tpu.memory_space<hbm>>
        %dma_start3A_612 = tpu.memref_slice %arg11[%dma_start3A_601] : memref<8x!tpu.dma_semaphore, #tpu.memory_space<semaphore_mem>> -> memref<1x!tpu.dma_semaphore, #tpu.memory_space<semaphore_mem>>
        %dma_start3A_613 = tpu.memref_squeeze %dma_start3A_612 : memref<1x!tpu.dma_semaphore, #tpu.memory_space<semaphore_mem>> -> memref<!tpu.dma_semaphore, #tpu.memory_space<semaphore_mem>>
        tpu.enqueue_indirect_dma source(%dma_start3A_611 : memref<10000x64xf32, #tpu.memory_space<hbm>>) target(%dma_start3A_605 : memref<128x64xf32, #tpu.memory_space<vmem>>) offsets(%dma_start3A_608 : memref<128xi32, #tpu.memory_space<vmem>>) semaphore(%dma_start3A_613 : memref<!tpu.dma_semaphore, #tpu.memory_space<semaphore_mem>>)
      } else {
      }
      %mul3A_416 = arith.constant 8 : i32
      %mul3A_417 = arith.muli %scan3A_253, %mul3A_416 : i32
      %add3A_418 = arith.constant 4 : i32
      %add3A_419 = arith.addi %mul3A_417, %add3A_418 : i32
      %dma_wait3A_420 = arith.constant 4 : i32
      %dma_wait3A_421 = arith.constant 4 : i32
      %dma_wait3A_422 = arith.constant 0 : i32
      %dma_wait3A_423 = arith.constant 0 : i32
      %dma_wait3A_424 = tpu.memref_slice %arg9[%dma_wait3A_420, %dma_wait3A_422, %dma_wait3A_423] : memref<8x128x64xf32, #tpu.memory_space<vmem>> -> memref<1x128x64xf32, #tpu.memory_space<vmem>>
      %dma_wait3A_425 = tpu.memref_squeeze %dma_wait3A_424 : memref<1x128x64xf32, #tpu.memory_space<vmem>> -> memref<128x64xf32, #tpu.memory_space<vmem>>
      %dma_wait3A_426 = arith.constant 0 : i32
      %dma_wait3A_427 = tpu.memref_slice %arg7[%add3A_419, %dma_wait3A_426] : memref<80x128xi32, #tpu.memory_space<vmem>> -> memref<1x128xi32, #tpu.memory_space<vmem>>
      %dma_wait3A_428 = tpu.memref_squeeze %dma_wait3A_427 : memref<1x128xi32, #tpu.memory_space<vmem>> -> memref<128xi32, #tpu.memory_space<vmem>>
      %dma_wait3A_429 = arith.constant 0 : i32
      %dma_wait3A_430 = arith.constant 0 : i32
      %dma_wait3A_431 = tpu.memref_slice %arg2[%dma_wait3A_429, %dma_wait3A_430] : memref<10000x64xf32, #tpu.memory_space<hbm>> -> memref<10000x64xf32, #tpu.memory_space<hbm>>
      %dma_wait3A_432 = tpu.memref_slice %arg11[%dma_wait3A_421] : memref<8x!tpu.dma_semaphore, #tpu.memory_space<semaphore_mem>> -> memref<1x!tpu.dma_semaphore, #tpu.memory_space<semaphore_mem>>
      %dma_wait3A_433 = tpu.memref_squeeze %dma_wait3A_432 : memref<1x!tpu.dma_semaphore, #tpu.memory_space<semaphore_mem>> -> memref<!tpu.dma_semaphore, #tpu.memory_space<semaphore_mem>>
      tpu.wait_indirect_dma semaphore(%dma_wait3A_433 : memref<!tpu.dma_semaphore, #tpu.memory_space<semaphore_mem>>) src(%dma_wait3A_431 : memref<10000x64xf32, #tpu.memory_space<hbm>>) dst(%dma_wait3A_425 : memref<128x64xf32, #tpu.memory_space<vmem>>)
      %dma_start3A_434 = arith.constant 4 : i32
      %dma_start3A_435 = arith.constant 4 : i32
      %dma_start3A_436 = arith.constant 0 : i32
      %dma_start3A_437 = arith.constant 0 : i32
      %dma_start3A_438 = tpu.memref_slice %arg9[%dma_start3A_434, %dma_start3A_436, %dma_start3A_437] : memref<8x128x64xf32, #tpu.memory_space<vmem>> -> memref<1x128x64xf32, #tpu.memory_space<vmem>>
      %dma_start3A_439 = tpu.memref_squeeze %dma_start3A_438 : memref<1x128x64xf32, #tpu.memory_space<vmem>> -> memref<128x64xf32, #tpu.memory_space<vmem>>
      %dma_start3A_440 = arith.constant 0 : i32
      %dma_start3A_441 = tpu.memref_slice %arg8[%add3A_419, %dma_start3A_440] : memref<80x128xi32, #tpu.memory_space<vmem>> -> memref<1x128xi32, #tpu.memory_space<vmem>>
      %dma_start3A_442 = tpu.memref_squeeze %dma_start3A_441 : memref<1x128xi32, #tpu.memory_space<vmem>> -> memref<128xi32, #tpu.memory_space<vmem>>
      %dma_start3A_443 = arith.constant 0 : i32
      %dma_start3A_444 = arith.constant 0 : i32
      %dma_start3A_445 = tpu.memref_slice %arg10[%dma_start3A_443, %dma_start3A_444] : memref<10240x64xf32, #tpu.memory_space<vmem_shared>> -> memref<10240x64xf32, #tpu.memory_space<vmem_shared>>
      %dma_start3A_446 = tpu.memref_slice %arg12[%dma_start3A_435] : memref<8x!tpu.dma_semaphore, #tpu.memory_space<semaphore_mem>> -> memref<1x!tpu.dma_semaphore, #tpu.memory_space<semaphore_mem>>
      %dma_start3A_447 = tpu.memref_squeeze %dma_start3A_446 : memref<1x!tpu.dma_semaphore, #tpu.memory_space<semaphore_mem>> -> memref<!tpu.dma_semaphore, #tpu.memory_space<semaphore_mem>>
      tpu.enqueue_indirect_dma source(%dma_start3A_439 : memref<128x64xf32, #tpu.memory_space<vmem>>) target(%dma_start3A_445 : memref<10240x64xf32, #tpu.memory_space<vmem_shared>>) offsets(%dma_start3A_442 : memref<128xi32, #tpu.memory_space<vmem>>) semaphore(%dma_start3A_447 : memref<!tpu.dma_semaphore, #tpu.memory_space<semaphore_mem>>) {add = true}
      %sub3A_448 = arith.constant 4 : i32
      %sub3A_449 = arith.subi %add3A_419, %sub3A_448 : i32
      %ge3A_450 = arith.constant 0 : i32
      %ge3A_451 = arith.cmpi sge, %sub3A_449, %ge3A_450 : i32
      %lt3A_452 = arith.constant 72 : i32
      %lt3A_453 = arith.cmpi slt, %sub3A_449, %lt3A_452 : i32
      %and3A_454 = arith.andi %ge3A_451, %lt3A_453 : i1
      %convert_element_type3A_455 = arith.extui %and3A_454 : i1 to i32
      %cond3A_456 = arith.constant 0 : i32
      %cond3A_457 = arith.cmpi ne, %convert_element_type3A_455, %cond3A_456 : i32
      scf.if %cond3A_457 {
        %dma_wait3A_584 = arith.constant 0 : i32
        %dma_wait3A_585 = arith.constant 0 : i32
        %dma_wait3A_586 = arith.constant 0 : i32
        %dma_wait3A_587 = arith.constant 0 : i32
        %dma_wait3A_588 = tpu.memref_slice %arg9[%dma_wait3A_584, %dma_wait3A_586, %dma_wait3A_587] : memref<8x128x64xf32, #tpu.memory_space<vmem>> -> memref<1x128x64xf32, #tpu.memory_space<vmem>>
        %dma_wait3A_589 = tpu.memref_squeeze %dma_wait3A_588 : memref<1x128x64xf32, #tpu.memory_space<vmem>> -> memref<128x64xf32, #tpu.memory_space<vmem>>
        %dma_wait3A_590 = arith.constant 0 : i32
        %dma_wait3A_591 = tpu.memref_slice %arg8[%sub3A_449, %dma_wait3A_590] : memref<80x128xi32, #tpu.memory_space<vmem>> -> memref<1x128xi32, #tpu.memory_space<vmem>>
        %dma_wait3A_592 = tpu.memref_squeeze %dma_wait3A_591 : memref<1x128xi32, #tpu.memory_space<vmem>> -> memref<128xi32, #tpu.memory_space<vmem>>
        %dma_wait3A_593 = arith.constant 0 : i32
        %dma_wait3A_594 = arith.constant 0 : i32
        %dma_wait3A_595 = tpu.memref_slice %arg10[%dma_wait3A_593, %dma_wait3A_594] : memref<10240x64xf32, #tpu.memory_space<vmem_shared>> -> memref<10240x64xf32, #tpu.memory_space<vmem_shared>>
        %dma_wait3A_596 = tpu.memref_slice %arg12[%dma_wait3A_585] : memref<8x!tpu.dma_semaphore, #tpu.memory_space<semaphore_mem>> -> memref<1x!tpu.dma_semaphore, #tpu.memory_space<semaphore_mem>>
        %dma_wait3A_597 = tpu.memref_squeeze %dma_wait3A_596 : memref<1x!tpu.dma_semaphore, #tpu.memory_space<semaphore_mem>> -> memref<!tpu.dma_semaphore, #tpu.memory_space<semaphore_mem>>
        tpu.wait_indirect_dma semaphore(%dma_wait3A_597 : memref<!tpu.dma_semaphore, #tpu.memory_space<semaphore_mem>>) src(%dma_wait3A_589 : memref<128x64xf32, #tpu.memory_space<vmem>>) dst(%dma_wait3A_595 : memref<10240x64xf32, #tpu.memory_space<vmem_shared>>)
        %add3A_598 = arith.constant 8 : i32
        %add3A_599 = arith.addi %sub3A_449, %add3A_598 : i32
        %dma_start3A_600 = arith.constant 0 : i32
        %dma_start3A_601 = arith.constant 0 : i32
        %dma_start3A_602 = arith.constant 0 : i32
        %dma_start3A_603 = arith.constant 0 : i32
        %dma_start3A_604 = tpu.memref_slice %arg9[%dma_start3A_600, %dma_start3A_602, %dma_start3A_603] : memref<8x128x64xf32, #tpu.memory_space<vmem>> -> memref<1x128x64xf32, #tpu.memory_space<vmem>>
        %dma_start3A_605 = tpu.memref_squeeze %dma_start3A_604 : memref<1x128x64xf32, #tpu.memory_space<vmem>> -> memref<128x64xf32, #tpu.memory_space<vmem>>
        %dma_start3A_606 = arith.constant 0 : i32
        %dma_start3A_607 = tpu.memref_slice %arg7[%add3A_599, %dma_start3A_606] : memref<80x128xi32, #tpu.memory_space<vmem>> -> memref<1x128xi32, #tpu.memory_space<vmem>>
        %dma_start3A_608 = tpu.memref_squeeze %dma_start3A_607 : memref<1x128xi32, #tpu.memory_space<vmem>> -> memref<128xi32, #tpu.memory_space<vmem>>
        %dma_start3A_609 = arith.constant 0 : i32
        %dma_start3A_610 = arith.constant 0 : i32
        %dma_start3A_611 = tpu.memref_slice %arg2[%dma_start3A_609, %dma_start3A_610] : memref<10000x64xf32, #tpu.memory_space<hbm>> -> memref<10000x64xf32, #tpu.memory_space<hbm>>
        %dma_start3A_612 = tpu.memref_slice %arg11[%dma_start3A_601] : memref<8x!tpu.dma_semaphore, #tpu.memory_space<semaphore_mem>> -> memref<1x!tpu.dma_semaphore, #tpu.memory_space<semaphore_mem>>
        %dma_start3A_613 = tpu.memref_squeeze %dma_start3A_612 : memref<1x!tpu.dma_semaphore, #tpu.memory_space<semaphore_mem>> -> memref<!tpu.dma_semaphore, #tpu.memory_space<semaphore_mem>>
        tpu.enqueue_indirect_dma source(%dma_start3A_611 : memref<10000x64xf32, #tpu.memory_space<hbm>>) target(%dma_start3A_605 : memref<128x64xf32, #tpu.memory_space<vmem>>) offsets(%dma_start3A_608 : memref<128xi32, #tpu.memory_space<vmem>>) semaphore(%dma_start3A_613 : memref<!tpu.dma_semaphore, #tpu.memory_space<semaphore_mem>>)
      } else {
      }
      %mul3A_458 = arith.constant 8 : i32
      %mul3A_459 = arith.muli %scan3A_253, %mul3A_458 : i32
      %add3A_460 = arith.constant 5 : i32
      %add3A_461 = arith.addi %mul3A_459, %add3A_460 : i32
      %dma_wait3A_462 = arith.constant 5 : i32
      %dma_wait3A_463 = arith.constant 5 : i32
      %dma_wait3A_464 = arith.constant 0 : i32
      %dma_wait3A_465 = arith.constant 0 : i32
      %dma_wait3A_466 = tpu.memref_slice %arg9[%dma_wait3A_462, %dma_wait3A_464, %dma_wait3A_465] : memref<8x128x64xf32, #tpu.memory_space<vmem>> -> memref<1x128x64xf32, #tpu.memory_space<vmem>>
      %dma_wait3A_467 = tpu.memref_squeeze %dma_wait3A_466 : memref<1x128x64xf32, #tpu.memory_space<vmem>> -> memref<128x64xf32, #tpu.memory_space<vmem>>
      %dma_wait3A_468 = arith.constant 0 : i32
      %dma_wait3A_469 = tpu.memref_slice %arg7[%add3A_461, %dma_wait3A_468] : memref<80x128xi32, #tpu.memory_space<vmem>> -> memref<1x128xi32, #tpu.memory_space<vmem>>
      %dma_wait3A_470 = tpu.memref_squeeze %dma_wait3A_469 : memref<1x128xi32, #tpu.memory_space<vmem>> -> memref<128xi32, #tpu.memory_space<vmem>>
      %dma_wait3A_471 = arith.constant 0 : i32
      %dma_wait3A_472 = arith.constant 0 : i32
      %dma_wait3A_473 = tpu.memref_slice %arg2[%dma_wait3A_471, %dma_wait3A_472] : memref<10000x64xf32, #tpu.memory_space<hbm>> -> memref<10000x64xf32, #tpu.memory_space<hbm>>
      %dma_wait3A_474 = tpu.memref_slice %arg11[%dma_wait3A_463] : memref<8x!tpu.dma_semaphore, #tpu.memory_space<semaphore_mem>> -> memref<1x!tpu.dma_semaphore, #tpu.memory_space<semaphore_mem>>
      %dma_wait3A_475 = tpu.memref_squeeze %dma_wait3A_474 : memref<1x!tpu.dma_semaphore, #tpu.memory_space<semaphore_mem>> -> memref<!tpu.dma_semaphore, #tpu.memory_space<semaphore_mem>>
      tpu.wait_indirect_dma semaphore(%dma_wait3A_475 : memref<!tpu.dma_semaphore, #tpu.memory_space<semaphore_mem>>) src(%dma_wait3A_473 : memref<10000x64xf32, #tpu.memory_space<hbm>>) dst(%dma_wait3A_467 : memref<128x64xf32, #tpu.memory_space<vmem>>)
      %dma_start3A_476 = arith.constant 5 : i32
      %dma_start3A_477 = arith.constant 5 : i32
      %dma_start3A_478 = arith.constant 0 : i32
      %dma_start3A_479 = arith.constant 0 : i32
      %dma_start3A_480 = tpu.memref_slice %arg9[%dma_start3A_476, %dma_start3A_478, %dma_start3A_479] : memref<8x128x64xf32, #tpu.memory_space<vmem>> -> memref<1x128x64xf32, #tpu.memory_space<vmem>>
      %dma_start3A_481 = tpu.memref_squeeze %dma_start3A_480 : memref<1x128x64xf32, #tpu.memory_space<vmem>> -> memref<128x64xf32, #tpu.memory_space<vmem>>
      %dma_start3A_482 = arith.constant 0 : i32
      %dma_start3A_483 = tpu.memref_slice %arg8[%add3A_461, %dma_start3A_482] : memref<80x128xi32, #tpu.memory_space<vmem>> -> memref<1x128xi32, #tpu.memory_space<vmem>>
      %dma_start3A_484 = tpu.memref_squeeze %dma_start3A_483 : memref<1x128xi32, #tpu.memory_space<vmem>> -> memref<128xi32, #tpu.memory_space<vmem>>
      %dma_start3A_485 = arith.constant 0 : i32
      %dma_start3A_486 = arith.constant 0 : i32
      %dma_start3A_487 = tpu.memref_slice %arg10[%dma_start3A_485, %dma_start3A_486] : memref<10240x64xf32, #tpu.memory_space<vmem_shared>> -> memref<10240x64xf32, #tpu.memory_space<vmem_shared>>
      %dma_start3A_488 = tpu.memref_slice %arg12[%dma_start3A_477] : memref<8x!tpu.dma_semaphore, #tpu.memory_space<semaphore_mem>> -> memref<1x!tpu.dma_semaphore, #tpu.memory_space<semaphore_mem>>
      %dma_start3A_489 = tpu.memref_squeeze %dma_start3A_488 : memref<1x!tpu.dma_semaphore, #tpu.memory_space<semaphore_mem>> -> memref<!tpu.dma_semaphore, #tpu.memory_space<semaphore_mem>>
      tpu.enqueue_indirect_dma source(%dma_start3A_481 : memref<128x64xf32, #tpu.memory_space<vmem>>) target(%dma_start3A_487 : memref<10240x64xf32, #tpu.memory_space<vmem_shared>>) offsets(%dma_start3A_484 : memref<128xi32, #tpu.memory_space<vmem>>) semaphore(%dma_start3A_489 : memref<!tpu.dma_semaphore, #tpu.memory_space<semaphore_mem>>) {add = true}
      %sub3A_490 = arith.constant 4 : i32
      %sub3A_491 = arith.subi %add3A_461, %sub3A_490 : i32
      %ge3A_492 = arith.constant 0 : i32
      %ge3A_493 = arith.cmpi sge, %sub3A_491, %ge3A_492 : i32
      %lt3A_494 = arith.constant 72 : i32
      %lt3A_495 = arith.cmpi slt, %sub3A_491, %lt3A_494 : i32
      %and3A_496 = arith.andi %ge3A_493, %lt3A_495 : i1
      %convert_element_type3A_497 = arith.extui %and3A_496 : i1 to i32
      %cond3A_498 = arith.constant 0 : i32
      %cond3A_499 = arith.cmpi ne, %convert_element_type3A_497, %cond3A_498 : i32
      scf.if %cond3A_499 {
        %dma_wait3A_584 = arith.constant 1 : i32
        %dma_wait3A_585 = arith.constant 1 : i32
        %dma_wait3A_586 = arith.constant 0 : i32
        %dma_wait3A_587 = arith.constant 0 : i32
        %dma_wait3A_588 = tpu.memref_slice %arg9[%dma_wait3A_584, %dma_wait3A_586, %dma_wait3A_587] : memref<8x128x64xf32, #tpu.memory_space<vmem>> -> memref<1x128x64xf32, #tpu.memory_space<vmem>>
        %dma_wait3A_589 = tpu.memref_squeeze %dma_wait3A_588 : memref<1x128x64xf32, #tpu.memory_space<vmem>> -> memref<128x64xf32, #tpu.memory_space<vmem>>
        %dma_wait3A_590 = arith.constant 0 : i32
        %dma_wait3A_591 = tpu.memref_slice %arg8[%sub3A_491, %dma_wait3A_590] : memref<80x128xi32, #tpu.memory_space<vmem>> -> memref<1x128xi32, #tpu.memory_space<vmem>>
        %dma_wait3A_592 = tpu.memref_squeeze %dma_wait3A_591 : memref<1x128xi32, #tpu.memory_space<vmem>> -> memref<128xi32, #tpu.memory_space<vmem>>
        %dma_wait3A_593 = arith.constant 0 : i32
        %dma_wait3A_594 = arith.constant 0 : i32
        %dma_wait3A_595 = tpu.memref_slice %arg10[%dma_wait3A_593, %dma_wait3A_594] : memref<10240x64xf32, #tpu.memory_space<vmem_shared>> -> memref<10240x64xf32, #tpu.memory_space<vmem_shared>>
        %dma_wait3A_596 = tpu.memref_slice %arg12[%dma_wait3A_585] : memref<8x!tpu.dma_semaphore, #tpu.memory_space<semaphore_mem>> -> memref<1x!tpu.dma_semaphore, #tpu.memory_space<semaphore_mem>>
        %dma_wait3A_597 = tpu.memref_squeeze %dma_wait3A_596 : memref<1x!tpu.dma_semaphore, #tpu.memory_space<semaphore_mem>> -> memref<!tpu.dma_semaphore, #tpu.memory_space<semaphore_mem>>
        tpu.wait_indirect_dma semaphore(%dma_wait3A_597 : memref<!tpu.dma_semaphore, #tpu.memory_space<semaphore_mem>>) src(%dma_wait3A_589 : memref<128x64xf32, #tpu.memory_space<vmem>>) dst(%dma_wait3A_595 : memref<10240x64xf32, #tpu.memory_space<vmem_shared>>)
        %add3A_598 = arith.constant 8 : i32
        %add3A_599 = arith.addi %sub3A_491, %add3A_598 : i32
        %dma_start3A_600 = arith.constant 1 : i32
        %dma_start3A_601 = arith.constant 1 : i32
        %dma_start3A_602 = arith.constant 0 : i32
        %dma_start3A_603 = arith.constant 0 : i32
        %dma_start3A_604 = tpu.memref_slice %arg9[%dma_start3A_600, %dma_start3A_602, %dma_start3A_603] : memref<8x128x64xf32, #tpu.memory_space<vmem>> -> memref<1x128x64xf32, #tpu.memory_space<vmem>>
        %dma_start3A_605 = tpu.memref_squeeze %dma_start3A_604 : memref<1x128x64xf32, #tpu.memory_space<vmem>> -> memref<128x64xf32, #tpu.memory_space<vmem>>
        %dma_start3A_606 = arith.constant 0 : i32
        %dma_start3A_607 = tpu.memref_slice %arg7[%add3A_599, %dma_start3A_606] : memref<80x128xi32, #tpu.memory_space<vmem>> -> memref<1x128xi32, #tpu.memory_space<vmem>>
        %dma_start3A_608 = tpu.memref_squeeze %dma_start3A_607 : memref<1x128xi32, #tpu.memory_space<vmem>> -> memref<128xi32, #tpu.memory_space<vmem>>
        %dma_start3A_609 = arith.constant 0 : i32
        %dma_start3A_610 = arith.constant 0 : i32
        %dma_start3A_611 = tpu.memref_slice %arg2[%dma_start3A_609, %dma_start3A_610] : memref<10000x64xf32, #tpu.memory_space<hbm>> -> memref<10000x64xf32, #tpu.memory_space<hbm>>
        %dma_start3A_612 = tpu.memref_slice %arg11[%dma_start3A_601] : memref<8x!tpu.dma_semaphore, #tpu.memory_space<semaphore_mem>> -> memref<1x!tpu.dma_semaphore, #tpu.memory_space<semaphore_mem>>
        %dma_start3A_613 = tpu.memref_squeeze %dma_start3A_612 : memref<1x!tpu.dma_semaphore, #tpu.memory_space<semaphore_mem>> -> memref<!tpu.dma_semaphore, #tpu.memory_space<semaphore_mem>>
        tpu.enqueue_indirect_dma source(%dma_start3A_611 : memref<10000x64xf32, #tpu.memory_space<hbm>>) target(%dma_start3A_605 : memref<128x64xf32, #tpu.memory_space<vmem>>) offsets(%dma_start3A_608 : memref<128xi32, #tpu.memory_space<vmem>>) semaphore(%dma_start3A_613 : memref<!tpu.dma_semaphore, #tpu.memory_space<semaphore_mem>>)
      } else {
      }
      %mul3A_500 = arith.constant 8 : i32
      %mul3A_501 = arith.muli %scan3A_253, %mul3A_500 : i32
      %add3A_502 = arith.constant 6 : i32
      %add3A_503 = arith.addi %mul3A_501, %add3A_502 : i32
      %dma_wait3A_504 = arith.constant 6 : i32
      %dma_wait3A_505 = arith.constant 6 : i32
      %dma_wait3A_506 = arith.constant 0 : i32
      %dma_wait3A_507 = arith.constant 0 : i32
      %dma_wait3A_508 = tpu.memref_slice %arg9[%dma_wait3A_504, %dma_wait3A_506, %dma_wait3A_507] : memref<8x128x64xf32, #tpu.memory_space<vmem>> -> memref<1x128x64xf32, #tpu.memory_space<vmem>>
      %dma_wait3A_509 = tpu.memref_squeeze %dma_wait3A_508 : memref<1x128x64xf32, #tpu.memory_space<vmem>> -> memref<128x64xf32, #tpu.memory_space<vmem>>
      %dma_wait3A_510 = arith.constant 0 : i32
      %dma_wait3A_511 = tpu.memref_slice %arg7[%add3A_503, %dma_wait3A_510] : memref<80x128xi32, #tpu.memory_space<vmem>> -> memref<1x128xi32, #tpu.memory_space<vmem>>
      %dma_wait3A_512 = tpu.memref_squeeze %dma_wait3A_511 : memref<1x128xi32, #tpu.memory_space<vmem>> -> memref<128xi32, #tpu.memory_space<vmem>>
      %dma_wait3A_513 = arith.constant 0 : i32
      %dma_wait3A_514 = arith.constant 0 : i32
      %dma_wait3A_515 = tpu.memref_slice %arg2[%dma_wait3A_513, %dma_wait3A_514] : memref<10000x64xf32, #tpu.memory_space<hbm>> -> memref<10000x64xf32, #tpu.memory_space<hbm>>
      %dma_wait3A_516 = tpu.memref_slice %arg11[%dma_wait3A_505] : memref<8x!tpu.dma_semaphore, #tpu.memory_space<semaphore_mem>> -> memref<1x!tpu.dma_semaphore, #tpu.memory_space<semaphore_mem>>
      %dma_wait3A_517 = tpu.memref_squeeze %dma_wait3A_516 : memref<1x!tpu.dma_semaphore, #tpu.memory_space<semaphore_mem>> -> memref<!tpu.dma_semaphore, #tpu.memory_space<semaphore_mem>>
      tpu.wait_indirect_dma semaphore(%dma_wait3A_517 : memref<!tpu.dma_semaphore, #tpu.memory_space<semaphore_mem>>) src(%dma_wait3A_515 : memref<10000x64xf32, #tpu.memory_space<hbm>>) dst(%dma_wait3A_509 : memref<128x64xf32, #tpu.memory_space<vmem>>)
      %dma_start3A_518 = arith.constant 6 : i32
      %dma_start3A_519 = arith.constant 6 : i32
      %dma_start3A_520 = arith.constant 0 : i32
      %dma_start3A_521 = arith.constant 0 : i32
      %dma_start3A_522 = tpu.memref_slice %arg9[%dma_start3A_518, %dma_start3A_520, %dma_start3A_521] : memref<8x128x64xf32, #tpu.memory_space<vmem>> -> memref<1x128x64xf32, #tpu.memory_space<vmem>>
      %dma_start3A_523 = tpu.memref_squeeze %dma_start3A_522 : memref<1x128x64xf32, #tpu.memory_space<vmem>> -> memref<128x64xf32, #tpu.memory_space<vmem>>
      %dma_start3A_524 = arith.constant 0 : i32
      %dma_start3A_525 = tpu.memref_slice %arg8[%add3A_503, %dma_start3A_524] : memref<80x128xi32, #tpu.memory_space<vmem>> -> memref<1x128xi32, #tpu.memory_space<vmem>>
      %dma_start3A_526 = tpu.memref_squeeze %dma_start3A_525 : memref<1x128xi32, #tpu.memory_space<vmem>> -> memref<128xi32, #tpu.memory_space<vmem>>
      %dma_start3A_527 = arith.constant 0 : i32
      %dma_start3A_528 = arith.constant 0 : i32
      %dma_start3A_529 = tpu.memref_slice %arg10[%dma_start3A_527, %dma_start3A_528] : memref<10240x64xf32, #tpu.memory_space<vmem_shared>> -> memref<10240x64xf32, #tpu.memory_space<vmem_shared>>
      %dma_start3A_530 = tpu.memref_slice %arg12[%dma_start3A_519] : memref<8x!tpu.dma_semaphore, #tpu.memory_space<semaphore_mem>> -> memref<1x!tpu.dma_semaphore, #tpu.memory_space<semaphore_mem>>
      %dma_start3A_531 = tpu.memref_squeeze %dma_start3A_530 : memref<1x!tpu.dma_semaphore, #tpu.memory_space<semaphore_mem>> -> memref<!tpu.dma_semaphore, #tpu.memory_space<semaphore_mem>>
      tpu.enqueue_indirect_dma source(%dma_start3A_523 : memref<128x64xf32, #tpu.memory_space<vmem>>) target(%dma_start3A_529 : memref<10240x64xf32, #tpu.memory_space<vmem_shared>>) offsets(%dma_start3A_526 : memref<128xi32, #tpu.memory_space<vmem>>) semaphore(%dma_start3A_531 : memref<!tpu.dma_semaphore, #tpu.memory_space<semaphore_mem>>) {add = true}
      %sub3A_532 = arith.constant 4 : i32
      %sub3A_533 = arith.subi %add3A_503, %sub3A_532 : i32
      %ge3A_534 = arith.constant 0 : i32
      %ge3A_535 = arith.cmpi sge, %sub3A_533, %ge3A_534 : i32
      %lt3A_536 = arith.constant 72 : i32
      %lt3A_537 = arith.cmpi slt, %sub3A_533, %lt3A_536 : i32
      %and3A_538 = arith.andi %ge3A_535, %lt3A_537 : i1
      %convert_element_type3A_539 = arith.extui %and3A_538 : i1 to i32
      %cond3A_540 = arith.constant 0 : i32
      %cond3A_541 = arith.cmpi ne, %convert_element_type3A_539, %cond3A_540 : i32
      scf.if %cond3A_541 {
        %dma_wait3A_584 = arith.constant 2 : i32
        %dma_wait3A_585 = arith.constant 2 : i32
        %dma_wait3A_586 = arith.constant 0 : i32
        %dma_wait3A_587 = arith.constant 0 : i32
        %dma_wait3A_588 = tpu.memref_slice %arg9[%dma_wait3A_584, %dma_wait3A_586, %dma_wait3A_587] : memref<8x128x64xf32, #tpu.memory_space<vmem>> -> memref<1x128x64xf32, #tpu.memory_space<vmem>>
        %dma_wait3A_589 = tpu.memref_squeeze %dma_wait3A_588 : memref<1x128x64xf32, #tpu.memory_space<vmem>> -> memref<128x64xf32, #tpu.memory_space<vmem>>
        %dma_wait3A_590 = arith.constant 0 : i32
        %dma_wait3A_591 = tpu.memref_slice %arg8[%sub3A_533, %dma_wait3A_590] : memref<80x128xi32, #tpu.memory_space<vmem>> -> memref<1x128xi32, #tpu.memory_space<vmem>>
        %dma_wait3A_592 = tpu.memref_squeeze %dma_wait3A_591 : memref<1x128xi32, #tpu.memory_space<vmem>> -> memref<128xi32, #tpu.memory_space<vmem>>
        %dma_wait3A_593 = arith.constant 0 : i32
        %dma_wait3A_594 = arith.constant 0 : i32
        %dma_wait3A_595 = tpu.memref_slice %arg10[%dma_wait3A_593, %dma_wait3A_594] : memref<10240x64xf32, #tpu.memory_space<vmem_shared>> -> memref<10240x64xf32, #tpu.memory_space<vmem_shared>>
        %dma_wait3A_596 = tpu.memref_slice %arg12[%dma_wait3A_585] : memref<8x!tpu.dma_semaphore, #tpu.memory_space<semaphore_mem>> -> memref<1x!tpu.dma_semaphore, #tpu.memory_space<semaphore_mem>>
        %dma_wait3A_597 = tpu.memref_squeeze %dma_wait3A_596 : memref<1x!tpu.dma_semaphore, #tpu.memory_space<semaphore_mem>> -> memref<!tpu.dma_semaphore, #tpu.memory_space<semaphore_mem>>
        tpu.wait_indirect_dma semaphore(%dma_wait3A_597 : memref<!tpu.dma_semaphore, #tpu.memory_space<semaphore_mem>>) src(%dma_wait3A_589 : memref<128x64xf32, #tpu.memory_space<vmem>>) dst(%dma_wait3A_595 : memref<10240x64xf32, #tpu.memory_space<vmem_shared>>)
        %add3A_598 = arith.constant 8 : i32
        %add3A_599 = arith.addi %sub3A_533, %add3A_598 : i32
        %dma_start3A_600 = arith.constant 2 : i32
        %dma_start3A_601 = arith.constant 2 : i32
        %dma_start3A_602 = arith.constant 0 : i32
        %dma_start3A_603 = arith.constant 0 : i32
        %dma_start3A_604 = tpu.memref_slice %arg9[%dma_start3A_600, %dma_start3A_602, %dma_start3A_603] : memref<8x128x64xf32, #tpu.memory_space<vmem>> -> memref<1x128x64xf32, #tpu.memory_space<vmem>>
        %dma_start3A_605 = tpu.memref_squeeze %dma_start3A_604 : memref<1x128x64xf32, #tpu.memory_space<vmem>> -> memref<128x64xf32, #tpu.memory_space<vmem>>
        %dma_start3A_606 = arith.constant 0 : i32
        %dma_start3A_607 = tpu.memref_slice %arg7[%add3A_599, %dma_start3A_606] : memref<80x128xi32, #tpu.memory_space<vmem>> -> memref<1x128xi32, #tpu.memory_space<vmem>>
        %dma_start3A_608 = tpu.memref_squeeze %dma_start3A_607 : memref<1x128xi32, #tpu.memory_space<vmem>> -> memref<128xi32, #tpu.memory_space<vmem>>
        %dma_start3A_609 = arith.constant 0 : i32
        %dma_start3A_610 = arith.constant 0 : i32
        %dma_start3A_611 = tpu.memref_slice %arg2[%dma_start3A_609, %dma_start3A_610] : memref<10000x64xf32, #tpu.memory_space<hbm>> -> memref<10000x64xf32, #tpu.memory_space<hbm>>
        %dma_start3A_612 = tpu.memref_slice %arg11[%dma_start3A_601] : memref<8x!tpu.dma_semaphore, #tpu.memory_space<semaphore_mem>> -> memref<1x!tpu.dma_semaphore, #tpu.memory_space<semaphore_mem>>
        %dma_start3A_613 = tpu.memref_squeeze %dma_start3A_612 : memref<1x!tpu.dma_semaphore, #tpu.memory_space<semaphore_mem>> -> memref<!tpu.dma_semaphore, #tpu.memory_space<semaphore_mem>>
        tpu.enqueue_indirect_dma source(%dma_start3A_611 : memref<10000x64xf32, #tpu.memory_space<hbm>>) target(%dma_start3A_605 : memref<128x64xf32, #tpu.memory_space<vmem>>) offsets(%dma_start3A_608 : memref<128xi32, #tpu.memory_space<vmem>>) semaphore(%dma_start3A_613 : memref<!tpu.dma_semaphore, #tpu.memory_space<semaphore_mem>>)
      } else {
      }
      %mul3A_542 = arith.constant 8 : i32
      %mul3A_543 = arith.muli %scan3A_253, %mul3A_542 : i32
      %add3A_544 = arith.constant 7 : i32
      %add3A_545 = arith.addi %mul3A_543, %add3A_544 : i32
      %dma_wait3A_546 = arith.constant 7 : i32
      %dma_wait3A_547 = arith.constant 7 : i32
      %dma_wait3A_548 = arith.constant 0 : i32
      %dma_wait3A_549 = arith.constant 0 : i32
      %dma_wait3A_550 = tpu.memref_slice %arg9[%dma_wait3A_546, %dma_wait3A_548, %dma_wait3A_549] : memref<8x128x64xf32, #tpu.memory_space<vmem>> -> memref<1x128x64xf32, #tpu.memory_space<vmem>>
      %dma_wait3A_551 = tpu.memref_squeeze %dma_wait3A_550 : memref<1x128x64xf32, #tpu.memory_space<vmem>> -> memref<128x64xf32, #tpu.memory_space<vmem>>
      %dma_wait3A_552 = arith.constant 0 : i32
      %dma_wait3A_553 = tpu.memref_slice %arg7[%add3A_545, %dma_wait3A_552] : memref<80x128xi32, #tpu.memory_space<vmem>> -> memref<1x128xi32, #tpu.memory_space<vmem>>
      %dma_wait3A_554 = tpu.memref_squeeze %dma_wait3A_553 : memref<1x128xi32, #tpu.memory_space<vmem>> -> memref<128xi32, #tpu.memory_space<vmem>>
      %dma_wait3A_555 = arith.constant 0 : i32
      %dma_wait3A_556 = arith.constant 0 : i32
      %dma_wait3A_557 = tpu.memref_slice %arg2[%dma_wait3A_555, %dma_wait3A_556] : memref<10000x64xf32, #tpu.memory_space<hbm>> -> memref<10000x64xf32, #tpu.memory_space<hbm>>
      %dma_wait3A_558 = tpu.memref_slice %arg11[%dma_wait3A_547] : memref<8x!tpu.dma_semaphore, #tpu.memory_space<semaphore_mem>> -> memref<1x!tpu.dma_semaphore, #tpu.memory_space<semaphore_mem>>
      %dma_wait3A_559 = tpu.memref_squeeze %dma_wait3A_558 : memref<1x!tpu.dma_semaphore, #tpu.memory_space<semaphore_mem>> -> memref<!tpu.dma_semaphore, #tpu.memory_space<semaphore_mem>>
      tpu.wait_indirect_dma semaphore(%dma_wait3A_559 : memref<!tpu.dma_semaphore, #tpu.memory_space<semaphore_mem>>) src(%dma_wait3A_557 : memref<10000x64xf32, #tpu.memory_space<hbm>>) dst(%dma_wait3A_551 : memref<128x64xf32, #tpu.memory_space<vmem>>)
      %dma_start3A_560 = arith.constant 7 : i32
      %dma_start3A_561 = arith.constant 7 : i32
      %dma_start3A_562 = arith.constant 0 : i32
      %dma_start3A_563 = arith.constant 0 : i32
      %dma_start3A_564 = tpu.memref_slice %arg9[%dma_start3A_560, %dma_start3A_562, %dma_start3A_563] : memref<8x128x64xf32, #tpu.memory_space<vmem>> -> memref<1x128x64xf32, #tpu.memory_space<vmem>>
      %dma_start3A_565 = tpu.memref_squeeze %dma_start3A_564 : memref<1x128x64xf32, #tpu.memory_space<vmem>> -> memref<128x64xf32, #tpu.memory_space<vmem>>
      %dma_start3A_566 = arith.constant 0 : i32
      %dma_start3A_567 = tpu.memref_slice %arg8[%add3A_545, %dma_start3A_566] : memref<80x128xi32, #tpu.memory_space<vmem>> -> memref<1x128xi32, #tpu.memory_space<vmem>>
      %dma_start3A_568 = tpu.memref_squeeze %dma_start3A_567 : memref<1x128xi32, #tpu.memory_space<vmem>> -> memref<128xi32, #tpu.memory_space<vmem>>
      %dma_start3A_569 = arith.constant 0 : i32
      %dma_start3A_570 = arith.constant 0 : i32
      %dma_start3A_571 = tpu.memref_slice %arg10[%dma_start3A_569, %dma_start3A_570] : memref<10240x64xf32, #tpu.memory_space<vmem_shared>> -> memref<10240x64xf32, #tpu.memory_space<vmem_shared>>
      %dma_start3A_572 = tpu.memref_slice %arg12[%dma_start3A_561] : memref<8x!tpu.dma_semaphore, #tpu.memory_space<semaphore_mem>> -> memref<1x!tpu.dma_semaphore, #tpu.memory_space<semaphore_mem>>
      %dma_start3A_573 = tpu.memref_squeeze %dma_start3A_572 : memref<1x!tpu.dma_semaphore, #tpu.memory_space<semaphore_mem>> -> memref<!tpu.dma_semaphore, #tpu.memory_space<semaphore_mem>>
      tpu.enqueue_indirect_dma source(%dma_start3A_565 : memref<128x64xf32, #tpu.memory_space<vmem>>) target(%dma_start3A_571 : memref<10240x64xf32, #tpu.memory_space<vmem_shared>>) offsets(%dma_start3A_568 : memref<128xi32, #tpu.memory_space<vmem>>) semaphore(%dma_start3A_573 : memref<!tpu.dma_semaphore, #tpu.memory_space<semaphore_mem>>) {add = true}
      %sub3A_574 = arith.constant 4 : i32
      %sub3A_575 = arith.subi %add3A_545, %sub3A_574 : i32
      %ge3A_576 = arith.constant 0 : i32
      %ge3A_577 = arith.cmpi sge, %sub3A_575, %ge3A_576 : i32
      %lt3A_578 = arith.constant 72 : i32
      %lt3A_579 = arith.cmpi slt, %sub3A_575, %lt3A_578 : i32
      %and3A_580 = arith.andi %ge3A_577, %lt3A_579 : i1
      %convert_element_type3A_581 = arith.extui %and3A_580 : i1 to i32
      %cond3A_582 = arith.constant 0 : i32
      %cond3A_583 = arith.cmpi ne, %convert_element_type3A_581, %cond3A_582 : i32
      scf.if %cond3A_583 {
        %dma_wait3A_584 = arith.constant 3 : i32
        %dma_wait3A_585 = arith.constant 3 : i32
        %dma_wait3A_586 = arith.constant 0 : i32
        %dma_wait3A_587 = arith.constant 0 : i32
        %dma_wait3A_588 = tpu.memref_slice %arg9[%dma_wait3A_584, %dma_wait3A_586, %dma_wait3A_587] : memref<8x128x64xf32, #tpu.memory_space<vmem>> -> memref<1x128x64xf32, #tpu.memory_space<vmem>>
        %dma_wait3A_589 = tpu.memref_squeeze %dma_wait3A_588 : memref<1x128x64xf32, #tpu.memory_space<vmem>> -> memref<128x64xf32, #tpu.memory_space<vmem>>
        %dma_wait3A_590 = arith.constant 0 : i32
        %dma_wait3A_591 = tpu.memref_slice %arg8[%sub3A_575, %dma_wait3A_590] : memref<80x128xi32, #tpu.memory_space<vmem>> -> memref<1x128xi32, #tpu.memory_space<vmem>>
        %dma_wait3A_592 = tpu.memref_squeeze %dma_wait3A_591 : memref<1x128xi32, #tpu.memory_space<vmem>> -> memref<128xi32, #tpu.memory_space<vmem>>
        %dma_wait3A_593 = arith.constant 0 : i32
        %dma_wait3A_594 = arith.constant 0 : i32
        %dma_wait3A_595 = tpu.memref_slice %arg10[%dma_wait3A_593, %dma_wait3A_594] : memref<10240x64xf32, #tpu.memory_space<vmem_shared>> -> memref<10240x64xf32, #tpu.memory_space<vmem_shared>>
        %dma_wait3A_596 = tpu.memref_slice %arg12[%dma_wait3A_585] : memref<8x!tpu.dma_semaphore, #tpu.memory_space<semaphore_mem>> -> memref<1x!tpu.dma_semaphore, #tpu.memory_space<semaphore_mem>>
        %dma_wait3A_597 = tpu.memref_squeeze %dma_wait3A_596 : memref<1x!tpu.dma_semaphore, #tpu.memory_space<semaphore_mem>> -> memref<!tpu.dma_semaphore, #tpu.memory_space<semaphore_mem>>
        tpu.wait_indirect_dma semaphore(%dma_wait3A_597 : memref<!tpu.dma_semaphore, #tpu.memory_space<semaphore_mem>>) src(%dma_wait3A_589 : memref<128x64xf32, #tpu.memory_space<vmem>>) dst(%dma_wait3A_595 : memref<10240x64xf32, #tpu.memory_space<vmem_shared>>)
        %add3A_598 = arith.constant 8 : i32
        %add3A_599 = arith.addi %sub3A_575, %add3A_598 : i32
        %dma_start3A_600 = arith.constant 3 : i32
        %dma_start3A_601 = arith.constant 3 : i32
        %dma_start3A_602 = arith.constant 0 : i32
        %dma_start3A_603 = arith.constant 0 : i32
        %dma_start3A_604 = tpu.memref_slice %arg9[%dma_start3A_600, %dma_start3A_602, %dma_start3A_603] : memref<8x128x64xf32, #tpu.memory_space<vmem>> -> memref<1x128x64xf32, #tpu.memory_space<vmem>>
        %dma_start3A_605 = tpu.memref_squeeze %dma_start3A_604 : memref<1x128x64xf32, #tpu.memory_space<vmem>> -> memref<128x64xf32, #tpu.memory_space<vmem>>
        %dma_start3A_606 = arith.constant 0 : i32
        %dma_start3A_607 = tpu.memref_slice %arg7[%add3A_599, %dma_start3A_606] : memref<80x128xi32, #tpu.memory_space<vmem>> -> memref<1x128xi32, #tpu.memory_space<vmem>>
        %dma_start3A_608 = tpu.memref_squeeze %dma_start3A_607 : memref<1x128xi32, #tpu.memory_space<vmem>> -> memref<128xi32, #tpu.memory_space<vmem>>
        %dma_start3A_609 = arith.constant 0 : i32
        %dma_start3A_610 = arith.constant 0 : i32
        %dma_start3A_611 = tpu.memref_slice %arg2[%dma_start3A_609, %dma_start3A_610] : memref<10000x64xf32, #tpu.memory_space<hbm>> -> memref<10000x64xf32, #tpu.memory_space<hbm>>
        %dma_start3A_612 = tpu.memref_slice %arg11[%dma_start3A_601] : memref<8x!tpu.dma_semaphore, #tpu.memory_space<semaphore_mem>> -> memref<1x!tpu.dma_semaphore, #tpu.memory_space<semaphore_mem>>
        %dma_start3A_613 = tpu.memref_squeeze %dma_start3A_612 : memref<1x!tpu.dma_semaphore, #tpu.memory_space<semaphore_mem>> -> memref<!tpu.dma_semaphore, #tpu.memory_space<semaphore_mem>>
        tpu.enqueue_indirect_dma source(%dma_start3A_611 : memref<10000x64xf32, #tpu.memory_space<hbm>>) target(%dma_start3A_605 : memref<128x64xf32, #tpu.memory_space<vmem>>) offsets(%dma_start3A_608 : memref<128xi32, #tpu.memory_space<vmem>>) semaphore(%dma_start3A_613 : memref<!tpu.dma_semaphore, #tpu.memory_space<semaphore_mem>>)
      } else {
      }
    }
    %scan3A_128 = arith.constant 10 : i32
    %dma_wait3A = arith.constant 0 : i32
    %dma_wait3A_129 = arith.constant 72 : i32
    %dma_wait3A_130 = arith.constant 0 : i32
    %dma_wait3A_131 = arith.constant 0 : i32
    %dma_wait3A_132 = arith.constant 0 : i32
    %dma_wait3A_133 = tpu.memref_slice %arg9[%dma_wait3A, %dma_wait3A_131, %dma_wait3A_132] : memref<8x128x64xf32, #tpu.memory_space<vmem>> -> memref<1x128x64xf32, #tpu.memory_space<vmem>>
    %dma_wait3A_134 = tpu.memref_squeeze %dma_wait3A_133 : memref<1x128x64xf32, #tpu.memory_space<vmem>> -> memref<128x64xf32, #tpu.memory_space<vmem>>
    %dma_wait3A_135 = arith.constant 0 : i32
    %dma_wait3A_136 = tpu.memref_slice %arg8[%dma_wait3A_129, %dma_wait3A_135] : memref<80x128xi32, #tpu.memory_space<vmem>> -> memref<1x128xi32, #tpu.memory_space<vmem>>
    %dma_wait3A_137 = tpu.memref_squeeze %dma_wait3A_136 : memref<1x128xi32, #tpu.memory_space<vmem>> -> memref<128xi32, #tpu.memory_space<vmem>>
    %dma_wait3A_138 = arith.constant 0 : i32
    %dma_wait3A_139 = arith.constant 0 : i32
    %dma_wait3A_140 = tpu.memref_slice %arg10[%dma_wait3A_138, %dma_wait3A_139] : memref<10240x64xf32, #tpu.memory_space<vmem_shared>> -> memref<10240x64xf32, #tpu.memory_space<vmem_shared>>
    %dma_wait3A_141 = tpu.memref_slice %arg12[%dma_wait3A_130] : memref<8x!tpu.dma_semaphore, #tpu.memory_space<semaphore_mem>> -> memref<1x!tpu.dma_semaphore, #tpu.memory_space<semaphore_mem>>
    %dma_wait3A_142 = tpu.memref_squeeze %dma_wait3A_141 : memref<1x!tpu.dma_semaphore, #tpu.memory_space<semaphore_mem>> -> memref<!tpu.dma_semaphore, #tpu.memory_space<semaphore_mem>>
    tpu.wait_indirect_dma semaphore(%dma_wait3A_142 : memref<!tpu.dma_semaphore, #tpu.memory_space<semaphore_mem>>) src(%dma_wait3A_134 : memref<128x64xf32, #tpu.memory_space<vmem>>) dst(%dma_wait3A_140 : memref<10240x64xf32, #tpu.memory_space<vmem_shared>>)
    %dma_wait3A_143 = arith.constant 1 : i32
    %dma_wait3A_144 = arith.constant 73 : i32
    %dma_wait3A_145 = arith.constant 1 : i32
    %dma_wait3A_146 = arith.constant 0 : i32
    %dma_wait3A_147 = arith.constant 0 : i32
    %dma_wait3A_148 = tpu.memref_slice %arg9[%dma_wait3A_143, %dma_wait3A_146, %dma_wait3A_147] : memref<8x128x64xf32, #tpu.memory_space<vmem>> -> memref<1x128x64xf32, #tpu.memory_space<vmem>>
    %dma_wait3A_149 = tpu.memref_squeeze %dma_wait3A_148 : memref<1x128x64xf32, #tpu.memory_space<vmem>> -> memref<128x64xf32, #tpu.memory_space<vmem>>
    %dma_wait3A_150 = arith.constant 0 : i32
    %dma_wait3A_151 = tpu.memref_slice %arg8[%dma_wait3A_144, %dma_wait3A_150] : memref<80x128xi32, #tpu.memory_space<vmem>> -> memref<1x128xi32, #tpu.memory_space<vmem>>
    %dma_wait3A_152 = tpu.memref_squeeze %dma_wait3A_151 : memref<1x128xi32, #tpu.memory_space<vmem>> -> memref<128xi32, #tpu.memory_space<vmem>>
    %dma_wait3A_153 = arith.constant 0 : i32
    %dma_wait3A_154 = arith.constant 0 : i32
    %dma_wait3A_155 = tpu.memref_slice %arg10[%dma_wait3A_153, %dma_wait3A_154] : memref<10240x64xf32, #tpu.memory_space<vmem_shared>> -> memref<10240x64xf32, #tpu.memory_space<vmem_shared>>
    %dma_wait3A_156 = tpu.memref_slice %arg12[%dma_wait3A_145] : memref<8x!tpu.dma_semaphore, #tpu.memory_space<semaphore_mem>> -> memref<1x!tpu.dma_semaphore, #tpu.memory_space<semaphore_mem>>
    %dma_wait3A_157 = tpu.memref_squeeze %dma_wait3A_156 : memref<1x!tpu.dma_semaphore, #tpu.memory_space<semaphore_mem>> -> memref<!tpu.dma_semaphore, #tpu.memory_space<semaphore_mem>>
    tpu.wait_indirect_dma semaphore(%dma_wait3A_157 : memref<!tpu.dma_semaphore, #tpu.memory_space<semaphore_mem>>) src(%dma_wait3A_149 : memref<128x64xf32, #tpu.memory_space<vmem>>) dst(%dma_wait3A_155 : memref<10240x64xf32, #tpu.memory_space<vmem_shared>>)
    %dma_wait3A_158 = arith.constant 2 : i32
    %dma_wait3A_159 = arith.constant 74 : i32
    %dma_wait3A_160 = arith.constant 2 : i32
    %dma_wait3A_161 = arith.constant 0 : i32
    %dma_wait3A_162 = arith.constant 0 : i32
    %dma_wait3A_163 = tpu.memref_slice %arg9[%dma_wait3A_158, %dma_wait3A_161, %dma_wait3A_162] : memref<8x128x64xf32, #tpu.memory_space<vmem>> -> memref<1x128x64xf32, #tpu.memory_space<vmem>>
    %dma_wait3A_164 = tpu.memref_squeeze %dma_wait3A_163 : memref<1x128x64xf32, #tpu.memory_space<vmem>> -> memref<128x64xf32, #tpu.memory_space<vmem>>
    %dma_wait3A_165 = arith.constant 0 : i32
    %dma_wait3A_166 = tpu.memref_slice %arg8[%dma_wait3A_159, %dma_wait3A_165] : memref<80x128xi32, #tpu.memory_space<vmem>> -> memref<1x128xi32, #tpu.memory_space<vmem>>
    %dma_wait3A_167 = tpu.memref_squeeze %dma_wait3A_166 : memref<1x128xi32, #tpu.memory_space<vmem>> -> memref<128xi32, #tpu.memory_space<vmem>>
    %dma_wait3A_168 = arith.constant 0 : i32
    %dma_wait3A_169 = arith.constant 0 : i32
    %dma_wait3A_170 = tpu.memref_slice %arg10[%dma_wait3A_168, %dma_wait3A_169] : memref<10240x64xf32, #tpu.memory_space<vmem_shared>> -> memref<10240x64xf32, #tpu.memory_space<vmem_shared>>
    %dma_wait3A_171 = tpu.memref_slice %arg12[%dma_wait3A_160] : memref<8x!tpu.dma_semaphore, #tpu.memory_space<semaphore_mem>> -> memref<1x!tpu.dma_semaphore, #tpu.memory_space<semaphore_mem>>
    %dma_wait3A_172 = tpu.memref_squeeze %dma_wait3A_171 : memref<1x!tpu.dma_semaphore, #tpu.memory_space<semaphore_mem>> -> memref<!tpu.dma_semaphore, #tpu.memory_space<semaphore_mem>>
    tpu.wait_indirect_dma semaphore(%dma_wait3A_172 : memref<!tpu.dma_semaphore, #tpu.memory_space<semaphore_mem>>) src(%dma_wait3A_164 : memref<128x64xf32, #tpu.memory_space<vmem>>) dst(%dma_wait3A_170 : memref<10240x64xf32, #tpu.memory_space<vmem_shared>>)
    %dma_wait3A_173 = arith.constant 3 : i32
    %dma_wait3A_174 = arith.constant 75 : i32
    %dma_wait3A_175 = arith.constant 3 : i32
    %dma_wait3A_176 = arith.constant 0 : i32
    %dma_wait3A_177 = arith.constant 0 : i32
    %dma_wait3A_178 = tpu.memref_slice %arg9[%dma_wait3A_173, %dma_wait3A_176, %dma_wait3A_177] : memref<8x128x64xf32, #tpu.memory_space<vmem>> -> memref<1x128x64xf32, #tpu.memory_space<vmem>>
    %dma_wait3A_179 = tpu.memref_squeeze %dma_wait3A_178 : memref<1x128x64xf32, #tpu.memory_space<vmem>> -> memref<128x64xf32, #tpu.memory_space<vmem>>
    %dma_wait3A_180 = arith.constant 0 : i32
    %dma_wait3A_181 = tpu.memref_slice %arg8[%dma_wait3A_174, %dma_wait3A_180] : memref<80x128xi32, #tpu.memory_space<vmem>> -> memref<1x128xi32, #tpu.memory_space<vmem>>
    %dma_wait3A_182 = tpu.memref_squeeze %dma_wait3A_181 : memref<1x128xi32, #tpu.memory_space<vmem>> -> memref<128xi32, #tpu.memory_space<vmem>>
    %dma_wait3A_183 = arith.constant 0 : i32
    %dma_wait3A_184 = arith.constant 0 : i32
    %dma_wait3A_185 = tpu.memref_slice %arg10[%dma_wait3A_183, %dma_wait3A_184] : memref<10240x64xf32, #tpu.memory_space<vmem_shared>> -> memref<10240x64xf32, #tpu.memory_space<vmem_shared>>
    %dma_wait3A_186 = tpu.memref_slice %arg12[%dma_wait3A_175] : memref<8x!tpu.dma_semaphore, #tpu.memory_space<semaphore_mem>> -> memref<1x!tpu.dma_semaphore, #tpu.memory_space<semaphore_mem>>
    %dma_wait3A_187 = tpu.memref_squeeze %dma_wait3A_186 : memref<1x!tpu.dma_semaphore, #tpu.memory_space<semaphore_mem>> -> memref<!tpu.dma_semaphore, #tpu.memory_space<semaphore_mem>>
    tpu.wait_indirect_dma semaphore(%dma_wait3A_187 : memref<!tpu.dma_semaphore, #tpu.memory_space<semaphore_mem>>) src(%dma_wait3A_179 : memref<128x64xf32, #tpu.memory_space<vmem>>) dst(%dma_wait3A_185 : memref<10240x64xf32, #tpu.memory_space<vmem_shared>>)
    %dma_wait3A_188 = arith.constant 4 : i32
    %dma_wait3A_189 = arith.constant 76 : i32
    %dma_wait3A_190 = arith.constant 4 : i32
    %dma_wait3A_191 = arith.constant 0 : i32
    %dma_wait3A_192 = arith.constant 0 : i32
    %dma_wait3A_193 = tpu.memref_slice %arg9[%dma_wait3A_188, %dma_wait3A_191, %dma_wait3A_192] : memref<8x128x64xf32, #tpu.memory_space<vmem>> -> memref<1x128x64xf32, #tpu.memory_space<vmem>>
    %dma_wait3A_194 = tpu.memref_squeeze %dma_wait3A_193 : memref<1x128x64xf32, #tpu.memory_space<vmem>> -> memref<128x64xf32, #tpu.memory_space<vmem>>
    %dma_wait3A_195 = arith.constant 0 : i32
    %dma_wait3A_196 = tpu.memref_slice %arg8[%dma_wait3A_189, %dma_wait3A_195] : memref<80x128xi32, #tpu.memory_space<vmem>> -> memref<1x128xi32, #tpu.memory_space<vmem>>
    %dma_wait3A_197 = tpu.memref_squeeze %dma_wait3A_196 : memref<1x128xi32, #tpu.memory_space<vmem>> -> memref<128xi32, #tpu.memory_space<vmem>>
    %dma_wait3A_198 = arith.constant 0 : i32
    %dma_wait3A_199 = arith.constant 0 : i32
    %dma_wait3A_200 = tpu.memref_slice %arg10[%dma_wait3A_198, %dma_wait3A_199] : memref<10240x64xf32, #tpu.memory_space<vmem_shared>> -> memref<10240x64xf32, #tpu.memory_space<vmem_shared>>
    %dma_wait3A_201 = tpu.memref_slice %arg12[%dma_wait3A_190] : memref<8x!tpu.dma_semaphore, #tpu.memory_space<semaphore_mem>> -> memref<1x!tpu.dma_semaphore, #tpu.memory_space<semaphore_mem>>
    %dma_wait3A_202 = tpu.memref_squeeze %dma_wait3A_201 : memref<1x!tpu.dma_semaphore, #tpu.memory_space<semaphore_mem>> -> memref<!tpu.dma_semaphore, #tpu.memory_space<semaphore_mem>>
    tpu.wait_indirect_dma semaphore(%dma_wait3A_202 : memref<!tpu.dma_semaphore, #tpu.memory_space<semaphore_mem>>) src(%dma_wait3A_194 : memref<128x64xf32, #tpu.memory_space<vmem>>) dst(%dma_wait3A_200 : memref<10240x64xf32, #tpu.memory_space<vmem_shared>>)
    %dma_wait3A_203 = arith.constant 5 : i32
    %dma_wait3A_204 = arith.constant 77 : i32
    %dma_wait3A_205 = arith.constant 5 : i32
    %dma_wait3A_206 = arith.constant 0 : i32
    %dma_wait3A_207 = arith.constant 0 : i32
    %dma_wait3A_208 = tpu.memref_slice %arg9[%dma_wait3A_203, %dma_wait3A_206, %dma_wait3A_207] : memref<8x128x64xf32, #tpu.memory_space<vmem>> -> memref<1x128x64xf32, #tpu.memory_space<vmem>>
    %dma_wait3A_209 = tpu.memref_squeeze %dma_wait3A_208 : memref<1x128x64xf32, #tpu.memory_space<vmem>> -> memref<128x64xf32, #tpu.memory_space<vmem>>
    %dma_wait3A_210 = arith.constant 0 : i32
    %dma_wait3A_211 = tpu.memref_slice %arg8[%dma_wait3A_204, %dma_wait3A_210] : memref<80x128xi32, #tpu.memory_space<vmem>> -> memref<1x128xi32, #tpu.memory_space<vmem>>
    %dma_wait3A_212 = tpu.memref_squeeze %dma_wait3A_211 : memref<1x128xi32, #tpu.memory_space<vmem>> -> memref<128xi32, #tpu.memory_space<vmem>>
    %dma_wait3A_213 = arith.constant 0 : i32
    %dma_wait3A_214 = arith.constant 0 : i32
    %dma_wait3A_215 = tpu.memref_slice %arg10[%dma_wait3A_213, %dma_wait3A_214] : memref<10240x64xf32, #tpu.memory_space<vmem_shared>> -> memref<10240x64xf32, #tpu.memory_space<vmem_shared>>
    %dma_wait3A_216 = tpu.memref_slice %arg12[%dma_wait3A_205] : memref<8x!tpu.dma_semaphore, #tpu.memory_space<semaphore_mem>> -> memref<1x!tpu.dma_semaphore, #tpu.memory_space<semaphore_mem>>
    %dma_wait3A_217 = tpu.memref_squeeze %dma_wait3A_216 : memref<1x!tpu.dma_semaphore, #tpu.memory_space<semaphore_mem>> -> memref<!tpu.dma_semaphore, #tpu.memory_space<semaphore_mem>>
    tpu.wait_indirect_dma semaphore(%dma_wait3A_217 : memref<!tpu.dma_semaphore, #tpu.memory_space<semaphore_mem>>) src(%dma_wait3A_209 : memref<128x64xf32, #tpu.memory_space<vmem>>) dst(%dma_wait3A_215 : memref<10240x64xf32, #tpu.memory_space<vmem_shared>>)
    %dma_wait3A_218 = arith.constant 6 : i32
    %dma_wait3A_219 = arith.constant 78 : i32
    %dma_wait3A_220 = arith.constant 6 : i32
    %dma_wait3A_221 = arith.constant 0 : i32
    %dma_wait3A_222 = arith.constant 0 : i32
    %dma_wait3A_223 = tpu.memref_slice %arg9[%dma_wait3A_218, %dma_wait3A_221, %dma_wait3A_222] : memref<8x128x64xf32, #tpu.memory_space<vmem>> -> memref<1x128x64xf32, #tpu.memory_space<vmem>>
    %dma_wait3A_224 = tpu.memref_squeeze %dma_wait3A_223 : memref<1x128x64xf32, #tpu.memory_space<vmem>> -> memref<128x64xf32, #tpu.memory_space<vmem>>
    %dma_wait3A_225 = arith.constant 0 : i32
    %dma_wait3A_226 = tpu.memref_slice %arg8[%dma_wait3A_219, %dma_wait3A_225] : memref<80x128xi32, #tpu.memory_space<vmem>> -> memref<1x128xi32, #tpu.memory_space<vmem>>
    %dma_wait3A_227 = tpu.memref_squeeze %dma_wait3A_226 : memref<1x128xi32, #tpu.memory_space<vmem>> -> memref<128xi32, #tpu.memory_space<vmem>>
    %dma_wait3A_228 = arith.constant 0 : i32
    %dma_wait3A_229 = arith.constant 0 : i32
    %dma_wait3A_230 = tpu.memref_slice %arg10[%dma_wait3A_228, %dma_wait3A_229] : memref<10240x64xf32, #tpu.memory_space<vmem_shared>> -> memref<10240x64xf32, #tpu.memory_space<vmem_shared>>
    %dma_wait3A_231 = tpu.memref_slice %arg12[%dma_wait3A_220] : memref<8x!tpu.dma_semaphore, #tpu.memory_space<semaphore_mem>> -> memref<1x!tpu.dma_semaphore, #tpu.memory_space<semaphore_mem>>
    %dma_wait3A_232 = tpu.memref_squeeze %dma_wait3A_231 : memref<1x!tpu.dma_semaphore, #tpu.memory_space<semaphore_mem>> -> memref<!tpu.dma_semaphore, #tpu.memory_space<semaphore_mem>>
    tpu.wait_indirect_dma semaphore(%dma_wait3A_232 : memref<!tpu.dma_semaphore, #tpu.memory_space<semaphore_mem>>) src(%dma_wait3A_224 : memref<128x64xf32, #tpu.memory_space<vmem>>) dst(%dma_wait3A_230 : memref<10240x64xf32, #tpu.memory_space<vmem_shared>>)
    %dma_wait3A_233 = arith.constant 7 : i32
    %dma_wait3A_234 = arith.constant 79 : i32
    %dma_wait3A_235 = arith.constant 7 : i32
    %dma_wait3A_236 = arith.constant 0 : i32
    %dma_wait3A_237 = arith.constant 0 : i32
    %dma_wait3A_238 = tpu.memref_slice %arg9[%dma_wait3A_233, %dma_wait3A_236, %dma_wait3A_237] : memref<8x128x64xf32, #tpu.memory_space<vmem>> -> memref<1x128x64xf32, #tpu.memory_space<vmem>>
    %dma_wait3A_239 = tpu.memref_squeeze %dma_wait3A_238 : memref<1x128x64xf32, #tpu.memory_space<vmem>> -> memref<128x64xf32, #tpu.memory_space<vmem>>
    %dma_wait3A_240 = arith.constant 0 : i32
    %dma_wait3A_241 = tpu.memref_slice %arg8[%dma_wait3A_234, %dma_wait3A_240] : memref<80x128xi32, #tpu.memory_space<vmem>> -> memref<1x128xi32, #tpu.memory_space<vmem>>
    %dma_wait3A_242 = tpu.memref_squeeze %dma_wait3A_241 : memref<1x128xi32, #tpu.memory_space<vmem>> -> memref<128xi32, #tpu.memory_space<vmem>>
    %dma_wait3A_243 = arith.constant 0 : i32
    %dma_wait3A_244 = arith.constant 0 : i32
    %dma_wait3A_245 = tpu.memref_slice %arg10[%dma_wait3A_243, %dma_wait3A_244] : memref<10240x64xf32, #tpu.memory_space<vmem_shared>> -> memref<10240x64xf32, #tpu.memory_space<vmem_shared>>
    %dma_wait3A_246 = tpu.memref_slice %arg12[%dma_wait3A_235] : memref<8x!tpu.dma_semaphore, #tpu.memory_space<semaphore_mem>> -> memref<1x!tpu.dma_semaphore, #tpu.memory_space<semaphore_mem>>
    %dma_wait3A_247 = tpu.memref_squeeze %dma_wait3A_246 : memref<1x!tpu.dma_semaphore, #tpu.memory_space<semaphore_mem>> -> memref<!tpu.dma_semaphore, #tpu.memory_space<semaphore_mem>>
    tpu.wait_indirect_dma semaphore(%dma_wait3A_247 : memref<!tpu.dma_semaphore, #tpu.memory_space<semaphore_mem>>) src(%dma_wait3A_239 : memref<128x64xf32, #tpu.memory_space<vmem>>) dst(%dma_wait3A_245 : memref<10240x64xf32, #tpu.memory_space<vmem_shared>>)
    %barrier3A_248 = arith.constant 0 : index
    tpu.barrier barrier_id(%barrier3A_248)
    %mul3A_249 = arith.constant 640 : i32
    %mul3A_250 = arith.muli %arg1, %mul3A_249 : i32
    %mul3A_251 = arith.constant 640 : i32
    %mul3A_252 = arith.muli %arg1, %mul3A_251 : i32
    "tpu.region"() ({
      %run_scoped3A = tpu.sem_alloc : memref<!tpu.dma_semaphore, #tpu.memory_space<semaphore_mem>>
      %dma_start3A_253 = arith.constant 0 : i32
      %dma_start3A_254 = tpu.memref_slice %arg6[%arg0, %mul3A_252, %dma_start3A_253] : memref<2x10240x64xf32, #tpu.memory_space<hbm>> -> memref<1x640x64xf32, #tpu.memory_space<hbm>>
      %dma_start3A_255 = tpu.memref_squeeze %dma_start3A_254 : memref<1x640x64xf32, #tpu.memory_space<hbm>> -> memref<640x64xf32, #tpu.memory_space<hbm>>
      %dma_start3A_256 = arith.constant 0 : i32
      %dma_start3A_257 = tpu.memref_slice %arg10[%mul3A_250, %dma_start3A_256] : memref<10240x64xf32, #tpu.memory_space<vmem_shared>> -> memref<640x64xf32, #tpu.memory_space<vmem_shared>>
      tpu.enqueue_dma source(%dma_start3A_257 : memref<640x64xf32, #tpu.memory_space<vmem_shared>>) target(%dma_start3A_255 : memref<640x64xf32, #tpu.memory_space<hbm>>) target_semaphore(%run_scoped3A : memref<!tpu.dma_semaphore, #tpu.memory_space<semaphore_mem>>)
      %dma_wait3A_258 = arith.constant 0 : i32
      %dma_wait3A_259 = tpu.memref_slice %arg6[%arg0, %mul3A_252, %dma_wait3A_258] : memref<2x10240x64xf32, #tpu.memory_space<hbm>> -> memref<1x640x64xf32, #tpu.memory_space<hbm>>
      %dma_wait3A_260 = tpu.memref_squeeze %dma_wait3A_259 : memref<1x640x64xf32, #tpu.memory_space<hbm>> -> memref<640x64xf32, #tpu.memory_space<hbm>>
      %dma_wait3A_261 = arith.constant 0 : i32
      %dma_wait3A_262 = tpu.memref_slice %arg10[%mul3A_250, %dma_wait3A_261] : memref<10240x64xf32, #tpu.memory_space<vmem_shared>> -> memref<640x64xf32, #tpu.memory_space<vmem_shared>>
      tpu.wait_dma2 semaphore(%run_scoped3A : memref<!tpu.dma_semaphore, #tpu.memory_space<semaphore_mem>>) src(%dma_wait3A_262 : memref<640x64xf32, #tpu.memory_space<vmem_shared>>) dst(%dma_wait3A_260 : memref<640x64xf32, #tpu.memory_space<hbm>>)
      tpu.yield
    }) : () -> ()
    return
  }
}

module attributes {stable_mosaic.version = 14 : i64} {
  func.func @body(%arg0: memref<10000x128xf32, #tpu.memory_space<vmem>>, %arg1: memref<128x64xf32, #tpu.memory_space<vmem>>, %arg2: memref<2x10240x1xf32, #tpu.memory_space<vmem>>, %arg3: memref<10000x64xf32, #tpu.memory_space<vmem>>, %arg4: memref<10000x1xf32, #tpu.memory_space<vmem>>) attributes {dimension_semantics = [], scalar_prefetch = 0 : i64, scratch_operands = 0 : i64, tpu.core_type = #tpu.core_type<tc>} {
    %get3A = arith.constant 0 : index
    %get3A_0 = arith.constant 0 : index
    %get3A_1 = arith.constant 0 : index
    %get3A_2 = vector.load %arg2[%get3A, %get3A_0, %get3A_1] : memref<2x10240x1xf32, #tpu.memory_space<vmem>>, vector<1x10240x1xf32>
    %get3A_3 = vector.shape_cast %get3A_2 : vector<1x10240x1xf32> to vector<10240x1xf32>
    %get3A_4 = arith.constant 1 : index
    %get3A_5 = arith.constant 0 : index
    %get3A_6 = arith.constant 0 : index
    %get3A_7 = vector.load %arg2[%get3A_4, %get3A_5, %get3A_6] : memref<2x10240x1xf32, #tpu.memory_space<vmem>>, vector<1x10240x1xf32>
    %get3A_8 = vector.shape_cast %get3A_7 : vector<1x10240x1xf32> to vector<10240x1xf32>
    %add3A = arith.addf %get3A_3, %get3A_8 : vector<10240x1xf32>
    %slice3A = vector.extract_strided_slice %add3A {offsets = [0, 0], sizes = [10000, 1], strides = [1, 1]} : vector<10240x1xf32> to vector<10000x1xf32>
    %add3A_9 = arith.constant 1.000000e+00 : f32
    %add3A_10 = vector.broadcast %add3A_9 : f32 to vector<10000x1xf32>
    %add3A_11 = arith.addf %slice3A, %add3A_10 : vector<10000x1xf32>
    %rsqrt3A = math.rsqrt %add3A_11 : vector<10000x1xf32>
    %get3A_12 = arith.constant 0 : index
    %get3A_13 = arith.constant 0 : index
    %get3A_14 = vector.load %arg0[%get3A_12, %get3A_13] : memref<10000x128xf32, #tpu.memory_space<vmem>>, vector<10000x128xf32>
    %get3A_15 = arith.constant 0 : index
    %get3A_16 = arith.constant 0 : index
    %get3A_17 = vector.load %arg1[%get3A_15, %get3A_16] : memref<128x64xf32, #tpu.memory_space<vmem>>, vector<128x64xf32>
    %dot_general3A = arith.constant dense<0.000000e+00> : vector<10000x64xf32>
    %dot_general3A_18 = tpu.matmul %get3A_14, %get3A_17, %dot_general3A {dimension_numbers = #tpu.dot_dimension_numbers<[1], [0], [0], [1], [0, 0, 1, 1], [], []>, transpose_lhs_hint = false} : vector<10000x128xf32>, vector<128x64xf32>, vector<10000x64xf32> -> vector<10000x64xf32>
    %mul3A = vector.broadcast %rsqrt3A : vector<10000x1xf32> to vector<10000x64xf32>
    %mul3A_19 = arith.mulf %dot_general3A_18, %mul3A : vector<10000x64xf32>
    %swap3A = arith.constant 0 : index
    %swap3A_20 = arith.constant 0 : index
    %swap3A_21 = vector.load %arg3[%swap3A, %swap3A_20] : memref<10000x64xf32, #tpu.memory_space<vmem>>, vector<10000x64xf32>
    tpu.vector_store %arg3[%swap3A, %swap3A_20], %mul3A_19 {strides = array<i32>} : memref<10000x64xf32, #tpu.memory_space<vmem>>, vector<10000x64xf32>,
    %swap3A_22 = arith.constant 0 : index
    %swap3A_23 = arith.constant 0 : index
    %swap3A_24 = vector.load %arg4[%swap3A_22, %swap3A_23] : memref<10000x1xf32, #tpu.memory_space<vmem>>, vector<10000x1xf32>
    tpu.vector_store %arg4[%swap3A_22, %swap3A_23], %rsqrt3A {strides = array<i32>} : memref<10000x1xf32, #tpu.memory_space<vmem>>, vector<10000x1xf32>,
    return
  }
}

module attributes {stable_mosaic.version = 14 : i64} {
  func.func @body(%arg0: memref<2x10240x64xf32, #tpu.memory_space<vmem>>, %arg1: memref<10000x64xf32, #tpu.memory_space<vmem>>, %arg2: memref<10000x1xf32, #tpu.memory_space<vmem>>, %arg3: memref<1x64xf32, #tpu.memory_space<vmem>>, %arg4: memref<64x64xf32, #tpu.memory_space<vmem>>, %arg5: memref<10000x64xf32, #tpu.memory_space<vmem>>) attributes {dimension_semantics = [], scalar_prefetch = 0 : i64, scratch_operands = 0 : i64, tpu.core_type = #tpu.core_type<tc>} {
    %get3A = arith.constant 0 : index
    %get3A_0 = arith.constant 0 : index
    %get3A_1 = arith.constant 0 : index
    %get3A_2 = vector.load %arg0[%get3A, %get3A_0, %get3A_1] : memref<2x10240x64xf32, #tpu.memory_space<vmem>>, vector<1x10000x64xf32>
    %get3A_3 = vector.shape_cast %get3A_2 : vector<1x10000x64xf32> to vector<10000x64xf32>
    %get3A_4 = arith.constant 1 : index
    %get3A_5 = arith.constant 0 : index
    %get3A_6 = arith.constant 0 : index
    %get3A_7 = vector.load %arg0[%get3A_4, %get3A_5, %get3A_6] : memref<2x10240x64xf32, #tpu.memory_space<vmem>>, vector<1x10000x64xf32>
    %get3A_8 = vector.shape_cast %get3A_7 : vector<1x10000x64xf32> to vector<10000x64xf32>
    %add3A = arith.addf %get3A_3, %get3A_8 : vector<10000x64xf32>
    %get3A_9 = arith.constant 0 : index
    %get3A_10 = arith.constant 0 : index
    %get3A_11 = vector.load %arg1[%get3A_9, %get3A_10] : memref<10000x64xf32, #tpu.memory_space<vmem>>, vector<10000x64xf32>
    %add3A_12 = arith.addf %add3A, %get3A_11 : vector<10000x64xf32>
    %get3A_13 = arith.constant 0 : index
    %get3A_14 = arith.constant 0 : index
    %get3A_15 = vector.load %arg2[%get3A_13, %get3A_14] : memref<10000x1xf32, #tpu.memory_space<vmem>>, vector<10000x1xf32>
    %mul3A = vector.broadcast %get3A_15 : vector<10000x1xf32> to vector<10000x64xf32>
    %mul3A_16 = arith.mulf %add3A_12, %mul3A : vector<10000x64xf32>
    %get3A_17 = arith.constant 0 : index
    %get3A_18 = arith.constant 0 : index
    %get3A_19 = vector.load %arg3[%get3A_17, %get3A_18] : memref<1x64xf32, #tpu.memory_space<vmem>>, vector<1x64xf32>
    %add3A_20 = vector.broadcast %get3A_19 : vector<1x64xf32> to vector<10000x64xf32>
    %add3A_21 = arith.addf %mul3A_16, %add3A_20 : vector<10000x64xf32>
    %max3A = arith.constant 0.000000e+00 : f32
    %max3A_22 = vector.broadcast %max3A : f32 to vector<10000x64xf32>
    %max3A_23 = arith.maximumf %add3A_21, %max3A_22 : vector<10000x64xf32>
    %get3A_24 = arith.constant 0 : index
    %get3A_25 = arith.constant 0 : index
    %get3A_26 = vector.load %arg4[%get3A_24, %get3A_25] : memref<64x64xf32, #tpu.memory_space<vmem>>, vector<64x64xf32>
    %dot_general3A = arith.constant dense<0.000000e+00> : vector<10000x64xf32>
    %dot_general3A_27 = tpu.matmul %max3A_23, %get3A_26, %dot_general3A {dimension_numbers = #tpu.dot_dimension_numbers<[1], [0], [0], [1], [0, 0, 1, 1], [], []>, transpose_lhs_hint = false} : vector<10000x64xf32>, vector<64x64xf32>, vector<10000x64xf32> -> vector<10000x64xf32>
    %get3A_28 = arith.constant 0 : index
    %get3A_29 = arith.constant 0 : index
    %get3A_30 = vector.load %arg2[%get3A_28, %get3A_29] : memref<10000x1xf32, #tpu.memory_space<vmem>>, vector<10000x1xf32>
    %mul3A_31 = vector.broadcast %get3A_30 : vector<10000x1xf32> to vector<10000x64xf32>
    %mul3A_32 = arith.mulf %dot_general3A_27, %mul3A_31 : vector<10000x64xf32>
    %swap3A = arith.constant 0 : index
    %swap3A_33 = arith.constant 0 : index
    %swap3A_34 = vector.load %arg5[%swap3A, %swap3A_33] : memref<10000x64xf32, #tpu.memory_space<vmem>>, vector<10000x64xf32>
    tpu.vector_store %arg5[%swap3A, %swap3A_33], %mul3A_32 {strides = array<i32>} : memref<10000x64xf32, #tpu.memory_space<vmem>>, vector<10000x64xf32>,
    return
  }
}

module attributes {stable_mosaic.version = 14 : i64} {
  func.func @body(%arg0: memref<2x10240x64xf32, #tpu.memory_space<vmem>>, %arg1: memref<10000x64xf32, #tpu.memory_space<vmem>>, %arg2: memref<10000x1xf32, #tpu.memory_space<vmem>>, %arg3: memref<1x64xf32, #tpu.memory_space<vmem>>, %arg4: memref<64x1xf32, #tpu.memory_space<vmem>>, %arg5: memref<1x1xf32, #tpu.memory_space<vmem>>, %arg6: memref<1x10000xi32, #tpu.memory_space<vmem>>, %arg7: memref<64x1xf32, #tpu.memory_space<vmem>>) attributes {dimension_semantics = [], scalar_prefetch = 0 : i64, scratch_operands = 0 : i64, tpu.core_type = #tpu.core_type<tc>} {
    %get3A = arith.constant 0 : index
    %get3A_0 = arith.constant 0 : index
    %get3A_1 = arith.constant 0 : index
    %get3A_2 = vector.load %arg0[%get3A, %get3A_0, %get3A_1] : memref<2x10240x64xf32, #tpu.memory_space<vmem>>, vector<1x10000x64xf32>
    %get3A_3 = vector.shape_cast %get3A_2 : vector<1x10000x64xf32> to vector<10000x64xf32>
    %get3A_4 = arith.constant 1 : index
    %get3A_5 = arith.constant 0 : index
    %get3A_6 = arith.constant 0 : index
    %get3A_7 = vector.load %arg0[%get3A_4, %get3A_5, %get3A_6] : memref<2x10240x64xf32, #tpu.memory_space<vmem>>, vector<1x10000x64xf32>
    %get3A_8 = vector.shape_cast %get3A_7 : vector<1x10000x64xf32> to vector<10000x64xf32>
    %add3A = arith.addf %get3A_3, %get3A_8 : vector<10000x64xf32>
    %get3A_9 = arith.constant 0 : index
    %get3A_10 = arith.constant 0 : index
    %get3A_11 = vector.load %arg1[%get3A_9, %get3A_10] : memref<10000x64xf32, #tpu.memory_space<vmem>>, vector<10000x64xf32>
    %add3A_12 = arith.addf %add3A, %get3A_11 : vector<10000x64xf32>
    %get3A_13 = arith.constant 0 : index
    %get3A_14 = arith.constant 0 : index
    %get3A_15 = vector.load %arg2[%get3A_13, %get3A_14] : memref<10000x1xf32, #tpu.memory_space<vmem>>, vector<10000x1xf32>
    %mul3A = vector.broadcast %get3A_15 : vector<10000x1xf32> to vector<10000x64xf32>
    %mul3A_16 = arith.mulf %add3A_12, %mul3A : vector<10000x64xf32>
    %get3A_17 = arith.constant 0 : index
    %get3A_18 = arith.constant 0 : index
    %get3A_19 = vector.load %arg3[%get3A_17, %get3A_18] : memref<1x64xf32, #tpu.memory_space<vmem>>, vector<1x64xf32>
    %add3A_20 = vector.broadcast %get3A_19 : vector<1x64xf32> to vector<10000x64xf32>
    %add3A_21 = arith.addf %mul3A_16, %add3A_20 : vector<10000x64xf32>
    %max3A = arith.constant 0.000000e+00 : f32
    %max3A_22 = vector.broadcast %max3A : f32 to vector<10000x64xf32>
    %max3A_23 = arith.maximumf %add3A_21, %max3A_22 : vector<10000x64xf32>
    %iota3A = tpu.iota {dimensions = array<i32: 0>} : vector<64x10000xi32>
    %get3A_24 = arith.constant 0 : index
    %get3A_25 = arith.constant 0 : index
    %get3A_26 = vector.load %arg6[%get3A_24, %get3A_25] : memref<1x10000xi32, #tpu.memory_space<vmem>>, vector<1x10000xi32>
    %broadcast_in_dim3A = vector.shape_cast %get3A_26 : vector<1x10000xi32> to vector<1x10000xi32>
    %broadcast_in_dim3A_27 = vector.broadcast %broadcast_in_dim3A : vector<1x10000xi32> to vector<64x10000xi32>
    %eq3A = arith.cmpi eq, %broadcast_in_dim3A_27, %iota3A : vector<64x10000xi32>
    %convert_element_type3A = arith.extui %eq3A : vector<64x10000xi1> to vector<64x10000xi32>
    %convert_element_type3A_28 = arith.sitofp %convert_element_type3A : vector<64x10000xi32> to vector<64x10000xf32>
    %dot_general3A = arith.constant dense<0.000000e+00> : vector<64x64xf32>
    %dot_general3A_29 = tpu.matmul %convert_element_type3A_28, %max3A_23, %dot_general3A {dimension_numbers = #tpu.dot_dimension_numbers<[1], [0], [0], [1], [0, 0, 1, 1], [], []>, precision = #tpu.contract_precision<fp32>, transpose_lhs_hint = false} : vector<64x10000xf32>, vector<10000x64xf32>, vector<64x64xf32> -> vector<64x64xf32>
    %reduce_sum3A = arith.constant dense<0.000000e+00> : vector<64xf32>
    %reduce_sum3A_30 = vector.multi_reduction <add>, %convert_element_type3A_28, %reduce_sum3A [1] : vector<64x10000xf32> to vector<64xf32>
    %broadcast_in_dim3A_31 = vector.shape_cast %reduce_sum3A_30 : vector<64xf32> to vector<64x1xf32>
    %max3A_32 = arith.constant 1.000000e+00 : f32
    %max3A_33 = vector.broadcast %max3A_32 : f32 to vector<64x1xf32>
    %max3A_34 = arith.maximumf %broadcast_in_dim3A_31, %max3A_33 : vector<64x1xf32>
    %div3A = vector.broadcast %max3A_34 : vector<64x1xf32> to vector<64x64xf32>
    %div3A_35 = arith.divf %dot_general3A_29, %div3A : vector<64x64xf32>
    %get3A_36 = arith.constant 0 : index
    %get3A_37 = arith.constant 0 : index
    %get3A_38 = vector.load %arg4[%get3A_36, %get3A_37] : memref<64x1xf32, #tpu.memory_space<vmem>>, vector<64x1xf32>
    %dot_general3A_39 = arith.constant dense<0.000000e+00> : vector<64x1xf32>
    %dot_general3A_40 = tpu.matmul %div3A_35, %get3A_38, %dot_general3A_39 {dimension_numbers = #tpu.dot_dimension_numbers<[1], [0], [0], [1], [0, 0, 1, 1], [], []>, transpose_lhs_hint = false} : vector<64x64xf32>, vector<64x1xf32>, vector<64x1xf32> -> vector<64x1xf32>
    %get3A_41 = arith.constant 0 : index
    %get3A_42 = arith.constant 0 : index
    %get3A_43 = vector.load %arg5[%get3A_41, %get3A_42] : memref<1x1xf32, #tpu.memory_space<vmem>>, vector<1x1xf32>
    %add3A_44 = vector.broadcast %get3A_43 : vector<1x1xf32> to vector<64x1xf32>
    %add3A_45 = arith.addf %dot_general3A_40, %add3A_44 : vector<64x1xf32>
    %swap3A = arith.constant 0 : index
    %swap3A_46 = arith.constant 0 : index
    %swap3A_47 = vector.load %arg7[%swap3A, %swap3A_46] : memref<64x1xf32, #tpu.memory_space<vmem>>, vector<64x1xf32>
    tpu.vector_store %arg7[%swap3A, %swap3A_46], %add3A_45 {strides = array<i32>} : memref<64x1xf32, #tpu.memory_space<vmem>>, vector<64x1xf32>,
    return
  }
}

</mosaic_0001>

<sc_bundles>
// kernel: kernel.11.cloned.1.call-start
scs
__scs_entry_jumppad:
0x0: {  	(pc) =	sbr.rel $0x88, $3  }
0x1: {  	(tag) =	ssettag $0x0;
	lr =	simm.s32 $0x1  }
0x2: {  	[smem:$0x3F98] =	sst lr;
	_ =	strace $0xD0000000  }
0x3: {  	_ = 	snop  }
0x4: {  	_ = 	snop  }
0x5: {  	_ = 	snop  }
0x6: {  	_ = 	snop  }
0x7: {  	_ = 	snop  }
__scs_overlays_trampoline_lowered:
0x8: {  	[smem:$0x3FA7] =	sst s0  }
0x9: {  	[smem:$0x3FA8] =	sst s1  }
0xa: {  	[smem:$0x3FA9] =	sst s2  }
0xb: {  	[smem:$0x3FAA] =	sst s3  }
0xc: {  	[smem:$0x3FAB] =	sst s4  }
0xd: {  	[smem:$0x3FAC] =	sst s5  }
0xe: {  	[smem:$0x3FAD] =	sst s6  }
0xf: {  	[smem:$0x3FAE] =	sst s7  }
0x10: {  	[smem:$0x3FAF] =	sst s8  }
0x11: {  	[smem:$0x3FB0] =	sst s9;
	s0 =	simm.s32 @!p0 $0x0  }
0x12: {  	s1 =	sld [smem:$0x3F96];
	s0 =	simm.s32 @p0 $0x1  }
0x13: {  	[smem:$0x3FB1] =	sst s0;
	s0 =	simm.s32 @!p1 $0x0  }
0x14: {  	s2 =	sld [smem:$0x3F95];
	s0 =	simm.s32 @p1 $0x1  }
0x15: {  	[smem:$0x3FB2] =	sst s0;
	s0 =	simm.s32 @!p2 $0x0  }
0x16: {  	s3 =	sld [smem:$0x3FDB];
	s0 =	simm.s32 @p2 $0x1  }
0x17: {  	s4 =	simm.s32 $0x1BF5;
	[smem:$0x3FB4] =	sst s0  }
0x18: {  	s0 =	sld [smem:$0x3F97];
	_ =	swait.ge [sflag:s4], $0x0  }
0x19: {  	s7 =	sld [smem:$0x3F98]  }
0x1a: {  	s8 =	sadd.s32 $0xFFFFE003, lr  }
0x1b: {  	s9 =	sadd.s32 $0xFFFFFEF7, lr;
	s5 =	simm.s32 $0xFFFFFFFF;
	p2 =	slt.u32 s8, $0xFFFFF086  }
0x1c: {  	p1 =	slt.u32 s9, $0xF7A;
	s5 =	simm.s32 @!p2 $0x0  }
0x1d: {  	s5 =	simm.s32 @p1 $0x1;
	p0 =	seq.s32 s7, s2  }
0x1e: {  	s7 =	smul.u32 @!p0 $0xF7A, s2;
	p2 =	seq.s32 @!p0 s5, $0x0  }
0x1f: {  	s9 =	smul.u32 $0xF7A, s1;
	s8 =	simm.s32 @!p0 $0x1BF5;
	p2 =	por !p2, p0  }
0x20: {  	[sflag:s8] =	ssyncset.s32 @!p0 $0xFFFFF086;
	s6 =	sadd.s32 @!p0 s3, s7;
	s7 =	simm.s32 @!p0 $0x108  }
0x21: {  	s3 =	sadd.s32 s3, s9;
	s6 =	sadd.s32 @!p0 $0x88, s6;
	s7 =	simm.s32 @p2 $0x1082  }
0x22: {  	[simem:s7], [sflag:s8] =	dma.local @!p0 [hbm:s6], $0xF7A  }
0x23: {  	s9 =	sor.u32 $0xD0000000, s2;
	s6 =	simm.s32 $0x108;
	_ =	swait.ge @!p0 [sflag:s8], $0x0  }
0x24: {  	s3 =	sadd.s32 $0x88, s3;
	s6 =	simm.s32 @!p1 $0x1082;
	[sflag:s4] =	ssyncset.s32 $0xFFFFF086  }
0x25: {  	[simem:s6], [sflag:s4] =	dma.local [hbm:s3], $0xF7A  }
0x26: {  	[smem:$0x3F98] =	sst s1;
	(tag) =	ssettag s2;
	_ =	strace s9  }
0x27: {  	s1 =	sld [smem:$0x3FA8]  }
0x28: {  	s2 =	sld [smem:$0x3FA9]  }
0x29: {  	s4 =	sld [smem:$0x3FAB]  }
0x2a: {  	p0 =	seq.s32 s5, $0x0;
	s5 =	sld [smem:$0x3FAC]  }
0x2b: {  	s6 =	sld [smem:$0x3FAD]  }
0x2c: {  	s7 =	sld [smem:$0x3FAE]  }
0x2d: {  	s3 =	simm.s32 $0x108;
	s8 =	sld [smem:$0x3FAF]  }
0x2e: {  	s3 =	simm.s32 @!p0 $0x1082;
	s9 =	sld [smem:$0x3FB0]  }
0x2f: {  	lr =	sadd.s32 s0, s3;
	s0 =	sld [smem:$0x3FA7]  }
0x30: {  	s3 =	sld [smem:$0x3FAA]  }
0x31: {  	[smem:$0x3FB3] =	sst s10  }
0x32: {  	s10 =	sld [smem:$0x3FB1];
	_ =	sdelay $0x3  }
0x33: {  	p0 =	seq.s32 s10, $0x1;
	s10 =	sld [smem:$0x3FB3];
	_ =	sdelay $0x3  }
0x34: {  	[smem:$0x3FB3] =	sst s10  }
0x35: {  	s10 =	sld [smem:$0x3FB2];
	_ =	sdelay $0x3  }
0x36: {  	p1 =	seq.s32 s10, $0x1;
	s10 =	sld [smem:$0x3FB3];
	_ =	sdelay $0x3  }
0x37: {  	[smem:$0x3FB3] =	sst s10  }
0x38: {  	s10 =	sld [smem:$0x3FB4]  }
0x39: {  	_ = 	snop;
	(pc) =	sbr.ind lr, $3  }
0x3a: {  	_ = 	snop  }
0x3b: {  	_ = 	snop  }
0x3c: {  	p2 =	seq.s32 s10, $0x1;
	s10 =	sld [smem:$0x3FB3]  }
0x3d: {  	_ =	shalt  }
0x3e: {  	_ =	shalt  }
0x3f: {  	_ =	shalt  }
0x40: {  	_ =	shalt  }
0x41: {  	_ =	shalt  }
0x42: {  	_ =	shalt  }
0x43: {  	_ =	shalt  }
0x44: {  	_ =	shalt  }
0x45: {  	_ =	shalt  }
0x46: {  	_ =	shalt  }
0x47: {  	_ =	shalt  }
0x48: {  	_ =	shalt  }
0x49: {  	_ =	shalt  }
0x4a: {  	_ =	shalt  }
0x4b: {  	_ =	shalt  }
0x4c: {  	_ =	shalt  }
0x4d: {  	_ =	shalt  }
0x4e: {  	_ =	shalt  }
0x4f: {  	_ =	shalt  }
0x50: {  	_ =	shalt  }
0x51: {  	_ =	shalt  }
0x52: {  	_ =	shalt  }
0x53: {  	_ =	shalt  }
0x54: {  	_ =	shalt  }
0x55: {  	_ =	shalt  }
0x56: {  	_ =	shalt  }
0x57: {  	_ =	shalt  }
0x58: {  	_ =	shalt  }
0x59: {  	_ =	shalt  }
0x5a: {  	_ =	shalt  }
0x5b: {  	_ =	shalt  }
0x5c: {  	_ =	shalt  }
0x5d: {  	_ =	shalt  }
0x5e: {  	_ =	shalt  }
0x5f: {  	_ =	shalt  }
0x60: {  	_ =	shalt  }
0x61: {  	_ =	shalt  }
0x62: {  	_ =	shalt  }
0x63: {  	_ =	shalt  }
0x64: {  	_ =	shalt  }
0x65: {  	_ =	shalt  }
0x66: {  	_ =	shalt  }
0x67: {  	_ =	shalt  }
0x68: {  	_ =	shalt  }
0x69: {  	_ =	shalt  }
0x6a: {  	_ =	shalt  }
0x6b: {  	_ =	shalt  }
0x6c: {  	_ =	shalt  }
0x6d: {  	_ =	shalt  }
0x6e: {  	_ =	shalt  }
0x6f: {  	_ =	shalt  }
0x70: {  	_ =	shalt  }
0x71: {  	_ =	shalt  }
0x72: {  	_ =	shalt  }
0x73: {  	_ =	shalt  }
0x74: {  	_ =	shalt  }
0x75: {  	_ =	shalt  }
0x76: {  	_ =	shalt  }
0x77: {  	_ =	shalt  }
0x78: {  	_ =	shalt  }
0x79: {  	_ =	shalt  }
0x7a: {  	_ =	shalt  }
0x7b: {  	_ =	shalt  }
0x7c: {  	_ =	shalt  }
0x7d: {  	_ =	shalt  }
0x7e: {  	_ =	shalt  }
0x7f: {  	_ =	shalt  }
0x80: {  	_ =	shalt  }
0x81: {  	_ =	shalt  }
0x82: {  	_ =	shalt  }
0x83: {  	_ =	shalt  }
0x84: {  	_ =	shalt  }
0x85: {  	_ =	shalt  }
0x86: {  	_ =	shalt  }
0x87: {  	_ =	shalt  }
.Lfunc_end0:
.L_simem_size_0:
called_computation.1_lowered:
.L_overlay_start_0:
0x88: {  	s2 =	sld [smem:$0x3FD9]  }
0x89: {  	s3 =	sld [smem:$0x3FFE];
	_ =	sdelay $0x1  }
0x8a: {  	s1 =	srdreg.scid  }
0x8b: {  	s0 =	sand.u32 $0x1, s1  }
0x8c: {  	s16 =	sshll.u32 s0, $0xA;
	s2 =	sadd.s32 s3, s2  }
0x8d: {  	s2 =	sadd.s32 s2, s16  }
0x8e: {  	[smem:$0x3FBF] =	sst s2  }
0x8f: {  	_ = 	snop  }
0x90: {  	(tm) =	ssettm $0x1  }
0x91: {  	s17 =	sld [smem:$0x3FFB];
	_ =	sdelay $0x3  }
0x92: {  	_ =	strace s17  }
0x93: {  	s2 =	sld [smem:$0x3FFC];
	_ =	sdelay $0x3  }
0x94: {  	_ =	strace s2  }
0x95: {  	s2 =	sld [smem:$0x3FFD];
	_ =	sdelay $0x3  }
0x96: {  	_ =	strace s2  }
0x97: {  	_ =	strace $0x8FFFFFFF  }
0x98: {  	s18 =	sld [smem:$0x3FDB];
	_ =	sdelay $0x1  }
0x99: {  	s19 =	simm.s32 $_scs_section_size  }
0x9a: {  	s4 =	simm.s32 $_size__tile_overlayer_lowered;
	s5 =	simm.s32 $_tile_overlayer_lowered  }
0x9b: {  	s22 =	simm.s32 $0x1BFF;
	s21 =	sshll.u32 s5, $0x1;
	s2 =	sadd.s32 s19, s18  }
0x9c: {  	s6 =	simm.s32 $0x0;
	s20 =	sshll.u32 s4, $0x1;
	s4 =	sadd.s32 s21, s2  }
0x9d: {  	[timem:s6], [sflag:s22] =	dma.local [hbm:s4], s20  }
0x9e: {  	_ =	swait.ge [sflag:s22], s20  }
0x9f: {  	s3 =	ssub.s32 $0x0, s20;
	[sflag:s22] =	ssyncset.done $0x0  }
0xa0: {  	[sflag:s22] =	ssyncadd.s32 s3;
	_ =	sdelay $0x1  }
0xa1: {  	s23 =	simm.s32 $0x1B8B  }
0xa2: {  	_ =	swait.ge [sflag:s23], $0x1  }
0xa3: {  	[sflag:s23] =	ssyncset.done $0x0  }
0xa4: {  	s25 =	simm.s32 $0x1B8E;
	s24 =	sld [smem:$0x3FFE];
	[sflag:s23] =	ssyncadd.s32 $0xFFFFFFFF  }
0xa5: {  	s26 =	simm.s32 $execute0_lowered;
	[smem:$0x3FD2] =	sst s25  }
0xa6: {  	s4 =	sshll.u32 s26, $0x1;
	_ =	strace $0x80000049;
	[dreg:$0x1] =	wrdreg $0xFFFFFFFF  }
0xa7: {  	s28 =	simm.s32 $_size_execute0_lowered;
	s2 =	sadd.s32 s2, s4;
	[dreg:$0x0] =	wrdreg $0x0  }
0xa8: {  	s4 =	sshll.u32 s28, $0x1;
	[dreg:$0x2] =	wrdreg s2  }
0xa9: {  	[dreg:$0x3] =	wrdreg s4  }
0xaa: {  	[dreg:$0x4] =	wrdreg $0xC0  }
0xab: {  	_ =	task [dreg:s6], $0x5FFFF  }
0xac: {  	[dreg:$0x1] =	wrdreg $0xFFFFFFFF  }
0xad: {  	[dreg:$0x0] =	wrdreg $0x60  }
0xae: {  	[dreg:$0x2] =	wrdreg s24  }
0xaf: {  	[dreg:$0x3] =	wrdreg $0x150000  }
0xb0: {  	[dreg:$0x4] =	wrdreg $0x9  }
0xb1: {  	_ =	task.clear_ibuf [dreg:s6], $0x5FFFF;
	_ =	strace $0x90000049  }
0xb2: {  	s29 =	simm.s32 $0x9;
	_ =	strace $0x8000004B  }
0xb3: {  	_ =	swait.ge [sflag:s29], $0x1  }
0xb4: {  	[sflag:s29] =	ssyncadd.s32 $0xFFFFFFFF  }
0xb5: {  	_ =	strace $0x9000004B  }
0xb6: {  	_ =	sfence  }
0xb7: {  	s30 =	sld [smem:$0x0];
	_ =	sdelay $0x2  }
0xb8: {  	s31 =	sshll.u32 s1, $0xD;
	s1 =	sshrl.u32 s1, $0x2  }
0xb9: {  	s3 =	sand.u32 $0x4000, s31;
	s1 =	sadd.s32 s1, s30  }
0xba: {  	s0 =	sor.u32 s3, s0;
	s1 =	sshll.u32 s1, $0x11  }
0xbb: {  	s0 =	sor.u32 s1, s0  }
0xbc: {  	s0 =	sadd.s32 $0x8F2B, s0  }
0xbd: {  	[sflag:s0] =	ssyncadd.remote.s32 $0x1  }
0xbe: {  	_ =	sfence.sel $0xFFFF  }
0xbf: {  	[dreg:$0x0] =	wrdreg $0xFFFFFFFF;
	(pc) =	sbr.abs _section_cstart, $3  }
0xc0: {  	[dreg:$0x1] =	wrdreg $0xFFFFFFFF  }
0xc1: {  	_ =	task.clear_ibuf [dreg:s6], $0x2FFFF;
	_ =	strace $0x9FFFFFFF  }
0xc2: {  	(tm) =	ssettm $0x7FFFFFFF  }
0xc3: {  	_ =	shalt  }
tec
execute0_lowered:
.L_overlay_start_1:
0x0: {  	(tag) =	ssettag $0x1  }
0x1: {  	s0 =	srdreg.scid;
	s5 =	rddreg [dreg:$0x0]  }
0x2: {  	s3 =	stileid.u32;
	s2 =	rddreg [dreg:$0x1];
	s4 =	simm.s32 $0x0  }
0x3: {  	s12 =	simm.s32 $0x11;
	s14 =	simm.s32 $0x80;
	s15 =	simm.s32 $0x5000  }
0x4: {  	s18 =	simm.s32 $0x9000;
	s20 =	simm.s32 $0xB000;
	s29 =	simm.s32 $0x13000  }
0x5: {  	s30 =	simm.s32 $0x1;
	s31 =	simm.s32 $0x3;
	s13 =	simm.s32 $0x8  }
0x6: {  	s19 =	simm.s32 $0xB;
	s21 =	simm.s32 $0xC;
	s28 =	simm.s32 $0x10  }
0x7: {  	s0 =	sand.u32 $0x1, s0;
	s1 =	sshll.u32 s3, $0x1;
	s6 =	smul.u32 $0xA000, s3  }
0x8: {  	[smem:$0x7FF] =	sst s4;
	s4 =	sadd.s32 $0x15600, s5;
	s22 =	sshll.u32 s3, $0x6  }
0x9: {  	s1 =	sor.u32 s0, s1;
	s7 =	smul.u32 $0xA0000, s0;
	_ =	strace $0x8000004A  }
0xa: {  	s0 =	ssub.s32 $0x2, s0;
	s1 =	smul.u32 $0x500, s1;
	s8 =	sshrl.u32 s6, $0x3  }
0xb: {  	s9 =	sshrl.u32 s0, $0x1;
	s23 =	sadd.s32 s6, s2;
	s7 =	sadd.s32 s6, s7  }
0xc: {  	s8 =	sadd.s32 s8, s5;
	s0 =	ssub.s32 s0, s9;
	s6 =	sor.u32 $0x1C11, s22  }
0xd: {  	s11 =	sshrl.u32 s23, $0x3;
	s22 =	simm.s32 $0xD000;
	s24 =	sadd.s32 $0x29000, s8  }
0xe: {  	s1 =	sadd.s32 s1, s5;
	s0 =	smax.u32 s0, $0x1;
	[dreg:$0x3] =	wrdreg s24  }
.Ltmp0:
0xf: {  	s25 =	sadd.s32 $0xB600, s1;
	[dreg:$0x7] =	wrdreg s0;
	(pc) =	sbr.rel .LBB2_1-.Ltmp0, $4  }
0x10: {  	s7 =	sshrl.u32 s7, $0x3;
	s1 =	sadd.s32 $0x1600, s1;
	[dreg:$0x4] =	wrdreg s25  }
0x11: {  	s5 =	sadd.s32 s7, s5;
	s0 =	simm.s32 $0x7;
	[dreg:$0x5] =	wrdreg s1  }
0x12: {  	s26 =	sadd.s32 $0x3D000, s5;
	s1 =	simm.s32 $0x5;
	s25 =	simm.s32 $0xF  }
0x13: {  	s5 =	simm.s32 $0x0;
	[dreg:$0x6] =	wrdreg s26;
	s26 =	simm.s32 $0x11000  }
.LBB2_4:
0x14: {  	_ =	swait.ge [sflag:s13], $0x2000  }
0x15: {  	[sflag:s13] =	ssyncset.done $0x0  }
0x16: {  	s3 =	simm.s32 $0x9;
	[sflag:s13] =	ssyncadd.s32 $0xFFFFE000  }
0x17: {  	[spmem:s2] =	stream.indirect.scatter.add.f32 [tilespmem:s29], [sflag:$0x10], $0x40, s10, s14, $0xb8;
	[tilespmem:$0x1F000] =	vst v63  }
0x18: {  	_ =	swait.ge [sflag:s3], $0x2000  }
0x19: {  	[sflag:s3] =	ssyncset.done $0x0  }
0x1a: {  	s10 =	simm.s32 $0xA;
	[sflag:s3] =	ssyncadd.s32 $0xFFFFE000  }
0x1b: {  	_ =	swait.ge [sflag:s10], $0x2000  }
0x1c: {  	[sflag:s10] =	ssyncset.done $0x0  }
0x1d: {  	[sflag:s10] =	ssyncadd.s32 $0xFFFFE000  }
0x1e: {  	_ =	swait.ge [sflag:s19], $0x2000  }
0x1f: {  	[sflag:s19] =	ssyncset.done $0x0  }
0x20: {  	[sflag:s19] =	ssyncadd.s32 $0xFFFFE000  }
0x21: {  	_ =	swait.ge [sflag:s21], $0x2000  }
0x22: {  	[sflag:s21] =	ssyncset.done $0x0  }
0x23: {  	s16 =	simm.s32 $0xD;
	[sflag:s21] =	ssyncadd.s32 $0xFFFFE000  }
0x24: {  	_ =	swait.ge [sflag:s16], $0x2000  }
0x25: {  	[sflag:s16] =	ssyncset.done $0x0  }
0x26: {  	s17 =	simm.s32 $0xE;
	[sflag:s16] =	ssyncadd.s32 $0xFFFFE000  }
0x27: {  	_ =	swait.ge [sflag:s17], $0x2000  }
0x28: {  	[sflag:s17] =	ssyncset.done $0x0  }
0x29: {  	[sflag:s17] =	ssyncadd.s32 $0xFFFFE000  }
0x2a: {  	_ =	swait.ge [sflag:s25], $0x2000  }
0x2b: {  	[sflag:s25] =	ssyncset.done $0x0  }
0x2c: {  	[sflag:s25] =	ssyncadd.s32 $0xFFFFE000  }
0x2d: {  	_ =	swait.ge [sflag:s28], $0x2000  }
0x2e: {  	[sflag:s28] =	ssyncset.done $0x0  }
0x2f: {  	[sflag:s28] =	ssyncadd.s32 $0xFFFFE000  }
0x30: {  	[bflag:$0x0] =	sbarrier.arrive $0xFFFF  }
0x31: {  	s23 =	rddreg [dreg:$0x6]  }
0x32: {  	[hbm:s23], [sflag:s6] =	dma.local [spmem:s11], $0x1400  }
0x33: {  	_ =	swait.ge [sflag:s12], $0x1400  }
0x34: {  	s5 =	sadd.s32 $0x1, s5;
	s24 =	rddreg [dreg:$0x7]  }
0x35: {  	p0 =	sne.s32 s5, s24  }
.Ltmp1:
0x36: {  	_ = 	snop;
	(pc) =	sbr.rel @!p0 .LBB2_5-.Ltmp1, $3  }
0x37: {  	_ =	sdelay $0x1  }
0x38: {  	[sflag:s12] =	ssyncset.done $0x0  }
0x39: {  	[sflag:s12] =	ssyncadd.s32 $0xFFFFEC00  }
.LBB2_1:
0x3a: {  	s3 =	rddreg [dreg:$0x3]  }
0x3b: {  	[spmem:s11], [sflag:s6] =	dma.local [hbm:s3], $0x1400  }
0x3c: {  	_ =	swait.ge [sflag:s12], $0x1400  }
0x3d: {  	[sflag:s12] =	ssyncset.done $0x0  }
0x3e: {  	s23 =	simm.s32 $0x0;
	s7 =	rddreg [dreg:$0x4];
	[sflag:s12] =	ssyncadd.s32 $0xFFFFEC00  }
0x3f: {  	[tilespmem:s23], [sflag:$0x11] =	stream.linear.gather [hbm4b:s7+s23], $0x2800, $0x38;
	[tilespmem:$0x1F000] =	vst v63  }
0x40: {  	_ =	swait.ge [sflag:s12], $0x2800  }
0x41: {  	[sflag:s12] =	ssyncset.done $0x0  }
0x42: {  	s8 =	simm.s32 $0x2800;
	s24 =	rddreg [dreg:$0x5];
	[sflag:s12] =	ssyncadd.s32 $0xFFFFD800  }
0x43: {  	[tilespmem:s8], [sflag:$0x11] =	stream.linear.gather [hbm4b:s24+s23], $0x2800, $0x38;
	[tilespmem:$0x1F000] =	vst v63  }
0x44: {  	_ =	swait.ge [sflag:s12], $0x2800  }
0x45: {  	[sflag:s12] =	ssyncset.done $0x0  }
0x46: {  	[sflag:s12] =	ssyncadd.s32 $0xFFFFD800  }
0x47: {  	[bflag:$0x0] =	sbarrier.arrive $0xFFFF  }
0x48: {  	[tilespmem:s15], [sflag:$0x1] =	stream.indirect.gather [hbm4b:s4+s14], $0x40, s23, s14, $0xb8;
	[tilespmem:$0x1F000] =	vst v63  }
0x49: {  	s7 =	simm.s32 $0x7000  }
0x4a: {  	[tilespmem:s7], [sflag:$0x2] =	stream.indirect.gather [hbm4b:s4+s14], $0x40, s14, s14, $0xb8;
	[tilespmem:$0x1F000] =	vst v63  }
0x4b: {  	s8 =	simm.s32 $0x100  }
0x4c: {  	[tilespmem:s18], [sflag:$0x3] =	stream.indirect.gather [hbm4b:s4+s14], $0x40, s8, s14, $0xb8;
	[tilespmem:$0x1F000] =	vst v63  }
0x4d: {  	s9 =	simm.s32 $0x180  }
0x4e: {  	[tilespmem:s20], [sflag:$0x4] =	stream.indirect.gather [hbm4b:s4+s14], $0x40, s9, s14, $0xb8;
	[tilespmem:$0x1F000] =	vst v63  }
0x4f: {  	s10 =	simm.s32 $0x200  }
0x50: {  	[tilespmem:s22], [sflag:$0x5] =	stream.indirect.gather [hbm4b:s4+s14], $0x40, s10, s14, $0xb8;
	[tilespmem:$0x1F000] =	vst v63  }
0x51: {  	s16 =	simm.s32 $0x280;
	s17 =	simm.s32 $0xF000  }
0x52: {  	[tilespmem:s17], [sflag:$0x6] =	stream.indirect.gather [hbm4b:s4+s14], $0x40, s16, s14, $0xb8;
	[tilespmem:$0x1F000] =	vst v63  }
0x53: {  	s23 =	simm.s32 $0x300  }
0x54: {  	[tilespmem:s26], [sflag:$0x7] =	stream.indirect.gather [hbm4b:s4+s14], $0x40, s23, s14, $0xb8;
	[tilespmem:$0x1F000] =	vst v63  }
0x55: {  	s24 =	simm.s32 $0x380;
	s7 =	simm.s32 $0xFFFFFFF8;
	s8 =	simm.s32 $0x0  }
0x56: {  	[tilespmem:s29], [sflag:$0x8] =	stream.indirect.gather [hbm4b:s4+s14], $0x40, s24, s14, $0xb8;
	[tilespmem:$0x1F000] =	vst v63  }
.LBB2_2:
0x57: {  	_ =	swait.ge [sflag:s30], $0x2000  }
0x58: {  	s9 =	sshra.s32 s8, $0x2;
	[sflag:s30] =	ssyncset.done $0x0  }
0x59: {  	p0 =	sgt.u32 s7, $0x47;
	s10 =	sadd.s32 $0x2800, s9;
	[sflag:s30] =	ssyncadd.s32 $0xFFFFE000  }
0x5a: {  	[spmem:s2] =	stream.indirect.scatter.add.f32 [tilespmem:s15], [sflag:$0x9], $0x40, s10, s14, $0xb8;
	[tilespmem:$0x1F000] =	vst v63  }
0x5b: {  	s10 =	simm.s32 @p0 $0x2  }
0x5c: {  	_ =	swait.ge @p0 [sflag:s10], $0x2000  }
0x5d: {  	[sflag:s10] =	ssyncset.done @p0 $0x0  }
0x5e: {  	[sflag:s10] =	ssyncadd.s32 @p0 $0xFFFFE000;
	s10 =	sshra.s32 @p0 s8, $0x2  }
0x5f: {  	s16 =	simm.s32 @p0 $0x80;
	s17 =	simm.s32 @p0 $0x7000;
	s3 =	sadd.s32 @p0 $0x2880, s10  }
0x60: {  	[spmem:s2] =	stream.indirect.scatter.add.f32 @p0 [tilespmem:s17], [sflag:$0xA], $0x40, s3, s16, $0xb8;
	[tilespmem:$0x1F000] =	vst v63  }
0x61: {  	s3 =	simm.s32 @!p0 $0xD  }
0x62: {  	_ =	swait.ge @!p0 [sflag:s3], $0x2000  }
0x63: {  	[sflag:s3] =	ssyncset.done @!p0 $0x0  }
0x64: {  	[sflag:s3] =	ssyncadd.s32 @!p0 $0xFFFFE000;
	s3 =	sshra.s32 @!p0 s8, $0x2  }
0x65: {  	s23 =	simm.s32 @!p0 $0x80;
	s24 =	simm.s32 @!p0 $0xD000;
	s17 =	sadd.s32 @!p0 $0x200, s3  }
0x66: {  	[tilespmem:s24], [sflag:$0x5] =	stream.indirect.gather @!p0 [hbm4b:s4+s23], $0x40, s17, s23, $0xb8;
	[tilespmem:$0x1F000] =	vst v63  }
0x67: {  	s17 =	simm.s32 @!p0 $0x2  }
0x68: {  	_ =	swait.ge @!p0 [sflag:s17], $0x2000  }
0x69: {  	[sflag:s17] =	ssyncset.done @!p0 $0x0  }
0x6a: {  	s24 =	simm.s32 @!p0 $0x7000;
	[sflag:s17] =	ssyncadd.s32 @!p0 $0xFFFFE000;
	s17 =	sadd.s32 @!p0 $0x2880, s3  }
0x6b: {  	[spmem:s2] =	stream.indirect.scatter.add.f32 @!p0 [tilespmem:s24], [sflag:$0xA], $0x40, s17, s23, $0xb8;
	[tilespmem:$0x1F000] =	vst v63  }
0x6c: {  	s17 =	simm.s32 @!p0 $0xE  }
0x6d: {  	_ =	swait.ge @!p0 [sflag:s17], $0x2000  }
0x6e: {  	[sflag:s17] =	ssyncset.done @!p0 $0x0  }
0x6f: {  	s24 =	simm.s32 @!p0 $0xF000;
	[sflag:s17] =	ssyncadd.s32 @!p0 $0xFFFFE000;
	s17 =	sadd.s32 @!p0 $0x280, s3  }
0x70: {  	[tilespmem:s24], [sflag:$0x6] =	stream.indirect.gather @!p0 [hbm4b:s4+s23], $0x40, s17, s23, $0xb8;
	[tilespmem:$0x1F000] =	vst v63  }
0x71: {  	_ =	swait.ge [sflag:s31], $0x2000  }
0x72: {  	[sflag:s31] =	ssyncset.done $0x0  }
0x73: {  	s24 =	sadd.s32 $0x2900, s9;
	s17 =	simm.s32 @p0 $0x4;
	[sflag:s31] =	ssyncadd.s32 $0xFFFFE000  }
0x74: {  	[spmem:s2] =	stream.indirect.scatter.add.f32 [tilespmem:s18], [sflag:$0xB], $0x40, s24, s14, $0xb8;
	[tilespmem:$0x1F000] =	vst v63  }
0x75: {  	_ =	swait.ge @p0 [sflag:s17], $0x2000  }
0x76: {  	[sflag:s17] =	ssyncset.done @p0 $0x0  }
0x77: {  	s10 =	sadd.s32 @p0 $0x2980, s10;
	[sflag:s17] =	ssyncadd.s32 @p0 $0xFFFFE000;
	s17 =	simm.s32 @p0 $0xB000  }
0x78: {  	[spmem:s2] =	stream.indirect.scatter.add.f32 @p0 [tilespmem:s17], [sflag:$0xC], $0x40, s10, s16, $0xb8;
	[tilespmem:$0x1F000] =	vst v63  }
0x79: {  	s10 =	simm.s32 @!p0 $0xF  }
0x7a: {  	_ =	swait.ge @!p0 [sflag:s10], $0x2000  }
0x7b: {  	[sflag:s10] =	ssyncset.done @!p0 $0x0  }
0x7c: {  	s16 =	simm.s32 @!p0 $0x11000;
	[sflag:s10] =	ssyncadd.s32 @!p0 $0xFFFFE000;
	s10 =	sadd.s32 @!p0 $0x300, s3  }
0x7d: {  	[tilespmem:s16], [sflag:$0x7] =	stream.indirect.gather @!p0 [hbm4b:s4+s23], $0x40, s10, s23, $0xb8;
	[tilespmem:$0x1F000] =	vst v63  }
0x7e: {  	s10 =	simm.s32 @!p0 $0x4  }
0x7f: {  	_ =	swait.ge @!p0 [sflag:s10], $0x2000  }
0x80: {  	[sflag:s10] =	ssyncset.done @!p0 $0x0  }
0x81: {  	s16 =	simm.s32 @!p0 $0xB000;
	[sflag:s10] =	ssyncadd.s32 @!p0 $0xFFFFE000;
	s10 =	sadd.s32 @!p0 $0x2980, s3  }
0x82: {  	[spmem:s2] =	stream.indirect.scatter.add.f32 @!p0 [tilespmem:s16], [sflag:$0xC], $0x40, s10, s23, $0xb8;
	[tilespmem:$0x1F000] =	vst v63  }
0x83: {  	s10 =	simm.s32 @!p0 $0x10  }
0x84: {  	_ =	swait.ge @!p0 [sflag:s10], $0x2000  }
0x85: {  	[sflag:s10] =	ssyncset.done @!p0 $0x0  }
0x86: {  	s3 =	sadd.s32 @!p0 $0x380, s3;
	[sflag:s10] =	ssyncadd.s32 @!p0 $0xFFFFE000;
	s10 =	simm.s32 @!p0 $0x13000  }
0x87: {  	[tilespmem:s10], [sflag:$0x8] =	stream.indirect.gather @!p0 [hbm4b:s4+s23], $0x40, s3, s23, $0xb8;
	[tilespmem:$0x1F000] =	vst v63  }
0x88: {  	_ =	swait.ge [sflag:s1], $0x2000  }
0x89: {  	p0 =	seq.s32 s8, $0x9000;
	[sflag:s1] =	ssyncset.done $0x0  }
0x8a: {  	s23 =	sadd.s32 $0x2A00, s9;
	s3 =	simm.s32 @p0 $0x6;
	[sflag:s1] =	ssyncadd.s32 $0xFFFFE000  }
0x8b: {  	[spmem:s2] =	stream.indirect.scatter.add.f32 [tilespmem:s22], [sflag:$0xD], $0x40, s23, s14, $0xb8;
	[tilespmem:$0x1F000] =	vst v63  }
0x8c: {  	_ =	swait.ge @p0 [sflag:s3], $0x2000  }
0x8d: {  	[sflag:s3] =	ssyncset.done @p0 $0x0  }
0x8e: {  	[sflag:s3] =	ssyncadd.s32 @p0 $0xFFFFE000;
	s3 =	sshra.s32 @p0 s8, $0x2  }
0x8f: {  	s10 =	simm.s32 @p0 $0x80;
	s16 =	simm.s32 @p0 $0xF000;
	s3 =	sadd.s32 @p0 $0x2A80, s3  }
0x90: {  	[spmem:s2] =	stream.indirect.scatter.add.f32 @p0 [tilespmem:s16], [sflag:$0xE], $0x40, s3, s10, $0xb8;
	[tilespmem:$0x1F000] =	vst v63  }
0x91: {  	s3 =	simm.s32 @!p0 $0x9  }
0x92: {  	_ =	swait.ge @!p0 [sflag:s3], $0x2000  }
0x93: {  	[sflag:s3] =	ssyncset.done @!p0 $0x0  }
0x94: {  	[sflag:s3] =	ssyncadd.s32 @!p0 $0xFFFFE000;
	s3 =	sshra.s32 @!p0 s8, $0x2  }
0x95: {  	s17 =	simm.s32 @!p0 $0x5000;
	s16 =	simm.s32 @!p0 $0x80;
	s10 =	sadd.s32 @!p0 $0x400, s3  }
0x96: {  	[tilespmem:s17], [sflag:$0x1] =	stream.indirect.gather @!p0 [hbm4b:s4+s16], $0x40, s10, s16, $0xb8;
	[tilespmem:$0x1F000] =	vst v63  }
0x97: {  	s10 =	simm.s32 @!p0 $0x6  }
0x98: {  	_ =	swait.ge @!p0 [sflag:s10], $0x2000  }
0x99: {  	[sflag:s10] =	ssyncset.done @!p0 $0x0  }
0x9a: {  	s17 =	simm.s32 @!p0 $0xF000;
	[sflag:s10] =	ssyncadd.s32 @!p0 $0xFFFFE000;
	s10 =	sadd.s32 @!p0 $0x2A80, s3  }
0x9b: {  	[spmem:s2] =	stream.indirect.scatter.add.f32 @!p0 [tilespmem:s17], [sflag:$0xE], $0x40, s10, s16, $0xb8;
	[tilespmem:$0x1F000] =	vst v63  }
0x9c: {  	s10 =	simm.s32 @!p0 $0xA  }
0x9d: {  	_ =	swait.ge @!p0 [sflag:s10], $0x2000  }
0x9e: {  	[sflag:s10] =	ssyncset.done @!p0 $0x0  }
0x9f: {  	s3 =	sadd.s32 @!p0 $0x480, s3;
	[sflag:s10] =	ssyncadd.s32 @!p0 $0xFFFFE000;
	s10 =	simm.s32 @!p0 $0x7000  }
0xa0: {  	[tilespmem:s10], [sflag:$0x2] =	stream.indirect.gather @!p0 [hbm4b:s4+s16], $0x40, s3, s16, $0xb8;
	[tilespmem:$0x1F000] =	vst v63  }
.Ltmp2:
0xa1: {  	_ = 	snop;
	(pc) =	sbr.rel @p0 .LBB2_4-.Ltmp2, $4  }
0xa2: {  	_ =	swait.ge [sflag:s0], $0x2000  }
0xa3: {  	[sflag:s0] =	ssyncset.done $0x0  }
0xa4: {  	s24 =	sadd.s32 $0x2B00, s9;
	s10 =	sadd.s32 $0x2B80, s9;
	[sflag:s0] =	ssyncadd.s32 $0xFFFFE000  }
0xa5: {  	[spmem:s2] =	stream.indirect.scatter.add.f32 [tilespmem:s26], [sflag:$0xF], $0x40, s24, s14, $0xb8;
	[tilespmem:$0x1F000] =	vst v63  }
0xa6: {  	_ =	swait.ge [sflag:s19], $0x2000  }
0xa7: {  	[sflag:s19] =	ssyncset.done $0x0  }
0xa8: {  	s3 =	sadd.s32 $0x500, s9;
	[sflag:s19] =	ssyncadd.s32 $0xFFFFE000  }
0xa9: {  	[tilespmem:s18], [sflag:$0x3] =	stream.indirect.gather [hbm4b:s4+s14], $0x40, s3, s14, $0xb8;
	[tilespmem:$0x1F000] =	vst v63  }
0xaa: {  	_ =	swait.ge [sflag:s13], $0x2000  }
0xab: {  	[sflag:s13] =	ssyncset.done $0x0  }
0xac: {  	[sflag:s13] =	ssyncadd.s32 $0xFFFFE000  }
0xad: {  	[spmem:s2] =	stream.indirect.scatter.add.f32 [tilespmem:s29], [sflag:$0x10], $0x40, s10, s14, $0xb8;
	[tilespmem:$0x1F000] =	vst v63  }
.Ltmp3:
0xae: {  	_ = 	snop;
	(pc) =	sbr.rel .LBB2_2-.Ltmp3, $4  }
0xaf: {  	_ =	swait.ge [sflag:s21], $0x2000  }
0xb0: {  	s24 =	sadd.s32 $0x580, s9;
	[sflag:s21] =	ssyncset.done $0x0  }
0xb1: {  	s7 =	sadd.s32 $0x8, s7;
	s8 =	sadd.s32 $0x1000, s8;
	[sflag:s21] =	ssyncadd.s32 $0xFFFFE000  }
0xb2: {  	[tilespmem:s20], [sflag:$0x4] =	stream.indirect.gather [hbm4b:s4+s14], $0x40, s24, s14, $0xb8;
	[tilespmem:$0x1F000] =	vst v63  }
.LBB2_5:
0xb3: {  	_ =	sfence.sel $0x180000  }
0xb4: {  	[bflag:$0x0] =	sbarrier.arrive $0xFFFF  }
0xb5: {  	_ =	strace $0x9000004A  }
0xb6: {  	s0 =	stileid.u32;
	[bflag:$0x2] =	sbarrier.arrive $0xFFFF  }
0xb7: {  	p0 =	sne.s32 s0, $0x0;
	s0 =	rddreg [dreg:$0x2]  }
0xb8: {  	s0 =	sadd.s32 @!p0 $0x100000, s0  }
0xb9: {  	[sflag:s0] =	ssyncadd.tile.s32 @!p0 $0x1;
	_ =	shalt  }
.Lfunc_end2:
_tile_overlayer_lowered:
.L_overlay_start_2:
0xba: {  	(tag) =	ssettag $0x2  }
0xbb: {  	s0 =	rddreg [dreg:$0x0];
	s2 =	stileid.u32  }
0xbc: {  	s1 =	rddreg [dreg:$0x1];
	p0 =	sne.s32 s2, $0x0  }
0xbd: {  	s3 =	rddreg [dreg:$0x2];
	[bflag:$0x3] =	sbarrier.arrive $0xFFFF;
	s2 =	simm.s32 @!p0 $0x1C11  }
0xbe: {  	[timem:s3], [sflag:s2] =	dma.local @!p0 [hbm:s0], s1  }
0xbf: {  	s0 =	simm.s32 @!p0 $0x11  }
0xc0: {  	_ =	swait.ge @!p0 [sflag:s0], s1  }
0xc1: {  	s1 =	ssub.s32 @!p0 $0x0, s1;
	[sflag:s0] =	ssyncset.done @!p0 $0x0  }
0xc2: {  	[sflag:s0] =	ssyncadd.s32 @!p0 s1  }
0xc3: {  	[bflag:$0x3] =	sbarrier.arrive $0xFFFF  }
0xc4: {  	_ =	shalt  }

// kernel: kernel.14.cloned.1.call-start
scs
__scs_entry_jumppad:
0x0: {  	(pc) =	sbr.rel $0x88, $3  }
0x1: {  	(tag) =	ssettag $0x0;
	lr =	simm.s32 $0x1  }
0x2: {  	[smem:$0x3F98] =	sst lr;
	_ =	strace $0xD0000000  }
0x3: {  	_ = 	snop  }
0x4: {  	_ = 	snop  }
0x5: {  	_ = 	snop  }
0x6: {  	_ = 	snop  }
0x7: {  	_ = 	snop  }
__scs_overlays_trampoline_lowered:
0x8: {  	[smem:$0x3FA7] =	sst s0  }
0x9: {  	[smem:$0x3FA8] =	sst s1  }
0xa: {  	[smem:$0x3FA9] =	sst s2  }
0xb: {  	[smem:$0x3FAA] =	sst s3  }
0xc: {  	[smem:$0x3FAB] =	sst s4  }
0xd: {  	[smem:$0x3FAC] =	sst s5  }
0xe: {  	[smem:$0x3FAD] =	sst s6  }
0xf: {  	[smem:$0x3FAE] =	sst s7  }
0x10: {  	[smem:$0x3FAF] =	sst s8  }
0x11: {  	[smem:$0x3FB0] =	sst s9;
	s0 =	simm.s32 @!p0 $0x0  }
0x12: {  	s1 =	sld [smem:$0x3F96];
	s0 =	simm.s32 @p0 $0x1  }
0x13: {  	[smem:$0x3FB1] =	sst s0;
	s0 =	simm.s32 @!p1 $0x0  }
0x14: {  	s2 =	sld [smem:$0x3F95];
	s0 =	simm.s32 @p1 $0x1  }
0x15: {  	[smem:$0x3FB2] =	sst s0;
	s0 =	simm.s32 @!p2 $0x0  }
0x16: {  	s3 =	sld [smem:$0x3FDB];
	s0 =	simm.s32 @p2 $0x1  }
0x17: {  	s4 =	simm.s32 $0x1BF5;
	[smem:$0x3FB4] =	sst s0  }
0x18: {  	s0 =	sld [smem:$0x3F97];
	_ =	swait.ge [sflag:s4], $0x0  }
0x19: {  	s7 =	sld [smem:$0x3F98]  }
0x1a: {  	s8 =	sadd.s32 $0xFFFFE003, lr  }
0x1b: {  	s9 =	sadd.s32 $0xFFFFFEF7, lr;
	s5 =	simm.s32 $0xFFFFFFFF;
	p2 =	slt.u32 s8, $0xFFFFF086  }
0x1c: {  	p1 =	slt.u32 s9, $0xF7A;
	s5 =	simm.s32 @!p2 $0x0  }
0x1d: {  	s5 =	simm.s32 @p1 $0x1;
	p0 =	seq.s32 s7, s2  }
0x1e: {  	s7 =	smul.u32 @!p0 $0xF7A, s2;
	p2 =	seq.s32 @!p0 s5, $0x0  }
0x1f: {  	s9 =	smul.u32 $0xF7A, s1;
	s8 =	simm.s32 @!p0 $0x1BF5;
	p2 =	por !p2, p0  }
0x20: {  	[sflag:s8] =	ssyncset.s32 @!p0 $0xFFFFF086;
	s6 =	sadd.s32 @!p0 s3, s7;
	s7 =	simm.s32 @!p0 $0x108  }
0x21: {  	s3 =	sadd.s32 s3, s9;
	s6 =	sadd.s32 @!p0 $0x88, s6;
	s7 =	simm.s32 @p2 $0x1082  }
0x22: {  	[simem:s7], [sflag:s8] =	dma.local @!p0 [hbm:s6], $0xF7A  }
0x23: {  	s9 =	sor.u32 $0xD0000000, s2;
	s6 =	simm.s32 $0x108;
	_ =	swait.ge @!p0 [sflag:s8], $0x0  }
0x24: {  	s3 =	sadd.s32 $0x88, s3;
	s6 =	simm.s32 @!p1 $0x1082;
	[sflag:s4] =	ssyncset.s32 $0xFFFFF086  }
0x25: {  	[simem:s6], [sflag:s4] =	dma.local [hbm:s3], $0xF7A  }
0x26: {  	[smem:$0x3F98] =	sst s1;
	(tag) =	ssettag s2;
	_ =	strace s9  }
0x27: {  	s1 =	sld [smem:$0x3FA8]  }
0x28: {  	s2 =	sld [smem:$0x3FA9]  }
0x29: {  	s4 =	sld [smem:$0x3FAB]  }
0x2a: {  	p0 =	seq.s32 s5, $0x0;
	s5 =	sld [smem:$0x3FAC]  }
0x2b: {  	s6 =	sld [smem:$0x3FAD]  }
0x2c: {  	s7 =	sld [smem:$0x3FAE]  }
0x2d: {  	s3 =	simm.s32 $0x108;
	s8 =	sld [smem:$0x3FAF]  }
0x2e: {  	s3 =	simm.s32 @!p0 $0x1082;
	s9 =	sld [smem:$0x3FB0]  }
0x2f: {  	lr =	sadd.s32 s0, s3;
	s0 =	sld [smem:$0x3FA7]  }
0x30: {  	s3 =	sld [smem:$0x3FAA]  }
0x31: {  	[smem:$0x3FB3] =	sst s10  }
0x32: {  	s10 =	sld [smem:$0x3FB1];
	_ =	sdelay $0x3  }
0x33: {  	p0 =	seq.s32 s10, $0x1;
	s10 =	sld [smem:$0x3FB3];
	_ =	sdelay $0x3  }
0x34: {  	[smem:$0x3FB3] =	sst s10  }
0x35: {  	s10 =	sld [smem:$0x3FB2];
	_ =	sdelay $0x3  }
0x36: {  	p1 =	seq.s32 s10, $0x1;
	s10 =	sld [smem:$0x3FB3];
	_ =	sdelay $0x3  }
0x37: {  	[smem:$0x3FB3] =	sst s10  }
0x38: {  	s10 =	sld [smem:$0x3FB4]  }
0x39: {  	_ = 	snop;
	(pc) =	sbr.ind lr, $3  }
0x3a: {  	_ = 	snop  }
0x3b: {  	_ = 	snop  }
0x3c: {  	p2 =	seq.s32 s10, $0x1;
	s10 =	sld [smem:$0x3FB3]  }
0x3d: {  	_ =	shalt  }
0x3e: {  	_ =	shalt  }
0x3f: {  	_ =	shalt  }
0x40: {  	_ =	shalt  }
0x41: {  	_ =	shalt  }
0x42: {  	_ =	shalt  }
0x43: {  	_ =	shalt  }
0x44: {  	_ =	shalt  }
0x45: {  	_ =	shalt  }
0x46: {  	_ =	shalt  }
0x47: {  	_ =	shalt  }
0x48: {  	_ =	shalt  }
0x49: {  	_ =	shalt  }
0x4a: {  	_ =	shalt  }
0x4b: {  	_ =	shalt  }
0x4c: {  	_ =	shalt  }
0x4d: {  	_ =	shalt  }
0x4e: {  	_ =	shalt  }
0x4f: {  	_ =	shalt  }
0x50: {  	_ =	shalt  }
0x51: {  	_ =	shalt  }
0x52: {  	_ =	shalt  }
0x53: {  	_ =	shalt  }
0x54: {  	_ =	shalt  }
0x55: {  	_ =	shalt  }
0x56: {  	_ =	shalt  }
0x57: {  	_ =	shalt  }
0x58: {  	_ =	shalt  }
0x59: {  	_ =	shalt  }
0x5a: {  	_ =	shalt  }
0x5b: {  	_ =	shalt  }
0x5c: {  	_ =	shalt  }
0x5d: {  	_ =	shalt  }
0x5e: {  	_ =	shalt  }
0x5f: {  	_ =	shalt  }
0x60: {  	_ =	shalt  }
0x61: {  	_ =	shalt  }
0x62: {  	_ =	shalt  }
0x63: {  	_ =	shalt  }
0x64: {  	_ =	shalt  }
0x65: {  	_ =	shalt  }
0x66: {  	_ =	shalt  }
0x67: {  	_ =	shalt  }
0x68: {  	_ =	shalt  }
0x69: {  	_ =	shalt  }
0x6a: {  	_ =	shalt  }
0x6b: {  	_ =	shalt  }
0x6c: {  	_ =	shalt  }
0x6d: {  	_ =	shalt  }
0x6e: {  	_ =	shalt  }
0x6f: {  	_ =	shalt  }
0x70: {  	_ =	shalt  }
0x71: {  	_ =	shalt  }
0x72: {  	_ =	shalt  }
0x73: {  	_ =	shalt  }
0x74: {  	_ =	shalt  }
0x75: {  	_ =	shalt  }
0x76: {  	_ =	shalt  }
0x77: {  	_ =	shalt  }
0x78: {  	_ =	shalt  }
0x79: {  	_ =	shalt  }
0x7a: {  	_ =	shalt  }
0x7b: {  	_ =	shalt  }
0x7c: {  	_ =	shalt  }
0x7d: {  	_ =	shalt  }
0x7e: {  	_ =	shalt  }
0x7f: {  	_ =	shalt  }
0x80: {  	_ =	shalt  }
0x81: {  	_ =	shalt  }
0x82: {  	_ =	shalt  }
0x83: {  	_ =	shalt  }
0x84: {  	_ =	shalt  }
0x85: {  	_ =	shalt  }
0x86: {  	_ =	shalt  }
0x87: {  	_ =	shalt  }
.Lfunc_end0:
.L_simem_size_0:
called_computation.2_lowered:
.L_overlay_start_0:
0x88: {  	s2 =	sld [smem:$0x3FD9]  }
0x89: {  	s3 =	sld [smem:$0x3FFE];
	_ =	sdelay $0x1  }
0x8a: {  	s1 =	srdreg.scid  }
0x8b: {  	s0 =	sand.u32 $0x1, s1  }
0x8c: {  	s16 =	sshll.u32 s0, $0xA;
	s2 =	sadd.s32 s3, s2  }
0x8d: {  	s2 =	sadd.s32 s2, s16  }
0x8e: {  	[smem:$0x3FBF] =	sst s2  }
0x8f: {  	_ = 	snop  }
0x90: {  	(tm) =	ssettm $0x1  }
0x91: {  	s17 =	sld [smem:$0x3FFB];
	_ =	sdelay $0x3  }
0x92: {  	_ =	strace s17  }
0x93: {  	s2 =	sld [smem:$0x3FFC];
	_ =	sdelay $0x3  }
0x94: {  	_ =	strace s2  }
0x95: {  	s2 =	sld [smem:$0x3FFD];
	_ =	sdelay $0x3  }
0x96: {  	_ =	strace s2  }
0x97: {  	_ =	strace $0x8FFFFFFF  }
0x98: {  	s18 =	sld [smem:$0x3FDB];
	_ =	sdelay $0x1  }
0x99: {  	s19 =	simm.s32 $_scs_section_size  }
0x9a: {  	s4 =	simm.s32 $_size__tile_overlayer_lowered;
	s5 =	simm.s32 $_tile_overlayer_lowered  }
0x9b: {  	s22 =	simm.s32 $0x1BFF;
	s21 =	sshll.u32 s5, $0x1;
	s2 =	sadd.s32 s19, s18  }
0x9c: {  	s6 =	simm.s32 $0x0;
	s20 =	sshll.u32 s4, $0x1;
	s4 =	sadd.s32 s21, s2  }
0x9d: {  	[timem:s6], [sflag:s22] =	dma.local [hbm:s4], s20  }
0x9e: {  	_ =	swait.ge [sflag:s22], s20  }
0x9f: {  	s3 =	ssub.s32 $0x0, s20;
	[sflag:s22] =	ssyncset.done $0x0  }
0xa0: {  	[sflag:s22] =	ssyncadd.s32 s3;
	_ =	sdelay $0x1  }
0xa1: {  	s23 =	simm.s32 $0x1B8B  }
0xa2: {  	_ =	swait.ge [sflag:s23], $0x1  }
0xa3: {  	[sflag:s23] =	ssyncset.done $0x0  }
0xa4: {  	s25 =	simm.s32 $0x1B8E;
	s24 =	sld [smem:$0x3FFE];
	[sflag:s23] =	ssyncadd.s32 $0xFFFFFFFF  }
0xa5: {  	s26 =	simm.s32 $execute0_lowered;
	[smem:$0x3FD2] =	sst s25  }
0xa6: {  	s4 =	sshll.u32 s26, $0x1;
	_ =	strace $0x8000004C;
	[dreg:$0x1] =	wrdreg $0xFFFFFFFF  }
0xa7: {  	s28 =	simm.s32 $_size_execute0_lowered;
	s2 =	sadd.s32 s2, s4;
	[dreg:$0x0] =	wrdreg $0x0  }
0xa8: {  	s4 =	sshll.u32 s28, $0x1;
	[dreg:$0x2] =	wrdreg s2  }
0xa9: {  	[dreg:$0x3] =	wrdreg s4  }
0xaa: {  	[dreg:$0x4] =	wrdreg $0xC0  }
0xab: {  	_ =	task [dreg:s6], $0x5FFFF  }
0xac: {  	[dreg:$0x1] =	wrdreg $0xFFFFFFFF  }
0xad: {  	[dreg:$0x0] =	wrdreg $0x60  }
0xae: {  	[dreg:$0x2] =	wrdreg s24  }
0xaf: {  	[dreg:$0x3] =	wrdreg $0x150000  }
0xb0: {  	[dreg:$0x4] =	wrdreg $0x9  }
0xb1: {  	_ =	task.clear_ibuf [dreg:s6], $0x5FFFF;
	_ =	strace $0x9000004C  }
0xb2: {  	s29 =	simm.s32 $0x9;
	_ =	strace $0x8000004E  }
0xb3: {  	_ =	swait.ge [sflag:s29], $0x1  }
0xb4: {  	[sflag:s29] =	ssyncadd.s32 $0xFFFFFFFF  }
0xb5: {  	_ =	strace $0x9000004E  }
0xb6: {  	_ =	sfence  }
0xb7: {  	s30 =	sld [smem:$0x0];
	_ =	sdelay $0x2  }
0xb8: {  	s31 =	sshll.u32 s1, $0xD;
	s1 =	sshrl.u32 s1, $0x2  }
0xb9: {  	s3 =	sand.u32 $0x4000, s31;
	s1 =	sadd.s32 s1, s30  }
0xba: {  	s0 =	sor.u32 s3, s0;
	s1 =	sshll.u32 s1, $0x11  }
0xbb: {  	s0 =	sor.u32 s1, s0  }
0xbc: {  	s0 =	sadd.s32 $0x8F2B, s0  }
0xbd: {  	[sflag:s0] =	ssyncadd.remote.s32 $0x1  }
0xbe: {  	_ =	sfence.sel $0xFFFF  }
0xbf: {  	[dreg:$0x0] =	wrdreg $0xFFFFFFFF;
	(pc) =	sbr.abs _section_cstart, $3  }
0xc0: {  	[dreg:$0x1] =	wrdreg $0xFFFFFFFF  }
0xc1: {  	_ =	task.clear_ibuf [dreg:s6], $0x2FFFF;
	_ =	strace $0x9FFFFFFF  }
0xc2: {  	(tm) =	ssettm $0x7FFFFFFF  }
0xc3: {  	_ =	shalt  }
tec
execute0_lowered:
.L_overlay_start_1:
0x0: {  	(tag) =	ssettag $0x1  }
0x1: {  	s0 =	srdreg.scid;
	s5 =	rddreg [dreg:$0x0]  }
0x2: {  	s3 =	stileid.u32;
	s2 =	rddreg [dreg:$0x1];
	s4 =	simm.s32 $0x0  }
0x3: {  	s12 =	simm.s32 $0x11;
	s14 =	simm.s32 $0x80;
	s15 =	simm.s32 $0x5000  }
0x4: {  	s18 =	simm.s32 $0x9000;
	s20 =	simm.s32 $0xB000;
	s29 =	simm.s32 $0x13000  }
0x5: {  	s30 =	simm.s32 $0x1;
	s31 =	simm.s32 $0x3;
	s13 =	simm.s32 $0x8  }
0x6: {  	s19 =	simm.s32 $0xB;
	s21 =	simm.s32 $0xC;
	s28 =	simm.s32 $0x10  }
0x7: {  	s0 =	sand.u32 $0x1, s0;
	s1 =	sshll.u32 s3, $0x1;
	s6 =	smul.u32 $0xA000, s3  }
0x8: {  	[smem:$0x7FF] =	sst s4;
	s4 =	sadd.s32 $0x15600, s5;
	s22 =	sshll.u32 s3, $0x6  }
0x9: {  	s1 =	sor.u32 s0, s1;
	s7 =	smul.u32 $0xA0000, s0;
	_ =	strace $0x8000004D  }
0xa: {  	s0 =	ssub.s32 $0x2, s0;
	s1 =	smul.u32 $0x500, s1;
	s8 =	sshrl.u32 s6, $0x3  }
0xb: {  	s9 =	sshrl.u32 s0, $0x1;
	s23 =	sadd.s32 s6, s2;
	s7 =	sadd.s32 s6, s7  }
0xc: {  	s8 =	sadd.s32 s8, s5;
	s0 =	ssub.s32 s0, s9;
	s6 =	sor.u32 $0x1C11, s22  }
0xd: {  	s11 =	sshrl.u32 s23, $0x3;
	s22 =	simm.s32 $0xD000;
	s24 =	sadd.s32 $0x29000, s8  }
0xe: {  	s1 =	sadd.s32 s1, s5;
	s0 =	smax.u32 s0, $0x1;
	[dreg:$0x3] =	wrdreg s24  }
.Ltmp0:
0xf: {  	s25 =	sadd.s32 $0xB600, s1;
	[dreg:$0x7] =	wrdreg s0;
	(pc) =	sbr.rel .LBB2_1-.Ltmp0, $4  }
0x10: {  	s7 =	sshrl.u32 s7, $0x3;
	s1 =	sadd.s32 $0x1600, s1;
	[dreg:$0x4] =	wrdreg s25  }
0x11: {  	s5 =	sadd.s32 s7, s5;
	s0 =	simm.s32 $0x7;
	[dreg:$0x5] =	wrdreg s1  }
0x12: {  	s26 =	sadd.s32 $0x3D000, s5;
	s1 =	simm.s32 $0x5;
	s25 =	simm.s32 $0xF  }
0x13: {  	s5 =	simm.s32 $0x0;
	[dreg:$0x6] =	wrdreg s26;
	s26 =	simm.s32 $0x11000  }
.LBB2_4:
0x14: {  	_ =	swait.ge [sflag:s13], $0x2000  }
0x15: {  	[sflag:s13] =	ssyncset.done $0x0  }
0x16: {  	s3 =	simm.s32 $0x9;
	[sflag:s13] =	ssyncadd.s32 $0xFFFFE000  }
0x17: {  	[spmem:s2] =	stream.indirect.scatter.add.f32 [tilespmem:s29], [sflag:$0x10], $0x40, s10, s14, $0xb8;
	[tilespmem:$0x1F000] =	vst v63  }
0x18: {  	_ =	swait.ge [sflag:s3], $0x2000  }
0x19: {  	[sflag:s3] =	ssyncset.done $0x0  }
0x1a: {  	s10 =	simm.s32 $0xA;
	[sflag:s3] =	ssyncadd.s32 $0xFFFFE000  }
0x1b: {  	_ =	swait.ge [sflag:s10], $0x2000  }
0x1c: {  	[sflag:s10] =	ssyncset.done $0x0  }
0x1d: {  	[sflag:s10] =	ssyncadd.s32 $0xFFFFE000  }
0x1e: {  	_ =	swait.ge [sflag:s19], $0x2000  }
0x1f: {  	[sflag:s19] =	ssyncset.done $0x0  }
0x20: {  	[sflag:s19] =	ssyncadd.s32 $0xFFFFE000  }
0x21: {  	_ =	swait.ge [sflag:s21], $0x2000  }
0x22: {  	[sflag:s21] =	ssyncset.done $0x0  }
0x23: {  	s16 =	simm.s32 $0xD;
	[sflag:s21] =	ssyncadd.s32 $0xFFFFE000  }
0x24: {  	_ =	swait.ge [sflag:s16], $0x2000  }
0x25: {  	[sflag:s16] =	ssyncset.done $0x0  }
0x26: {  	s17 =	simm.s32 $0xE;
	[sflag:s16] =	ssyncadd.s32 $0xFFFFE000  }
0x27: {  	_ =	swait.ge [sflag:s17], $0x2000  }
0x28: {  	[sflag:s17] =	ssyncset.done $0x0  }
0x29: {  	[sflag:s17] =	ssyncadd.s32 $0xFFFFE000  }
0x2a: {  	_ =	swait.ge [sflag:s25], $0x2000  }
0x2b: {  	[sflag:s25] =	ssyncset.done $0x0  }
0x2c: {  	[sflag:s25] =	ssyncadd.s32 $0xFFFFE000  }
0x2d: {  	_ =	swait.ge [sflag:s28], $0x2000  }
0x2e: {  	[sflag:s28] =	ssyncset.done $0x0  }
0x2f: {  	[sflag:s28] =	ssyncadd.s32 $0xFFFFE000  }
0x30: {  	[bflag:$0x0] =	sbarrier.arrive $0xFFFF  }
0x31: {  	s23 =	rddreg [dreg:$0x6]  }
0x32: {  	[hbm:s23], [sflag:s6] =	dma.local [spmem:s11], $0x1400  }
0x33: {  	_ =	swait.ge [sflag:s12], $0x1400  }
0x34: {  	s5 =	sadd.s32 $0x1, s5;
	s24 =	rddreg [dreg:$0x7]  }
0x35: {  	p0 =	sne.s32 s5, s24  }
.Ltmp1:
0x36: {  	_ = 	snop;
	(pc) =	sbr.rel @!p0 .LBB2_5-.Ltmp1, $3  }
0x37: {  	_ =	sdelay $0x1  }
0x38: {  	[sflag:s12] =	ssyncset.done $0x0  }
0x39: {  	[sflag:s12] =	ssyncadd.s32 $0xFFFFEC00  }
.LBB2_1:
0x3a: {  	s3 =	rddreg [dreg:$0x3]  }
0x3b: {  	[spmem:s11], [sflag:s6] =	dma.local [hbm:s3], $0x1400  }
0x3c: {  	_ =	swait.ge [sflag:s12], $0x1400  }
0x3d: {  	[sflag:s12] =	ssyncset.done $0x0  }
0x3e: {  	s23 =	simm.s32 $0x0;
	s7 =	rddreg [dreg:$0x4];
	[sflag:s12] =	ssyncadd.s32 $0xFFFFEC00  }
0x3f: {  	[tilespmem:s23], [sflag:$0x11] =	stream.linear.gather [hbm4b:s7+s23], $0x2800, $0x38;
	[tilespmem:$0x1F000] =	vst v63  }
0x40: {  	_ =	swait.ge [sflag:s12], $0x2800  }
0x41: {  	[sflag:s12] =	ssyncset.done $0x0  }
0x42: {  	s8 =	simm.s32 $0x2800;
	s24 =	rddreg [dreg:$0x5];
	[sflag:s12] =	ssyncadd.s32 $0xFFFFD800  }
0x43: {  	[tilespmem:s8], [sflag:$0x11] =	stream.linear.gather [hbm4b:s24+s23], $0x2800, $0x38;
	[tilespmem:$0x1F000] =	vst v63  }
0x44: {  	_ =	swait.ge [sflag:s12], $0x2800  }
0x45: {  	[sflag:s12] =	ssyncset.done $0x0  }
0x46: {  	[sflag:s12] =	ssyncadd.s32 $0xFFFFD800  }
0x47: {  	[bflag:$0x0] =	sbarrier.arrive $0xFFFF  }
0x48: {  	[tilespmem:s15], [sflag:$0x1] =	stream.indirect.gather [hbm4b:s4+s14], $0x40, s23, s14, $0xb8;
	[tilespmem:$0x1F000] =	vst v63  }
0x49: {  	s7 =	simm.s32 $0x7000  }
0x4a: {  	[tilespmem:s7], [sflag:$0x2] =	stream.indirect.gather [hbm4b:s4+s14], $0x40, s14, s14, $0xb8;
	[tilespmem:$0x1F000] =	vst v63  }
0x4b: {  	s8 =	simm.s32 $0x100  }
0x4c: {  	[tilespmem:s18], [sflag:$0x3] =	stream.indirect.gather [hbm4b:s4+s14], $0x40, s8, s14, $0xb8;
	[tilespmem:$0x1F000] =	vst v63  }
0x4d: {  	s9 =	simm.s32 $0x180  }
0x4e: {  	[tilespmem:s20], [sflag:$0x4] =	stream.indirect.gather [hbm4b:s4+s14], $0x40, s9, s14, $0xb8;
	[tilespmem:$0x1F000] =	vst v63  }
0x4f: {  	s10 =	simm.s32 $0x200  }
0x50: {  	[tilespmem:s22], [sflag:$0x5] =	stream.indirect.gather [hbm4b:s4+s14], $0x40, s10, s14, $0xb8;
	[tilespmem:$0x1F000] =	vst v63  }
0x51: {  	s16 =	simm.s32 $0x280;
	s17 =	simm.s32 $0xF000  }
0x52: {  	[tilespmem:s17], [sflag:$0x6] =	stream.indirect.gather [hbm4b:s4+s14], $0x40, s16, s14, $0xb8;
	[tilespmem:$0x1F000] =	vst v63  }
0x53: {  	s23 =	simm.s32 $0x300  }
0x54: {  	[tilespmem:s26], [sflag:$0x7] =	stream.indirect.gather [hbm4b:s4+s14], $0x40, s23, s14, $0xb8;
	[tilespmem:$0x1F000] =	vst v63  }
0x55: {  	s24 =	simm.s32 $0x380;
	s7 =	simm.s32 $0xFFFFFFF8;
	s8 =	simm.s32 $0x0  }
0x56: {  	[tilespmem:s29], [sflag:$0x8] =	stream.indirect.gather [hbm4b:s4+s14], $0x40, s24, s14, $0xb8;
	[tilespmem:$0x1F000] =	vst v63  }
.LBB2_2:
0x57: {  	_ =	swait.ge [sflag:s30], $0x2000  }
0x58: {  	s9 =	sshra.s32 s8, $0x2;
	[sflag:s30] =	ssyncset.done $0x0  }
0x59: {  	p0 =	sgt.u32 s7, $0x47;
	s10 =	sadd.s32 $0x2800, s9;
	[sflag:s30] =	ssyncadd.s32 $0xFFFFE000  }
0x5a: {  	[spmem:s2] =	stream.indirect.scatter.add.f32 [tilespmem:s15], [sflag:$0x9], $0x40, s10, s14, $0xb8;
	[tilespmem:$0x1F000] =	vst v63  }
0x5b: {  	s10 =	simm.s32 @p0 $0x2  }
0x5c: {  	_ =	swait.ge @p0 [sflag:s10], $0x2000  }
0x5d: {  	[sflag:s10] =	ssyncset.done @p0 $0x0  }
0x5e: {  	[sflag:s10] =	ssyncadd.s32 @p0 $0xFFFFE000;
	s10 =	sshra.s32 @p0 s8, $0x2  }
0x5f: {  	s16 =	simm.s32 @p0 $0x80;
	s17 =	simm.s32 @p0 $0x7000;
	s3 =	sadd.s32 @p0 $0x2880, s10  }
0x60: {  	[spmem:s2] =	stream.indirect.scatter.add.f32 @p0 [tilespmem:s17], [sflag:$0xA], $0x40, s3, s16, $0xb8;
	[tilespmem:$0x1F000] =	vst v63  }
0x61: {  	s3 =	simm.s32 @!p0 $0xD  }
0x62: {  	_ =	swait.ge @!p0 [sflag:s3], $0x2000  }
0x63: {  	[sflag:s3] =	ssyncset.done @!p0 $0x0  }
0x64: {  	[sflag:s3] =	ssyncadd.s32 @!p0 $0xFFFFE000;
	s3 =	sshra.s32 @!p0 s8, $0x2  }
0x65: {  	s23 =	simm.s32 @!p0 $0x80;
	s24 =	simm.s32 @!p0 $0xD000;
	s17 =	sadd.s32 @!p0 $0x200, s3  }
0x66: {  	[tilespmem:s24], [sflag:$0x5] =	stream.indirect.gather @!p0 [hbm4b:s4+s23], $0x40, s17, s23, $0xb8;
	[tilespmem:$0x1F000] =	vst v63  }
0x67: {  	s17 =	simm.s32 @!p0 $0x2  }
0x68: {  	_ =	swait.ge @!p0 [sflag:s17], $0x2000  }
0x69: {  	[sflag:s17] =	ssyncset.done @!p0 $0x0  }
0x6a: {  	s24 =	simm.s32 @!p0 $0x7000;
	[sflag:s17] =	ssyncadd.s32 @!p0 $0xFFFFE000;
	s17 =	sadd.s32 @!p0 $0x2880, s3  }
0x6b: {  	[spmem:s2] =	stream.indirect.scatter.add.f32 @!p0 [tilespmem:s24], [sflag:$0xA], $0x40, s17, s23, $0xb8;
	[tilespmem:$0x1F000] =	vst v63  }
0x6c: {  	s17 =	simm.s32 @!p0 $0xE  }
0x6d: {  	_ =	swait.ge @!p0 [sflag:s17], $0x2000  }
0x6e: {  	[sflag:s17] =	ssyncset.done @!p0 $0x0  }
0x6f: {  	s24 =	simm.s32 @!p0 $0xF000;
	[sflag:s17] =	ssyncadd.s32 @!p0 $0xFFFFE000;
	s17 =	sadd.s32 @!p0 $0x280, s3  }
0x70: {  	[tilespmem:s24], [sflag:$0x6] =	stream.indirect.gather @!p0 [hbm4b:s4+s23], $0x40, s17, s23, $0xb8;
	[tilespmem:$0x1F000] =	vst v63  }
0x71: {  	_ =	swait.ge [sflag:s31], $0x2000  }
0x72: {  	[sflag:s31] =	ssyncset.done $0x0  }
0x73: {  	s24 =	sadd.s32 $0x2900, s9;
	s17 =	simm.s32 @p0 $0x4;
	[sflag:s31] =	ssyncadd.s32 $0xFFFFE000  }
0x74: {  	[spmem:s2] =	stream.indirect.scatter.add.f32 [tilespmem:s18], [sflag:$0xB], $0x40, s24, s14, $0xb8;
	[tilespmem:$0x1F000] =	vst v63  }
0x75: {  	_ =	swait.ge @p0 [sflag:s17], $0x2000  }
0x76: {  	[sflag:s17] =	ssyncset.done @p0 $0x0  }
0x77: {  	s10 =	sadd.s32 @p0 $0x2980, s10;
	[sflag:s17] =	ssyncadd.s32 @p0 $0xFFFFE000;
	s17 =	simm.s32 @p0 $0xB000  }
0x78: {  	[spmem:s2] =	stream.indirect.scatter.add.f32 @p0 [tilespmem:s17], [sflag:$0xC], $0x40, s10, s16, $0xb8;
	[tilespmem:$0x1F000] =	vst v63  }
0x79: {  	s10 =	simm.s32 @!p0 $0xF  }
0x7a: {  	_ =	swait.ge @!p0 [sflag:s10], $0x2000  }
0x7b: {  	[sflag:s10] =	ssyncset.done @!p0 $0x0  }
0x7c: {  	s16 =	simm.s32 @!p0 $0x11000;
	[sflag:s10] =	ssyncadd.s32 @!p0 $0xFFFFE000;
	s10 =	sadd.s32 @!p0 $0x300, s3  }
0x7d: {  	[tilespmem:s16], [sflag:$0x7] =	stream.indirect.gather @!p0 [hbm4b:s4+s23], $0x40, s10, s23, $0xb8;
	[tilespmem:$0x1F000] =	vst v63  }
0x7e: {  	s10 =	simm.s32 @!p0 $0x4  }
0x7f: {  	_ =	swait.ge @!p0 [sflag:s10], $0x2000  }
0x80: {  	[sflag:s10] =	ssyncset.done @!p0 $0x0  }
0x81: {  	s16 =	simm.s32 @!p0 $0xB000;
	[sflag:s10] =	ssyncadd.s32 @!p0 $0xFFFFE000;
	s10 =	sadd.s32 @!p0 $0x2980, s3  }
0x82: {  	[spmem:s2] =	stream.indirect.scatter.add.f32 @!p0 [tilespmem:s16], [sflag:$0xC], $0x40, s10, s23, $0xb8;
	[tilespmem:$0x1F000] =	vst v63  }
0x83: {  	s10 =	simm.s32 @!p0 $0x10  }
0x84: {  	_ =	swait.ge @!p0 [sflag:s10], $0x2000  }
0x85: {  	[sflag:s10] =	ssyncset.done @!p0 $0x0  }
0x86: {  	s3 =	sadd.s32 @!p0 $0x380, s3;
	[sflag:s10] =	ssyncadd.s32 @!p0 $0xFFFFE000;
	s10 =	simm.s32 @!p0 $0x13000  }
0x87: {  	[tilespmem:s10], [sflag:$0x8] =	stream.indirect.gather @!p0 [hbm4b:s4+s23], $0x40, s3, s23, $0xb8;
	[tilespmem:$0x1F000] =	vst v63  }
0x88: {  	_ =	swait.ge [sflag:s1], $0x2000  }
0x89: {  	p0 =	seq.s32 s8, $0x9000;
	[sflag:s1] =	ssyncset.done $0x0  }
0x8a: {  	s23 =	sadd.s32 $0x2A00, s9;
	s3 =	simm.s32 @p0 $0x6;
	[sflag:s1] =	ssyncadd.s32 $0xFFFFE000  }
0x8b: {  	[spmem:s2] =	stream.indirect.scatter.add.f32 [tilespmem:s22], [sflag:$0xD], $0x40, s23, s14, $0xb8;
	[tilespmem:$0x1F000] =	vst v63  }
0x8c: {  	_ =	swait.ge @p0 [sflag:s3], $0x2000  }
0x8d: {  	[sflag:s3] =	ssyncset.done @p0 $0x0  }
0x8e: {  	[sflag:s3] =	ssyncadd.s32 @p0 $0xFFFFE000;
	s3 =	sshra.s32 @p0 s8, $0x2  }
0x8f: {  	s10 =	simm.s32 @p0 $0x80;
	s16 =	simm.s32 @p0 $0xF000;
	s3 =	sadd.s32 @p0 $0x2A80, s3  }
0x90: {  	[spmem:s2] =	stream.indirect.scatter.add.f32 @p0 [tilespmem:s16], [sflag:$0xE], $0x40, s3, s10, $0xb8;
	[tilespmem:$0x1F000] =	vst v63  }
0x91: {  	s3 =	simm.s32 @!p0 $0x9  }
0x92: {  	_ =	swait.ge @!p0 [sflag:s3], $0x2000  }
0x93: {  	[sflag:s3] =	ssyncset.done @!p0 $0x0  }
0x94: {  	[sflag:s3] =	ssyncadd.s32 @!p0 $0xFFFFE000;
	s3 =	sshra.s32 @!p0 s8, $0x2  }
0x95: {  	s17 =	simm.s32 @!p0 $0x5000;
	s16 =	simm.s32 @!p0 $0x80;
	s10 =	sadd.s32 @!p0 $0x400, s3  }
0x96: {  	[tilespmem:s17], [sflag:$0x1] =	stream.indirect.gather @!p0 [hbm4b:s4+s16], $0x40, s10, s16, $0xb8;
	[tilespmem:$0x1F000] =	vst v63  }
0x97: {  	s10 =	simm.s32 @!p0 $0x6  }
0x98: {  	_ =	swait.ge @!p0 [sflag:s10], $0x2000  }
0x99: {  	[sflag:s10] =	ssyncset.done @!p0 $0x0  }
0x9a: {  	s17 =	simm.s32 @!p0 $0xF000;
	[sflag:s10] =	ssyncadd.s32 @!p0 $0xFFFFE000;
	s10 =	sadd.s32 @!p0 $0x2A80, s3  }
0x9b: {  	[spmem:s2] =	stream.indirect.scatter.add.f32 @!p0 [tilespmem:s17], [sflag:$0xE], $0x40, s10, s16, $0xb8;
	[tilespmem:$0x1F000] =	vst v63  }
0x9c: {  	s10 =	simm.s32 @!p0 $0xA  }
0x9d: {  	_ =	swait.ge @!p0 [sflag:s10], $0x2000  }
0x9e: {  	[sflag:s10] =	ssyncset.done @!p0 $0x0  }
0x9f: {  	s3 =	sadd.s32 @!p0 $0x480, s3;
	[sflag:s10] =	ssyncadd.s32 @!p0 $0xFFFFE000;
	s10 =	simm.s32 @!p0 $0x7000  }
0xa0: {  	[tilespmem:s10], [sflag:$0x2] =	stream.indirect.gather @!p0 [hbm4b:s4+s16], $0x40, s3, s16, $0xb8;
	[tilespmem:$0x1F000] =	vst v63  }
.Ltmp2:
0xa1: {  	_ = 	snop;
	(pc) =	sbr.rel @p0 .LBB2_4-.Ltmp2, $4  }
0xa2: {  	_ =	swait.ge [sflag:s0], $0x2000  }
0xa3: {  	[sflag:s0] =	ssyncset.done $0x0  }
0xa4: {  	s24 =	sadd.s32 $0x2B00, s9;
	s10 =	sadd.s32 $0x2B80, s9;
	[sflag:s0] =	ssyncadd.s32 $0xFFFFE000  }
0xa5: {  	[spmem:s2] =	stream.indirect.scatter.add.f32 [tilespmem:s26], [sflag:$0xF], $0x40, s24, s14, $0xb8;
	[tilespmem:$0x1F000] =	vst v63  }
0xa6: {  	_ =	swait.ge [sflag:s19], $0x2000  }
0xa7: {  	[sflag:s19] =	ssyncset.done $0x0  }
0xa8: {  	s3 =	sadd.s32 $0x500, s9;
	[sflag:s19] =	ssyncadd.s32 $0xFFFFE000  }
0xa9: {  	[tilespmem:s18], [sflag:$0x3] =	stream.indirect.gather [hbm4b:s4+s14], $0x40, s3, s14, $0xb8;
	[tilespmem:$0x1F000] =	vst v63  }
0xaa: {  	_ =	swait.ge [sflag:s13], $0x2000  }
0xab: {  	[sflag:s13] =	ssyncset.done $0x0  }
0xac: {  	[sflag:s13] =	ssyncadd.s32 $0xFFFFE000  }
0xad: {  	[spmem:s2] =	stream.indirect.scatter.add.f32 [tilespmem:s29], [sflag:$0x10], $0x40, s10, s14, $0xb8;
	[tilespmem:$0x1F000] =	vst v63  }
.Ltmp3:
0xae: {  	_ = 	snop;
	(pc) =	sbr.rel .LBB2_2-.Ltmp3, $4  }
0xaf: {  	_ =	swait.ge [sflag:s21], $0x2000  }
0xb0: {  	s24 =	sadd.s32 $0x580, s9;
	[sflag:s21] =	ssyncset.done $0x0  }
0xb1: {  	s7 =	sadd.s32 $0x8, s7;
	s8 =	sadd.s32 $0x1000, s8;
	[sflag:s21] =	ssyncadd.s32 $0xFFFFE000  }
0xb2: {  	[tilespmem:s20], [sflag:$0x4] =	stream.indirect.gather [hbm4b:s4+s14], $0x40, s24, s14, $0xb8;
	[tilespmem:$0x1F000] =	vst v63  }
.LBB2_5:
0xb3: {  	_ =	sfence.sel $0x180000  }
0xb4: {  	[bflag:$0x0] =	sbarrier.arrive $0xFFFF  }
0xb5: {  	_ =	strace $0x9000004D  }
0xb6: {  	s0 =	stileid.u32;
	[bflag:$0x2] =	sbarrier.arrive $0xFFFF  }
0xb7: {  	p0 =	sne.s32 s0, $0x0;
	s0 =	rddreg [dreg:$0x2]  }
0xb8: {  	s0 =	sadd.s32 @!p0 $0x100000, s0  }
0xb9: {  	[sflag:s0] =	ssyncadd.tile.s32 @!p0 $0x1;
	_ =	shalt  }
.Lfunc_end2:
_tile_overlayer_lowered:
.L_overlay_start_2:
0xba: {  	(tag) =	ssettag $0x2  }
0xbb: {  	s0 =	rddreg [dreg:$0x0];
	s2 =	stileid.u32  }
0xbc: {  	s1 =	rddreg [dreg:$0x1];
	p0 =	sne.s32 s2, $0x0  }
0xbd: {  	s3 =	rddreg [dreg:$0x2];
	[bflag:$0x3] =	sbarrier.arrive $0xFFFF;
	s2 =	simm.s32 @!p0 $0x1C11  }
0xbe: {  	[timem:s3], [sflag:s2] =	dma.local @!p0 [hbm:s0], s1  }
0xbf: {  	s0 =	simm.s32 @!p0 $0x11  }
0xc0: {  	_ =	swait.ge @!p0 [sflag:s0], s1  }
0xc1: {  	s1 =	ssub.s32 @!p0 $0x0, s1;
	[sflag:s0] =	ssyncset.done @!p0 $0x0  }
0xc2: {  	[sflag:s0] =	ssyncadd.s32 @!p0 s1  }
0xc3: {  	[bflag:$0x3] =	sbarrier.arrive $0xFFFF  }
0xc4: {  	_ =	shalt  }

// kernel: kernel.8.cloned.1.call-start
scs
__scs_entry_jumppad:
0x0: {  	(pc) =	sbr.rel $0x88, $3  }
0x1: {  	(tag) =	ssettag $0x0;
	lr =	simm.s32 $0x1  }
0x2: {  	[smem:$0x3F98] =	sst lr;
	_ =	strace $0xD0000000  }
0x3: {  	_ = 	snop  }
0x4: {  	_ = 	snop  }
0x5: {  	_ = 	snop  }
0x6: {  	_ = 	snop  }
0x7: {  	_ = 	snop  }
__scs_overlays_trampoline_lowered:
0x8: {  	[smem:$0x3FA7] =	sst s0  }
0x9: {  	[smem:$0x3FA8] =	sst s1  }
0xa: {  	[smem:$0x3FA9] =	sst s2  }
0xb: {  	[smem:$0x3FAA] =	sst s3  }
0xc: {  	[smem:$0x3FAB] =	sst s4  }
0xd: {  	[smem:$0x3FAC] =	sst s5  }
0xe: {  	[smem:$0x3FAD] =	sst s6  }
0xf: {  	[smem:$0x3FAE] =	sst s7  }
0x10: {  	[smem:$0x3FAF] =	sst s8  }
0x11: {  	[smem:$0x3FB0] =	sst s9;
	s0 =	simm.s32 @!p0 $0x0  }
0x12: {  	s1 =	sld [smem:$0x3F96];
	s0 =	simm.s32 @p0 $0x1  }
0x13: {  	[smem:$0x3FB1] =	sst s0;
	s0 =	simm.s32 @!p1 $0x0  }
0x14: {  	s2 =	sld [smem:$0x3F95];
	s0 =	simm.s32 @p1 $0x1  }
0x15: {  	[smem:$0x3FB2] =	sst s0;
	s0 =	simm.s32 @!p2 $0x0  }
0x16: {  	s3 =	sld [smem:$0x3FDB];
	s0 =	simm.s32 @p2 $0x1  }
0x17: {  	s4 =	simm.s32 $0x1BF5;
	[smem:$0x3FB4] =	sst s0  }
0x18: {  	s0 =	sld [smem:$0x3F97];
	_ =	swait.ge [sflag:s4], $0x0  }
0x19: {  	s7 =	sld [smem:$0x3F98]  }
0x1a: {  	s8 =	sadd.s32 $0xFFFFE003, lr  }
0x1b: {  	s9 =	sadd.s32 $0xFFFFFEF7, lr;
	s5 =	simm.s32 $0xFFFFFFFF;
	p2 =	slt.u32 s8, $0xFFFFF086  }
0x1c: {  	p1 =	slt.u32 s9, $0xF7A;
	s5 =	simm.s32 @!p2 $0x0  }
0x1d: {  	s5 =	simm.s32 @p1 $0x1;
	p0 =	seq.s32 s7, s2  }
0x1e: {  	s7 =	smul.u32 @!p0 $0xF7A, s2;
	p2 =	seq.s32 @!p0 s5, $0x0  }
0x1f: {  	s9 =	smul.u32 $0xF7A, s1;
	s8 =	simm.s32 @!p0 $0x1BF5;
	p2 =	por !p2, p0  }
0x20: {  	[sflag:s8] =	ssyncset.s32 @!p0 $0xFFFFF086;
	s6 =	sadd.s32 @!p0 s3, s7;
	s7 =	simm.s32 @!p0 $0x108  }
0x21: {  	s3 =	sadd.s32 s3, s9;
	s6 =	sadd.s32 @!p0 $0x88, s6;
	s7 =	simm.s32 @p2 $0x1082  }
0x22: {  	[simem:s7], [sflag:s8] =	dma.local @!p0 [hbm:s6], $0xF7A  }
0x23: {  	s9 =	sor.u32 $0xD0000000, s2;
	s6 =	simm.s32 $0x108;
	_ =	swait.ge @!p0 [sflag:s8], $0x0  }
0x24: {  	s3 =	sadd.s32 $0x88, s3;
	s6 =	simm.s32 @!p1 $0x1082;
	[sflag:s4] =	ssyncset.s32 $0xFFFFF086  }
0x25: {  	[simem:s6], [sflag:s4] =	dma.local [hbm:s3], $0xF7A  }
0x26: {  	[smem:$0x3F98] =	sst s1;
	(tag) =	ssettag s2;
	_ =	strace s9  }
0x27: {  	s1 =	sld [smem:$0x3FA8]  }
0x28: {  	s2 =	sld [smem:$0x3FA9]  }
0x29: {  	s4 =	sld [smem:$0x3FAB]  }
0x2a: {  	p0 =	seq.s32 s5, $0x0;
	s5 =	sld [smem:$0x3FAC]  }
0x2b: {  	s6 =	sld [smem:$0x3FAD]  }
0x2c: {  	s7 =	sld [smem:$0x3FAE]  }
0x2d: {  	s3 =	simm.s32 $0x108;
	s8 =	sld [smem:$0x3FAF]  }
0x2e: {  	s3 =	simm.s32 @!p0 $0x1082;
	s9 =	sld [smem:$0x3FB0]  }
0x2f: {  	lr =	sadd.s32 s0, s3;
	s0 =	sld [smem:$0x3FA7]  }
0x30: {  	s3 =	sld [smem:$0x3FAA]  }
0x31: {  	[smem:$0x3FB3] =	sst s10  }
0x32: {  	s10 =	sld [smem:$0x3FB1];
	_ =	sdelay $0x3  }
0x33: {  	p0 =	seq.s32 s10, $0x1;
	s10 =	sld [smem:$0x3FB3];
	_ =	sdelay $0x3  }
0x34: {  	[smem:$0x3FB3] =	sst s10  }
0x35: {  	s10 =	sld [smem:$0x3FB2];
	_ =	sdelay $0x3  }
0x36: {  	p1 =	seq.s32 s10, $0x1;
	s10 =	sld [smem:$0x3FB3];
	_ =	sdelay $0x3  }
0x37: {  	[smem:$0x3FB3] =	sst s10  }
0x38: {  	s10 =	sld [smem:$0x3FB4]  }
0x39: {  	_ = 	snop;
	(pc) =	sbr.ind lr, $3  }
0x3a: {  	_ = 	snop  }
0x3b: {  	_ = 	snop  }
0x3c: {  	p2 =	seq.s32 s10, $0x1;
	s10 =	sld [smem:$0x3FB3]  }
0x3d: {  	_ =	shalt  }
0x3e: {  	_ =	shalt  }
0x3f: {  	_ =	shalt  }
0x40: {  	_ =	shalt  }
0x41: {  	_ =	shalt  }
0x42: {  	_ =	shalt  }
0x43: {  	_ =	shalt  }
0x44: {  	_ =	shalt  }
0x45: {  	_ =	shalt  }
0x46: {  	_ =	shalt  }
0x47: {  	_ =	shalt  }
0x48: {  	_ =	shalt  }
0x49: {  	_ =	shalt  }
0x4a: {  	_ =	shalt  }
0x4b: {  	_ =	shalt  }
0x4c: {  	_ =	shalt  }
0x4d: {  	_ =	shalt  }
0x4e: {  	_ =	shalt  }
0x4f: {  	_ =	shalt  }
0x50: {  	_ =	shalt  }
0x51: {  	_ =	shalt  }
0x52: {  	_ =	shalt  }
0x53: {  	_ =	shalt  }
0x54: {  	_ =	shalt  }
0x55: {  	_ =	shalt  }
0x56: {  	_ =	shalt  }
0x57: {  	_ =	shalt  }
0x58: {  	_ =	shalt  }
0x59: {  	_ =	shalt  }
0x5a: {  	_ =	shalt  }
0x5b: {  	_ =	shalt  }
0x5c: {  	_ =	shalt  }
0x5d: {  	_ =	shalt  }
0x5e: {  	_ =	shalt  }
0x5f: {  	_ =	shalt  }
0x60: {  	_ =	shalt  }
0x61: {  	_ =	shalt  }
0x62: {  	_ =	shalt  }
0x63: {  	_ =	shalt  }
0x64: {  	_ =	shalt  }
0x65: {  	_ =	shalt  }
0x66: {  	_ =	shalt  }
0x67: {  	_ =	shalt  }
0x68: {  	_ =	shalt  }
0x69: {  	_ =	shalt  }
0x6a: {  	_ =	shalt  }
0x6b: {  	_ =	shalt  }
0x6c: {  	_ =	shalt  }
0x6d: {  	_ =	shalt  }
0x6e: {  	_ =	shalt  }
0x6f: {  	_ =	shalt  }
0x70: {  	_ =	shalt  }
0x71: {  	_ =	shalt  }
0x72: {  	_ =	shalt  }
0x73: {  	_ =	shalt  }
0x74: {  	_ =	shalt  }
0x75: {  	_ =	shalt  }
0x76: {  	_ =	shalt  }
0x77: {  	_ =	shalt  }
0x78: {  	_ =	shalt  }
0x79: {  	_ =	shalt  }
0x7a: {  	_ =	shalt  }
0x7b: {  	_ =	shalt  }
0x7c: {  	_ =	shalt  }
0x7d: {  	_ =	shalt  }
0x7e: {  	_ =	shalt  }
0x7f: {  	_ =	shalt  }
0x80: {  	_ =	shalt  }
0x81: {  	_ =	shalt  }
0x82: {  	_ =	shalt  }
0x83: {  	_ =	shalt  }
0x84: {  	_ =	shalt  }
0x85: {  	_ =	shalt  }
0x86: {  	_ =	shalt  }
0x87: {  	_ =	shalt  }
.Lfunc_end0:
.L_simem_size_0:
called_computation_lowered:
.L_overlay_start_0:
0x88: {  	s2 =	sld [smem:$0x3FD9]  }
0x89: {  	s3 =	sld [smem:$0x3FFE];
	_ =	sdelay $0x1  }
0x8a: {  	s1 =	srdreg.scid  }
0x8b: {  	s0 =	sand.u32 $0x1, s1  }
0x8c: {  	s16 =	sshll.u32 s0, $0xA;
	s2 =	sadd.s32 s3, s2  }
0x8d: {  	s2 =	sadd.s32 s2, s16  }
0x8e: {  	[smem:$0x3FBF] =	sst s2  }
0x8f: {  	_ = 	snop  }
0x90: {  	(tm) =	ssettm $0x1  }
0x91: {  	s17 =	sld [smem:$0x3FFB];
	_ =	sdelay $0x3  }
0x92: {  	_ =	strace s17  }
0x93: {  	s2 =	sld [smem:$0x3FFC];
	_ =	sdelay $0x3  }
0x94: {  	_ =	strace s2  }
0x95: {  	s2 =	sld [smem:$0x3FFD];
	_ =	sdelay $0x3  }
0x96: {  	_ =	strace s2  }
0x97: {  	_ =	strace $0x8FFFFFFF  }
0x98: {  	s18 =	sld [smem:$0x3FDB];
	_ =	sdelay $0x1  }
0x99: {  	s19 =	simm.s32 $_scs_section_size  }
0x9a: {  	s4 =	simm.s32 $_size__tile_overlayer_lowered;
	s5 =	simm.s32 $_tile_overlayer_lowered  }
0x9b: {  	s22 =	simm.s32 $0x1BFF;
	s21 =	sshll.u32 s5, $0x1;
	s2 =	sadd.s32 s19, s18  }
0x9c: {  	s6 =	simm.s32 $0x0;
	s20 =	sshll.u32 s4, $0x1;
	s4 =	sadd.s32 s21, s2  }
0x9d: {  	[timem:s6], [sflag:s22] =	dma.local [hbm:s4], s20  }
0x9e: {  	_ =	swait.ge [sflag:s22], s20  }
0x9f: {  	s3 =	ssub.s32 $0x0, s20;
	[sflag:s22] =	ssyncset.done $0x0  }
0xa0: {  	[sflag:s22] =	ssyncadd.s32 s3;
	_ =	sdelay $0x1  }
0xa1: {  	s23 =	simm.s32 $0x1B8B  }
0xa2: {  	_ =	swait.ge [sflag:s23], $0x1  }
0xa3: {  	[sflag:s23] =	ssyncset.done $0x0  }
0xa4: {  	s25 =	simm.s32 $0x1B8E;
	s24 =	sld [smem:$0x3FFE];
	[sflag:s23] =	ssyncadd.s32 $0xFFFFFFFF  }
0xa5: {  	s26 =	simm.s32 $execute0_lowered;
	[smem:$0x3FD2] =	sst s25  }
0xa6: {  	s4 =	sshll.u32 s26, $0x1;
	_ =	strace $0x80000046;
	[dreg:$0x1] =	wrdreg $0xFFFFFFFF  }
0xa7: {  	s28 =	simm.s32 $_size_execute0_lowered;
	s2 =	sadd.s32 s2, s4;
	[dreg:$0x0] =	wrdreg $0x0  }
0xa8: {  	s4 =	sshll.u32 s28, $0x1;
	[dreg:$0x2] =	wrdreg s2  }
0xa9: {  	[dreg:$0x3] =	wrdreg s4  }
0xaa: {  	[dreg:$0x4] =	wrdreg $0xC0  }
0xab: {  	_ =	task [dreg:s6], $0x5FFFF  }
0xac: {  	[dreg:$0x1] =	wrdreg $0xFFFFFFFF  }
0xad: {  	[dreg:$0x0] =	wrdreg $0x60  }
0xae: {  	[dreg:$0x2] =	wrdreg s24  }
0xaf: {  	[dreg:$0x3] =	wrdreg $0x28800  }
0xb0: {  	[dreg:$0x4] =	wrdreg $0x9  }
0xb1: {  	_ =	task.clear_ibuf [dreg:s6], $0x5FFFF;
	_ =	strace $0x90000046  }
0xb2: {  	s29 =	simm.s32 $0x9;
	_ =	strace $0x80000048  }
0xb3: {  	_ =	swait.ge [sflag:s29], $0x1  }
0xb4: {  	[sflag:s29] =	ssyncadd.s32 $0xFFFFFFFF  }
0xb5: {  	_ =	strace $0x90000048  }
0xb6: {  	_ =	sfence  }
0xb7: {  	s30 =	sld [smem:$0x0];
	_ =	sdelay $0x2  }
0xb8: {  	s31 =	sshll.u32 s1, $0xD;
	s1 =	sshrl.u32 s1, $0x2  }
0xb9: {  	s3 =	sand.u32 $0x4000, s31;
	s1 =	sadd.s32 s1, s30  }
0xba: {  	s0 =	sor.u32 s3, s0;
	s1 =	sshll.u32 s1, $0x11  }
0xbb: {  	s0 =	sor.u32 s1, s0  }
0xbc: {  	s0 =	sadd.s32 $0x8F2B, s0  }
0xbd: {  	[sflag:s0] =	ssyncadd.remote.s32 $0x1  }
0xbe: {  	_ =	sfence.sel $0xFFFF  }
0xbf: {  	[dreg:$0x0] =	wrdreg $0xFFFFFFFF;
	(pc) =	sbr.abs _section_cstart, $3  }
0xc0: {  	[dreg:$0x1] =	wrdreg $0xFFFFFFFF  }
0xc1: {  	_ =	task.clear_ibuf [dreg:s6], $0x2FFFF;
	_ =	strace $0x9FFFFFFF  }
0xc2: {  	(tm) =	ssettm $0x7FFFFFFF  }
0xc3: {  	_ =	shalt  }
tec
execute0_lowered:
.L_overlay_start_1:
0x0: {  	(tag) =	ssettag $0x1  }
0x1: {  	s1 =	srdreg.scid  }
0x2: {  	s0 =	stileid.u32;
	s5 =	rddreg [dreg:$0x0]  }
0x3: {  	s2 =	rddreg [dreg:$0x1];
	s3 =	simm.s32 $0x0;
	s12 =	simm.s32 $0x2800  }
0x4: {  	s13 =	simm.s32 $0x1;
	s14 =	simm.s32 $0x0;
	s4 =	sand.u32 $0x1, s1  }
0x5: {  	s30 =	sshll.u32 s0, $0x1;
	s7 =	smul.u32 $0x280, s0;
	[smem:$0x7FF] =	sst s3  }
0x6: {  	s31 =	sshll.u32 s0, $0x6;
	s1 =	sor.u32 s4, s30;
	s8 =	smul.u32 $0x2800, s4  }
0x7: {  	s4 =	ssub.s32 $0x2, s4;
	s6 =	smul.u32 $0x500, s1;
	s1 =	rddreg [dreg:$0x2]  }
0x8: {  	_ =	strace $0x80000047;
	s9 =	sshrl.u32 s7, $0x3;
	s10 =	sshrl.u32 s4, $0x1  }
0x9: {  	s11 =	sadd.s32 s7, s2;
	s8 =	sadd.s32 s7, s8;
	s9 =	sadd.s32 s9, s5  }
0xa: {  	s10 =	ssub.s32 s4, s10;
	s6 =	sadd.s32 s6, s5;
	s8 =	sshrl.u32 s8, $0x3  }
0xb: {  	s4 =	sadd.s32 $0x15600, s9;
	s9 =	sshrl.u32 s11, $0x3;
	s11 =	simm.s32 $0x80  }
0xc: {  	s8 =	sadd.s32 s8, s5;
	s5 =	sor.u32 $0x1C02, s31;
	s6 =	sadd.s32 $0x1600, s6  }
0xd: {  	v0 =	vimm.f32 $1.000000000e+00;
	s7 =	sadd.s32 $0x15C00, s8;
	s8 =	smax.u32 s10, $0x1;
	s10 =	simm.s32 $0x2  }
.LBB2_1:
0xe: {  	[spmem:s9], [sflag:s5] =	dma.local [hbm:s4], $0x50  }
0xf: {  	_ =	swait.ge [sflag:s10], $0x50  }
0x10: {  	[sflag:s10] =	ssyncset.done $0x0  }
0x11: {  	[sflag:s10] =	ssyncadd.s32 $0xFFFFFFB0  }
0x12: {  	[tilespmem:s3], [sflag:$0x2] =	stream.linear.gather [hbm4b:s6+s3], $0x2800, $0x38;
	[tilespmem:$0x2B00] =	vst v63  }
0x13: {  	_ =	swait.ge [sflag:s10], $0x2800  }
0x14: {  	[sflag:s10] =	ssyncset.done $0x0  }
0x15: {  	[sflag:s10] =	ssyncadd.s32 $0xFFFFD800  }
0x16: {  	[tilespmem:$0x2800] =	vst v0  }
0x17: {  	[tilespmem:$0x2810] =	vst v0  }
0x18: {  	[tilespmem:$0x2820] =	vst v0  }
0x19: {  	[tilespmem:$0x2830] =	vst v0  }
0x1a: {  	[tilespmem:$0x2840] =	vst v0  }
0x1b: {  	[tilespmem:$0x2850] =	vst v0  }
0x1c: {  	[tilespmem:$0x2860] =	vst v0  }
0x1d: {  	[tilespmem:$0x2870] =	vst v0  }
0x1e: {  	s15 =	simm.s32 $0x0;
	[bflag:$0x0] =	sbarrier.arrive $0xFFFF  }
.LBB2_2:
0x1f: {  	p0 =	sne.s32 s15, $0x9E00  }
.Ltmp0:
0x20: {  	_ = 	snop;
	(pc) =	sbr.rel @p0 .LBB2_2-.Ltmp0, $3  }
0x21: {  	_ =	sdelay $0x1  }
0x22: {  	s16 =	sshra.s32 s15, $0x2;
	s15 =	sadd.s32 $0x200, s15  }
0x23: {  	[spmem:s2] =	stream.indirect.scatter.add.f32 [tilespmem:s12], [sflag:$0x1], $0x1, s16, s11, $0xb8;
	[tilespmem:$0x2B00] =	vst v63  }
0x24: {  	_ =	swait.ge [sflag:s13], $0x80  }
0x25: {  	s15 =	simm.s32 $0x4F;
	[sflag:s13] =	ssyncset.done $0x0  }
.LBB2_4:
0x26: {  	p0 =	sne.s32 s15, $0x1;
	s15 =	sadd.s32 $0xFFFFFFFF, s15;
	[sflag:s13] =	ssyncadd.s32 $0xFFFFFF80  }
.Ltmp1:
0x27: {  	(pc) =	sbr.rel @p0 .LBB2_4-.Ltmp1, $3  }
0x28: {  	_ =	sdelay $0x1  }
0x29: {  	_ =	swait.ge [sflag:s13], $0x80  }
0x2a: {  	[sflag:s13] =	ssyncset.done $0x0  }
0x2b: {  	s14 =	sadd.s32 $0x1, s14  }
0x2c: {  	[sflag:s13] =	ssyncadd.s32 $0xFFFFFF80;
	p0 =	sne.s32 s14, s8  }
.Ltmp2:
0x2d: {  	[bflag:$0x0] =	sbarrier.arrive $0xFFFF;
	(pc) =	sbr.rel @p0 .LBB2_1-.Ltmp2, $4  }
0x2e: {  	[hbm:s7], [sflag:s5] =	dma.local [spmem:s9], $0x50  }
0x2f: {  	_ =	swait.ge [sflag:s10], $0x50  }
0x30: {  	[sflag:s10] =	ssyncset.done $0x0  }
0x31: {  	[sflag:s10] =	ssyncadd.s32 $0xFFFFFFB0  }
0x32: {  	_ =	sfence.sel $0x180000  }
0x33: {  	[bflag:$0x0] =	sbarrier.arrive $0xFFFF  }
0x34: {  	p0 =	sne.s32 s0, $0x0;
	_ =	strace $0x90000047  }
0x35: {  	s0 =	sadd.s32 @!p0 $0x100000, s1;
	[bflag:$0x2] =	sbarrier.arrive $0xFFFF  }
0x36: {  	[sflag:s0] =	ssyncadd.tile.s32 @!p0 $0x1;
	_ =	shalt  }
.Lfunc_end2:
_tile_overlayer_lowered:
.L_overlay_start_2:
0x37: {  	(tag) =	ssettag $0x2  }
0x38: {  	s0 =	rddreg [dreg:$0x0];
	s2 =	stileid.u32  }
0x39: {  	s1 =	rddreg [dreg:$0x1];
	p0 =	sne.s32 s2, $0x0  }
0x3a: {  	s3 =	rddreg [dreg:$0x2];
	[bflag:$0x3] =	sbarrier.arrive $0xFFFF;
	s2 =	simm.s32 @!p0 $0x1C02  }
0x3b: {  	[timem:s3], [sflag:s2] =	dma.local @!p0 [hbm:s0], s1  }
0x3c: {  	s0 =	simm.s32 @!p0 $0x2  }
0x3d: {  	_ =	swait.ge @!p0 [sflag:s0], s1  }
0x3e: {  	s1 =	ssub.s32 @!p0 $0x0, s1;
	[sflag:s0] =	ssyncset.done @!p0 $0x0  }
0x3f: {  	[sflag:s0] =	ssyncadd.s32 @!p0 s1  }
0x40: {  	[bflag:$0x3] =	sbarrier.arrive $0xFFFF  }
0x41: {  	_ =	shalt  }

</sc_bundles>
